<compile_context>
chip_gen: v7x
topology: tpu7x:2x2x1
jax: 0.10.2.dev20260603
libtpu: 0.0.44.dev20260713+nightly
codegen_flags: <defaults>
</compile_context>

<pallas_src>
import jax
import jax.numpy as jnp
from jax import lax
from jax.experimental import pallas as pl
from jax.experimental.pallas import tpu as pltpu
from jax.experimental.pallas import tpu_sc as plsc

N = 10000
E = 320000
D = 128

NC = 2
NS = 16
C = 128
NCH = 160
EW = NCH * C
EPAD = NS * EW
NPAD = 10240
NH = NPAD // NC
DUM = NH
ACCR = NH + 8
RPT = NH // NS
DPT = NPAD // NS
RBLK = 2048
L = 16
NB = 2
CAP = EW + 2 * C
MAXCH = CAP // C
TRASH = CAP - 1


def _prefix16(m):
    p = jnp.where(m, 1, 0)
    lanes = lax.iota(jnp.int32, L)
    for sh in (1, 2, 4, 8):
        g = p[jnp.maximum(lanes - sh, 0)]
        p = p + jnp.where(lanes >= sh, g, 0)
    return p


def _sc_partition():
    out_type = [
        jax.ShapeDtypeStruct((NC, NS, CAP), jnp.int32),
        jax.ShapeDtypeStruct((NC, NS, CAP), jnp.int32),
        jax.ShapeDtypeStruct((NC, NS, L), jnp.int32),
        jax.ShapeDtypeStruct((NC, NPAD), jnp.float32),
    ]
    scratch = [
        pltpu.VMEM((NCH, C), jnp.int32),
        pltpu.VMEM((NCH, C), jnp.int32),
        pltpu.VMEM((2, C), jnp.int32),
        pltpu.VMEM((2, C), jnp.int32),
        pltpu.VMEM((L,), jnp.int32),
        pltpu.VMEM((C,), jnp.float32),
        pltpu.VMEM((DPT,), jnp.float32),
        pltpu.VMEM_SHARED((NS * CAP,), jnp.int32),
        pltpu.VMEM_SHARED((NS * CAP,), jnp.int32),
        pltpu.VMEM_SHARED((NPAD,), jnp.float32),
        pltpu.SemaphoreType.DMA,
        pltpu.SemaphoreType.DMA,
    ]
    mesh = plsc.VectorSubcoreMesh(core_axis_name="c", subcore_axis_name="s")

    def body(src_hbm, dst_hbm, psrc_out, pdst_out, cnt_out, deg_out,
             src_v, dst_v, pos_v, lv_v, cnt_v, ones, zd, ssrc, sdst, dacc,
             csem, dsem):
        c = lax.axis_index("c")
        s = lax.axis_index("s")
        base = c * NH
        reg = s * CAP

        pltpu.sync_copy(src_hbm.at[s], src_v)
        pltpu.sync_copy(dst_hbm.at[s], dst_v)

        def zr(i, _):
            zd[pl.ds(i * L, L)] = jnp.zeros((L,), jnp.float32)
            return 0
        lax.fori_loop(0, DPT // L, zr, 0)
        pltpu.sync_copy(zd, dacc.at[pl.ds(s * DPT, DPT)])
        for k in range(C // L):
            ones[pl.ds(k * L, L)] = jnp.ones((L,), jnp.float32)
        plsc.subcore_barrier()

        def deg_fire(ch):
            pltpu.async_copy(ones, dacc.at[src_v.at[c * (NCH // NC) + ch]],
                             dsem, add=True)

        def deg_wait(ch):
            pltpu.make_async_copy(ones, dacc.at[src_v.at[c * (NCH // NC) + ch]],
                                  dsem).wait()

        def dchunk(ch, _):
            deg_fire(ch)

            @pl.when(ch >= 4)
            def _():
                deg_wait(ch - 4)
            return 0
        lax.fori_loop(0, NCH // NC, dchunk, 0)

        def cs_fire(r, br):
            pltpu.async_copy(src_v.at[r], ssrc.at[pos_v.at[br]], csem)
            pltpu.async_copy(lv_v.at[br], sdst.at[pos_v.at[br]], csem)

        def cs_wait(r, br):
            pltpu.make_async_copy(src_v.at[r], ssrc.at[pos_v.at[br]],
                                  csem).wait()
            pltpu.make_async_copy(lv_v.at[br], sdst.at[pos_v.at[br]],
                                  csem).wait()

        def row(r, off):
            br = lax.rem(r, 2)

            @pl.when(r >= 2)
            def _():
                cs_wait(r - 2, br)
            for k in range(C // L):
                sl = pl.ds(k * L, L)
                lv = dst_v[r, sl] - base
                m = (lv >= 0) & (lv < NH)
                pre = _prefix16(m)
                pos_v[br, sl] = jnp.where(m, reg + off + pre - 1, reg + TRASH)
                lv_v[br, sl] = lv
                off = off + pre[L - 1]
            cs_fire(r, br)
            return off

        off = lax.fori_loop(0, NCH, row, 0)
        for r in (NCH - 2, NCH - 1):
            cs_wait(r, r % 2)
        for ch in range(NCH // NC - 4, NCH // NC):
            deg_wait(ch)

        lanes = lax.iota(jnp.int32, L)
        for k in range(C // L):
            sl = pl.ds(k * L, L)
            pos_v[0, sl] = reg + off + lanes + k * L
            lv_v[0, sl] = jnp.full((L,), DUM, jnp.int32)
            src_v[0, sl] = jnp.full((L,), N, jnp.int32)
        pltpu.sync_copy(src_v.at[0], ssrc.at[pos_v.at[0]])
        pltpu.sync_copy(lv_v.at[0], sdst.at[pos_v.at[0]])

        nch = lax.div(off + C - 1, C)
        cnt_v[pl.ds(0, L)] = jnp.zeros((L,), jnp.int32) + nch
        pltpu.sync_copy(cnt_v, cnt_out.at[c, s])
        pltpu.sync_copy(ssrc.at[pl.ds(reg, CAP)], psrc_out.at[c, s])
        pltpu.sync_copy(sdst.at[pl.ds(reg, CAP)], pdst_out.at[c, s])
        plsc.subcore_barrier()
        pltpu.sync_copy(dacc.at[pl.ds(s * DPT, DPT)],
                        deg_out.at[c, pl.ds(s * DPT, DPT)])

    return pl.kernel(body, out_type=out_type, mesh=mesh,
                     scratch_types=scratch, name="sc_partition")


def _sc_agg():
    out_type = [jax.ShapeDtypeStruct((NC, NH, D), jnp.float32)]
    scratch = [
        pltpu.VMEM((CAP,), jnp.int32),
        pltpu.VMEM((MAXCH, C), jnp.int32),
        pltpu.VMEM((L,), jnp.int32),
        pltpu.VMEM((NB, C, D), jnp.float32),
        pltpu.VMEM_SHARED((ACCR, D), jnp.float32),
        pltpu.SemaphoreType.DMA,
    ]
    mesh = plsc.VectorSubcoreMesh(core_axis_name="c", subcore_axis_name="s")

    def body(g_hbm, psrc_hbm, pdst_hbm, cnt_hbm, s_out,
             nsrc, ndst, cnt_v, rows, acc, gsem):
        c = lax.axis_index("c")
        s = lax.axis_index("s")

        pltpu.sync_copy(psrc_hbm.at[c, s], nsrc)
        pltpu.sync_copy(pdst_hbm.at[c, s], ndst)
        pltpu.sync_copy(cnt_hbm.at[c, s], cnt_v)
        nch = cnt_v[pl.ds(0, L)][0]

        def zrow(i, _):
            for k in range(D // L):
                rows[0, i, pl.ds(k * L, L)] = jnp.zeros((L,), jnp.float32)
            return 0
        lax.fori_loop(0, C, zrow, 0)
        for k in range(RPT // C):
            pltpu.sync_copy(rows.at[0], acc.at[pl.ds(s * RPT + k * C, C)])
        rem = RPT % C
        if rem:
            pltpu.sync_copy(rows.at[0].at[pl.ds(0, rem)],
                            acc.at[pl.ds(s * RPT + (RPT // C) * C, rem)])
        plsc.subcore_barrier()

        def gather(j, b):
            for h in range(2):
                pltpu.async_copy(
                    g_hbm.at[nsrc.at[pl.ds(j * C + h * (C // 2), C // 2)]],
                    rows.at[b, pl.ds(h * (C // 2), C // 2)], gsem)

        def wait_g(j, b):
            for h in range(2):
                pltpu.make_async_copy(
                    g_hbm.at[nsrc.at[pl.ds(j * C + h * (C // 2), C // 2)]],
                    rows.at[b, pl.ds(h * (C // 2), C // 2)], gsem).wait()

        def scatter(j, b):
            pltpu.sync_copy(rows.at[b], acc.at[ndst.at[j]], add=True)

        @pl.when(nch > 0)
        def _():
            gather(0, 0)

        def chunk(j, _):
            b = lax.rem(j, 2)
            wait_g(j, b)

            @pl.when(j + 1 < nch)
            def _():
                gather(j + 1, 1 - b)
            scatter(j, b)
            return 0
        lax.fori_loop(0, nch, chunk, 0)

        plsc.subcore_barrier()
        pltpu.sync_copy(acc.at[pl.ds(s * RPT, RPT)],
                        s_out.at[c, pl.ds(s * RPT, RPT)])

    return pl.kernel(body, out_type=out_type, mesh=mesh,
                     scratch_types=scratch, name="sc_agg")


_sc_part = _sc_partition()
_sc_seg = _sc_agg()


def _mm2_body(x_ref, wa_ref, wb_ref, ga_ref, gb_ref):
    x = x_ref[...]
    dn = (((1,), (1,)), ((), ()))
    ga_ref[...] = lax.dot_general(x, wa_ref[...], dn,
                                  preferred_element_type=jnp.float32)
    gb_ref[...] = lax.dot_general(x, wb_ref[...], dn,
                                  preferred_element_type=jnp.float32)


def _tc_pre(xp, wa, wb):
    blk_r = pl.BlockSpec((RBLK, D), lambda i: (i, 0))
    blk_w = pl.BlockSpec((D, D), lambda i: (0, 0))
    return pl.pallas_call(
        _mm2_body,
        grid=(NPAD // RBLK,),
        in_specs=[blk_r, blk_w, blk_w],
        out_specs=[blk_r, blk_r],
        out_shape=[jax.ShapeDtypeStruct((NPAD, D), jnp.float32)] * 2,
    )(xp, wa, wb)


def _fuse_h(sp_ref, r_ref, deg_ref, b_ref):
    t = sp_ref[...] + r_ref[...] + b_ref[...]
    dg = deg_ref[:, 0:1] + deg_ref[:, 1:2]
    rows = (jax.lax.broadcasted_iota(jnp.int32, (t.shape[0], 1), 0)
            + pl.program_id(0) * t.shape[0])
    dg = jnp.where(rows < N, dg, 0.0)
    return jnp.maximum(t * dg, 0.0)


def _mid_body(sp_ref, r_ref, deg_ref, b_ref, wa_ref, wb_ref, ga_ref, gb_ref):
    h = _fuse_h(sp_ref, r_ref, deg_ref, b_ref)
    dn = (((1,), (1,)), ((), ()))
    ga_ref[...] = lax.dot_general(h, wa_ref[...], dn,
                                  preferred_element_type=jnp.float32)
    gb_ref[...] = lax.dot_general(h, wb_ref[...], dn,
                                  preferred_element_type=jnp.float32)


def _fin_body(sp_ref, r_ref, deg_ref, b_ref, wl_ref, bl_ref, o_ref):
    h = _fuse_h(sp_ref, r_ref, deg_ref, b_ref)
    dn = (((1,), (1,)), ((), ()))
    o_ref[...] = lax.dot_general(h, wl_ref[...], dn,
                                 preferred_element_type=jnp.float32) + bl_ref[...]


def _tc_specs():
    blk_r = pl.BlockSpec((RBLK, D), lambda i: (i, 0))
    blk_dg = pl.BlockSpec((RBLK, NC), lambda i: (i, 0))
    blk_b = pl.BlockSpec((1, D), lambda i: (0, 0))
    blk_w = pl.BlockSpec((D, D), lambda i: (0, 0))
    return blk_r, blk_dg, blk_b, blk_w


def _tc_mid(sp, r, degt, brel, wa, wb):
    blk_r, blk_dg, blk_b, blk_w = _tc_specs()
    return pl.pallas_call(
        _mid_body,
        grid=(NPAD // RBLK,),
        in_specs=[blk_r, blk_r, blk_dg, blk_b, blk_w, blk_w],
        out_specs=[blk_r, blk_r],
        out_shape=[jax.ShapeDtypeStruct((NPAD, D), jnp.float32)] * 2,
    )(sp, r, degt, brel, wa, wb)


def _tc_fin(sp, r, degt, brel, wl, bl):
    blk_r, blk_dg, blk_b, blk_w = _tc_specs()
    return pl.pallas_call(
        _fin_body,
        grid=(NPAD // RBLK,),
        in_specs=[blk_r, blk_r, blk_dg, blk_b, blk_w, blk_b],
        out_specs=blk_r,
        out_shape=jax.ShapeDtypeStruct((NPAD, D), jnp.float32),
    )(sp, r, degt, brel, wl, bl)


def kernel(x, edge_index, Wrel0, brel0, Wroot0, Wrel1, brel1, Wroot1,
           Wrel2, brel2, Wroot2, Wlin, blin):
    xp = jnp.pad(x, ((0, NPAD - N), (0, 0)))
    pad = jnp.full((EPAD - E,), N, dtype=jnp.int32)
    padd = jnp.full((EPAD - E,), NPAD, dtype=jnp.int32)
    src3 = jnp.concatenate([edge_index[0], pad]).reshape(NS, NCH, C)
    dst3 = jnp.concatenate([edge_index[1], padd]).reshape(NS, NCH, C)
    brel0_2 = brel0.reshape(1, D)
    brel1_2 = brel1.reshape(1, D)
    brel2_2 = brel2.reshape(1, D)
    blin_2 = blin.reshape(1, D)

    psrc, pdstf, pcnt, degp = _sc_part(src3, dst3)
    pdst = pdstf.reshape(NC, NS, MAXCH, C)
    degt = degp.T

    g0, r0 = _tc_pre(xp, Wrel0, Wroot0)
    (s0h,) = _sc_seg(g0, psrc, pdst, pcnt)
    g1, r1 = _tc_mid(s0h.reshape(NPAD, D), r0, degt, brel0_2, Wrel1, Wroot1)
    (s1h,) = _sc_seg(g1, psrc, pdst, pcnt)
    g2, r2 = _tc_mid(s1h.reshape(NPAD, D), r1, degt, brel1_2, Wrel2, Wroot2)
    (s2h,) = _sc_seg(g2, psrc, pdst, pcnt)
    outp = _tc_fin(s2h.reshape(NPAD, D), r2, degt, brel2_2, Wlin, blin_2)
    return outp[:N]

# --- scband reference (transcript-rebuilt; emitter-appended) ---
"""Pipeline reference for scband-wgcn-73512660238652 (READ-ONLY COPY).

The authoritative reference and input builder live on the scoring server;
editing this copy changes nothing except your own understanding.
"""

import jax, jax.numpy as jnp
import numpy as np

N = 10000
E = 320000
D = 128


def _linear_params(key, in_dim, out_dim, bias=True):
    k1, k2 = jax.random.split(key)
    scale = 1.0 / np.sqrt(in_dim)
    W = jax.random.uniform(k1, (out_dim, in_dim), dtype=jnp.float32, minval=-scale, maxval=scale)
    if bias:
        b = jax.random.uniform(k2, (out_dim,), dtype=jnp.float32, minval=-scale, maxval=scale)
        return W, b
    return W, None


def setup_inputs(seed: int = 0) -> dict:
    key = jax.random.key(seed)
    ks = jax.random.split(key, 10)
    x = jax.random.normal(ks[0], (N, D), dtype=jnp.float32)
    edge_index = jax.random.randint(ks[1], (2, E), 0, N, dtype=jnp.int32)
    # 3 GraphConv layers (hid_layers=2 -> first + 1 hidden + last), each has
    # lin_rel (with bias, applied to aggregated neighbors) and lin_root (no bias).
    Wrel0, brel0 = _linear_params(ks[2], D, D, bias=True)
    Wroot0, _ = _linear_params(ks[3], D, D, bias=False)
    Wrel1, brel1 = _linear_params(ks[4], D, D, bias=True)
    Wroot1, _ = _linear_params(ks[5], D, D, bias=False)
    Wrel2, brel2 = _linear_params(ks[6], D, D, bias=True)
    Wroot2, _ = _linear_params(ks[7], D, D, bias=False)
    Wlin, blin = _linear_params(ks[8], D, D, bias=True)
    return {
        "x": x, "edge_index": edge_index,
        "Wrel0": Wrel0, "brel0": brel0, "Wroot0": Wroot0,
        "Wrel1": Wrel1, "brel1": brel1, "Wroot1": Wroot1,
        "Wrel2": Wrel2, "brel2": brel2, "Wroot2": Wroot2,
        "Wlin": Wlin, "blin": blin,
    }


def _graph_conv(h, edge_index, Wrel, brel, Wroot):
    # PyG GraphConv (aggr='add'): out = lin_rel(sum_{j->i} x_j) + lin_root(x_i)
    src = edge_index[0]
    dst = edge_index[1]
    msgs = jnp.take(h, src, axis=0)
    agg = jax.ops.segment_sum(msgs, dst, num_segments=h.shape[0])
    return agg @ Wrel.T + brel + h @ Wroot.T


def reference(x, edge_index, Wrel0, brel0, Wroot0, Wrel1, brel1, Wroot1, Wrel2, brel2, Wroot2, Wlin, blin):
    # structural weights: out-degree of each node (bincount over row)
    row = edge_index[0]
    deg = jnp.bincount(row, length=x.shape[0]).astype(jnp.float32)
    weights = deg[:, None]
    h = x
    for (Wr, br, Wo) in ((Wrel0, brel0, Wroot0), (Wrel1, brel1, Wroot1), (Wrel2, brel2, Wroot2)):
        h = _graph_conv(h, edge_index, Wr, br, Wo)
        h = h * weights
        h = jax.nn.relu(h)
        # dropout: identity in eval mode
    out = h @ Wlin.T + blin
    return out

if __name__ == "__main__":
    import jax
    _d = setup_inputs()
    print(jax.jit(kernel)(*tuple(_d.values())))

</pallas_src>

<mosaic_0001>
#map = affine_map<(d0, d1) -> (0, 0, 0)>
#map1 = affine_map<(d0, d1) -> (0, 0)>
module attributes {stable_mosaic.version = 14 : i64} {
  func.func @sc_partition(%arg0: i32, %arg1: i32, %arg2: memref<16x160x128xi32, #tpu.memory_space<hbm>>, %arg3: memref<16x160x128xi32, #tpu.memory_space<hbm>>, %arg4: memref<2x16x20736xi32, #tpu.memory_space<hbm>>, %arg5: memref<2x16x20736xi32, #tpu.memory_space<hbm>>, %arg6: memref<2x16x16xi32, #tpu.memory_space<hbm>>, %arg7: memref<2x10240xf32, #tpu.memory_space<hbm>>, %arg8: memref<160x128xi32, #tpu.memory_space<vmem>>, %arg9: memref<160x128xi32, #tpu.memory_space<vmem>>, %arg10: memref<2x128xi32, #tpu.memory_space<vmem>>, %arg11: memref<2x128xi32, #tpu.memory_space<vmem>>, %arg12: memref<16xi32, #tpu.memory_space<vmem>>, %arg13: memref<128xf32, #tpu.memory_space<vmem>>, %arg14: memref<640xf32, #tpu.memory_space<vmem>>, %arg15: memref<331776xi32, #tpu.memory_space<vmem_shared>>, %arg16: memref<331776xi32, #tpu.memory_space<vmem_shared>>, %arg17: memref<10240xf32, #tpu.memory_space<vmem_shared>>, %arg18: memref<!tpu.dma_semaphore, #tpu.memory_space<semaphore_mem>>, %arg19: memref<!tpu.dma_semaphore, #tpu.memory_space<semaphore_mem>>) attributes {dimension_semantics = [#tpu.dimension_semantics<core_parallel>, #tpu.dimension_semantics<subcore_parallel>], iteration_bounds = array<i64: 2, 16>, scalar_prefetch = 0 : i64, scratch_operands = 12 : i64, tpu.core_type = #tpu.core_type<sc_vector_subcore>, window_params = [{transform_indices = #map}, {transform_indices = #map}, {transform_indices = #map}, {transform_indices = #map}, {transform_indices = #map}, {transform_indices = #map1}]} {
    %mul3A = arith.constant 5120 : i32
    %mul3A_0 = arith.muli %arg0, %mul3A : i32
    %mul3A_1 = arith.constant 20736 : i32
    %mul3A_2 = arith.muli %arg1, %mul3A_1 : i32
    "tpu.region"() ({
      %run_scoped3A_389 = tpu.sem_alloc : memref<!tpu.dma_semaphore, #tpu.memory_space<semaphore_mem>>
      %dma_start3A = arith.constant 0 : i32
      %dma_start3A_390 = arith.constant 0 : i32
      %dma_start3A_391 = tpu.memref_slice %arg2[%arg1, %dma_start3A, %dma_start3A_390] : memref<16x160x128xi32, #tpu.memory_space<hbm>> -> memref<1x160x128xi32, #tpu.memory_space<hbm>>
      %dma_start3A_392 = tpu.memref_squeeze %dma_start3A_391 : memref<1x160x128xi32, #tpu.memory_space<hbm>> -> memref<160x128xi32, #tpu.memory_space<hbm>>
      %dma_start3A_393 = arith.constant 0 : i32
      %dma_start3A_394 = arith.constant 0 : i32
      %dma_start3A_395 = tpu.memref_slice %arg2[%arg1, %dma_start3A_393, %dma_start3A_394] : memref<16x160x128xi32, #tpu.memory_space<hbm>> -> memref<1x160x128xi32, #tpu.memory_space<hbm>>
      %dma_start3A_396 = tpu.memref_squeeze %dma_start3A_395 : memref<1x160x128xi32, #tpu.memory_space<hbm>> -> memref<160x128xi32, #tpu.memory_space<hbm>>
      tpu.enqueue_dma source(%dma_start3A_396 : memref<160x128xi32, #tpu.memory_space<hbm>>) target(%arg8 : memref<160x128xi32, #tpu.memory_space<vmem>>) target_semaphore(%run_scoped3A_389 : memref<!tpu.dma_semaphore, #tpu.memory_space<semaphore_mem>>)
      %dma_wait3A_397 = arith.constant 0 : i32
      %dma_wait3A_398 = arith.constant 0 : i32
      %dma_wait3A_399 = tpu.memref_slice %arg2[%arg1, %dma_wait3A_397, %dma_wait3A_398] : memref<16x160x128xi32, #tpu.memory_space<hbm>> -> memref<1x160x128xi32, #tpu.memory_space<hbm>>
      %dma_wait3A_400 = tpu.memref_squeeze %dma_wait3A_399 : memref<1x160x128xi32, #tpu.memory_space<hbm>> -> memref<160x128xi32, #tpu.memory_space<hbm>>
      %dma_wait3A_401 = arith.constant 0 : i32
      %dma_wait3A_402 = arith.constant 0 : i32
      %dma_wait3A_403 = tpu.memref_slice %arg2[%arg1, %dma_wait3A_401, %dma_wait3A_402] : memref<16x160x128xi32, #tpu.memory_space<hbm>> -> memref<1x160x128xi32, #tpu.memory_space<hbm>>
      %dma_wait3A_404 = tpu.memref_squeeze %dma_wait3A_403 : memref<1x160x128xi32, #tpu.memory_space<hbm>> -> memref<160x128xi32, #tpu.memory_space<hbm>>
      tpu.wait_dma2 semaphore(%run_scoped3A_389 : memref<!tpu.dma_semaphore, #tpu.memory_space<semaphore_mem>>) src(%dma_wait3A_404 : memref<160x128xi32, #tpu.memory_space<hbm>>) dst(%arg8 : memref<160x128xi32, #tpu.memory_space<vmem>>)
      tpu.yield
    }) : () -> ()
    "tpu.region"() ({
      %run_scoped3A_389 = tpu.sem_alloc : memref<!tpu.dma_semaphore, #tpu.memory_space<semaphore_mem>>
      %dma_start3A = arith.constant 0 : i32
      %dma_start3A_390 = arith.constant 0 : i32
      %dma_start3A_391 = tpu.memref_slice %arg3[%arg1, %dma_start3A, %dma_start3A_390] : memref<16x160x128xi32, #tpu.memory_space<hbm>> -> memref<1x160x128xi32, #tpu.memory_space<hbm>>
      %dma_start3A_392 = tpu.memref_squeeze %dma_start3A_391 : memref<1x160x128xi32, #tpu.memory_space<hbm>> -> memref<160x128xi32, #tpu.memory_space<hbm>>
      %dma_start3A_393 = arith.constant 0 : i32
      %dma_start3A_394 = arith.constant 0 : i32
      %dma_start3A_395 = tpu.memref_slice %arg3[%arg1, %dma_start3A_393, %dma_start3A_394] : memref<16x160x128xi32, #tpu.memory_space<hbm>> -> memref<1x160x128xi32, #tpu.memory_space<hbm>>
      %dma_start3A_396 = tpu.memref_squeeze %dma_start3A_395 : memref<1x160x128xi32, #tpu.memory_space<hbm>> -> memref<160x128xi32, #tpu.memory_space<hbm>>
      tpu.enqueue_dma source(%dma_start3A_396 : memref<160x128xi32, #tpu.memory_space<hbm>>) target(%arg9 : memref<160x128xi32, #tpu.memory_space<vmem>>) target_semaphore(%run_scoped3A_389 : memref<!tpu.dma_semaphore, #tpu.memory_space<semaphore_mem>>)
      %dma_wait3A_397 = arith.constant 0 : i32
      %dma_wait3A_398 = arith.constant 0 : i32
      %dma_wait3A_399 = tpu.memref_slice %arg3[%arg1, %dma_wait3A_397, %dma_wait3A_398] : memref<16x160x128xi32, #tpu.memory_space<hbm>> -> memref<1x160x128xi32, #tpu.memory_space<hbm>>
      %dma_wait3A_400 = tpu.memref_squeeze %dma_wait3A_399 : memref<1x160x128xi32, #tpu.memory_space<hbm>> -> memref<160x128xi32, #tpu.memory_space<hbm>>
      %dma_wait3A_401 = arith.constant 0 : i32
      %dma_wait3A_402 = arith.constant 0 : i32
      %dma_wait3A_403 = tpu.memref_slice %arg3[%arg1, %dma_wait3A_401, %dma_wait3A_402] : memref<16x160x128xi32, #tpu.memory_space<hbm>> -> memref<1x160x128xi32, #tpu.memory_space<hbm>>
      %dma_wait3A_404 = tpu.memref_squeeze %dma_wait3A_403 : memref<1x160x128xi32, #tpu.memory_space<hbm>> -> memref<160x128xi32, #tpu.memory_space<hbm>>
      tpu.wait_dma2 semaphore(%run_scoped3A_389 : memref<!tpu.dma_semaphore, #tpu.memory_space<semaphore_mem>>) src(%dma_wait3A_404 : memref<160x128xi32, #tpu.memory_space<hbm>>) dst(%arg9 : memref<160x128xi32, #tpu.memory_space<vmem>>)
      tpu.yield
    }) : () -> ()
    %scan3A = arith.constant 0 : i32
    %scan3A_3 = arith.constant 0 : i32
    %scan3A_4 = arith.constant 40 : i32
    %scan3A_5 = arith.addi %scan3A_3, %scan3A_4 : i32
    %scan3A_6 = arith.constant 1 : i32
    %scan3A_7 = scf.for %scan3A_389 = %scan3A_3 to %scan3A_5 step %scan3A_6 iter_args(%scan3A_390 = %scan3A) -> (i32)  : i32 {
      %broadcast_in_dim3A_391 = arith.constant 0.000000e+00 : f32
      %broadcast_in_dim3A_392 = vector.broadcast %broadcast_in_dim3A_391 : f32 to vector<16xf32>
      %mul3A_393 = arith.constant 16 : i32
      %mul3A_394 = arith.muli %scan3A_389, %mul3A_393 : i32
      %swap3A_395 = arith.index_cast %mul3A_394 : i32 to index
      %swap3A_396 = tpu.vector_load %arg14[%swap3A_395] {strides = array<i32>} : memref<640xf32, #tpu.memory_space<vmem>>, vector<16xf32>,
      %swap3A_397 = vector.shape_cast %swap3A_396 : vector<16xf32> to vector<16xf32>
      %swap3A_398 = vector.shape_cast %broadcast_in_dim3A_392 : vector<16xf32> to vector<16xf32>
      tpu.vector_store %arg14[%swap3A_395], %swap3A_398 {strides = array<i32>} : memref<640xf32, #tpu.memory_space<vmem>>, vector<16xf32>,
      %scan3A_399 = arith.constant 0 : i32
      scf.yield %scan3A_399 : i32
    }
    %scan3A_8 = arith.constant 40 : i32
    %mul3A_9 = arith.constant 640 : i32
    %mul3A_10 = arith.muli %arg1, %mul3A_9 : i32
    "tpu.region"() ({
      %run_scoped3A_389 = tpu.sem_alloc : memref<!tpu.dma_semaphore, #tpu.memory_space<semaphore_mem>>
      %dma_start3A = tpu.memref_slice %arg17[%mul3A_10] : memref<10240xf32, #tpu.memory_space<vmem_shared>> -> memref<640xf32, #tpu.memory_space<vmem_shared>>
      %dma_start3A_390 = tpu.memref_slice %arg17[%mul3A_10] : memref<10240xf32, #tpu.memory_space<vmem_shared>> -> memref<640xf32, #tpu.memory_space<vmem_shared>>
      tpu.enqueue_dma source(%arg14 : memref<640xf32, #tpu.memory_space<vmem>>) target(%dma_start3A_390 : memref<640xf32, #tpu.memory_space<vmem_shared>>) target_semaphore(%run_scoped3A_389 : memref<!tpu.dma_semaphore, #tpu.memory_space<semaphore_mem>>)
      %dma_wait3A_391 = tpu.memref_slice %arg17[%mul3A_10] : memref<10240xf32, #tpu.memory_space<vmem_shared>> -> memref<640xf32, #tpu.memory_space<vmem_shared>>
      %dma_wait3A_392 = tpu.memref_slice %arg17[%mul3A_10] : memref<10240xf32, #tpu.memory_space<vmem_shared>> -> memref<640xf32, #tpu.memory_space<vmem_shared>>
      tpu.wait_dma2 semaphore(%run_scoped3A_389 : memref<!tpu.dma_semaphore, #tpu.memory_space<semaphore_mem>>) src(%arg14 : memref<640xf32, #tpu.memory_space<vmem>>) dst(%dma_wait3A_392 : memref<640xf32, #tpu.memory_space<vmem_shared>>)
      tpu.yield
    }) : () -> ()
    %broadcast_in_dim3A = arith.constant 1.000000e+00 : f32
    %broadcast_in_dim3A_11 = vector.broadcast %broadcast_in_dim3A : f32 to vector<16xf32>
    %swap3A = arith.constant 0 : index
    %swap3A_12 = tpu.vector_load %arg13[%swap3A] {strides = array<i32>} : memref<128xf32, #tpu.memory_space<vmem>>, vector<16xf32>,
    %swap3A_13 = vector.shape_cast %swap3A_12 : vector<16xf32> to vector<16xf32>
    %swap3A_14 = vector.shape_cast %broadcast_in_dim3A_11 : vector<16xf32> to vector<16xf32>
    tpu.vector_store %arg13[%swap3A], %swap3A_14 {strides = array<i32>} : memref<128xf32, #tpu.memory_space<vmem>>, vector<16xf32>,
    %broadcast_in_dim3A_15 = arith.constant 1.000000e+00 : f32
    %broadcast_in_dim3A_16 = vector.broadcast %broadcast_in_dim3A_15 : f32 to vector<16xf32>
    %swap3A_17 = arith.constant 16 : index
    %swap3A_18 = tpu.vector_load %arg13[%swap3A_17] {strides = array<i32>} : memref<128xf32, #tpu.memory_space<vmem>>, vector<16xf32>,
    %swap3A_19 = vector.shape_cast %swap3A_18 : vector<16xf32> to vector<16xf32>
    %swap3A_20 = vector.shape_cast %broadcast_in_dim3A_16 : vector<16xf32> to vector<16xf32>
    tpu.vector_store %arg13[%swap3A_17], %swap3A_20 {strides = array<i32>} : memref<128xf32, #tpu.memory_space<vmem>>, vector<16xf32>,
    %broadcast_in_dim3A_21 = arith.constant 1.000000e+00 : f32
    %broadcast_in_dim3A_22 = vector.broadcast %broadcast_in_dim3A_21 : f32 to vector<16xf32>
    %swap3A_23 = arith.constant 32 : index
    %swap3A_24 = tpu.vector_load %arg13[%swap3A_23] {strides = array<i32>} : memref<128xf32, #tpu.memory_space<vmem>>, vector<16xf32>,
    %swap3A_25 = vector.shape_cast %swap3A_24 : vector<16xf32> to vector<16xf32>
    %swap3A_26 = vector.shape_cast %broadcast_in_dim3A_22 : vector<16xf32> to vector<16xf32>
    tpu.vector_store %arg13[%swap3A_23], %swap3A_26 {strides = array<i32>} : memref<128xf32, #tpu.memory_space<vmem>>, vector<16xf32>,
    %broadcast_in_dim3A_27 = arith.constant 1.000000e+00 : f32
    %broadcast_in_dim3A_28 = vector.broadcast %broadcast_in_dim3A_27 : f32 to vector<16xf32>
    %swap3A_29 = arith.constant 48 : index
    %swap3A_30 = tpu.vector_load %arg13[%swap3A_29] {strides = array<i32>} : memref<128xf32, #tpu.memory_space<vmem>>, vector<16xf32>,
    %swap3A_31 = vector.shape_cast %swap3A_30 : vector<16xf32> to vector<16xf32>
    %swap3A_32 = vector.shape_cast %broadcast_in_dim3A_28 : vector<16xf32> to vector<16xf32>
    tpu.vector_store %arg13[%swap3A_29], %swap3A_32 {strides = array<i32>} : memref<128xf32, #tpu.memory_space<vmem>>, vector<16xf32>,
    %broadcast_in_dim3A_33 = arith.constant 1.000000e+00 : f32
    %broadcast_in_dim3A_34 = vector.broadcast %broadcast_in_dim3A_33 : f32 to vector<16xf32>
    %swap3A_35 = arith.constant 64 : index
    %swap3A_36 = tpu.vector_load %arg13[%swap3A_35] {strides = array<i32>} : memref<128xf32, #tpu.memory_space<vmem>>, vector<16xf32>,
    %swap3A_37 = vector.shape_cast %swap3A_36 : vector<16xf32> to vector<16xf32>
    %swap3A_38 = vector.shape_cast %broadcast_in_dim3A_34 : vector<16xf32> to vector<16xf32>
    tpu.vector_store %arg13[%swap3A_35], %swap3A_38 {strides = array<i32>} : memref<128xf32, #tpu.memory_space<vmem>>, vector<16xf32>,
    %broadcast_in_dim3A_39 = arith.constant 1.000000e+00 : f32
    %broadcast_in_dim3A_40 = vector.broadcast %broadcast_in_dim3A_39 : f32 to vector<16xf32>
    %swap3A_41 = arith.constant 80 : index
    %swap3A_42 = tpu.vector_load %arg13[%swap3A_41] {strides = array<i32>} : memref<128xf32, #tpu.memory_space<vmem>>, vector<16xf32>,
    %swap3A_43 = vector.shape_cast %swap3A_42 : vector<16xf32> to vector<16xf32>
    %swap3A_44 = vector.shape_cast %broadcast_in_dim3A_40 : vector<16xf32> to vector<16xf32>
    tpu.vector_store %arg13[%swap3A_41], %swap3A_44 {strides = array<i32>} : memref<128xf32, #tpu.memory_space<vmem>>, vector<16xf32>,
    %broadcast_in_dim3A_45 = arith.constant 1.000000e+00 : f32
    %broadcast_in_dim3A_46 = vector.broadcast %broadcast_in_dim3A_45 : f32 to vector<16xf32>
    %swap3A_47 = arith.constant 96 : index
    %swap3A_48 = tpu.vector_load %arg13[%swap3A_47] {strides = array<i32>} : memref<128xf32, #tpu.memory_space<vmem>>, vector<16xf32>,
    %swap3A_49 = vector.shape_cast %swap3A_48 : vector<16xf32> to vector<16xf32>
    %swap3A_50 = vector.shape_cast %broadcast_in_dim3A_46 : vector<16xf32> to vector<16xf32>
    tpu.vector_store %arg13[%swap3A_47], %swap3A_50 {strides = array<i32>} : memref<128xf32, #tpu.memory_space<vmem>>, vector<16xf32>,
    %broadcast_in_dim3A_51 = arith.constant 1.000000e+00 : f32
    %broadcast_in_dim3A_52 = vector.broadcast %broadcast_in_dim3A_51 : f32 to vector<16xf32>
    %swap3A_53 = arith.constant 112 : index
    %swap3A_54 = tpu.vector_load %arg13[%swap3A_53] {strides = array<i32>} : memref<128xf32, #tpu.memory_space<vmem>>, vector<16xf32>,
    %swap3A_55 = vector.shape_cast %swap3A_54 : vector<16xf32> to vector<16xf32>
    %swap3A_56 = vector.shape_cast %broadcast_in_dim3A_52 : vector<16xf32> to vector<16xf32>
    tpu.vector_store %arg13[%swap3A_53], %swap3A_56 {strides = array<i32>} : memref<128xf32, #tpu.memory_space<vmem>>, vector<16xf32>,
    %barrier3A = arith.constant 0 : index
    tpu.barrier barrier_id(%barrier3A)
    %scan3A_57 = arith.constant 0 : i32
    %scan3A_58 = arith.constant 0 : i32
    %scan3A_59 = arith.constant 80 : i32
    %scan3A_60 = arith.addi %scan3A_58, %scan3A_59 : i32
    %scan3A_61 = arith.constant 1 : i32
    %scan3A_62 = scf.for %scan3A_389 = %scan3A_58 to %scan3A_60 step %scan3A_61 iter_args(%scan3A_390 = %scan3A_57) -> (i32)  : i32 {
      %mul3A_391 = arith.constant 80 : i32
      %mul3A_392 = arith.muli %arg0, %mul3A_391 : i32
      %add3A_393 = arith.addi %mul3A_392, %scan3A_389 : i32
      %dma_start3A = arith.constant 0 : i32
      %dma_start3A_394 = tpu.memref_slice %arg8[%add3A_393, %dma_start3A] : memref<160x128xi32, #tpu.memory_space<vmem>> -> memref<1x128xi32, #tpu.memory_space<vmem>>
      %dma_start3A_395 = tpu.memref_squeeze %dma_start3A_394 : memref<1x128xi32, #tpu.memory_space<vmem>> -> memref<128xi32, #tpu.memory_space<vmem>>
      %dma_start3A_396 = arith.constant 0 : i32
      %dma_start3A_397 = tpu.memref_slice %arg17[%dma_start3A_396] : memref<10240xf32, #tpu.memory_space<vmem_shared>> -> memref<10240xf32, #tpu.memory_space<vmem_shared>>
      tpu.enqueue_indirect_dma source(%arg13 : memref<128xf32, #tpu.memory_space<vmem>>) target(%dma_start3A_397 : memref<10240xf32, #tpu.memory_space<vmem_shared>>) offsets(%dma_start3A_395 : memref<128xi32, #tpu.memory_space<vmem>>) semaphore(%arg19 : memref<!tpu.dma_semaphore, #tpu.memory_space<semaphore_mem>>) {add = true}
      %ge3A = arith.constant 4 : i32
      %ge3A_398 = arith.cmpi sge, %scan3A_389, %ge3A : i32
      %convert_element_type3A = arith.extui %ge3A_398 : i1 to i32
      %cond3A = arith.constant 0 : i32
      %cond3A_399 = arith.cmpi ne, %convert_element_type3A, %cond3A : i32
      scf.if %cond3A_399 {
        %sub3A_401 = arith.constant 4 : i32
        %sub3A_402 = arith.subi %scan3A_389, %sub3A_401 : i32
        %mul3A_403 = arith.constant 80 : i32
        %mul3A_404 = arith.muli %arg0, %mul3A_403 : i32
        %add3A_405 = arith.addi %mul3A_404, %sub3A_402 : i32
        %dma_wait3A_406 = arith.constant 0 : i32
        %dma_wait3A_407 = tpu.memref_slice %arg8[%add3A_405, %dma_wait3A_406] : memref<160x128xi32, #tpu.memory_space<vmem>> -> memref<1x128xi32, #tpu.memory_space<vmem>>
        %dma_wait3A_408 = tpu.memref_squeeze %dma_wait3A_407 : memref<1x128xi32, #tpu.memory_space<vmem>> -> memref<128xi32, #tpu.memory_space<vmem>>
        %dma_wait3A_409 = arith.constant 0 : i32
        %dma_wait3A_410 = tpu.memref_slice %arg17[%dma_wait3A_409] : memref<10240xf32, #tpu.memory_space<vmem_shared>> -> memref<10240xf32, #tpu.memory_space<vmem_shared>>
        tpu.wait_indirect_dma semaphore(%arg19 : memref<!tpu.dma_semaphore, #tpu.memory_space<semaphore_mem>>) src(%arg13 : memref<128xf32, #tpu.memory_space<vmem>>) dst(%dma_wait3A_410 : memref<10240xf32, #tpu.memory_space<vmem_shared>>)
      } else {
      }
      %scan3A_400 = arith.constant 0 : i32
      scf.yield %scan3A_400 : i32
    }
    %scan3A_63 = arith.constant 80 : i32
    %scan3A_64 = arith.constant 0 : i32
    %scan3A_65 = arith.constant 0 : i32
    %scan3A_66 = arith.constant 160 : i32
    %scan3A_67 = arith.addi %scan3A_65, %scan3A_66 : i32
    %scan3A_68 = arith.constant 1 : i32
    %scan3A_69 = scf.for %scan3A_389 = %scan3A_65 to %scan3A_67 step %scan3A_68 iter_args(%scan3A_390 = %scan3A_64) -> (i32)  : i32 {
      %rem3A = arith.constant 2 : i32
      %rem3A_391 = arith.remsi %scan3A_389, %rem3A : i32
      %ge3A = arith.constant 2 : i32
      %ge3A_392 = arith.cmpi sge, %scan3A_389, %ge3A : i32
      %convert_element_type3A = arith.extui %ge3A_392 : i1 to i32
      %cond3A = arith.constant 0 : i32
      %cond3A_393 = arith.cmpi ne, %convert_element_type3A, %cond3A : i32
      scf.if %cond3A_393 {
        %sub3A_1472 = arith.constant 2 : i32
        %sub3A_1473 = arith.subi %scan3A_389, %sub3A_1472 : i32
        %dma_wait3A_1474 = arith.constant 0 : i32
        %dma_wait3A_1475 = tpu.memref_slice %arg8[%sub3A_1473, %dma_wait3A_1474] : memref<160x128xi32, #tpu.memory_space<vmem>> -> memref<1x128xi32, #tpu.memory_space<vmem>>
        %dma_wait3A_1476 = tpu.memref_squeeze %dma_wait3A_1475 : memref<1x128xi32, #tpu.memory_space<vmem>> -> memref<128xi32, #tpu.memory_space<vmem>>
        %dma_wait3A_1477 = arith.constant 0 : i32
        %dma_wait3A_1478 = tpu.memref_slice %arg10[%rem3A_391, %dma_wait3A_1477] : memref<2x128xi32, #tpu.memory_space<vmem>> -> memref<1x128xi32, #tpu.memory_space<vmem>>
        %dma_wait3A_1479 = tpu.memref_squeeze %dma_wait3A_1478 : memref<1x128xi32, #tpu.memory_space<vmem>> -> memref<128xi32, #tpu.memory_space<vmem>>
        %dma_wait3A_1480 = arith.constant 0 : i32
        %dma_wait3A_1481 = tpu.memref_slice %arg15[%dma_wait3A_1480] : memref<331776xi32, #tpu.memory_space<vmem_shared>> -> memref<331776xi32, #tpu.memory_space<vmem_shared>>
        tpu.wait_indirect_dma semaphore(%arg18 : memref<!tpu.dma_semaphore, #tpu.memory_space<semaphore_mem>>) src(%dma_wait3A_1476 : memref<128xi32, #tpu.memory_space<vmem>>) dst(%dma_wait3A_1481 : memref<331776xi32, #tpu.memory_space<vmem_shared>>)
        %dma_wait3A_1482 = arith.constant 0 : i32
        %dma_wait3A_1483 = tpu.memref_slice %arg11[%rem3A_391, %dma_wait3A_1482] : memref<2x128xi32, #tpu.memory_space<vmem>> -> memref<1x128xi32, #tpu.memory_space<vmem>>
        %dma_wait3A_1484 = tpu.memref_squeeze %dma_wait3A_1483 : memref<1x128xi32, #tpu.memory_space<vmem>> -> memref<128xi32, #tpu.memory_space<vmem>>
        %dma_wait3A_1485 = arith.constant 0 : i32
        %dma_wait3A_1486 = tpu.memref_slice %arg10[%rem3A_391, %dma_wait3A_1485] : memref<2x128xi32, #tpu.memory_space<vmem>> -> memref<1x128xi32, #tpu.memory_space<vmem>>
        %dma_wait3A_1487 = tpu.memref_squeeze %dma_wait3A_1486 : memref<1x128xi32, #tpu.memory_space<vmem>> -> memref<128xi32, #tpu.memory_space<vmem>>
        %dma_wait3A_1488 = arith.constant 0 : i32
        %dma_wait3A_1489 = tpu.memref_slice %arg16[%dma_wait3A_1488] : memref<331776xi32, #tpu.memory_space<vmem_shared>> -> memref<331776xi32, #tpu.memory_space<vmem_shared>>
        tpu.wait_indirect_dma semaphore(%arg18 : memref<!tpu.dma_semaphore, #tpu.memory_space<semaphore_mem>>) src(%dma_wait3A_1484 : memref<128xi32, #tpu.memory_space<vmem>>) dst(%dma_wait3A_1489 : memref<331776xi32, #tpu.memory_space<vmem_shared>>)
      } else {
      }
      %get3A = arith.index_cast %scan3A_389 : i32 to index
      %get3A_394 = arith.constant 0 : index
      %get3A_395 = tpu.vector_load %arg9[%get3A, %get3A_394] {strides = array<i32>} : memref<160x128xi32, #tpu.memory_space<vmem>>, vector<1x16xi32>,
      %get3A_396 = vector.shape_cast %get3A_395 : vector<1x16xi32> to vector<16xi32>
      %sub3A_397 = vector.broadcast %mul3A_0 : i32 to vector<16xi32>
      %sub3A_398 = arith.subi %get3A_396, %sub3A_397 : vector<16xi32>
      %ge3A_399 = arith.constant 0 : i32
      %ge3A_400 = vector.broadcast %ge3A_399 : i32 to vector<16xi32>
      %ge3A_401 = arith.cmpi sge, %sub3A_398, %ge3A_400 : vector<16xi32>
      %lt3A = arith.constant 5120 : i32
      %lt3A_402 = vector.broadcast %lt3A : i32 to vector<16xi32>
      %lt3A_403 = arith.cmpi slt, %sub3A_398, %lt3A_402 : vector<16xi32>
      %and3A = arith.andi %ge3A_401, %lt3A_403 : vector<16xi1>
      %jit3A = arith.constant 1 : i32
      %jit3A_404 = arith.constant 0 : i32
      %broadcast_in_dim3A_405 = vector.broadcast %jit3A : i32 to vector<16xi32>
      %broadcast_in_dim3A_406 = vector.broadcast %jit3A_404 : i32 to vector<16xi32>
      %select_n3A = arith.select %and3A, %broadcast_in_dim3A_405, %broadcast_in_dim3A_406 : vector<16xi1>, vector<16xi32>
      %iota3A_407 = tpu.iota {dimensions = array<i32: 0>} : vector<16xi32>
      %sub3A_408 = arith.constant 1 : i32
      %sub3A_409 = vector.broadcast %sub3A_408 : i32 to vector<16xi32>
      %sub3A_410 = arith.subi %iota3A_407, %sub3A_409 : vector<16xi32>
      %max3A = arith.constant 0 : i32
      %max3A_411 = vector.broadcast %max3A : i32 to vector<16xi32>
      %max3A_412 = arith.maxsi %sub3A_410, %max3A_411 : vector<16xi32>
      %lt3A_413 = arith.constant 0 : i32
      %lt3A_414 = vector.broadcast %lt3A_413 : i32 to vector<16xi32>
      %lt3A_415 = arith.cmpi slt, %max3A_412, %lt3A_414 : vector<16xi32>
      %add3A_416 = arith.constant 16 : i32
      %add3A_417 = vector.broadcast %add3A_416 : i32 to vector<16xi32>
      %add3A_418 = arith.addi %max3A_412, %add3A_417 : vector<16xi32>
      %select_n3A_419 = arith.select %lt3A_415, %add3A_418, %max3A_412 : vector<16xi1>, vector<16xi32>
      %broadcast_in_dim3A_420 = vector.shape_cast %select_n3A_419 : vector<16xi32> to vector<16x1xi32>
      %gather3A = vector.shape_cast %broadcast_in_dim3A_420 : vector<16x1xi32> to vector<16xi32>
      %gather3A_421 = tpu.dynamic_gather %select_n3A[%gather3A] in [0] : vector<16xi32>, vector<16xi32> -> vector<16xi32>
      %ge3A_422 = arith.constant 1 : i32
      %ge3A_423 = vector.broadcast %ge3A_422 : i32 to vector<16xi32>
      %ge3A_424 = arith.cmpi sge, %iota3A_407, %ge3A_423 : vector<16xi32>
      %jit3A_425 = arith.constant 0 : i32
      %broadcast_in_dim3A_426 = vector.broadcast %jit3A_425 : i32 to vector<16xi32>
      %select_n3A_427 = arith.select %ge3A_424, %gather3A_421, %broadcast_in_dim3A_426 : vector<16xi1>, vector<16xi32>
      %add3A_428 = arith.addi %select_n3A, %select_n3A_427 : vector<16xi32>
      %sub3A_429 = arith.constant 2 : i32
      %sub3A_430 = vector.broadcast %sub3A_429 : i32 to vector<16xi32>
      %sub3A_431 = arith.subi %iota3A_407, %sub3A_430 : vector<16xi32>
      %max3A_432 = arith.constant 0 : i32
      %max3A_433 = vector.broadcast %max3A_432 : i32 to vector<16xi32>
      %max3A_434 = arith.maxsi %sub3A_431, %max3A_433 : vector<16xi32>
      %lt3A_435 = arith.constant 0 : i32
      %lt3A_436 = vector.broadcast %lt3A_435 : i32 to vector<16xi32>
      %lt3A_437 = arith.cmpi slt, %max3A_434, %lt3A_436 : vector<16xi32>
      %add3A_438 = arith.constant 16 : i32
      %add3A_439 = vector.broadcast %add3A_438 : i32 to vector<16xi32>
      %add3A_440 = arith.addi %max3A_434, %add3A_439 : vector<16xi32>
      %select_n3A_441 = arith.select %lt3A_437, %add3A_440, %max3A_434 : vector<16xi1>, vector<16xi32>
      %broadcast_in_dim3A_442 = vector.shape_cast %select_n3A_441 : vector<16xi32> to vector<16x1xi32>
      %gather3A_443 = vector.shape_cast %broadcast_in_dim3A_442 : vector<16x1xi32> to vector<16xi32>
      %gather3A_444 = tpu.dynamic_gather %add3A_428[%gather3A_443] in [0] : vector<16xi32>, vector<16xi32> -> vector<16xi32>
      %ge3A_445 = arith.constant 2 : i32
      %ge3A_446 = vector.broadcast %ge3A_445 : i32 to vector<16xi32>
      %ge3A_447 = arith.cmpi sge, %iota3A_407, %ge3A_446 : vector<16xi32>
      %jit3A_448 = arith.constant 0 : i32
      %broadcast_in_dim3A_449 = vector.broadcast %jit3A_448 : i32 to vector<16xi32>
      %select_n3A_450 = arith.select %ge3A_447, %gather3A_444, %broadcast_in_dim3A_449 : vector<16xi1>, vector<16xi32>
      %add3A_451 = arith.addi %add3A_428, %select_n3A_450 : vector<16xi32>
      %sub3A_452 = arith.constant 4 : i32
      %sub3A_453 = vector.broadcast %sub3A_452 : i32 to vector<16xi32>
      %sub3A_454 = arith.subi %iota3A_407, %sub3A_453 : vector<16xi32>
      %max3A_455 = arith.constant 0 : i32
      %max3A_456 = vector.broadcast %max3A_455 : i32 to vector<16xi32>
      %max3A_457 = arith.maxsi %sub3A_454, %max3A_456 : vector<16xi32>
      %lt3A_458 = arith.constant 0 : i32
      %lt3A_459 = vector.broadcast %lt3A_458 : i32 to vector<16xi32>
      %lt3A_460 = arith.cmpi slt, %max3A_457, %lt3A_459 : vector<16xi32>
      %add3A_461 = arith.constant 16 : i32
      %add3A_462 = vector.broadcast %add3A_461 : i32 to vector<16xi32>
      %add3A_463 = arith.addi %max3A_457, %add3A_462 : vector<16xi32>
      %select_n3A_464 = arith.select %lt3A_460, %add3A_463, %max3A_457 : vector<16xi1>, vector<16xi32>
      %broadcast_in_dim3A_465 = vector.shape_cast %select_n3A_464 : vector<16xi32> to vector<16x1xi32>
      %gather3A_466 = vector.shape_cast %broadcast_in_dim3A_465 : vector<16x1xi32> to vector<16xi32>
      %gather3A_467 = tpu.dynamic_gather %add3A_451[%gather3A_466] in [0] : vector<16xi32>, vector<16xi32> -> vector<16xi32>
      %ge3A_468 = arith.constant 4 : i32
      %ge3A_469 = vector.broadcast %ge3A_468 : i32 to vector<16xi32>
      %ge3A_470 = arith.cmpi sge, %iota3A_407, %ge3A_469 : vector<16xi32>
      %jit3A_471 = arith.constant 0 : i32
      %broadcast_in_dim3A_472 = vector.broadcast %jit3A_471 : i32 to vector<16xi32>
      %select_n3A_473 = arith.select %ge3A_470, %gather3A_467, %broadcast_in_dim3A_472 : vector<16xi1>, vector<16xi32>
      %add3A_474 = arith.addi %add3A_451, %select_n3A_473 : vector<16xi32>
      %sub3A_475 = arith.constant 8 : i32
      %sub3A_476 = vector.broadcast %sub3A_475 : i32 to vector<16xi32>
      %sub3A_477 = arith.subi %iota3A_407, %sub3A_476 : vector<16xi32>
      %max3A_478 = arith.constant 0 : i32
      %max3A_479 = vector.broadcast %max3A_478 : i32 to vector<16xi32>
      %max3A_480 = arith.maxsi %sub3A_477, %max3A_479 : vector<16xi32>
      %lt3A_481 = arith.constant 0 : i32
      %lt3A_482 = vector.broadcast %lt3A_481 : i32 to vector<16xi32>
      %lt3A_483 = arith.cmpi slt, %max3A_480, %lt3A_482 : vector<16xi32>
      %add3A_484 = arith.constant 16 : i32
      %add3A_485 = vector.broadcast %add3A_484 : i32 to vector<16xi32>
      %add3A_486 = arith.addi %max3A_480, %add3A_485 : vector<16xi32>
      %select_n3A_487 = arith.select %lt3A_483, %add3A_486, %max3A_480 : vector<16xi1>, vector<16xi32>
      %broadcast_in_dim3A_488 = vector.shape_cast %select_n3A_487 : vector<16xi32> to vector<16x1xi32>
      %gather3A_489 = vector.shape_cast %broadcast_in_dim3A_488 : vector<16x1xi32> to vector<16xi32>
      %gather3A_490 = tpu.dynamic_gather %add3A_474[%gather3A_489] in [0] : vector<16xi32>, vector<16xi32> -> vector<16xi32>
      %ge3A_491 = arith.constant 8 : i32
      %ge3A_492 = vector.broadcast %ge3A_491 : i32 to vector<16xi32>
      %ge3A_493 = arith.cmpi sge, %iota3A_407, %ge3A_492 : vector<16xi32>
      %jit3A_494 = arith.constant 0 : i32
      %broadcast_in_dim3A_495 = vector.broadcast %jit3A_494 : i32 to vector<16xi32>
      %select_n3A_496 = arith.select %ge3A_493, %gather3A_490, %broadcast_in_dim3A_495 : vector<16xi1>, vector<16xi32>
      %add3A_497 = arith.addi %add3A_474, %select_n3A_496 : vector<16xi32>
      %add3A_498 = arith.addi %mul3A_2, %scan3A_390 : i32
      %add3A_499 = vector.broadcast %add3A_498 : i32 to vector<16xi32>
      %add3A_500 = arith.addi %add3A_499, %add3A_497 : vector<16xi32>
      %sub3A_501 = arith.constant 1 : i32
      %sub3A_502 = vector.broadcast %sub3A_501 : i32 to vector<16xi32>
      %sub3A_503 = arith.subi %add3A_500, %sub3A_502 : vector<16xi32>
      %add3A_504 = arith.constant 20735 : i32
      %add3A_505 = arith.addi %mul3A_2, %add3A_504 : i32
      %broadcast_in_dim3A_506 = vector.broadcast %add3A_505 : i32 to vector<16xi32>
      %select_n3A_507 = arith.select %and3A, %sub3A_503, %broadcast_in_dim3A_506 : vector<16xi1>, vector<16xi32>
      %swap3A_508 = arith.index_cast %rem3A_391 : i32 to index
      %swap3A_509 = arith.constant 0 : index
      %swap3A_510 = tpu.vector_load %arg10[%swap3A_508, %swap3A_509] {strides = array<i32>} : memref<2x128xi32, #tpu.memory_space<vmem>>, vector<1x16xi32>,
      %swap3A_511 = vector.shape_cast %swap3A_510 : vector<1x16xi32> to vector<16xi32>
      %swap3A_512 = vector.shape_cast %select_n3A_507 : vector<16xi32> to vector<1x16xi32>
      tpu.vector_store %arg10[%swap3A_508, %swap3A_509], %swap3A_512 {strides = array<i32>} : memref<2x128xi32, #tpu.memory_space<vmem>>, vector<1x16xi32>,
      %swap3A_513 = arith.index_cast %rem3A_391 : i32 to index
      %swap3A_514 = arith.constant 0 : index
      %swap3A_515 = tpu.vector_load %arg11[%swap3A_513, %swap3A_514] {strides = array<i32>} : memref<2x128xi32, #tpu.memory_space<vmem>>, vector<1x16xi32>,
      %swap3A_516 = vector.shape_cast %swap3A_515 : vector<1x16xi32> to vector<16xi32>
      %swap3A_517 = vector.shape_cast %sub3A_398 : vector<16xi32> to vector<1x16xi32>
      tpu.vector_store %arg11[%swap3A_513, %swap3A_514], %swap3A_517 {strides = array<i32>} : memref<2x128xi32, #tpu.memory_space<vmem>>, vector<1x16xi32>,
      %slice3A = vector.extract_strided_slice %add3A_497 {offsets = [15], sizes = [1], strides = [1]} : vector<16xi32> to vector<1xi32>
      %squeeze3A = vector.extract %slice3A[0] : i32 from vector<1xi32>
      %add3A_518 = arith.addi %scan3A_390, %squeeze3A : i32
      %get3A_519 = arith.index_cast %scan3A_389 : i32 to index
      %get3A_520 = arith.constant 16 : index
      %get3A_521 = tpu.vector_load %arg9[%get3A_519, %get3A_520] {strides = array<i32>} : memref<160x128xi32, #tpu.memory_space<vmem>>, vector<1x16xi32>,
      %get3A_522 = vector.shape_cast %get3A_521 : vector<1x16xi32> to vector<16xi32>
      %sub3A_523 = vector.broadcast %mul3A_0 : i32 to vector<16xi32>
      %sub3A_524 = arith.subi %get3A_522, %sub3A_523 : vector<16xi32>
      %ge3A_525 = arith.constant 0 : i32
      %ge3A_526 = vector.broadcast %ge3A_525 : i32 to vector<16xi32>
      %ge3A_527 = arith.cmpi sge, %sub3A_524, %ge3A_526 : vector<16xi32>
      %lt3A_528 = arith.constant 5120 : i32
      %lt3A_529 = vector.broadcast %lt3A_528 : i32 to vector<16xi32>
      %lt3A_530 = arith.cmpi slt, %sub3A_524, %lt3A_529 : vector<16xi32>
      %and3A_531 = arith.andi %ge3A_527, %lt3A_530 : vector<16xi1>
      %jit3A_532 = arith.constant 1 : i32
      %jit3A_533 = arith.constant 0 : i32
      %broadcast_in_dim3A_534 = vector.broadcast %jit3A_532 : i32 to vector<16xi32>
      %broadcast_in_dim3A_535 = vector.broadcast %jit3A_533 : i32 to vector<16xi32>
      %select_n3A_536 = arith.select %and3A_531, %broadcast_in_dim3A_534, %broadcast_in_dim3A_535 : vector<16xi1>, vector<16xi32>
      %iota3A_537 = tpu.iota {dimensions = array<i32: 0>} : vector<16xi32>
      %sub3A_538 = arith.constant 1 : i32
      %sub3A_539 = vector.broadcast %sub3A_538 : i32 to vector<16xi32>
      %sub3A_540 = arith.subi %iota3A_537, %sub3A_539 : vector<16xi32>
      %max3A_541 = arith.constant 0 : i32
      %max3A_542 = vector.broadcast %max3A_541 : i32 to vector<16xi32>
      %max3A_543 = arith.maxsi %sub3A_540, %max3A_542 : vector<16xi32>
      %lt3A_544 = arith.constant 0 : i32
      %lt3A_545 = vector.broadcast %lt3A_544 : i32 to vector<16xi32>
      %lt3A_546 = arith.cmpi slt, %max3A_543, %lt3A_545 : vector<16xi32>
      %add3A_547 = arith.constant 16 : i32
      %add3A_548 = vector.broadcast %add3A_547 : i32 to vector<16xi32>
      %add3A_549 = arith.addi %max3A_543, %add3A_548 : vector<16xi32>
      %select_n3A_550 = arith.select %lt3A_546, %add3A_549, %max3A_543 : vector<16xi1>, vector<16xi32>
      %broadcast_in_dim3A_551 = vector.shape_cast %select_n3A_550 : vector<16xi32> to vector<16x1xi32>
      %gather3A_552 = vector.shape_cast %broadcast_in_dim3A_551 : vector<16x1xi32> to vector<16xi32>
      %gather3A_553 = tpu.dynamic_gather %select_n3A_536[%gather3A_552] in [0] : vector<16xi32>, vector<16xi32> -> vector<16xi32>
      %ge3A_554 = arith.constant 1 : i32
      %ge3A_555 = vector.broadcast %ge3A_554 : i32 to vector<16xi32>
      %ge3A_556 = arith.cmpi sge, %iota3A_537, %ge3A_555 : vector<16xi32>
      %jit3A_557 = arith.constant 0 : i32
      %broadcast_in_dim3A_558 = vector.broadcast %jit3A_557 : i32 to vector<16xi32>
      %select_n3A_559 = arith.select %ge3A_556, %gather3A_553, %broadcast_in_dim3A_558 : vector<16xi1>, vector<16xi32>
      %add3A_560 = arith.addi %select_n3A_536, %select_n3A_559 : vector<16xi32>
      %sub3A_561 = arith.constant 2 : i32
      %sub3A_562 = vector.broadcast %sub3A_561 : i32 to vector<16xi32>
      %sub3A_563 = arith.subi %iota3A_537, %sub3A_562 : vector<16xi32>
      %max3A_564 = arith.constant 0 : i32
      %max3A_565 = vector.broadcast %max3A_564 : i32 to vector<16xi32>
      %max3A_566 = arith.maxsi %sub3A_563, %max3A_565 : vector<16xi32>
      %lt3A_567 = arith.constant 0 : i32
      %lt3A_568 = vector.broadcast %lt3A_567 : i32 to vector<16xi32>
      %lt3A_569 = arith.cmpi slt, %max3A_566, %lt3A_568 : vector<16xi32>
      %add3A_570 = arith.constant 16 : i32
      %add3A_571 = vector.broadcast %add3A_570 : i32 to vector<16xi32>
      %add3A_572 = arith.addi %max3A_566, %add3A_571 : vector<16xi32>
      %select_n3A_573 = arith.select %lt3A_569, %add3A_572, %max3A_566 : vector<16xi1>, vector<16xi32>
      %broadcast_in_dim3A_574 = vector.shape_cast %select_n3A_573 : vector<16xi32> to vector<16x1xi32>
      %gather3A_575 = vector.shape_cast %broadcast_in_dim3A_574 : vector<16x1xi32> to vector<16xi32>
      %gather3A_576 = tpu.dynamic_gather %add3A_560[%gather3A_575] in [0] : vector<16xi32>, vector<16xi32> -> vector<16xi32>
      %ge3A_577 = arith.constant 2 : i32
      %ge3A_578 = vector.broadcast %ge3A_577 : i32 to vector<16xi32>
      %ge3A_579 = arith.cmpi sge, %iota3A_537, %ge3A_578 : vector<16xi32>
      %jit3A_580 = arith.constant 0 : i32
      %broadcast_in_dim3A_581 = vector.broadcast %jit3A_580 : i32 to vector<16xi32>
      %select_n3A_582 = arith.select %ge3A_579, %gather3A_576, %broadcast_in_dim3A_581 : vector<16xi1>, vector<16xi32>
      %add3A_583 = arith.addi %add3A_560, %select_n3A_582 : vector<16xi32>
      %sub3A_584 = arith.constant 4 : i32
      %sub3A_585 = vector.broadcast %sub3A_584 : i32 to vector<16xi32>
      %sub3A_586 = arith.subi %iota3A_537, %sub3A_585 : vector<16xi32>
      %max3A_587 = arith.constant 0 : i32
      %max3A_588 = vector.broadcast %max3A_587 : i32 to vector<16xi32>
      %max3A_589 = arith.maxsi %sub3A_586, %max3A_588 : vector<16xi32>
      %lt3A_590 = arith.constant 0 : i32
      %lt3A_591 = vector.broadcast %lt3A_590 : i32 to vector<16xi32>
      %lt3A_592 = arith.cmpi slt, %max3A_589, %lt3A_591 : vector<16xi32>
      %add3A_593 = arith.constant 16 : i32
      %add3A_594 = vector.broadcast %add3A_593 : i32 to vector<16xi32>
      %add3A_595 = arith.addi %max3A_589, %add3A_594 : vector<16xi32>
      %select_n3A_596 = arith.select %lt3A_592, %add3A_595, %max3A_589 : vector<16xi1>, vector<16xi32>
      %broadcast_in_dim3A_597 = vector.shape_cast %select_n3A_596 : vector<16xi32> to vector<16x1xi32>
      %gather3A_598 = vector.shape_cast %broadcast_in_dim3A_597 : vector<16x1xi32> to vector<16xi32>
      %gather3A_599 = tpu.dynamic_gather %add3A_583[%gather3A_598] in [0] : vector<16xi32>, vector<16xi32> -> vector<16xi32>
      %ge3A_600 = arith.constant 4 : i32
      %ge3A_601 = vector.broadcast %ge3A_600 : i32 to vector<16xi32>
      %ge3A_602 = arith.cmpi sge, %iota3A_537, %ge3A_601 : vector<16xi32>
      %jit3A_603 = arith.constant 0 : i32
      %broadcast_in_dim3A_604 = vector.broadcast %jit3A_603 : i32 to vector<16xi32>
      %select_n3A_605 = arith.select %ge3A_602, %gather3A_599, %broadcast_in_dim3A_604 : vector<16xi1>, vector<16xi32>
      %add3A_606 = arith.addi %add3A_583, %select_n3A_605 : vector<16xi32>
      %sub3A_607 = arith.constant 8 : i32
      %sub3A_608 = vector.broadcast %sub3A_607 : i32 to vector<16xi32>
      %sub3A_609 = arith.subi %iota3A_537, %sub3A_608 : vector<16xi32>
      %max3A_610 = arith.constant 0 : i32
      %max3A_611 = vector.broadcast %max3A_610 : i32 to vector<16xi32>
      %max3A_612 = arith.maxsi %sub3A_609, %max3A_611 : vector<16xi32>
      %lt3A_613 = arith.constant 0 : i32
      %lt3A_614 = vector.broadcast %lt3A_613 : i32 to vector<16xi32>
      %lt3A_615 = arith.cmpi slt, %max3A_612, %lt3A_614 : vector<16xi32>
      %add3A_616 = arith.constant 16 : i32
      %add3A_617 = vector.broadcast %add3A_616 : i32 to vector<16xi32>
      %add3A_618 = arith.addi %max3A_612, %add3A_617 : vector<16xi32>
      %select_n3A_619 = arith.select %lt3A_615, %add3A_618, %max3A_612 : vector<16xi1>, vector<16xi32>
      %broadcast_in_dim3A_620 = vector.shape_cast %select_n3A_619 : vector<16xi32> to vector<16x1xi32>
      %gather3A_621 = vector.shape_cast %broadcast_in_dim3A_620 : vector<16x1xi32> to vector<16xi32>
      %gather3A_622 = tpu.dynamic_gather %add3A_606[%gather3A_621] in [0] : vector<16xi32>, vector<16xi32> -> vector<16xi32>
      %ge3A_623 = arith.constant 8 : i32
      %ge3A_624 = vector.broadcast %ge3A_623 : i32 to vector<16xi32>
      %ge3A_625 = arith.cmpi sge, %iota3A_537, %ge3A_624 : vector<16xi32>
      %jit3A_626 = arith.constant 0 : i32
      %broadcast_in_dim3A_627 = vector.broadcast %jit3A_626 : i32 to vector<16xi32>
      %select_n3A_628 = arith.select %ge3A_625, %gather3A_622, %broadcast_in_dim3A_627 : vector<16xi1>, vector<16xi32>
      %add3A_629 = arith.addi %add3A_606, %select_n3A_628 : vector<16xi32>
      %add3A_630 = arith.addi %mul3A_2, %add3A_518 : i32
      %add3A_631 = vector.broadcast %add3A_630 : i32 to vector<16xi32>
      %add3A_632 = arith.addi %add3A_631, %add3A_629 : vector<16xi32>
      %sub3A_633 = arith.constant 1 : i32
      %sub3A_634 = vector.broadcast %sub3A_633 : i32 to vector<16xi32>
      %sub3A_635 = arith.subi %add3A_632, %sub3A_634 : vector<16xi32>
      %add3A_636 = arith.constant 20735 : i32
      %add3A_637 = arith.addi %mul3A_2, %add3A_636 : i32
      %broadcast_in_dim3A_638 = vector.broadcast %add3A_637 : i32 to vector<16xi32>
      %select_n3A_639 = arith.select %and3A_531, %sub3A_635, %broadcast_in_dim3A_638 : vector<16xi1>, vector<16xi32>
      %swap3A_640 = arith.index_cast %rem3A_391 : i32 to index
      %swap3A_641 = arith.constant 16 : index
      %swap3A_642 = tpu.vector_load %arg10[%swap3A_640, %swap3A_641] {strides = array<i32>} : memref<2x128xi32, #tpu.memory_space<vmem>>, vector<1x16xi32>,
      %swap3A_643 = vector.shape_cast %swap3A_642 : vector<1x16xi32> to vector<16xi32>
      %swap3A_644 = vector.shape_cast %select_n3A_639 : vector<16xi32> to vector<1x16xi32>
      tpu.vector_store %arg10[%swap3A_640, %swap3A_641], %swap3A_644 {strides = array<i32>} : memref<2x128xi32, #tpu.memory_space<vmem>>, vector<1x16xi32>,
      %swap3A_645 = arith.index_cast %rem3A_391 : i32 to index
      %swap3A_646 = arith.constant 16 : index
      %swap3A_647 = tpu.vector_load %arg11[%swap3A_645, %swap3A_646] {strides = array<i32>} : memref<2x128xi32, #tpu.memory_space<vmem>>, vector<1x16xi32>,
      %swap3A_648 = vector.shape_cast %swap3A_647 : vector<1x16xi32> to vector<16xi32>
      %swap3A_649 = vector.shape_cast %sub3A_524 : vector<16xi32> to vector<1x16xi32>
      tpu.vector_store %arg11[%swap3A_645, %swap3A_646], %swap3A_649 {strides = array<i32>} : memref<2x128xi32, #tpu.memory_space<vmem>>, vector<1x16xi32>,
      %slice3A_650 = vector.extract_strided_slice %add3A_629 {offsets = [15], sizes = [1], strides = [1]} : vector<16xi32> to vector<1xi32>
      %squeeze3A_651 = vector.extract %slice3A_650[0] : i32 from vector<1xi32>
      %add3A_652 = arith.addi %add3A_518, %squeeze3A_651 : i32
      %get3A_653 = arith.index_cast %scan3A_389 : i32 to index
      %get3A_654 = arith.constant 32 : index
      %get3A_655 = tpu.vector_load %arg9[%get3A_653, %get3A_654] {strides = array<i32>} : memref<160x128xi32, #tpu.memory_space<vmem>>, vector<1x16xi32>,
      %get3A_656 = vector.shape_cast %get3A_655 : vector<1x16xi32> to vector<16xi32>
      %sub3A_657 = vector.broadcast %mul3A_0 : i32 to vector<16xi32>
      %sub3A_658 = arith.subi %get3A_656, %sub3A_657 : vector<16xi32>
      %ge3A_659 = arith.constant 0 : i32
      %ge3A_660 = vector.broadcast %ge3A_659 : i32 to vector<16xi32>
      %ge3A_661 = arith.cmpi sge, %sub3A_658, %ge3A_660 : vector<16xi32>
      %lt3A_662 = arith.constant 5120 : i32
      %lt3A_663 = vector.broadcast %lt3A_662 : i32 to vector<16xi32>
      %lt3A_664 = arith.cmpi slt, %sub3A_658, %lt3A_663 : vector<16xi32>
      %and3A_665 = arith.andi %ge3A_661, %lt3A_664 : vector<16xi1>
      %jit3A_666 = arith.constant 1 : i32
      %jit3A_667 = arith.constant 0 : i32
      %broadcast_in_dim3A_668 = vector.broadcast %jit3A_666 : i32 to vector<16xi32>
      %broadcast_in_dim3A_669 = vector.broadcast %jit3A_667 : i32 to vector<16xi32>
      %select_n3A_670 = arith.select %and3A_665, %broadcast_in_dim3A_668, %broadcast_in_dim3A_669 : vector<16xi1>, vector<16xi32>
      %iota3A_671 = tpu.iota {dimensions = array<i32: 0>} : vector<16xi32>
      %sub3A_672 = arith.constant 1 : i32
      %sub3A_673 = vector.broadcast %sub3A_672 : i32 to vector<16xi32>
      %sub3A_674 = arith.subi %iota3A_671, %sub3A_673 : vector<16xi32>
      %max3A_675 = arith.constant 0 : i32
      %max3A_676 = vector.broadcast %max3A_675 : i32 to vector<16xi32>
      %max3A_677 = arith.maxsi %sub3A_674, %max3A_676 : vector<16xi32>
      %lt3A_678 = arith.constant 0 : i32
      %lt3A_679 = vector.broadcast %lt3A_678 : i32 to vector<16xi32>
      %lt3A_680 = arith.cmpi slt, %max3A_677, %lt3A_679 : vector<16xi32>
      %add3A_681 = arith.constant 16 : i32
      %add3A_682 = vector.broadcast %add3A_681 : i32 to vector<16xi32>
      %add3A_683 = arith.addi %max3A_677, %add3A_682 : vector<16xi32>
      %select_n3A_684 = arith.select %lt3A_680, %add3A_683, %max3A_677 : vector<16xi1>, vector<16xi32>
      %broadcast_in_dim3A_685 = vector.shape_cast %select_n3A_684 : vector<16xi32> to vector<16x1xi32>
      %gather3A_686 = vector.shape_cast %broadcast_in_dim3A_685 : vector<16x1xi32> to vector<16xi32>
      %gather3A_687 = tpu.dynamic_gather %select_n3A_670[%gather3A_686] in [0] : vector<16xi32>, vector<16xi32> -> vector<16xi32>
      %ge3A_688 = arith.constant 1 : i32
      %ge3A_689 = vector.broadcast %ge3A_688 : i32 to vector<16xi32>
      %ge3A_690 = arith.cmpi sge, %iota3A_671, %ge3A_689 : vector<16xi32>
      %jit3A_691 = arith.constant 0 : i32
      %broadcast_in_dim3A_692 = vector.broadcast %jit3A_691 : i32 to vector<16xi32>
      %select_n3A_693 = arith.select %ge3A_690, %gather3A_687, %broadcast_in_dim3A_692 : vector<16xi1>, vector<16xi32>
      %add3A_694 = arith.addi %select_n3A_670, %select_n3A_693 : vector<16xi32>
      %sub3A_695 = arith.constant 2 : i32
      %sub3A_696 = vector.broadcast %sub3A_695 : i32 to vector<16xi32>
      %sub3A_697 = arith.subi %iota3A_671, %sub3A_696 : vector<16xi32>
      %max3A_698 = arith.constant 0 : i32
      %max3A_699 = vector.broadcast %max3A_698 : i32 to vector<16xi32>
      %max3A_700 = arith.maxsi %sub3A_697, %max3A_699 : vector<16xi32>
      %lt3A_701 = arith.constant 0 : i32
      %lt3A_702 = vector.broadcast %lt3A_701 : i32 to vector<16xi32>
      %lt3A_703 = arith.cmpi slt, %max3A_700, %lt3A_702 : vector<16xi32>
      %add3A_704 = arith.constant 16 : i32
      %add3A_705 = vector.broadcast %add3A_704 : i32 to vector<16xi32>
      %add3A_706 = arith.addi %max3A_700, %add3A_705 : vector<16xi32>
      %select_n3A_707 = arith.select %lt3A_703, %add3A_706, %max3A_700 : vector<16xi1>, vector<16xi32>
      %broadcast_in_dim3A_708 = vector.shape_cast %select_n3A_707 : vector<16xi32> to vector<16x1xi32>
      %gather3A_709 = vector.shape_cast %broadcast_in_dim3A_708 : vector<16x1xi32> to vector<16xi32>
      %gather3A_710 = tpu.dynamic_gather %add3A_694[%gather3A_709] in [0] : vector<16xi32>, vector<16xi32> -> vector<16xi32>
      %ge3A_711 = arith.constant 2 : i32
      %ge3A_712 = vector.broadcast %ge3A_711 : i32 to vector<16xi32>
      %ge3A_713 = arith.cmpi sge, %iota3A_671, %ge3A_712 : vector<16xi32>
      %jit3A_714 = arith.constant 0 : i32
      %broadcast_in_dim3A_715 = vector.broadcast %jit3A_714 : i32 to vector<16xi32>
      %select_n3A_716 = arith.select %ge3A_713, %gather3A_710, %broadcast_in_dim3A_715 : vector<16xi1>, vector<16xi32>
      %add3A_717 = arith.addi %add3A_694, %select_n3A_716 : vector<16xi32>
      %sub3A_718 = arith.constant 4 : i32
      %sub3A_719 = vector.broadcast %sub3A_718 : i32 to vector<16xi32>
      %sub3A_720 = arith.subi %iota3A_671, %sub3A_719 : vector<16xi32>
      %max3A_721 = arith.constant 0 : i32
      %max3A_722 = vector.broadcast %max3A_721 : i32 to vector<16xi32>
      %max3A_723 = arith.maxsi %sub3A_720, %max3A_722 : vector<16xi32>
      %lt3A_724 = arith.constant 0 : i32
      %lt3A_725 = vector.broadcast %lt3A_724 : i32 to vector<16xi32>
      %lt3A_726 = arith.cmpi slt, %max3A_723, %lt3A_725 : vector<16xi32>
      %add3A_727 = arith.constant 16 : i32
      %add3A_728 = vector.broadcast %add3A_727 : i32 to vector<16xi32>
      %add3A_729 = arith.addi %max3A_723, %add3A_728 : vector<16xi32>
      %select_n3A_730 = arith.select %lt3A_726, %add3A_729, %max3A_723 : vector<16xi1>, vector<16xi32>
      %broadcast_in_dim3A_731 = vector.shape_cast %select_n3A_730 : vector<16xi32> to vector<16x1xi32>
      %gather3A_732 = vector.shape_cast %broadcast_in_dim3A_731 : vector<16x1xi32> to vector<16xi32>
      %gather3A_733 = tpu.dynamic_gather %add3A_717[%gather3A_732] in [0] : vector<16xi32>, vector<16xi32> -> vector<16xi32>
      %ge3A_734 = arith.constant 4 : i32
      %ge3A_735 = vector.broadcast %ge3A_734 : i32 to vector<16xi32>
      %ge3A_736 = arith.cmpi sge, %iota3A_671, %ge3A_735 : vector<16xi32>
      %jit3A_737 = arith.constant 0 : i32
      %broadcast_in_dim3A_738 = vector.broadcast %jit3A_737 : i32 to vector<16xi32>
      %select_n3A_739 = arith.select %ge3A_736, %gather3A_733, %broadcast_in_dim3A_738 : vector<16xi1>, vector<16xi32>
      %add3A_740 = arith.addi %add3A_717, %select_n3A_739 : vector<16xi32>
      %sub3A_741 = arith.constant 8 : i32
      %sub3A_742 = vector.broadcast %sub3A_741 : i32 to vector<16xi32>
      %sub3A_743 = arith.subi %iota3A_671, %sub3A_742 : vector<16xi32>
      %max3A_744 = arith.constant 0 : i32
      %max3A_745 = vector.broadcast %max3A_744 : i32 to vector<16xi32>
      %max3A_746 = arith.maxsi %sub3A_743, %max3A_745 : vector<16xi32>
      %lt3A_747 = arith.constant 0 : i32
      %lt3A_748 = vector.broadcast %lt3A_747 : i32 to vector<16xi32>
      %lt3A_749 = arith.cmpi slt, %max3A_746, %lt3A_748 : vector<16xi32>
      %add3A_750 = arith.constant 16 : i32
      %add3A_751 = vector.broadcast %add3A_750 : i32 to vector<16xi32>
      %add3A_752 = arith.addi %max3A_746, %add3A_751 : vector<16xi32>
      %select_n3A_753 = arith.select %lt3A_749, %add3A_752, %max3A_746 : vector<16xi1>, vector<16xi32>
      %broadcast_in_dim3A_754 = vector.shape_cast %select_n3A_753 : vector<16xi32> to vector<16x1xi32>
      %gather3A_755 = vector.shape_cast %broadcast_in_dim3A_754 : vector<16x1xi32> to vector<16xi32>
      %gather3A_756 = tpu.dynamic_gather %add3A_740[%gather3A_755] in [0] : vector<16xi32>, vector<16xi32> -> vector<16xi32>
      %ge3A_757 = arith.constant 8 : i32
      %ge3A_758 = vector.broadcast %ge3A_757 : i32 to vector<16xi32>
      %ge3A_759 = arith.cmpi sge, %iota3A_671, %ge3A_758 : vector<16xi32>
      %jit3A_760 = arith.constant 0 : i32
      %broadcast_in_dim3A_761 = vector.broadcast %jit3A_760 : i32 to vector<16xi32>
      %select_n3A_762 = arith.select %ge3A_759, %gather3A_756, %broadcast_in_dim3A_761 : vector<16xi1>, vector<16xi32>
      %add3A_763 = arith.addi %add3A_740, %select_n3A_762 : vector<16xi32>
      %add3A_764 = arith.addi %mul3A_2, %add3A_652 : i32
      %add3A_765 = vector.broadcast %add3A_764 : i32 to vector<16xi32>
      %add3A_766 = arith.addi %add3A_765, %add3A_763 : vector<16xi32>
      %sub3A_767 = arith.constant 1 : i32
      %sub3A_768 = vector.broadcast %sub3A_767 : i32 to vector<16xi32>
      %sub3A_769 = arith.subi %add3A_766, %sub3A_768 : vector<16xi32>
      %add3A_770 = arith.constant 20735 : i32
      %add3A_771 = arith.addi %mul3A_2, %add3A_770 : i32
      %broadcast_in_dim3A_772 = vector.broadcast %add3A_771 : i32 to vector<16xi32>
      %select_n3A_773 = arith.select %and3A_665, %sub3A_769, %broadcast_in_dim3A_772 : vector<16xi1>, vector<16xi32>
      %swap3A_774 = arith.index_cast %rem3A_391 : i32 to index
      %swap3A_775 = arith.constant 32 : index
      %swap3A_776 = tpu.vector_load %arg10[%swap3A_774, %swap3A_775] {strides = array<i32>} : memref<2x128xi32, #tpu.memory_space<vmem>>, vector<1x16xi32>,
      %swap3A_777 = vector.shape_cast %swap3A_776 : vector<1x16xi32> to vector<16xi32>
      %swap3A_778 = vector.shape_cast %select_n3A_773 : vector<16xi32> to vector<1x16xi32>
      tpu.vector_store %arg10[%swap3A_774, %swap3A_775], %swap3A_778 {strides = array<i32>} : memref<2x128xi32, #tpu.memory_space<vmem>>, vector<1x16xi32>,
      %swap3A_779 = arith.index_cast %rem3A_391 : i32 to index
      %swap3A_780 = arith.constant 32 : index
      %swap3A_781 = tpu.vector_load %arg11[%swap3A_779, %swap3A_780] {strides = array<i32>} : memref<2x128xi32, #tpu.memory_space<vmem>>, vector<1x16xi32>,
      %swap3A_782 = vector.shape_cast %swap3A_781 : vector<1x16xi32> to vector<16xi32>
      %swap3A_783 = vector.shape_cast %sub3A_658 : vector<16xi32> to vector<1x16xi32>
      tpu.vector_store %arg11[%swap3A_779, %swap3A_780], %swap3A_783 {strides = array<i32>} : memref<2x128xi32, #tpu.memory_space<vmem>>, vector<1x16xi32>,
      %slice3A_784 = vector.extract_strided_slice %add3A_763 {offsets = [15], sizes = [1], strides = [1]} : vector<16xi32> to vector<1xi32>
      %squeeze3A_785 = vector.extract %slice3A_784[0] : i32 from vector<1xi32>
      %add3A_786 = arith.addi %add3A_652, %squeeze3A_785 : i32
      %get3A_787 = arith.index_cast %scan3A_389 : i32 to index
      %get3A_788 = arith.constant 48 : index
      %get3A_789 = tpu.vector_load %arg9[%get3A_787, %get3A_788] {strides = array<i32>} : memref<160x128xi32, #tpu.memory_space<vmem>>, vector<1x16xi32>,
      %get3A_790 = vector.shape_cast %get3A_789 : vector<1x16xi32> to vector<16xi32>
      %sub3A_791 = vector.broadcast %mul3A_0 : i32 to vector<16xi32>
      %sub3A_792 = arith.subi %get3A_790, %sub3A_791 : vector<16xi32>
      %ge3A_793 = arith.constant 0 : i32
      %ge3A_794 = vector.broadcast %ge3A_793 : i32 to vector<16xi32>
      %ge3A_795 = arith.cmpi sge, %sub3A_792, %ge3A_794 : vector<16xi32>
      %lt3A_796 = arith.constant 5120 : i32
      %lt3A_797 = vector.broadcast %lt3A_796 : i32 to vector<16xi32>
      %lt3A_798 = arith.cmpi slt, %sub3A_792, %lt3A_797 : vector<16xi32>
      %and3A_799 = arith.andi %ge3A_795, %lt3A_798 : vector<16xi1>
      %jit3A_800 = arith.constant 1 : i32
      %jit3A_801 = arith.constant 0 : i32
      %broadcast_in_dim3A_802 = vector.broadcast %jit3A_800 : i32 to vector<16xi32>
      %broadcast_in_dim3A_803 = vector.broadcast %jit3A_801 : i32 to vector<16xi32>
      %select_n3A_804 = arith.select %and3A_799, %broadcast_in_dim3A_802, %broadcast_in_dim3A_803 : vector<16xi1>, vector<16xi32>
      %iota3A_805 = tpu.iota {dimensions = array<i32: 0>} : vector<16xi32>
      %sub3A_806 = arith.constant 1 : i32
      %sub3A_807 = vector.broadcast %sub3A_806 : i32 to vector<16xi32>
      %sub3A_808 = arith.subi %iota3A_805, %sub3A_807 : vector<16xi32>
      %max3A_809 = arith.constant 0 : i32
      %max3A_810 = vector.broadcast %max3A_809 : i32 to vector<16xi32>
      %max3A_811 = arith.maxsi %sub3A_808, %max3A_810 : vector<16xi32>
      %lt3A_812 = arith.constant 0 : i32
      %lt3A_813 = vector.broadcast %lt3A_812 : i32 to vector<16xi32>
      %lt3A_814 = arith.cmpi slt, %max3A_811, %lt3A_813 : vector<16xi32>
      %add3A_815 = arith.constant 16 : i32
      %add3A_816 = vector.broadcast %add3A_815 : i32 to vector<16xi32>
      %add3A_817 = arith.addi %max3A_811, %add3A_816 : vector<16xi32>
      %select_n3A_818 = arith.select %lt3A_814, %add3A_817, %max3A_811 : vector<16xi1>, vector<16xi32>
      %broadcast_in_dim3A_819 = vector.shape_cast %select_n3A_818 : vector<16xi32> to vector<16x1xi32>
      %gather3A_820 = vector.shape_cast %broadcast_in_dim3A_819 : vector<16x1xi32> to vector<16xi32>
      %gather3A_821 = tpu.dynamic_gather %select_n3A_804[%gather3A_820] in [0] : vector<16xi32>, vector<16xi32> -> vector<16xi32>
      %ge3A_822 = arith.constant 1 : i32
      %ge3A_823 = vector.broadcast %ge3A_822 : i32 to vector<16xi32>
      %ge3A_824 = arith.cmpi sge, %iota3A_805, %ge3A_823 : vector<16xi32>
      %jit3A_825 = arith.constant 0 : i32
      %broadcast_in_dim3A_826 = vector.broadcast %jit3A_825 : i32 to vector<16xi32>
      %select_n3A_827 = arith.select %ge3A_824, %gather3A_821, %broadcast_in_dim3A_826 : vector<16xi1>, vector<16xi32>
      %add3A_828 = arith.addi %select_n3A_804, %select_n3A_827 : vector<16xi32>
      %sub3A_829 = arith.constant 2 : i32
      %sub3A_830 = vector.broadcast %sub3A_829 : i32 to vector<16xi32>
      %sub3A_831 = arith.subi %iota3A_805, %sub3A_830 : vector<16xi32>
      %max3A_832 = arith.constant 0 : i32
      %max3A_833 = vector.broadcast %max3A_832 : i32 to vector<16xi32>
      %max3A_834 = arith.maxsi %sub3A_831, %max3A_833 : vector<16xi32>
      %lt3A_835 = arith.constant 0 : i32
      %lt3A_836 = vector.broadcast %lt3A_835 : i32 to vector<16xi32>
      %lt3A_837 = arith.cmpi slt, %max3A_834, %lt3A_836 : vector<16xi32>
      %add3A_838 = arith.constant 16 : i32
      %add3A_839 = vector.broadcast %add3A_838 : i32 to vector<16xi32>
      %add3A_840 = arith.addi %max3A_834, %add3A_839 : vector<16xi32>
      %select_n3A_841 = arith.select %lt3A_837, %add3A_840, %max3A_834 : vector<16xi1>, vector<16xi32>
      %broadcast_in_dim3A_842 = vector.shape_cast %select_n3A_841 : vector<16xi32> to vector<16x1xi32>
      %gather3A_843 = vector.shape_cast %broadcast_in_dim3A_842 : vector<16x1xi32> to vector<16xi32>
      %gather3A_844 = tpu.dynamic_gather %add3A_828[%gather3A_843] in [0] : vector<16xi32>, vector<16xi32> -> vector<16xi32>
      %ge3A_845 = arith.constant 2 : i32
      %ge3A_846 = vector.broadcast %ge3A_845 : i32 to vector<16xi32>
      %ge3A_847 = arith.cmpi sge, %iota3A_805, %ge3A_846 : vector<16xi32>
      %jit3A_848 = arith.constant 0 : i32
      %broadcast_in_dim3A_849 = vector.broadcast %jit3A_848 : i32 to vector<16xi32>
      %select_n3A_850 = arith.select %ge3A_847, %gather3A_844, %broadcast_in_dim3A_849 : vector<16xi1>, vector<16xi32>
      %add3A_851 = arith.addi %add3A_828, %select_n3A_850 : vector<16xi32>
      %sub3A_852 = arith.constant 4 : i32
      %sub3A_853 = vector.broadcast %sub3A_852 : i32 to vector<16xi32>
      %sub3A_854 = arith.subi %iota3A_805, %sub3A_853 : vector<16xi32>
      %max3A_855 = arith.constant 0 : i32
      %max3A_856 = vector.broadcast %max3A_855 : i32 to vector<16xi32>
      %max3A_857 = arith.maxsi %sub3A_854, %max3A_856 : vector<16xi32>
      %lt3A_858 = arith.constant 0 : i32
      %lt3A_859 = vector.broadcast %lt3A_858 : i32 to vector<16xi32>
      %lt3A_860 = arith.cmpi slt, %max3A_857, %lt3A_859 : vector<16xi32>
      %add3A_861 = arith.constant 16 : i32
      %add3A_862 = vector.broadcast %add3A_861 : i32 to vector<16xi32>
      %add3A_863 = arith.addi %max3A_857, %add3A_862 : vector<16xi32>
      %select_n3A_864 = arith.select %lt3A_860, %add3A_863, %max3A_857 : vector<16xi1>, vector<16xi32>
      %broadcast_in_dim3A_865 = vector.shape_cast %select_n3A_864 : vector<16xi32> to vector<16x1xi32>
      %gather3A_866 = vector.shape_cast %broadcast_in_dim3A_865 : vector<16x1xi32> to vector<16xi32>
      %gather3A_867 = tpu.dynamic_gather %add3A_851[%gather3A_866] in [0] : vector<16xi32>, vector<16xi32> -> vector<16xi32>
      %ge3A_868 = arith.constant 4 : i32
      %ge3A_869 = vector.broadcast %ge3A_868 : i32 to vector<16xi32>
      %ge3A_870 = arith.cmpi sge, %iota3A_805, %ge3A_869 : vector<16xi32>
      %jit3A_871 = arith.constant 0 : i32
      %broadcast_in_dim3A_872 = vector.broadcast %jit3A_871 : i32 to vector<16xi32>
      %select_n3A_873 = arith.select %ge3A_870, %gather3A_867, %broadcast_in_dim3A_872 : vector<16xi1>, vector<16xi32>
      %add3A_874 = arith.addi %add3A_851, %select_n3A_873 : vector<16xi32>
      %sub3A_875 = arith.constant 8 : i32
      %sub3A_876 = vector.broadcast %sub3A_875 : i32 to vector<16xi32>
      %sub3A_877 = arith.subi %iota3A_805, %sub3A_876 : vector<16xi32>
      %max3A_878 = arith.constant 0 : i32
      %max3A_879 = vector.broadcast %max3A_878 : i32 to vector<16xi32>
      %max3A_880 = arith.maxsi %sub3A_877, %max3A_879 : vector<16xi32>
      %lt3A_881 = arith.constant 0 : i32
      %lt3A_882 = vector.broadcast %lt3A_881 : i32 to vector<16xi32>
      %lt3A_883 = arith.cmpi slt, %max3A_880, %lt3A_882 : vector<16xi32>
      %add3A_884 = arith.constant 16 : i32
      %add3A_885 = vector.broadcast %add3A_884 : i32 to vector<16xi32>
      %add3A_886 = arith.addi %max3A_880, %add3A_885 : vector<16xi32>
      %select_n3A_887 = arith.select %lt3A_883, %add3A_886, %max3A_880 : vector<16xi1>, vector<16xi32>
      %broadcast_in_dim3A_888 = vector.shape_cast %select_n3A_887 : vector<16xi32> to vector<16x1xi32>
      %gather3A_889 = vector.shape_cast %broadcast_in_dim3A_888 : vector<16x1xi32> to vector<16xi32>
      %gather3A_890 = tpu.dynamic_gather %add3A_874[%gather3A_889] in [0] : vector<16xi32>, vector<16xi32> -> vector<16xi32>
      %ge3A_891 = arith.constant 8 : i32
      %ge3A_892 = vector.broadcast %ge3A_891 : i32 to vector<16xi32>
      %ge3A_893 = arith.cmpi sge, %iota3A_805, %ge3A_892 : vector<16xi32>
      %jit3A_894 = arith.constant 0 : i32
      %broadcast_in_dim3A_895 = vector.broadcast %jit3A_894 : i32 to vector<16xi32>
      %select_n3A_896 = arith.select %ge3A_893, %gather3A_890, %broadcast_in_dim3A_895 : vector<16xi1>, vector<16xi32>
      %add3A_897 = arith.addi %add3A_874, %select_n3A_896 : vector<16xi32>
      %add3A_898 = arith.addi %mul3A_2, %add3A_786 : i32
      %add3A_899 = vector.broadcast %add3A_898 : i32 to vector<16xi32>
      %add3A_900 = arith.addi %add3A_899, %add3A_897 : vector<16xi32>
      %sub3A_901 = arith.constant 1 : i32
      %sub3A_902 = vector.broadcast %sub3A_901 : i32 to vector<16xi32>
      %sub3A_903 = arith.subi %add3A_900, %sub3A_902 : vector<16xi32>
      %add3A_904 = arith.constant 20735 : i32
      %add3A_905 = arith.addi %mul3A_2, %add3A_904 : i32
      %broadcast_in_dim3A_906 = vector.broadcast %add3A_905 : i32 to vector<16xi32>
      %select_n3A_907 = arith.select %and3A_799, %sub3A_903, %broadcast_in_dim3A_906 : vector<16xi1>, vector<16xi32>
      %swap3A_908 = arith.index_cast %rem3A_391 : i32 to index
      %swap3A_909 = arith.constant 48 : index
      %swap3A_910 = tpu.vector_load %arg10[%swap3A_908, %swap3A_909] {strides = array<i32>} : memref<2x128xi32, #tpu.memory_space<vmem>>, vector<1x16xi32>,
      %swap3A_911 = vector.shape_cast %swap3A_910 : vector<1x16xi32> to vector<16xi32>
      %swap3A_912 = vector.shape_cast %select_n3A_907 : vector<16xi32> to vector<1x16xi32>
      tpu.vector_store %arg10[%swap3A_908, %swap3A_909], %swap3A_912 {strides = array<i32>} : memref<2x128xi32, #tpu.memory_space<vmem>>, vector<1x16xi32>,
      %swap3A_913 = arith.index_cast %rem3A_391 : i32 to index
      %swap3A_914 = arith.constant 48 : index
      %swap3A_915 = tpu.vector_load %arg11[%swap3A_913, %swap3A_914] {strides = array<i32>} : memref<2x128xi32, #tpu.memory_space<vmem>>, vector<1x16xi32>,
      %swap3A_916 = vector.shape_cast %swap3A_915 : vector<1x16xi32> to vector<16xi32>
      %swap3A_917 = vector.shape_cast %sub3A_792 : vector<16xi32> to vector<1x16xi32>
      tpu.vector_store %arg11[%swap3A_913, %swap3A_914], %swap3A_917 {strides = array<i32>} : memref<2x128xi32, #tpu.memory_space<vmem>>, vector<1x16xi32>,
      %slice3A_918 = vector.extract_strided_slice %add3A_897 {offsets = [15], sizes = [1], strides = [1]} : vector<16xi32> to vector<1xi32>
      %squeeze3A_919 = vector.extract %slice3A_918[0] : i32 from vector<1xi32>
      %add3A_920 = arith.addi %add3A_786, %squeeze3A_919 : i32
      %get3A_921 = arith.index_cast %scan3A_389 : i32 to index
      %get3A_922 = arith.constant 64 : index
      %get3A_923 = tpu.vector_load %arg9[%get3A_921, %get3A_922] {strides = array<i32>} : memref<160x128xi32, #tpu.memory_space<vmem>>, vector<1x16xi32>,
      %get3A_924 = vector.shape_cast %get3A_923 : vector<1x16xi32> to vector<16xi32>
      %sub3A_925 = vector.broadcast %mul3A_0 : i32 to vector<16xi32>
      %sub3A_926 = arith.subi %get3A_924, %sub3A_925 : vector<16xi32>
      %ge3A_927 = arith.constant 0 : i32
      %ge3A_928 = vector.broadcast %ge3A_927 : i32 to vector<16xi32>
      %ge3A_929 = arith.cmpi sge, %sub3A_926, %ge3A_928 : vector<16xi32>
      %lt3A_930 = arith.constant 5120 : i32
      %lt3A_931 = vector.broadcast %lt3A_930 : i32 to vector<16xi32>
      %lt3A_932 = arith.cmpi slt, %sub3A_926, %lt3A_931 : vector<16xi32>
      %and3A_933 = arith.andi %ge3A_929, %lt3A_932 : vector<16xi1>
      %jit3A_934 = arith.constant 1 : i32
      %jit3A_935 = arith.constant 0 : i32
      %broadcast_in_dim3A_936 = vector.broadcast %jit3A_934 : i32 to vector<16xi32>
      %broadcast_in_dim3A_937 = vector.broadcast %jit3A_935 : i32 to vector<16xi32>
      %select_n3A_938 = arith.select %and3A_933, %broadcast_in_dim3A_936, %broadcast_in_dim3A_937 : vector<16xi1>, vector<16xi32>
      %iota3A_939 = tpu.iota {dimensions = array<i32: 0>} : vector<16xi32>
      %sub3A_940 = arith.constant 1 : i32
      %sub3A_941 = vector.broadcast %sub3A_940 : i32 to vector<16xi32>
      %sub3A_942 = arith.subi %iota3A_939, %sub3A_941 : vector<16xi32>
      %max3A_943 = arith.constant 0 : i32
      %max3A_944 = vector.broadcast %max3A_943 : i32 to vector<16xi32>
      %max3A_945 = arith.maxsi %sub3A_942, %max3A_944 : vector<16xi32>
      %lt3A_946 = arith.constant 0 : i32
      %lt3A_947 = vector.broadcast %lt3A_946 : i32 to vector<16xi32>
      %lt3A_948 = arith.cmpi slt, %max3A_945, %lt3A_947 : vector<16xi32>
      %add3A_949 = arith.constant 16 : i32
      %add3A_950 = vector.broadcast %add3A_949 : i32 to vector<16xi32>
      %add3A_951 = arith.addi %max3A_945, %add3A_950 : vector<16xi32>
      %select_n3A_952 = arith.select %lt3A_948, %add3A_951, %max3A_945 : vector<16xi1>, vector<16xi32>
      %broadcast_in_dim3A_953 = vector.shape_cast %select_n3A_952 : vector<16xi32> to vector<16x1xi32>
      %gather3A_954 = vector.shape_cast %broadcast_in_dim3A_953 : vector<16x1xi32> to vector<16xi32>
      %gather3A_955 = tpu.dynamic_gather %select_n3A_938[%gather3A_954] in [0] : vector<16xi32>, vector<16xi32> -> vector<16xi32>
      %ge3A_956 = arith.constant 1 : i32
      %ge3A_957 = vector.broadcast %ge3A_956 : i32 to vector<16xi32>
      %ge3A_958 = arith.cmpi sge, %iota3A_939, %ge3A_957 : vector<16xi32>
      %jit3A_959 = arith.constant 0 : i32
      %broadcast_in_dim3A_960 = vector.broadcast %jit3A_959 : i32 to vector<16xi32>
      %select_n3A_961 = arith.select %ge3A_958, %gather3A_955, %broadcast_in_dim3A_960 : vector<16xi1>, vector<16xi32>
      %add3A_962 = arith.addi %select_n3A_938, %select_n3A_961 : vector<16xi32>
      %sub3A_963 = arith.constant 2 : i32
      %sub3A_964 = vector.broadcast %sub3A_963 : i32 to vector<16xi32>
      %sub3A_965 = arith.subi %iota3A_939, %sub3A_964 : vector<16xi32>
      %max3A_966 = arith.constant 0 : i32
      %max3A_967 = vector.broadcast %max3A_966 : i32 to vector<16xi32>
      %max3A_968 = arith.maxsi %sub3A_965, %max3A_967 : vector<16xi32>
      %lt3A_969 = arith.constant 0 : i32
      %lt3A_970 = vector.broadcast %lt3A_969 : i32 to vector<16xi32>
      %lt3A_971 = arith.cmpi slt, %max3A_968, %lt3A_970 : vector<16xi32>
      %add3A_972 = arith.constant 16 : i32
      %add3A_973 = vector.broadcast %add3A_972 : i32 to vector<16xi32>
      %add3A_974 = arith.addi %max3A_968, %add3A_973 : vector<16xi32>
      %select_n3A_975 = arith.select %lt3A_971, %add3A_974, %max3A_968 : vector<16xi1>, vector<16xi32>
      %broadcast_in_dim3A_976 = vector.shape_cast %select_n3A_975 : vector<16xi32> to vector<16x1xi32>
      %gather3A_977 = vector.shape_cast %broadcast_in_dim3A_976 : vector<16x1xi32> to vector<16xi32>
      %gather3A_978 = tpu.dynamic_gather %add3A_962[%gather3A_977] in [0] : vector<16xi32>, vector<16xi32> -> vector<16xi32>
      %ge3A_979 = arith.constant 2 : i32
      %ge3A_980 = vector.broadcast %ge3A_979 : i32 to vector<16xi32>
      %ge3A_981 = arith.cmpi sge, %iota3A_939, %ge3A_980 : vector<16xi32>
      %jit3A_982 = arith.constant 0 : i32
      %broadcast_in_dim3A_983 = vector.broadcast %jit3A_982 : i32 to vector<16xi32>
      %select_n3A_984 = arith.select %ge3A_981, %gather3A_978, %broadcast_in_dim3A_983 : vector<16xi1>, vector<16xi32>
      %add3A_985 = arith.addi %add3A_962, %select_n3A_984 : vector<16xi32>
      %sub3A_986 = arith.constant 4 : i32
      %sub3A_987 = vector.broadcast %sub3A_986 : i32 to vector<16xi32>
      %sub3A_988 = arith.subi %iota3A_939, %sub3A_987 : vector<16xi32>
      %max3A_989 = arith.constant 0 : i32
      %max3A_990 = vector.broadcast %max3A_989 : i32 to vector<16xi32>
      %max3A_991 = arith.maxsi %sub3A_988, %max3A_990 : vector<16xi32>
      %lt3A_992 = arith.constant 0 : i32
      %lt3A_993 = vector.broadcast %lt3A_992 : i32 to vector<16xi32>
      %lt3A_994 = arith.cmpi slt, %max3A_991, %lt3A_993 : vector<16xi32>
      %add3A_995 = arith.constant 16 : i32
      %add3A_996 = vector.broadcast %add3A_995 : i32 to vector<16xi32>
      %add3A_997 = arith.addi %max3A_991, %add3A_996 : vector<16xi32>
      %select_n3A_998 = arith.select %lt3A_994, %add3A_997, %max3A_991 : vector<16xi1>, vector<16xi32>
      %broadcast_in_dim3A_999 = vector.shape_cast %select_n3A_998 : vector<16xi32> to vector<16x1xi32>
      %gather3A_1000 = vector.shape_cast %broadcast_in_dim3A_999 : vector<16x1xi32> to vector<16xi32>
      %gather3A_1001 = tpu.dynamic_gather %add3A_985[%gather3A_1000] in [0] : vector<16xi32>, vector<16xi32> -> vector<16xi32>
      %ge3A_1002 = arith.constant 4 : i32
      %ge3A_1003 = vector.broadcast %ge3A_1002 : i32 to vector<16xi32>
      %ge3A_1004 = arith.cmpi sge, %iota3A_939, %ge3A_1003 : vector<16xi32>
      %jit3A_1005 = arith.constant 0 : i32
      %broadcast_in_dim3A_1006 = vector.broadcast %jit3A_1005 : i32 to vector<16xi32>
      %select_n3A_1007 = arith.select %ge3A_1004, %gather3A_1001, %broadcast_in_dim3A_1006 : vector<16xi1>, vector<16xi32>
      %add3A_1008 = arith.addi %add3A_985, %select_n3A_1007 : vector<16xi32>
      %sub3A_1009 = arith.constant 8 : i32
      %sub3A_1010 = vector.broadcast %sub3A_1009 : i32 to vector<16xi32>
      %sub3A_1011 = arith.subi %iota3A_939, %sub3A_1010 : vector<16xi32>
      %max3A_1012 = arith.constant 0 : i32
      %max3A_1013 = vector.broadcast %max3A_1012 : i32 to vector<16xi32>
      %max3A_1014 = arith.maxsi %sub3A_1011, %max3A_1013 : vector<16xi32>
      %lt3A_1015 = arith.constant 0 : i32
      %lt3A_1016 = vector.broadcast %lt3A_1015 : i32 to vector<16xi32>
      %lt3A_1017 = arith.cmpi slt, %max3A_1014, %lt3A_1016 : vector<16xi32>
      %add3A_1018 = arith.constant 16 : i32
      %add3A_1019 = vector.broadcast %add3A_1018 : i32 to vector<16xi32>
      %add3A_1020 = arith.addi %max3A_1014, %add3A_1019 : vector<16xi32>
      %select_n3A_1021 = arith.select %lt3A_1017, %add3A_1020, %max3A_1014 : vector<16xi1>, vector<16xi32>
      %broadcast_in_dim3A_1022 = vector.shape_cast %select_n3A_1021 : vector<16xi32> to vector<16x1xi32>
      %gather3A_1023 = vector.shape_cast %broadcast_in_dim3A_1022 : vector<16x1xi32> to vector<16xi32>
      %gather3A_1024 = tpu.dynamic_gather %add3A_1008[%gather3A_1023] in [0] : vector<16xi32>, vector<16xi32> -> vector<16xi32>
      %ge3A_1025 = arith.constant 8 : i32
      %ge3A_1026 = vector.broadcast %ge3A_1025 : i32 to vector<16xi32>
      %ge3A_1027 = arith.cmpi sge, %iota3A_939, %ge3A_1026 : vector<16xi32>
      %jit3A_1028 = arith.constant 0 : i32
      %broadcast_in_dim3A_1029 = vector.broadcast %jit3A_1028 : i32 to vector<16xi32>
      %select_n3A_1030 = arith.select %ge3A_1027, %gather3A_1024, %broadcast_in_dim3A_1029 : vector<16xi1>, vector<16xi32>
      %add3A_1031 = arith.addi %add3A_1008, %select_n3A_1030 : vector<16xi32>
      %add3A_1032 = arith.addi %mul3A_2, %add3A_920 : i32
      %add3A_1033 = vector.broadcast %add3A_1032 : i32 to vector<16xi32>
      %add3A_1034 = arith.addi %add3A_1033, %add3A_1031 : vector<16xi32>
      %sub3A_1035 = arith.constant 1 : i32
      %sub3A_1036 = vector.broadcast %sub3A_1035 : i32 to vector<16xi32>
      %sub3A_1037 = arith.subi %add3A_1034, %sub3A_1036 : vector<16xi32>
      %add3A_1038 = arith.constant 20735 : i32
      %add3A_1039 = arith.addi %mul3A_2, %add3A_1038 : i32
      %broadcast_in_dim3A_1040 = vector.broadcast %add3A_1039 : i32 to vector<16xi32>
      %select_n3A_1041 = arith.select %and3A_933, %sub3A_1037, %broadcast_in_dim3A_1040 : vector<16xi1>, vector<16xi32>
      %swap3A_1042 = arith.index_cast %rem3A_391 : i32 to index
      %swap3A_1043 = arith.constant 64 : index
      %swap3A_1044 = tpu.vector_load %arg10[%swap3A_1042, %swap3A_1043] {strides = array<i32>} : memref<2x128xi32, #tpu.memory_space<vmem>>, vector<1x16xi32>,
      %swap3A_1045 = vector.shape_cast %swap3A_1044 : vector<1x16xi32> to vector<16xi32>
      %swap3A_1046 = vector.shape_cast %select_n3A_1041 : vector<16xi32> to vector<1x16xi32>
      tpu.vector_store %arg10[%swap3A_1042, %swap3A_1043], %swap3A_1046 {strides = array<i32>} : memref<2x128xi32, #tpu.memory_space<vmem>>, vector<1x16xi32>,
      %swap3A_1047 = arith.index_cast %rem3A_391 : i32 to index
      %swap3A_1048 = arith.constant 64 : index
      %swap3A_1049 = tpu.vector_load %arg11[%swap3A_1047, %swap3A_1048] {strides = array<i32>} : memref<2x128xi32, #tpu.memory_space<vmem>>, vector<1x16xi32>,
      %swap3A_1050 = vector.shape_cast %swap3A_1049 : vector<1x16xi32> to vector<16xi32>
      %swap3A_1051 = vector.shape_cast %sub3A_926 : vector<16xi32> to vector<1x16xi32>
      tpu.vector_store %arg11[%swap3A_1047, %swap3A_1048], %swap3A_1051 {strides = array<i32>} : memref<2x128xi32, #tpu.memory_space<vmem>>, vector<1x16xi32>,
      %slice3A_1052 = vector.extract_strided_slice %add3A_1031 {offsets = [15], sizes = [1], strides = [1]} : vector<16xi32> to vector<1xi32>
      %squeeze3A_1053 = vector.extract %slice3A_1052[0] : i32 from vector<1xi32>
      %add3A_1054 = arith.addi %add3A_920, %squeeze3A_1053 : i32
      %get3A_1055 = arith.index_cast %scan3A_389 : i32 to index
      %get3A_1056 = arith.constant 80 : index
      %get3A_1057 = tpu.vector_load %arg9[%get3A_1055, %get3A_1056] {strides = array<i32>} : memref<160x128xi32, #tpu.memory_space<vmem>>, vector<1x16xi32>,
      %get3A_1058 = vector.shape_cast %get3A_1057 : vector<1x16xi32> to vector<16xi32>
      %sub3A_1059 = vector.broadcast %mul3A_0 : i32 to vector<16xi32>
      %sub3A_1060 = arith.subi %get3A_1058, %sub3A_1059 : vector<16xi32>
      %ge3A_1061 = arith.constant 0 : i32
      %ge3A_1062 = vector.broadcast %ge3A_1061 : i32 to vector<16xi32>
      %ge3A_1063 = arith.cmpi sge, %sub3A_1060, %ge3A_1062 : vector<16xi32>
      %lt3A_1064 = arith.constant 5120 : i32
      %lt3A_1065 = vector.broadcast %lt3A_1064 : i32 to vector<16xi32>
      %lt3A_1066 = arith.cmpi slt, %sub3A_1060, %lt3A_1065 : vector<16xi32>
      %and3A_1067 = arith.andi %ge3A_1063, %lt3A_1066 : vector<16xi1>
      %jit3A_1068 = arith.constant 1 : i32
      %jit3A_1069 = arith.constant 0 : i32
      %broadcast_in_dim3A_1070 = vector.broadcast %jit3A_1068 : i32 to vector<16xi32>
      %broadcast_in_dim3A_1071 = vector.broadcast %jit3A_1069 : i32 to vector<16xi32>
      %select_n3A_1072 = arith.select %and3A_1067, %broadcast_in_dim3A_1070, %broadcast_in_dim3A_1071 : vector<16xi1>, vector<16xi32>
      %iota3A_1073 = tpu.iota {dimensions = array<i32: 0>} : vector<16xi32>
      %sub3A_1074 = arith.constant 1 : i32
      %sub3A_1075 = vector.broadcast %sub3A_1074 : i32 to vector<16xi32>
      %sub3A_1076 = arith.subi %iota3A_1073, %sub3A_1075 : vector<16xi32>
      %max3A_1077 = arith.constant 0 : i32
      %max3A_1078 = vector.broadcast %max3A_1077 : i32 to vector<16xi32>
      %max3A_1079 = arith.maxsi %sub3A_1076, %max3A_1078 : vector<16xi32>
      %lt3A_1080 = arith.constant 0 : i32
      %lt3A_1081 = vector.broadcast %lt3A_1080 : i32 to vector<16xi32>
      %lt3A_1082 = arith.cmpi slt, %max3A_1079, %lt3A_1081 : vector<16xi32>
      %add3A_1083 = arith.constant 16 : i32
      %add3A_1084 = vector.broadcast %add3A_1083 : i32 to vector<16xi32>
      %add3A_1085 = arith.addi %max3A_1079, %add3A_1084 : vector<16xi32>
      %select_n3A_1086 = arith.select %lt3A_1082, %add3A_1085, %max3A_1079 : vector<16xi1>, vector<16xi32>
      %broadcast_in_dim3A_1087 = vector.shape_cast %select_n3A_1086 : vector<16xi32> to vector<16x1xi32>
      %gather3A_1088 = vector.shape_cast %broadcast_in_dim3A_1087 : vector<16x1xi32> to vector<16xi32>
      %gather3A_1089 = tpu.dynamic_gather %select_n3A_1072[%gather3A_1088] in [0] : vector<16xi32>, vector<16xi32> -> vector<16xi32>
      %ge3A_1090 = arith.constant 1 : i32
      %ge3A_1091 = vector.broadcast %ge3A_1090 : i32 to vector<16xi32>
      %ge3A_1092 = arith.cmpi sge, %iota3A_1073, %ge3A_1091 : vector<16xi32>
      %jit3A_1093 = arith.constant 0 : i32
      %broadcast_in_dim3A_1094 = vector.broadcast %jit3A_1093 : i32 to vector<16xi32>
      %select_n3A_1095 = arith.select %ge3A_1092, %gather3A_1089, %broadcast_in_dim3A_1094 : vector<16xi1>, vector<16xi32>
      %add3A_1096 = arith.addi %select_n3A_1072, %select_n3A_1095 : vector<16xi32>
      %sub3A_1097 = arith.constant 2 : i32
      %sub3A_1098 = vector.broadcast %sub3A_1097 : i32 to vector<16xi32>
      %sub3A_1099 = arith.subi %iota3A_1073, %sub3A_1098 : vector<16xi32>
      %max3A_1100 = arith.constant 0 : i32
      %max3A_1101 = vector.broadcast %max3A_1100 : i32 to vector<16xi32>
      %max3A_1102 = arith.maxsi %sub3A_1099, %max3A_1101 : vector<16xi32>
      %lt3A_1103 = arith.constant 0 : i32
      %lt3A_1104 = vector.broadcast %lt3A_1103 : i32 to vector<16xi32>
      %lt3A_1105 = arith.cmpi slt, %max3A_1102, %lt3A_1104 : vector<16xi32>
      %add3A_1106 = arith.constant 16 : i32
      %add3A_1107 = vector.broadcast %add3A_1106 : i32 to vector<16xi32>
      %add3A_1108 = arith.addi %max3A_1102, %add3A_1107 : vector<16xi32>
      %select_n3A_1109 = arith.select %lt3A_1105, %add3A_1108, %max3A_1102 : vector<16xi1>, vector<16xi32>
      %broadcast_in_dim3A_1110 = vector.shape_cast %select_n3A_1109 : vector<16xi32> to vector<16x1xi32>
      %gather3A_1111 = vector.shape_cast %broadcast_in_dim3A_1110 : vector<16x1xi32> to vector<16xi32>
      %gather3A_1112 = tpu.dynamic_gather %add3A_1096[%gather3A_1111] in [0] : vector<16xi32>, vector<16xi32> -> vector<16xi32>
      %ge3A_1113 = arith.constant 2 : i32
      %ge3A_1114 = vector.broadcast %ge3A_1113 : i32 to vector<16xi32>
      %ge3A_1115 = arith.cmpi sge, %iota3A_1073, %ge3A_1114 : vector<16xi32>
      %jit3A_1116 = arith.constant 0 : i32
      %broadcast_in_dim3A_1117 = vector.broadcast %jit3A_1116 : i32 to vector<16xi32>
      %select_n3A_1118 = arith.select %ge3A_1115, %gather3A_1112, %broadcast_in_dim3A_1117 : vector<16xi1>, vector<16xi32>
      %add3A_1119 = arith.addi %add3A_1096, %select_n3A_1118 : vector<16xi32>
      %sub3A_1120 = arith.constant 4 : i32
      %sub3A_1121 = vector.broadcast %sub3A_1120 : i32 to vector<16xi32>
      %sub3A_1122 = arith.subi %iota3A_1073, %sub3A_1121 : vector<16xi32>
      %max3A_1123 = arith.constant 0 : i32
      %max3A_1124 = vector.broadcast %max3A_1123 : i32 to vector<16xi32>
      %max3A_1125 = arith.maxsi %sub3A_1122, %max3A_1124 : vector<16xi32>
      %lt3A_1126 = arith.constant 0 : i32
      %lt3A_1127 = vector.broadcast %lt3A_1126 : i32 to vector<16xi32>
      %lt3A_1128 = arith.cmpi slt, %max3A_1125, %lt3A_1127 : vector<16xi32>
      %add3A_1129 = arith.constant 16 : i32
      %add3A_1130 = vector.broadcast %add3A_1129 : i32 to vector<16xi32>
      %add3A_1131 = arith.addi %max3A_1125, %add3A_1130 : vector<16xi32>
      %select_n3A_1132 = arith.select %lt3A_1128, %add3A_1131, %max3A_1125 : vector<16xi1>, vector<16xi32>
      %broadcast_in_dim3A_1133 = vector.shape_cast %select_n3A_1132 : vector<16xi32> to vector<16x1xi32>
      %gather3A_1134 = vector.shape_cast %broadcast_in_dim3A_1133 : vector<16x1xi32> to vector<16xi32>
      %gather3A_1135 = tpu.dynamic_gather %add3A_1119[%gather3A_1134] in [0] : vector<16xi32>, vector<16xi32> -> vector<16xi32>
      %ge3A_1136 = arith.constant 4 : i32
      %ge3A_1137 = vector.broadcast %ge3A_1136 : i32 to vector<16xi32>
      %ge3A_1138 = arith.cmpi sge, %iota3A_1073, %ge3A_1137 : vector<16xi32>
      %jit3A_1139 = arith.constant 0 : i32
      %broadcast_in_dim3A_1140 = vector.broadcast %jit3A_1139 : i32 to vector<16xi32>
      %select_n3A_1141 = arith.select %ge3A_1138, %gather3A_1135, %broadcast_in_dim3A_1140 : vector<16xi1>, vector<16xi32>
      %add3A_1142 = arith.addi %add3A_1119, %select_n3A_1141 : vector<16xi32>
      %sub3A_1143 = arith.constant 8 : i32
      %sub3A_1144 = vector.broadcast %sub3A_1143 : i32 to vector<16xi32>
      %sub3A_1145 = arith.subi %iota3A_1073, %sub3A_1144 : vector<16xi32>
      %max3A_1146 = arith.constant 0 : i32
      %max3A_1147 = vector.broadcast %max3A_1146 : i32 to vector<16xi32>
      %max3A_1148 = arith.maxsi %sub3A_1145, %max3A_1147 : vector<16xi32>
      %lt3A_1149 = arith.constant 0 : i32
      %lt3A_1150 = vector.broadcast %lt3A_1149 : i32 to vector<16xi32>
      %lt3A_1151 = arith.cmpi slt, %max3A_1148, %lt3A_1150 : vector<16xi32>
      %add3A_1152 = arith.constant 16 : i32
      %add3A_1153 = vector.broadcast %add3A_1152 : i32 to vector<16xi32>
      %add3A_1154 = arith.addi %max3A_1148, %add3A_1153 : vector<16xi32>
      %select_n3A_1155 = arith.select %lt3A_1151, %add3A_1154, %max3A_1148 : vector<16xi1>, vector<16xi32>
      %broadcast_in_dim3A_1156 = vector.shape_cast %select_n3A_1155 : vector<16xi32> to vector<16x1xi32>
      %gather3A_1157 = vector.shape_cast %broadcast_in_dim3A_1156 : vector<16x1xi32> to vector<16xi32>
      %gather3A_1158 = tpu.dynamic_gather %add3A_1142[%gather3A_1157] in [0] : vector<16xi32>, vector<16xi32> -> vector<16xi32>
      %ge3A_1159 = arith.constant 8 : i32
      %ge3A_1160 = vector.broadcast %ge3A_1159 : i32 to vector<16xi32>
      %ge3A_1161 = arith.cmpi sge, %iota3A_1073, %ge3A_1160 : vector<16xi32>
      %jit3A_1162 = arith.constant 0 : i32
      %broadcast_in_dim3A_1163 = vector.broadcast %jit3A_1162 : i32 to vector<16xi32>
      %select_n3A_1164 = arith.select %ge3A_1161, %gather3A_1158, %broadcast_in_dim3A_1163 : vector<16xi1>, vector<16xi32>
      %add3A_1165 = arith.addi %add3A_1142, %select_n3A_1164 : vector<16xi32>
      %add3A_1166 = arith.addi %mul3A_2, %add3A_1054 : i32
      %add3A_1167 = vector.broadcast %add3A_1166 : i32 to vector<16xi32>
      %add3A_1168 = arith.addi %add3A_1167, %add3A_1165 : vector<16xi32>
      %sub3A_1169 = arith.constant 1 : i32
      %sub3A_1170 = vector.broadcast %sub3A_1169 : i32 to vector<16xi32>
      %sub3A_1171 = arith.subi %add3A_1168, %sub3A_1170 : vector<16xi32>
      %add3A_1172 = arith.constant 20735 : i32
      %add3A_1173 = arith.addi %mul3A_2, %add3A_1172 : i32
      %broadcast_in_dim3A_1174 = vector.broadcast %add3A_1173 : i32 to vector<16xi32>
      %select_n3A_1175 = arith.select %and3A_1067, %sub3A_1171, %broadcast_in_dim3A_1174 : vector<16xi1>, vector<16xi32>
      %swap3A_1176 = arith.index_cast %rem3A_391 : i32 to index
      %swap3A_1177 = arith.constant 80 : index
      %swap3A_1178 = tpu.vector_load %arg10[%swap3A_1176, %swap3A_1177] {strides = array<i32>} : memref<2x128xi32, #tpu.memory_space<vmem>>, vector<1x16xi32>,
      %swap3A_1179 = vector.shape_cast %swap3A_1178 : vector<1x16xi32> to vector<16xi32>
      %swap3A_1180 = vector.shape_cast %select_n3A_1175 : vector<16xi32> to vector<1x16xi32>
      tpu.vector_store %arg10[%swap3A_1176, %swap3A_1177], %swap3A_1180 {strides = array<i32>} : memref<2x128xi32, #tpu.memory_space<vmem>>, vector<1x16xi32>,
      %swap3A_1181 = arith.index_cast %rem3A_391 : i32 to index
      %swap3A_1182 = arith.constant 80 : index
      %swap3A_1183 = tpu.vector_load %arg11[%swap3A_1181, %swap3A_1182] {strides = array<i32>} : memref<2x128xi32, #tpu.memory_space<vmem>>, vector<1x16xi32>,
      %swap3A_1184 = vector.shape_cast %swap3A_1183 : vector<1x16xi32> to vector<16xi32>
      %swap3A_1185 = vector.shape_cast %sub3A_1060 : vector<16xi32> to vector<1x16xi32>
      tpu.vector_store %arg11[%swap3A_1181, %swap3A_1182], %swap3A_1185 {strides = array<i32>} : memref<2x128xi32, #tpu.memory_space<vmem>>, vector<1x16xi32>,
      %slice3A_1186 = vector.extract_strided_slice %add3A_1165 {offsets = [15], sizes = [1], strides = [1]} : vector<16xi32> to vector<1xi32>
      %squeeze3A_1187 = vector.extract %slice3A_1186[0] : i32 from vector<1xi32>
      %add3A_1188 = arith.addi %add3A_1054, %squeeze3A_1187 : i32
      %get3A_1189 = arith.index_cast %scan3A_389 : i32 to index
      %get3A_1190 = arith.constant 96 : index
      %get3A_1191 = tpu.vector_load %arg9[%get3A_1189, %get3A_1190] {strides = array<i32>} : memref<160x128xi32, #tpu.memory_space<vmem>>, vector<1x16xi32>,
      %get3A_1192 = vector.shape_cast %get3A_1191 : vector<1x16xi32> to vector<16xi32>
      %sub3A_1193 = vector.broadcast %mul3A_0 : i32 to vector<16xi32>
      %sub3A_1194 = arith.subi %get3A_1192, %sub3A_1193 : vector<16xi32>
      %ge3A_1195 = arith.constant 0 : i32
      %ge3A_1196 = vector.broadcast %ge3A_1195 : i32 to vector<16xi32>
      %ge3A_1197 = arith.cmpi sge, %sub3A_1194, %ge3A_1196 : vector<16xi32>
      %lt3A_1198 = arith.constant 5120 : i32
      %lt3A_1199 = vector.broadcast %lt3A_1198 : i32 to vector<16xi32>
      %lt3A_1200 = arith.cmpi slt, %sub3A_1194, %lt3A_1199 : vector<16xi32>
      %and3A_1201 = arith.andi %ge3A_1197, %lt3A_1200 : vector<16xi1>
      %jit3A_1202 = arith.constant 1 : i32
      %jit3A_1203 = arith.constant 0 : i32
      %broadcast_in_dim3A_1204 = vector.broadcast %jit3A_1202 : i32 to vector<16xi32>
      %broadcast_in_dim3A_1205 = vector.broadcast %jit3A_1203 : i32 to vector<16xi32>
      %select_n3A_1206 = arith.select %and3A_1201, %broadcast_in_dim3A_1204, %broadcast_in_dim3A_1205 : vector<16xi1>, vector<16xi32>
      %iota3A_1207 = tpu.iota {dimensions = array<i32: 0>} : vector<16xi32>
      %sub3A_1208 = arith.constant 1 : i32
      %sub3A_1209 = vector.broadcast %sub3A_1208 : i32 to vector<16xi32>
      %sub3A_1210 = arith.subi %iota3A_1207, %sub3A_1209 : vector<16xi32>
      %max3A_1211 = arith.constant 0 : i32
      %max3A_1212 = vector.broadcast %max3A_1211 : i32 to vector<16xi32>
      %max3A_1213 = arith.maxsi %sub3A_1210, %max3A_1212 : vector<16xi32>
      %lt3A_1214 = arith.constant 0 : i32
      %lt3A_1215 = vector.broadcast %lt3A_1214 : i32 to vector<16xi32>
      %lt3A_1216 = arith.cmpi slt, %max3A_1213, %lt3A_1215 : vector<16xi32>
      %add3A_1217 = arith.constant 16 : i32
      %add3A_1218 = vector.broadcast %add3A_1217 : i32 to vector<16xi32>
      %add3A_1219 = arith.addi %max3A_1213, %add3A_1218 : vector<16xi32>
      %select_n3A_1220 = arith.select %lt3A_1216, %add3A_1219, %max3A_1213 : vector<16xi1>, vector<16xi32>
      %broadcast_in_dim3A_1221 = vector.shape_cast %select_n3A_1220 : vector<16xi32> to vector<16x1xi32>
      %gather3A_1222 = vector.shape_cast %broadcast_in_dim3A_1221 : vector<16x1xi32> to vector<16xi32>
      %gather3A_1223 = tpu.dynamic_gather %select_n3A_1206[%gather3A_1222] in [0] : vector<16xi32>, vector<16xi32> -> vector<16xi32>
      %ge3A_1224 = arith.constant 1 : i32
      %ge3A_1225 = vector.broadcast %ge3A_1224 : i32 to vector<16xi32>
      %ge3A_1226 = arith.cmpi sge, %iota3A_1207, %ge3A_1225 : vector<16xi32>
      %jit3A_1227 = arith.constant 0 : i32
      %broadcast_in_dim3A_1228 = vector.broadcast %jit3A_1227 : i32 to vector<16xi32>
      %select_n3A_1229 = arith.select %ge3A_1226, %gather3A_1223, %broadcast_in_dim3A_1228 : vector<16xi1>, vector<16xi32>
      %add3A_1230 = arith.addi %select_n3A_1206, %select_n3A_1229 : vector<16xi32>
      %sub3A_1231 = arith.constant 2 : i32
      %sub3A_1232 = vector.broadcast %sub3A_1231 : i32 to vector<16xi32>
      %sub3A_1233 = arith.subi %iota3A_1207, %sub3A_1232 : vector<16xi32>
      %max3A_1234 = arith.constant 0 : i32
      %max3A_1235 = vector.broadcast %max3A_1234 : i32 to vector<16xi32>
      %max3A_1236 = arith.maxsi %sub3A_1233, %max3A_1235 : vector<16xi32>
      %lt3A_1237 = arith.constant 0 : i32
      %lt3A_1238 = vector.broadcast %lt3A_1237 : i32 to vector<16xi32>
      %lt3A_1239 = arith.cmpi slt, %max3A_1236, %lt3A_1238 : vector<16xi32>
      %add3A_1240 = arith.constant 16 : i32
      %add3A_1241 = vector.broadcast %add3A_1240 : i32 to vector<16xi32>
      %add3A_1242 = arith.addi %max3A_1236, %add3A_1241 : vector<16xi32>
      %select_n3A_1243 = arith.select %lt3A_1239, %add3A_1242, %max3A_1236 : vector<16xi1>, vector<16xi32>
      %broadcast_in_dim3A_1244 = vector.shape_cast %select_n3A_1243 : vector<16xi32> to vector<16x1xi32>
      %gather3A_1245 = vector.shape_cast %broadcast_in_dim3A_1244 : vector<16x1xi32> to vector<16xi32>
      %gather3A_1246 = tpu.dynamic_gather %add3A_1230[%gather3A_1245] in [0] : vector<16xi32>, vector<16xi32> -> vector<16xi32>
      %ge3A_1247 = arith.constant 2 : i32
      %ge3A_1248 = vector.broadcast %ge3A_1247 : i32 to vector<16xi32>
      %ge3A_1249 = arith.cmpi sge, %iota3A_1207, %ge3A_1248 : vector<16xi32>
      %jit3A_1250 = arith.constant 0 : i32
      %broadcast_in_dim3A_1251 = vector.broadcast %jit3A_1250 : i32 to vector<16xi32>
      %select_n3A_1252 = arith.select %ge3A_1249, %gather3A_1246, %broadcast_in_dim3A_1251 : vector<16xi1>, vector<16xi32>
      %add3A_1253 = arith.addi %add3A_1230, %select_n3A_1252 : vector<16xi32>
      %sub3A_1254 = arith.constant 4 : i32
      %sub3A_1255 = vector.broadcast %sub3A_1254 : i32 to vector<16xi32>
      %sub3A_1256 = arith.subi %iota3A_1207, %sub3A_1255 : vector<16xi32>
      %max3A_1257 = arith.constant 0 : i32
      %max3A_1258 = vector.broadcast %max3A_1257 : i32 to vector<16xi32>
      %max3A_1259 = arith.maxsi %sub3A_1256, %max3A_1258 : vector<16xi32>
      %lt3A_1260 = arith.constant 0 : i32
      %lt3A_1261 = vector.broadcast %lt3A_1260 : i32 to vector<16xi32>
      %lt3A_1262 = arith.cmpi slt, %max3A_1259, %lt3A_1261 : vector<16xi32>
      %add3A_1263 = arith.constant 16 : i32
      %add3A_1264 = vector.broadcast %add3A_1263 : i32 to vector<16xi32>
      %add3A_1265 = arith.addi %max3A_1259, %add3A_1264 : vector<16xi32>
      %select_n3A_1266 = arith.select %lt3A_1262, %add3A_1265, %max3A_1259 : vector<16xi1>, vector<16xi32>
      %broadcast_in_dim3A_1267 = vector.shape_cast %select_n3A_1266 : vector<16xi32> to vector<16x1xi32>
      %gather3A_1268 = vector.shape_cast %broadcast_in_dim3A_1267 : vector<16x1xi32> to vector<16xi32>
      %gather3A_1269 = tpu.dynamic_gather %add3A_1253[%gather3A_1268] in [0] : vector<16xi32>, vector<16xi32> -> vector<16xi32>
      %ge3A_1270 = arith.constant 4 : i32
      %ge3A_1271 = vector.broadcast %ge3A_1270 : i32 to vector<16xi32>
      %ge3A_1272 = arith.cmpi sge, %iota3A_1207, %ge3A_1271 : vector<16xi32>
      %jit3A_1273 = arith.constant 0 : i32
      %broadcast_in_dim3A_1274 = vector.broadcast %jit3A_1273 : i32 to vector<16xi32>
      %select_n3A_1275 = arith.select %ge3A_1272, %gather3A_1269, %broadcast_in_dim3A_1274 : vector<16xi1>, vector<16xi32>
      %add3A_1276 = arith.addi %add3A_1253, %select_n3A_1275 : vector<16xi32>
      %sub3A_1277 = arith.constant 8 : i32
      %sub3A_1278 = vector.broadcast %sub3A_1277 : i32 to vector<16xi32>
      %sub3A_1279 = arith.subi %iota3A_1207, %sub3A_1278 : vector<16xi32>
      %max3A_1280 = arith.constant 0 : i32
      %max3A_1281 = vector.broadcast %max3A_1280 : i32 to vector<16xi32>
      %max3A_1282 = arith.maxsi %sub3A_1279, %max3A_1281 : vector<16xi32>
      %lt3A_1283 = arith.constant 0 : i32
      %lt3A_1284 = vector.broadcast %lt3A_1283 : i32 to vector<16xi32>
      %lt3A_1285 = arith.cmpi slt, %max3A_1282, %lt3A_1284 : vector<16xi32>
      %add3A_1286 = arith.constant 16 : i32
      %add3A_1287 = vector.broadcast %add3A_1286 : i32 to vector<16xi32>
      %add3A_1288 = arith.addi %max3A_1282, %add3A_1287 : vector<16xi32>
      %select_n3A_1289 = arith.select %lt3A_1285, %add3A_1288, %max3A_1282 : vector<16xi1>, vector<16xi32>
      %broadcast_in_dim3A_1290 = vector.shape_cast %select_n3A_1289 : vector<16xi32> to vector<16x1xi32>
      %gather3A_1291 = vector.shape_cast %broadcast_in_dim3A_1290 : vector<16x1xi32> to vector<16xi32>
      %gather3A_1292 = tpu.dynamic_gather %add3A_1276[%gather3A_1291] in [0] : vector<16xi32>, vector<16xi32> -> vector<16xi32>
      %ge3A_1293 = arith.constant 8 : i32
      %ge3A_1294 = vector.broadcast %ge3A_1293 : i32 to vector<16xi32>
      %ge3A_1295 = arith.cmpi sge, %iota3A_1207, %ge3A_1294 : vector<16xi32>
      %jit3A_1296 = arith.constant 0 : i32
      %broadcast_in_dim3A_1297 = vector.broadcast %jit3A_1296 : i32 to vector<16xi32>
      %select_n3A_1298 = arith.select %ge3A_1295, %gather3A_1292, %broadcast_in_dim3A_1297 : vector<16xi1>, vector<16xi32>
      %add3A_1299 = arith.addi %add3A_1276, %select_n3A_1298 : vector<16xi32>
      %add3A_1300 = arith.addi %mul3A_2, %add3A_1188 : i32
      %add3A_1301 = vector.broadcast %add3A_1300 : i32 to vector<16xi32>
      %add3A_1302 = arith.addi %add3A_1301, %add3A_1299 : vector<16xi32>
      %sub3A_1303 = arith.constant 1 : i32
      %sub3A_1304 = vector.broadcast %sub3A_1303 : i32 to vector<16xi32>
      %sub3A_1305 = arith.subi %add3A_1302, %sub3A_1304 : vector<16xi32>
      %add3A_1306 = arith.constant 20735 : i32
      %add3A_1307 = arith.addi %mul3A_2, %add3A_1306 : i32
      %broadcast_in_dim3A_1308 = vector.broadcast %add3A_1307 : i32 to vector<16xi32>
      %select_n3A_1309 = arith.select %and3A_1201, %sub3A_1305, %broadcast_in_dim3A_1308 : vector<16xi1>, vector<16xi32>
      %swap3A_1310 = arith.index_cast %rem3A_391 : i32 to index
      %swap3A_1311 = arith.constant 96 : index
      %swap3A_1312 = tpu.vector_load %arg10[%swap3A_1310, %swap3A_1311] {strides = array<i32>} : memref<2x128xi32, #tpu.memory_space<vmem>>, vector<1x16xi32>,
      %swap3A_1313 = vector.shape_cast %swap3A_1312 : vector<1x16xi32> to vector<16xi32>
      %swap3A_1314 = vector.shape_cast %select_n3A_1309 : vector<16xi32> to vector<1x16xi32>
      tpu.vector_store %arg10[%swap3A_1310, %swap3A_1311], %swap3A_1314 {strides = array<i32>} : memref<2x128xi32, #tpu.memory_space<vmem>>, vector<1x16xi32>,
      %swap3A_1315 = arith.index_cast %rem3A_391 : i32 to index
      %swap3A_1316 = arith.constant 96 : index
      %swap3A_1317 = tpu.vector_load %arg11[%swap3A_1315, %swap3A_1316] {strides = array<i32>} : memref<2x128xi32, #tpu.memory_space<vmem>>, vector<1x16xi32>,
      %swap3A_1318 = vector.shape_cast %swap3A_1317 : vector<1x16xi32> to vector<16xi32>
      %swap3A_1319 = vector.shape_cast %sub3A_1194 : vector<16xi32> to vector<1x16xi32>
      tpu.vector_store %arg11[%swap3A_1315, %swap3A_1316], %swap3A_1319 {strides = array<i32>} : memref<2x128xi32, #tpu.memory_space<vmem>>, vector<1x16xi32>,
      %slice3A_1320 = vector.extract_strided_slice %add3A_1299 {offsets = [15], sizes = [1], strides = [1]} : vector<16xi32> to vector<1xi32>
      %squeeze3A_1321 = vector.extract %slice3A_1320[0] : i32 from vector<1xi32>
      %add3A_1322 = arith.addi %add3A_1188, %squeeze3A_1321 : i32
      %get3A_1323 = arith.index_cast %scan3A_389 : i32 to index
      %get3A_1324 = arith.constant 112 : index
      %get3A_1325 = tpu.vector_load %arg9[%get3A_1323, %get3A_1324] {strides = array<i32>} : memref<160x128xi32, #tpu.memory_space<vmem>>, vector<1x16xi32>,
      %get3A_1326 = vector.shape_cast %get3A_1325 : vector<1x16xi32> to vector<16xi32>
      %sub3A_1327 = vector.broadcast %mul3A_0 : i32 to vector<16xi32>
      %sub3A_1328 = arith.subi %get3A_1326, %sub3A_1327 : vector<16xi32>
      %ge3A_1329 = arith.constant 0 : i32
      %ge3A_1330 = vector.broadcast %ge3A_1329 : i32 to vector<16xi32>
      %ge3A_1331 = arith.cmpi sge, %sub3A_1328, %ge3A_1330 : vector<16xi32>
      %lt3A_1332 = arith.constant 5120 : i32
      %lt3A_1333 = vector.broadcast %lt3A_1332 : i32 to vector<16xi32>
      %lt3A_1334 = arith.cmpi slt, %sub3A_1328, %lt3A_1333 : vector<16xi32>
      %and3A_1335 = arith.andi %ge3A_1331, %lt3A_1334 : vector<16xi1>
      %jit3A_1336 = arith.constant 1 : i32
      %jit3A_1337 = arith.constant 0 : i32
      %broadcast_in_dim3A_1338 = vector.broadcast %jit3A_1336 : i32 to vector<16xi32>
      %broadcast_in_dim3A_1339 = vector.broadcast %jit3A_1337 : i32 to vector<16xi32>
      %select_n3A_1340 = arith.select %and3A_1335, %broadcast_in_dim3A_1338, %broadcast_in_dim3A_1339 : vector<16xi1>, vector<16xi32>
      %iota3A_1341 = tpu.iota {dimensions = array<i32: 0>} : vector<16xi32>
      %sub3A_1342 = arith.constant 1 : i32
      %sub3A_1343 = vector.broadcast %sub3A_1342 : i32 to vector<16xi32>
      %sub3A_1344 = arith.subi %iota3A_1341, %sub3A_1343 : vector<16xi32>
      %max3A_1345 = arith.constant 0 : i32
      %max3A_1346 = vector.broadcast %max3A_1345 : i32 to vector<16xi32>
      %max3A_1347 = arith.maxsi %sub3A_1344, %max3A_1346 : vector<16xi32>
      %lt3A_1348 = arith.constant 0 : i32
      %lt3A_1349 = vector.broadcast %lt3A_1348 : i32 to vector<16xi32>
      %lt3A_1350 = arith.cmpi slt, %max3A_1347, %lt3A_1349 : vector<16xi32>
      %add3A_1351 = arith.constant 16 : i32
      %add3A_1352 = vector.broadcast %add3A_1351 : i32 to vector<16xi32>
      %add3A_1353 = arith.addi %max3A_1347, %add3A_1352 : vector<16xi32>
      %select_n3A_1354 = arith.select %lt3A_1350, %add3A_1353, %max3A_1347 : vector<16xi1>, vector<16xi32>
      %broadcast_in_dim3A_1355 = vector.shape_cast %select_n3A_1354 : vector<16xi32> to vector<16x1xi32>
      %gather3A_1356 = vector.shape_cast %broadcast_in_dim3A_1355 : vector<16x1xi32> to vector<16xi32>
      %gather3A_1357 = tpu.dynamic_gather %select_n3A_1340[%gather3A_1356] in [0] : vector<16xi32>, vector<16xi32> -> vector<16xi32>
      %ge3A_1358 = arith.constant 1 : i32
      %ge3A_1359 = vector.broadcast %ge3A_1358 : i32 to vector<16xi32>
      %ge3A_1360 = arith.cmpi sge, %iota3A_1341, %ge3A_1359 : vector<16xi32>
      %jit3A_1361 = arith.constant 0 : i32
      %broadcast_in_dim3A_1362 = vector.broadcast %jit3A_1361 : i32 to vector<16xi32>
      %select_n3A_1363 = arith.select %ge3A_1360, %gather3A_1357, %broadcast_in_dim3A_1362 : vector<16xi1>, vector<16xi32>
      %add3A_1364 = arith.addi %select_n3A_1340, %select_n3A_1363 : vector<16xi32>
      %sub3A_1365 = arith.constant 2 : i32
      %sub3A_1366 = vector.broadcast %sub3A_1365 : i32 to vector<16xi32>
      %sub3A_1367 = arith.subi %iota3A_1341, %sub3A_1366 : vector<16xi32>
      %max3A_1368 = arith.constant 0 : i32
      %max3A_1369 = vector.broadcast %max3A_1368 : i32 to vector<16xi32>
      %max3A_1370 = arith.maxsi %sub3A_1367, %max3A_1369 : vector<16xi32>
      %lt3A_1371 = arith.constant 0 : i32
      %lt3A_1372 = vector.broadcast %lt3A_1371 : i32 to vector<16xi32>
      %lt3A_1373 = arith.cmpi slt, %max3A_1370, %lt3A_1372 : vector<16xi32>
      %add3A_1374 = arith.constant 16 : i32
      %add3A_1375 = vector.broadcast %add3A_1374 : i32 to vector<16xi32>
      %add3A_1376 = arith.addi %max3A_1370, %add3A_1375 : vector<16xi32>
      %select_n3A_1377 = arith.select %lt3A_1373, %add3A_1376, %max3A_1370 : vector<16xi1>, vector<16xi32>
      %broadcast_in_dim3A_1378 = vector.shape_cast %select_n3A_1377 : vector<16xi32> to vector<16x1xi32>
      %gather3A_1379 = vector.shape_cast %broadcast_in_dim3A_1378 : vector<16x1xi32> to vector<16xi32>
      %gather3A_1380 = tpu.dynamic_gather %add3A_1364[%gather3A_1379] in [0] : vector<16xi32>, vector<16xi32> -> vector<16xi32>
      %ge3A_1381 = arith.constant 2 : i32
      %ge3A_1382 = vector.broadcast %ge3A_1381 : i32 to vector<16xi32>
      %ge3A_1383 = arith.cmpi sge, %iota3A_1341, %ge3A_1382 : vector<16xi32>
      %jit3A_1384 = arith.constant 0 : i32
      %broadcast_in_dim3A_1385 = vector.broadcast %jit3A_1384 : i32 to vector<16xi32>
      %select_n3A_1386 = arith.select %ge3A_1383, %gather3A_1380, %broadcast_in_dim3A_1385 : vector<16xi1>, vector<16xi32>
      %add3A_1387 = arith.addi %add3A_1364, %select_n3A_1386 : vector<16xi32>
      %sub3A_1388 = arith.constant 4 : i32
      %sub3A_1389 = vector.broadcast %sub3A_1388 : i32 to vector<16xi32>
      %sub3A_1390 = arith.subi %iota3A_1341, %sub3A_1389 : vector<16xi32>
      %max3A_1391 = arith.constant 0 : i32
      %max3A_1392 = vector.broadcast %max3A_1391 : i32 to vector<16xi32>
      %max3A_1393 = arith.maxsi %sub3A_1390, %max3A_1392 : vector<16xi32>
      %lt3A_1394 = arith.constant 0 : i32
      %lt3A_1395 = vector.broadcast %lt3A_1394 : i32 to vector<16xi32>
      %lt3A_1396 = arith.cmpi slt, %max3A_1393, %lt3A_1395 : vector<16xi32>
      %add3A_1397 = arith.constant 16 : i32
      %add3A_1398 = vector.broadcast %add3A_1397 : i32 to vector<16xi32>
      %add3A_1399 = arith.addi %max3A_1393, %add3A_1398 : vector<16xi32>
      %select_n3A_1400 = arith.select %lt3A_1396, %add3A_1399, %max3A_1393 : vector<16xi1>, vector<16xi32>
      %broadcast_in_dim3A_1401 = vector.shape_cast %select_n3A_1400 : vector<16xi32> to vector<16x1xi32>
      %gather3A_1402 = vector.shape_cast %broadcast_in_dim3A_1401 : vector<16x1xi32> to vector<16xi32>
      %gather3A_1403 = tpu.dynamic_gather %add3A_1387[%gather3A_1402] in [0] : vector<16xi32>, vector<16xi32> -> vector<16xi32>
      %ge3A_1404 = arith.constant 4 : i32
      %ge3A_1405 = vector.broadcast %ge3A_1404 : i32 to vector<16xi32>
      %ge3A_1406 = arith.cmpi sge, %iota3A_1341, %ge3A_1405 : vector<16xi32>
      %jit3A_1407 = arith.constant 0 : i32
      %broadcast_in_dim3A_1408 = vector.broadcast %jit3A_1407 : i32 to vector<16xi32>
      %select_n3A_1409 = arith.select %ge3A_1406, %gather3A_1403, %broadcast_in_dim3A_1408 : vector<16xi1>, vector<16xi32>
      %add3A_1410 = arith.addi %add3A_1387, %select_n3A_1409 : vector<16xi32>
      %sub3A_1411 = arith.constant 8 : i32
      %sub3A_1412 = vector.broadcast %sub3A_1411 : i32 to vector<16xi32>
      %sub3A_1413 = arith.subi %iota3A_1341, %sub3A_1412 : vector<16xi32>
      %max3A_1414 = arith.constant 0 : i32
      %max3A_1415 = vector.broadcast %max3A_1414 : i32 to vector<16xi32>
      %max3A_1416 = arith.maxsi %sub3A_1413, %max3A_1415 : vector<16xi32>
      %lt3A_1417 = arith.constant 0 : i32
      %lt3A_1418 = vector.broadcast %lt3A_1417 : i32 to vector<16xi32>
      %lt3A_1419 = arith.cmpi slt, %max3A_1416, %lt3A_1418 : vector<16xi32>
      %add3A_1420 = arith.constant 16 : i32
      %add3A_1421 = vector.broadcast %add3A_1420 : i32 to vector<16xi32>
      %add3A_1422 = arith.addi %max3A_1416, %add3A_1421 : vector<16xi32>
      %select_n3A_1423 = arith.select %lt3A_1419, %add3A_1422, %max3A_1416 : vector<16xi1>, vector<16xi32>
      %broadcast_in_dim3A_1424 = vector.shape_cast %select_n3A_1423 : vector<16xi32> to vector<16x1xi32>
      %gather3A_1425 = vector.shape_cast %broadcast_in_dim3A_1424 : vector<16x1xi32> to vector<16xi32>
      %gather3A_1426 = tpu.dynamic_gather %add3A_1410[%gather3A_1425] in [0] : vector<16xi32>, vector<16xi32> -> vector<16xi32>
      %ge3A_1427 = arith.constant 8 : i32
      %ge3A_1428 = vector.broadcast %ge3A_1427 : i32 to vector<16xi32>
      %ge3A_1429 = arith.cmpi sge, %iota3A_1341, %ge3A_1428 : vector<16xi32>
      %jit3A_1430 = arith.constant 0 : i32
      %broadcast_in_dim3A_1431 = vector.broadcast %jit3A_1430 : i32 to vector<16xi32>
      %select_n3A_1432 = arith.select %ge3A_1429, %gather3A_1426, %broadcast_in_dim3A_1431 : vector<16xi1>, vector<16xi32>
      %add3A_1433 = arith.addi %add3A_1410, %select_n3A_1432 : vector<16xi32>
      %add3A_1434 = arith.addi %mul3A_2, %add3A_1322 : i32
      %add3A_1435 = vector.broadcast %add3A_1434 : i32 to vector<16xi32>
      %add3A_1436 = arith.addi %add3A_1435, %add3A_1433 : vector<16xi32>
      %sub3A_1437 = arith.constant 1 : i32
      %sub3A_1438 = vector.broadcast %sub3A_1437 : i32 to vector<16xi32>
      %sub3A_1439 = arith.subi %add3A_1436, %sub3A_1438 : vector<16xi32>
      %add3A_1440 = arith.constant 20735 : i32
      %add3A_1441 = arith.addi %mul3A_2, %add3A_1440 : i32
      %broadcast_in_dim3A_1442 = vector.broadcast %add3A_1441 : i32 to vector<16xi32>
      %select_n3A_1443 = arith.select %and3A_1335, %sub3A_1439, %broadcast_in_dim3A_1442 : vector<16xi1>, vector<16xi32>
      %swap3A_1444 = arith.index_cast %rem3A_391 : i32 to index
      %swap3A_1445 = arith.constant 112 : index
      %swap3A_1446 = tpu.vector_load %arg10[%swap3A_1444, %swap3A_1445] {strides = array<i32>} : memref<2x128xi32, #tpu.memory_space<vmem>>, vector<1x16xi32>,
      %swap3A_1447 = vector.shape_cast %swap3A_1446 : vector<1x16xi32> to vector<16xi32>
      %swap3A_1448 = vector.shape_cast %select_n3A_1443 : vector<16xi32> to vector<1x16xi32>
      tpu.vector_store %arg10[%swap3A_1444, %swap3A_1445], %swap3A_1448 {strides = array<i32>} : memref<2x128xi32, #tpu.memory_space<vmem>>, vector<1x16xi32>,
      %swap3A_1449 = arith.index_cast %rem3A_391 : i32 to index
      %swap3A_1450 = arith.constant 112 : index
      %swap3A_1451 = tpu.vector_load %arg11[%swap3A_1449, %swap3A_1450] {strides = array<i32>} : memref<2x128xi32, #tpu.memory_space<vmem>>, vector<1x16xi32>,
      %swap3A_1452 = vector.shape_cast %swap3A_1451 : vector<1x16xi32> to vector<16xi32>
      %swap3A_1453 = vector.shape_cast %sub3A_1328 : vector<16xi32> to vector<1x16xi32>
      tpu.vector_store %arg11[%swap3A_1449, %swap3A_1450], %swap3A_1453 {strides = array<i32>} : memref<2x128xi32, #tpu.memory_space<vmem>>, vector<1x16xi32>,
      %slice3A_1454 = vector.extract_strided_slice %add3A_1433 {offsets = [15], sizes = [1], strides = [1]} : vector<16xi32> to vector<1xi32>
      %squeeze3A_1455 = vector.extract %slice3A_1454[0] : i32 from vector<1xi32>
      %add3A_1456 = arith.addi %add3A_1322, %squeeze3A_1455 : i32
      %dma_start3A = arith.constant 0 : i32
      %dma_start3A_1457 = tpu.memref_slice %arg8[%scan3A_389, %dma_start3A] : memref<160x128xi32, #tpu.memory_space<vmem>> -> memref<1x128xi32, #tpu.memory_space<vmem>>
      %dma_start3A_1458 = tpu.memref_squeeze %dma_start3A_1457 : memref<1x128xi32, #tpu.memory_space<vmem>> -> memref<128xi32, #tpu.memory_space<vmem>>
      %dma_start3A_1459 = arith.constant 0 : i32
      %dma_start3A_1460 = tpu.memref_slice %arg10[%rem3A_391, %dma_start3A_1459] : memref<2x128xi32, #tpu.memory_space<vmem>> -> memref<1x128xi32, #tpu.memory_space<vmem>>
      %dma_start3A_1461 = tpu.memref_squeeze %dma_start3A_1460 : memref<1x128xi32, #tpu.memory_space<vmem>> -> memref<128xi32, #tpu.memory_space<vmem>>
      %dma_start3A_1462 = arith.constant 0 : i32
      %dma_start3A_1463 = tpu.memref_slice %arg15[%dma_start3A_1462] : memref<331776xi32, #tpu.memory_space<vmem_shared>> -> memref<331776xi32, #tpu.memory_space<vmem_shared>>
      tpu.enqueue_indirect_dma source(%dma_start3A_1458 : memref<128xi32, #tpu.memory_space<vmem>>) target(%dma_start3A_1463 : memref<331776xi32, #tpu.memory_space<vmem_shared>>) offsets(%dma_start3A_1461 : memref<128xi32, #tpu.memory_space<vmem>>) semaphore(%arg18 : memref<!tpu.dma_semaphore, #tpu.memory_space<semaphore_mem>>)
      %dma_start3A_1464 = arith.constant 0 : i32
      %dma_start3A_1465 = tpu.memref_slice %arg11[%rem3A_391, %dma_start3A_1464] : memref<2x128xi32, #tpu.memory_space<vmem>> -> memref<1x128xi32, #tpu.memory_space<vmem>>
      %dma_start3A_1466 = tpu.memref_squeeze %dma_start3A_1465 : memref<1x128xi32, #tpu.memory_space<vmem>> -> memref<128xi32, #tpu.memory_space<vmem>>
      %dma_start3A_1467 = arith.constant 0 : i32
      %dma_start3A_1468 = tpu.memref_slice %arg10[%rem3A_391, %dma_start3A_1467] : memref<2x128xi32, #tpu.memory_space<vmem>> -> memref<1x128xi32, #tpu.memory_space<vmem>>
      %dma_start3A_1469 = tpu.memref_squeeze %dma_start3A_1468 : memref<1x128xi32, #tpu.memory_space<vmem>> -> memref<128xi32, #tpu.memory_space<vmem>>
      %dma_start3A_1470 = arith.constant 0 : i32
      %dma_start3A_1471 = tpu.memref_slice %arg16[%dma_start3A_1470] : memref<331776xi32, #tpu.memory_space<vmem_shared>> -> memref<331776xi32, #tpu.memory_space<vmem_shared>>
      tpu.enqueue_indirect_dma source(%dma_start3A_1466 : memref<128xi32, #tpu.memory_space<vmem>>) target(%dma_start3A_1471 : memref<331776xi32, #tpu.memory_space<vmem_shared>>) offsets(%dma_start3A_1469 : memref<128xi32, #tpu.memory_space<vmem>>) semaphore(%arg18 : memref<!tpu.dma_semaphore, #tpu.memory_space<semaphore_mem>>)
      scf.yield %add3A_1456 : i32
    }
    %scan3A_70 = arith.constant 160 : i32
    %dma_wait3A = arith.constant 158 : i32
    %dma_wait3A_71 = arith.constant 0 : i32
    %dma_wait3A_72 = arith.constant 0 : i32
    %dma_wait3A_73 = tpu.memref_slice %arg8[%dma_wait3A, %dma_wait3A_72] : memref<160x128xi32, #tpu.memory_space<vmem>> -> memref<1x128xi32, #tpu.memory_space<vmem>>
    %dma_wait3A_74 = tpu.memref_squeeze %dma_wait3A_73 : memref<1x128xi32, #tpu.memory_space<vmem>> -> memref<128xi32, #tpu.memory_space<vmem>>
    %dma_wait3A_75 = arith.constant 0 : i32
    %dma_wait3A_76 = tpu.memref_slice %arg10[%dma_wait3A_71, %dma_wait3A_75] : memref<2x128xi32, #tpu.memory_space<vmem>> -> memref<1x128xi32, #tpu.memory_space<vmem>>
    %dma_wait3A_77 = tpu.memref_squeeze %dma_wait3A_76 : memref<1x128xi32, #tpu.memory_space<vmem>> -> memref<128xi32, #tpu.memory_space<vmem>>
    %dma_wait3A_78 = arith.constant 0 : i32
    %dma_wait3A_79 = tpu.memref_slice %arg15[%dma_wait3A_78] : memref<331776xi32, #tpu.memory_space<vmem_shared>> -> memref<331776xi32, #tpu.memory_space<vmem_shared>>
    tpu.wait_indirect_dma semaphore(%arg18 : memref<!tpu.dma_semaphore, #tpu.memory_space<semaphore_mem>>) src(%dma_wait3A_74 : memref<128xi32, #tpu.memory_space<vmem>>) dst(%dma_wait3A_79 : memref<331776xi32, #tpu.memory_space<vmem_shared>>)
    %dma_wait3A_80 = arith.constant 0 : i32
    %dma_wait3A_81 = arith.constant 0 : i32
    %dma_wait3A_82 = arith.constant 0 : i32
    %dma_wait3A_83 = tpu.memref_slice %arg11[%dma_wait3A_80, %dma_wait3A_82] : memref<2x128xi32, #tpu.memory_space<vmem>> -> memref<1x128xi32, #tpu.memory_space<vmem>>
    %dma_wait3A_84 = tpu.memref_squeeze %dma_wait3A_83 : memref<1x128xi32, #tpu.memory_space<vmem>> -> memref<128xi32, #tpu.memory_space<vmem>>
    %dma_wait3A_85 = arith.constant 0 : i32
    %dma_wait3A_86 = tpu.memref_slice %arg10[%dma_wait3A_81, %dma_wait3A_85] : memref<2x128xi32, #tpu.memory_space<vmem>> -> memref<1x128xi32, #tpu.memory_space<vmem>>
    %dma_wait3A_87 = tpu.memref_squeeze %dma_wait3A_86 : memref<1x128xi32, #tpu.memory_space<vmem>> -> memref<128xi32, #tpu.memory_space<vmem>>
    %dma_wait3A_88 = arith.constant 0 : i32
    %dma_wait3A_89 = tpu.memref_slice %arg16[%dma_wait3A_88] : memref<331776xi32, #tpu.memory_space<vmem_shared>> -> memref<331776xi32, #tpu.memory_space<vmem_shared>>
    tpu.wait_indirect_dma semaphore(%arg18 : memref<!tpu.dma_semaphore, #tpu.memory_space<semaphore_mem>>) src(%dma_wait3A_84 : memref<128xi32, #tpu.memory_space<vmem>>) dst(%dma_wait3A_89 : memref<331776xi32, #tpu.memory_space<vmem_shared>>)
    %dma_wait3A_90 = arith.constant 159 : i32
    %dma_wait3A_91 = arith.constant 1 : i32
    %dma_wait3A_92 = arith.constant 0 : i32
    %dma_wait3A_93 = tpu.memref_slice %arg8[%dma_wait3A_90, %dma_wait3A_92] : memref<160x128xi32, #tpu.memory_space<vmem>> -> memref<1x128xi32, #tpu.memory_space<vmem>>
    %dma_wait3A_94 = tpu.memref_squeeze %dma_wait3A_93 : memref<1x128xi32, #tpu.memory_space<vmem>> -> memref<128xi32, #tpu.memory_space<vmem>>
    %dma_wait3A_95 = arith.constant 0 : i32
    %dma_wait3A_96 = tpu.memref_slice %arg10[%dma_wait3A_91, %dma_wait3A_95] : memref<2x128xi32, #tpu.memory_space<vmem>> -> memref<1x128xi32, #tpu.memory_space<vmem>>
    %dma_wait3A_97 = tpu.memref_squeeze %dma_wait3A_96 : memref<1x128xi32, #tpu.memory_space<vmem>> -> memref<128xi32, #tpu.memory_space<vmem>>
    %dma_wait3A_98 = arith.constant 0 : i32
    %dma_wait3A_99 = tpu.memref_slice %arg15[%dma_wait3A_98] : memref<331776xi32, #tpu.memory_space<vmem_shared>> -> memref<331776xi32, #tpu.memory_space<vmem_shared>>
    tpu.wait_indirect_dma semaphore(%arg18 : memref<!tpu.dma_semaphore, #tpu.memory_space<semaphore_mem>>) src(%dma_wait3A_94 : memref<128xi32, #tpu.memory_space<vmem>>) dst(%dma_wait3A_99 : memref<331776xi32, #tpu.memory_space<vmem_shared>>)
    %dma_wait3A_100 = arith.constant 1 : i32
    %dma_wait3A_101 = arith.constant 1 : i32
    %dma_wait3A_102 = arith.constant 0 : i32
    %dma_wait3A_103 = tpu.memref_slice %arg11[%dma_wait3A_100, %dma_wait3A_102] : memref<2x128xi32, #tpu.memory_space<vmem>> -> memref<1x128xi32, #tpu.memory_space<vmem>>
    %dma_wait3A_104 = tpu.memref_squeeze %dma_wait3A_103 : memref<1x128xi32, #tpu.memory_space<vmem>> -> memref<128xi32, #tpu.memory_space<vmem>>
    %dma_wait3A_105 = arith.constant 0 : i32
    %dma_wait3A_106 = tpu.memref_slice %arg10[%dma_wait3A_101, %dma_wait3A_105] : memref<2x128xi32, #tpu.memory_space<vmem>> -> memref<1x128xi32, #tpu.memory_space<vmem>>
    %dma_wait3A_107 = tpu.memref_squeeze %dma_wait3A_106 : memref<1x128xi32, #tpu.memory_space<vmem>> -> memref<128xi32, #tpu.memory_space<vmem>>
    %dma_wait3A_108 = arith.constant 0 : i32
    %dma_wait3A_109 = tpu.memref_slice %arg16[%dma_wait3A_108] : memref<331776xi32, #tpu.memory_space<vmem_shared>> -> memref<331776xi32, #tpu.memory_space<vmem_shared>>
    tpu.wait_indirect_dma semaphore(%arg18 : memref<!tpu.dma_semaphore, #tpu.memory_space<semaphore_mem>>) src(%dma_wait3A_104 : memref<128xi32, #tpu.memory_space<vmem>>) dst(%dma_wait3A_109 : memref<331776xi32, #tpu.memory_space<vmem_shared>>)
    %mul3A_110 = arith.constant 80 : i32
    %mul3A_111 = arith.muli %arg0, %mul3A_110 : i32
    %add3A = arith.constant 76 : i32
    %add3A_112 = arith.addi %mul3A_111, %add3A : i32
    %dma_wait3A_113 = arith.constant 0 : i32
    %dma_wait3A_114 = tpu.memref_slice %arg8[%add3A_112, %dma_wait3A_113] : memref<160x128xi32, #tpu.memory_space<vmem>> -> memref<1x128xi32, #tpu.memory_space<vmem>>
    %dma_wait3A_115 = tpu.memref_squeeze %dma_wait3A_114 : memref<1x128xi32, #tpu.memory_space<vmem>> -> memref<128xi32, #tpu.memory_space<vmem>>
    %dma_wait3A_116 = arith.constant 0 : i32
    %dma_wait3A_117 = tpu.memref_slice %arg17[%dma_wait3A_116] : memref<10240xf32, #tpu.memory_space<vmem_shared>> -> memref<10240xf32, #tpu.memory_space<vmem_shared>>
    tpu.wait_indirect_dma semaphore(%arg19 : memref<!tpu.dma_semaphore, #tpu.memory_space<semaphore_mem>>) src(%arg13 : memref<128xf32, #tpu.memory_space<vmem>>) dst(%dma_wait3A_117 : memref<10240xf32, #tpu.memory_space<vmem_shared>>)
    %mul3A_118 = arith.constant 80 : i32
    %mul3A_119 = arith.muli %arg0, %mul3A_118 : i32
    %add3A_120 = arith.constant 77 : i32
    %add3A_121 = arith.addi %mul3A_119, %add3A_120 : i32
    %dma_wait3A_122 = arith.constant 0 : i32
    %dma_wait3A_123 = tpu.memref_slice %arg8[%add3A_121, %dma_wait3A_122] : memref<160x128xi32, #tpu.memory_space<vmem>> -> memref<1x128xi32, #tpu.memory_space<vmem>>
    %dma_wait3A_124 = tpu.memref_squeeze %dma_wait3A_123 : memref<1x128xi32, #tpu.memory_space<vmem>> -> memref<128xi32, #tpu.memory_space<vmem>>
    %dma_wait3A_125 = arith.constant 0 : i32
    %dma_wait3A_126 = tpu.memref_slice %arg17[%dma_wait3A_125] : memref<10240xf32, #tpu.memory_space<vmem_shared>> -> memref<10240xf32, #tpu.memory_space<vmem_shared>>
    tpu.wait_indirect_dma semaphore(%arg19 : memref<!tpu.dma_semaphore, #tpu.memory_space<semaphore_mem>>) src(%arg13 : memref<128xf32, #tpu.memory_space<vmem>>) dst(%dma_wait3A_126 : memref<10240xf32, #tpu.memory_space<vmem_shared>>)
    %mul3A_127 = arith.constant 80 : i32
    %mul3A_128 = arith.muli %arg0, %mul3A_127 : i32
    %add3A_129 = arith.constant 78 : i32
    %add3A_130 = arith.addi %mul3A_128, %add3A_129 : i32
    %dma_wait3A_131 = arith.constant 0 : i32
    %dma_wait3A_132 = tpu.memref_slice %arg8[%add3A_130, %dma_wait3A_131] : memref<160x128xi32, #tpu.memory_space<vmem>> -> memref<1x128xi32, #tpu.memory_space<vmem>>
    %dma_wait3A_133 = tpu.memref_squeeze %dma_wait3A_132 : memref<1x128xi32, #tpu.memory_space<vmem>> -> memref<128xi32, #tpu.memory_space<vmem>>
    %dma_wait3A_134 = arith.constant 0 : i32
    %dma_wait3A_135 = tpu.memref_slice %arg17[%dma_wait3A_134] : memref<10240xf32, #tpu.memory_space<vmem_shared>> -> memref<10240xf32, #tpu.memory_space<vmem_shared>>
    tpu.wait_indirect_dma semaphore(%arg19 : memref<!tpu.dma_semaphore, #tpu.memory_space<semaphore_mem>>) src(%arg13 : memref<128xf32, #tpu.memory_space<vmem>>) dst(%dma_wait3A_135 : memref<10240xf32, #tpu.memory_space<vmem_shared>>)
    %mul3A_136 = arith.constant 80 : i32
    %mul3A_137 = arith.muli %arg0, %mul3A_136 : i32
    %add3A_138 = arith.constant 79 : i32
    %add3A_139 = arith.addi %mul3A_137, %add3A_138 : i32
    %dma_wait3A_140 = arith.constant 0 : i32
    %dma_wait3A_141 = tpu.memref_slice %arg8[%add3A_139, %dma_wait3A_140] : memref<160x128xi32, #tpu.memory_space<vmem>> -> memref<1x128xi32, #tpu.memory_space<vmem>>
    %dma_wait3A_142 = tpu.memref_squeeze %dma_wait3A_141 : memref<1x128xi32, #tpu.memory_space<vmem>> -> memref<128xi32, #tpu.memory_space<vmem>>
    %dma_wait3A_143 = arith.constant 0 : i32
    %dma_wait3A_144 = tpu.memref_slice %arg17[%dma_wait3A_143] : memref<10240xf32, #tpu.memory_space<vmem_shared>> -> memref<10240xf32, #tpu.memory_space<vmem_shared>>
    tpu.wait_indirect_dma semaphore(%arg19 : memref<!tpu.dma_semaphore, #tpu.memory_space<semaphore_mem>>) src(%arg13 : memref<128xf32, #tpu.memory_space<vmem>>) dst(%dma_wait3A_144 : memref<10240xf32, #tpu.memory_space<vmem_shared>>)
    %iota3A = tpu.iota {dimensions = array<i32: 0>} : vector<16xi32>
    %add3A_145 = arith.addi %mul3A_2, %scan3A_69 : i32
    %add3A_146 = vector.broadcast %add3A_145 : i32 to vector<16xi32>
    %add3A_147 = arith.addi %add3A_146, %iota3A : vector<16xi32>
    %add3A_148 = arith.constant 0 : i32
    %add3A_149 = vector.broadcast %add3A_148 : i32 to vector<16xi32>
    %add3A_150 = arith.addi %add3A_147, %add3A_149 : vector<16xi32>
    %swap3A_151 = arith.constant 0 : i32
    %swap3A_152 = arith.index_cast %swap3A_151 : i32 to index
    %swap3A_153 = arith.constant 0 : index
    %swap3A_154 = tpu.vector_load %arg10[%swap3A_152, %swap3A_153] {strides = array<i32>} : memref<2x128xi32, #tpu.memory_space<vmem>>, vector<1x16xi32>,
    %swap3A_155 = vector.shape_cast %swap3A_154 : vector<1x16xi32> to vector<16xi32>
    %swap3A_156 = vector.shape_cast %add3A_150 : vector<16xi32> to vector<1x16xi32>
    tpu.vector_store %arg10[%swap3A_152, %swap3A_153], %swap3A_156 {strides = array<i32>} : memref<2x128xi32, #tpu.memory_space<vmem>>, vector<1x16xi32>,
    %broadcast_in_dim3A_157 = arith.constant 5120 : i32
    %broadcast_in_dim3A_158 = vector.broadcast %broadcast_in_dim3A_157 : i32 to vector<16xi32>
    %swap3A_159 = arith.constant 0 : i32
    %swap3A_160 = arith.index_cast %swap3A_159 : i32 to index
    %swap3A_161 = arith.constant 0 : index
    %swap3A_162 = tpu.vector_load %arg11[%swap3A_160, %swap3A_161] {strides = array<i32>} : memref<2x128xi32, #tpu.memory_space<vmem>>, vector<1x16xi32>,
    %swap3A_163 = vector.shape_cast %swap3A_162 : vector<1x16xi32> to vector<16xi32>
    %swap3A_164 = vector.shape_cast %broadcast_in_dim3A_158 : vector<16xi32> to vector<1x16xi32>
    tpu.vector_store %arg11[%swap3A_160, %swap3A_161], %swap3A_164 {strides = array<i32>} : memref<2x128xi32, #tpu.memory_space<vmem>>, vector<1x16xi32>,
    %broadcast_in_dim3A_165 = arith.constant 10000 : i32
    %broadcast_in_dim3A_166 = vector.broadcast %broadcast_in_dim3A_165 : i32 to vector<16xi32>
    %swap3A_167 = arith.constant 0 : i32
    %swap3A_168 = arith.index_cast %swap3A_167 : i32 to index
    %swap3A_169 = arith.constant 0 : index
    %swap3A_170 = tpu.vector_load %arg8[%swap3A_168, %swap3A_169] {strides = array<i32>} : memref<160x128xi32, #tpu.memory_space<vmem>>, vector<1x16xi32>,
    %swap3A_171 = vector.shape_cast %swap3A_170 : vector<1x16xi32> to vector<16xi32>
    %swap3A_172 = vector.shape_cast %broadcast_in_dim3A_166 : vector<16xi32> to vector<1x16xi32>
    tpu.vector_store %arg8[%swap3A_168, %swap3A_169], %swap3A_172 {strides = array<i32>} : memref<160x128xi32, #tpu.memory_space<vmem>>, vector<1x16xi32>,
    %add3A_173 = arith.addi %mul3A_2, %scan3A_69 : i32
    %add3A_174 = vector.broadcast %add3A_173 : i32 to vector<16xi32>
    %add3A_175 = arith.addi %add3A_174, %iota3A : vector<16xi32>
    %add3A_176 = arith.constant 16 : i32
    %add3A_177 = vector.broadcast %add3A_176 : i32 to vector<16xi32>
    %add3A_178 = arith.addi %add3A_175, %add3A_177 : vector<16xi32>
    %swap3A_179 = arith.constant 0 : i32
    %swap3A_180 = arith.index_cast %swap3A_179 : i32 to index
    %swap3A_181 = arith.constant 16 : index
    %swap3A_182 = tpu.vector_load %arg10[%swap3A_180, %swap3A_181] {strides = array<i32>} : memref<2x128xi32, #tpu.memory_space<vmem>>, vector<1x16xi32>,
    %swap3A_183 = vector.shape_cast %swap3A_182 : vector<1x16xi32> to vector<16xi32>
    %swap3A_184 = vector.shape_cast %add3A_178 : vector<16xi32> to vector<1x16xi32>
    tpu.vector_store %arg10[%swap3A_180, %swap3A_181], %swap3A_184 {strides = array<i32>} : memref<2x128xi32, #tpu.memory_space<vmem>>, vector<1x16xi32>,
    %broadcast_in_dim3A_185 = arith.constant 5120 : i32
    %broadcast_in_dim3A_186 = vector.broadcast %broadcast_in_dim3A_185 : i32 to vector<16xi32>
    %swap3A_187 = arith.constant 0 : i32
    %swap3A_188 = arith.index_cast %swap3A_187 : i32 to index
    %swap3A_189 = arith.constant 16 : index
    %swap3A_190 = tpu.vector_load %arg11[%swap3A_188, %swap3A_189] {strides = array<i32>} : memref<2x128xi32, #tpu.memory_space<vmem>>, vector<1x16xi32>,
    %swap3A_191 = vector.shape_cast %swap3A_190 : vector<1x16xi32> to vector<16xi32>
    %swap3A_192 = vector.shape_cast %broadcast_in_dim3A_186 : vector<16xi32> to vector<1x16xi32>
    tpu.vector_store %arg11[%swap3A_188, %swap3A_189], %swap3A_192 {strides = array<i32>} : memref<2x128xi32, #tpu.memory_space<vmem>>, vector<1x16xi32>,
    %broadcast_in_dim3A_193 = arith.constant 10000 : i32
    %broadcast_in_dim3A_194 = vector.broadcast %broadcast_in_dim3A_193 : i32 to vector<16xi32>
    %swap3A_195 = arith.constant 0 : i32
    %swap3A_196 = arith.index_cast %swap3A_195 : i32 to index
    %swap3A_197 = arith.constant 16 : index
    %swap3A_198 = tpu.vector_load %arg8[%swap3A_196, %swap3A_197] {strides = array<i32>} : memref<160x128xi32, #tpu.memory_space<vmem>>, vector<1x16xi32>,
    %swap3A_199 = vector.shape_cast %swap3A_198 : vector<1x16xi32> to vector<16xi32>
    %swap3A_200 = vector.shape_cast %broadcast_in_dim3A_194 : vector<16xi32> to vector<1x16xi32>
    tpu.vector_store %arg8[%swap3A_196, %swap3A_197], %swap3A_200 {strides = array<i32>} : memref<160x128xi32, #tpu.memory_space<vmem>>, vector<1x16xi32>,
    %add3A_201 = arith.addi %mul3A_2, %scan3A_69 : i32
    %add3A_202 = vector.broadcast %add3A_201 : i32 to vector<16xi32>
    %add3A_203 = arith.addi %add3A_202, %iota3A : vector<16xi32>
    %add3A_204 = arith.constant 32 : i32
    %add3A_205 = vector.broadcast %add3A_204 : i32 to vector<16xi32>
    %add3A_206 = arith.addi %add3A_203, %add3A_205 : vector<16xi32>
    %swap3A_207 = arith.constant 0 : i32
    %swap3A_208 = arith.index_cast %swap3A_207 : i32 to index
    %swap3A_209 = arith.constant 32 : index
    %swap3A_210 = tpu.vector_load %arg10[%swap3A_208, %swap3A_209] {strides = array<i32>} : memref<2x128xi32, #tpu.memory_space<vmem>>, vector<1x16xi32>,
    %swap3A_211 = vector.shape_cast %swap3A_210 : vector<1x16xi32> to vector<16xi32>
    %swap3A_212 = vector.shape_cast %add3A_206 : vector<16xi32> to vector<1x16xi32>
    tpu.vector_store %arg10[%swap3A_208, %swap3A_209], %swap3A_212 {strides = array<i32>} : memref<2x128xi32, #tpu.memory_space<vmem>>, vector<1x16xi32>,
    %broadcast_in_dim3A_213 = arith.constant 5120 : i32
    %broadcast_in_dim3A_214 = vector.broadcast %broadcast_in_dim3A_213 : i32 to vector<16xi32>
    %swap3A_215 = arith.constant 0 : i32
    %swap3A_216 = arith.index_cast %swap3A_215 : i32 to index
    %swap3A_217 = arith.constant 32 : index
    %swap3A_218 = tpu.vector_load %arg11[%swap3A_216, %swap3A_217] {strides = array<i32>} : memref<2x128xi32, #tpu.memory_space<vmem>>, vector<1x16xi32>,
    %swap3A_219 = vector.shape_cast %swap3A_218 : vector<1x16xi32> to vector<16xi32>
    %swap3A_220 = vector.shape_cast %broadcast_in_dim3A_214 : vector<16xi32> to vector<1x16xi32>
    tpu.vector_store %arg11[%swap3A_216, %swap3A_217], %swap3A_220 {strides = array<i32>} : memref<2x128xi32, #tpu.memory_space<vmem>>, vector<1x16xi32>,
    %broadcast_in_dim3A_221 = arith.constant 10000 : i32
    %broadcast_in_dim3A_222 = vector.broadcast %broadcast_in_dim3A_221 : i32 to vector<16xi32>
    %swap3A_223 = arith.constant 0 : i32
    %swap3A_224 = arith.index_cast %swap3A_223 : i32 to index
    %swap3A_225 = arith.constant 32 : index
    %swap3A_226 = tpu.vector_load %arg8[%swap3A_224, %swap3A_225] {strides = array<i32>} : memref<160x128xi32, #tpu.memory_space<vmem>>, vector<1x16xi32>,
    %swap3A_227 = vector.shape_cast %swap3A_226 : vector<1x16xi32> to vector<16xi32>
    %swap3A_228 = vector.shape_cast %broadcast_in_dim3A_222 : vector<16xi32> to vector<1x16xi32>
    tpu.vector_store %arg8[%swap3A_224, %swap3A_225], %swap3A_228 {strides = array<i32>} : memref<160x128xi32, #tpu.memory_space<vmem>>, vector<1x16xi32>,
    %add3A_229 = arith.addi %mul3A_2, %scan3A_69 : i32
    %add3A_230 = vector.broadcast %add3A_229 : i32 to vector<16xi32>
    %add3A_231 = arith.addi %add3A_230, %iota3A : vector<16xi32>
    %add3A_232 = arith.constant 48 : i32
    %add3A_233 = vector.broadcast %add3A_232 : i32 to vector<16xi32>
    %add3A_234 = arith.addi %add3A_231, %add3A_233 : vector<16xi32>
    %swap3A_235 = arith.constant 0 : i32
    %swap3A_236 = arith.index_cast %swap3A_235 : i32 to index
    %swap3A_237 = arith.constant 48 : index
    %swap3A_238 = tpu.vector_load %arg10[%swap3A_236, %swap3A_237] {strides = array<i32>} : memref<2x128xi32, #tpu.memory_space<vmem>>, vector<1x16xi32>,
    %swap3A_239 = vector.shape_cast %swap3A_238 : vector<1x16xi32> to vector<16xi32>
    %swap3A_240 = vector.shape_cast %add3A_234 : vector<16xi32> to vector<1x16xi32>
    tpu.vector_store %arg10[%swap3A_236, %swap3A_237], %swap3A_240 {strides = array<i32>} : memref<2x128xi32, #tpu.memory_space<vmem>>, vector<1x16xi32>,
    %broadcast_in_dim3A_241 = arith.constant 5120 : i32
    %broadcast_in_dim3A_242 = vector.broadcast %broadcast_in_dim3A_241 : i32 to vector<16xi32>
    %swap3A_243 = arith.constant 0 : i32
    %swap3A_244 = arith.index_cast %swap3A_243 : i32 to index
    %swap3A_245 = arith.constant 48 : index
    %swap3A_246 = tpu.vector_load %arg11[%swap3A_244, %swap3A_245] {strides = array<i32>} : memref<2x128xi32, #tpu.memory_space<vmem>>, vector<1x16xi32>,
    %swap3A_247 = vector.shape_cast %swap3A_246 : vector<1x16xi32> to vector<16xi32>
    %swap3A_248 = vector.shape_cast %broadcast_in_dim3A_242 : vector<16xi32> to vector<1x16xi32>
    tpu.vector_store %arg11[%swap3A_244, %swap3A_245], %swap3A_248 {strides = array<i32>} : memref<2x128xi32, #tpu.memory_space<vmem>>, vector<1x16xi32>,
    %broadcast_in_dim3A_249 = arith.constant 10000 : i32
    %broadcast_in_dim3A_250 = vector.broadcast %broadcast_in_dim3A_249 : i32 to vector<16xi32>
    %swap3A_251 = arith.constant 0 : i32
    %swap3A_252 = arith.index_cast %swap3A_251 : i32 to index
    %swap3A_253 = arith.constant 48 : index
    %swap3A_254 = tpu.vector_load %arg8[%swap3A_252, %swap3A_253] {strides = array<i32>} : memref<160x128xi32, #tpu.memory_space<vmem>>, vector<1x16xi32>,
    %swap3A_255 = vector.shape_cast %swap3A_254 : vector<1x16xi32> to vector<16xi32>
    %swap3A_256 = vector.shape_cast %broadcast_in_dim3A_250 : vector<16xi32> to vector<1x16xi32>
    tpu.vector_store %arg8[%swap3A_252, %swap3A_253], %swap3A_256 {strides = array<i32>} : memref<160x128xi32, #tpu.memory_space<vmem>>, vector<1x16xi32>,
    %add3A_257 = arith.addi %mul3A_2, %scan3A_69 : i32
    %add3A_258 = vector.broadcast %add3A_257 : i32 to vector<16xi32>
    %add3A_259 = arith.addi %add3A_258, %iota3A : vector<16xi32>
    %add3A_260 = arith.constant 64 : i32
    %add3A_261 = vector.broadcast %add3A_260 : i32 to vector<16xi32>
    %add3A_262 = arith.addi %add3A_259, %add3A_261 : vector<16xi32>
    %swap3A_263 = arith.constant 0 : i32
    %swap3A_264 = arith.index_cast %swap3A_263 : i32 to index
    %swap3A_265 = arith.constant 64 : index
    %swap3A_266 = tpu.vector_load %arg10[%swap3A_264, %swap3A_265] {strides = array<i32>} : memref<2x128xi32, #tpu.memory_space<vmem>>, vector<1x16xi32>,
    %swap3A_267 = vector.shape_cast %swap3A_266 : vector<1x16xi32> to vector<16xi32>
    %swap3A_268 = vector.shape_cast %add3A_262 : vector<16xi32> to vector<1x16xi32>
    tpu.vector_store %arg10[%swap3A_264, %swap3A_265], %swap3A_268 {strides = array<i32>} : memref<2x128xi32, #tpu.memory_space<vmem>>, vector<1x16xi32>,
    %broadcast_in_dim3A_269 = arith.constant 5120 : i32
    %broadcast_in_dim3A_270 = vector.broadcast %broadcast_in_dim3A_269 : i32 to vector<16xi32>
    %swap3A_271 = arith.constant 0 : i32
    %swap3A_272 = arith.index_cast %swap3A_271 : i32 to index
    %swap3A_273 = arith.constant 64 : index
    %swap3A_274 = tpu.vector_load %arg11[%swap3A_272, %swap3A_273] {strides = array<i32>} : memref<2x128xi32, #tpu.memory_space<vmem>>, vector<1x16xi32>,
    %swap3A_275 = vector.shape_cast %swap3A_274 : vector<1x16xi32> to vector<16xi32>
    %swap3A_276 = vector.shape_cast %broadcast_in_dim3A_270 : vector<16xi32> to vector<1x16xi32>
    tpu.vector_store %arg11[%swap3A_272, %swap3A_273], %swap3A_276 {strides = array<i32>} : memref<2x128xi32, #tpu.memory_space<vmem>>, vector<1x16xi32>,
    %broadcast_in_dim3A_277 = arith.constant 10000 : i32
    %broadcast_in_dim3A_278 = vector.broadcast %broadcast_in_dim3A_277 : i32 to vector<16xi32>
    %swap3A_279 = arith.constant 0 : i32
    %swap3A_280 = arith.index_cast %swap3A_279 : i32 to index
    %swap3A_281 = arith.constant 64 : index
    %swap3A_282 = tpu.vector_load %arg8[%swap3A_280, %swap3A_281] {strides = array<i32>} : memref<160x128xi32, #tpu.memory_space<vmem>>, vector<1x16xi32>,
    %swap3A_283 = vector.shape_cast %swap3A_282 : vector<1x16xi32> to vector<16xi32>
    %swap3A_284 = vector.shape_cast %broadcast_in_dim3A_278 : vector<16xi32> to vector<1x16xi32>
    tpu.vector_store %arg8[%swap3A_280, %swap3A_281], %swap3A_284 {strides = array<i32>} : memref<160x128xi32, #tpu.memory_space<vmem>>, vector<1x16xi32>,
    %add3A_285 = arith.addi %mul3A_2, %scan3A_69 : i32
    %add3A_286 = vector.broadcast %add3A_285 : i32 to vector<16xi32>
    %add3A_287 = arith.addi %add3A_286, %iota3A : vector<16xi32>
    %add3A_288 = arith.constant 80 : i32
    %add3A_289 = vector.broadcast %add3A_288 : i32 to vector<16xi32>
    %add3A_290 = arith.addi %add3A_287, %add3A_289 : vector<16xi32>
    %swap3A_291 = arith.constant 0 : i32
    %swap3A_292 = arith.index_cast %swap3A_291 : i32 to index
    %swap3A_293 = arith.constant 80 : index
    %swap3A_294 = tpu.vector_load %arg10[%swap3A_292, %swap3A_293] {strides = array<i32>} : memref<2x128xi32, #tpu.memory_space<vmem>>, vector<1x16xi32>,
    %swap3A_295 = vector.shape_cast %swap3A_294 : vector<1x16xi32> to vector<16xi32>
    %swap3A_296 = vector.shape_cast %add3A_290 : vector<16xi32> to vector<1x16xi32>
    tpu.vector_store %arg10[%swap3A_292, %swap3A_293], %swap3A_296 {strides = array<i32>} : memref<2x128xi32, #tpu.memory_space<vmem>>, vector<1x16xi32>,
    %broadcast_in_dim3A_297 = arith.constant 5120 : i32
    %broadcast_in_dim3A_298 = vector.broadcast %broadcast_in_dim3A_297 : i32 to vector<16xi32>
    %swap3A_299 = arith.constant 0 : i32
    %swap3A_300 = arith.index_cast %swap3A_299 : i32 to index
    %swap3A_301 = arith.constant 80 : index
    %swap3A_302 = tpu.vector_load %arg11[%swap3A_300, %swap3A_301] {strides = array<i32>} : memref<2x128xi32, #tpu.memory_space<vmem>>, vector<1x16xi32>,
    %swap3A_303 = vector.shape_cast %swap3A_302 : vector<1x16xi32> to vector<16xi32>
    %swap3A_304 = vector.shape_cast %broadcast_in_dim3A_298 : vector<16xi32> to vector<1x16xi32>
    tpu.vector_store %arg11[%swap3A_300, %swap3A_301], %swap3A_304 {strides = array<i32>} : memref<2x128xi32, #tpu.memory_space<vmem>>, vector<1x16xi32>,
    %broadcast_in_dim3A_305 = arith.constant 10000 : i32
    %broadcast_in_dim3A_306 = vector.broadcast %broadcast_in_dim3A_305 : i32 to vector<16xi32>
    %swap3A_307 = arith.constant 0 : i32
    %swap3A_308 = arith.index_cast %swap3A_307 : i32 to index
    %swap3A_309 = arith.constant 80 : index
    %swap3A_310 = tpu.vector_load %arg8[%swap3A_308, %swap3A_309] {strides = array<i32>} : memref<160x128xi32, #tpu.memory_space<vmem>>, vector<1x16xi32>,
    %swap3A_311 = vector.shape_cast %swap3A_310 : vector<1x16xi32> to vector<16xi32>
    %swap3A_312 = vector.shape_cast %broadcast_in_dim3A_306 : vector<16xi32> to vector<1x16xi32>
    tpu.vector_store %arg8[%swap3A_308, %swap3A_309], %swap3A_312 {strides = array<i32>} : memref<160x128xi32, #tpu.memory_space<vmem>>, vector<1x16xi32>,
    %add3A_313 = arith.addi %mul3A_2, %scan3A_69 : i32
    %add3A_314 = vector.broadcast %add3A_313 : i32 to vector<16xi32>
    %add3A_315 = arith.addi %add3A_314, %iota3A : vector<16xi32>
    %add3A_316 = arith.constant 96 : i32
    %add3A_317 = vector.broadcast %add3A_316 : i32 to vector<16xi32>
    %add3A_318 = arith.addi %add3A_315, %add3A_317 : vector<16xi32>
    %swap3A_319 = arith.constant 0 : i32
    %swap3A_320 = arith.index_cast %swap3A_319 : i32 to index
    %swap3A_321 = arith.constant 96 : index
    %swap3A_322 = tpu.vector_load %arg10[%swap3A_320, %swap3A_321] {strides = array<i32>} : memref<2x128xi32, #tpu.memory_space<vmem>>, vector<1x16xi32>,
    %swap3A_323 = vector.shape_cast %swap3A_322 : vector<1x16xi32> to vector<16xi32>
    %swap3A_324 = vector.shape_cast %add3A_318 : vector<16xi32> to vector<1x16xi32>
    tpu.vector_store %arg10[%swap3A_320, %swap3A_321], %swap3A_324 {strides = array<i32>} : memref<2x128xi32, #tpu.memory_space<vmem>>, vector<1x16xi32>,
    %broadcast_in_dim3A_325 = arith.constant 5120 : i32
    %broadcast_in_dim3A_326 = vector.broadcast %broadcast_in_dim3A_325 : i32 to vector<16xi32>
    %swap3A_327 = arith.constant 0 : i32
    %swap3A_328 = arith.index_cast %swap3A_327 : i32 to index
    %swap3A_329 = arith.constant 96 : index
    %swap3A_330 = tpu.vector_load %arg11[%swap3A_328, %swap3A_329] {strides = array<i32>} : memref<2x128xi32, #tpu.memory_space<vmem>>, vector<1x16xi32>,
    %swap3A_331 = vector.shape_cast %swap3A_330 : vector<1x16xi32> to vector<16xi32>
    %swap3A_332 = vector.shape_cast %broadcast_in_dim3A_326 : vector<16xi32> to vector<1x16xi32>
    tpu.vector_store %arg11[%swap3A_328, %swap3A_329], %swap3A_332 {strides = array<i32>} : memref<2x128xi32, #tpu.memory_space<vmem>>, vector<1x16xi32>,
    %broadcast_in_dim3A_333 = arith.constant 10000 : i32
    %broadcast_in_dim3A_334 = vector.broadcast %broadcast_in_dim3A_333 : i32 to vector<16xi32>
    %swap3A_335 = arith.constant 0 : i32
    %swap3A_336 = arith.index_cast %swap3A_335 : i32 to index
    %swap3A_337 = arith.constant 96 : index
    %swap3A_338 = tpu.vector_load %arg8[%swap3A_336, %swap3A_337] {strides = array<i32>} : memref<160x128xi32, #tpu.memory_space<vmem>>, vector<1x16xi32>,
    %swap3A_339 = vector.shape_cast %swap3A_338 : vector<1x16xi32> to vector<16xi32>
    %swap3A_340 = vector.shape_cast %broadcast_in_dim3A_334 : vector<16xi32> to vector<1x16xi32>
    tpu.vector_store %arg8[%swap3A_336, %swap3A_337], %swap3A_340 {strides = array<i32>} : memref<160x128xi32, #tpu.memory_space<vmem>>, vector<1x16xi32>,
    %add3A_341 = arith.addi %mul3A_2, %scan3A_69 : i32
    %add3A_342 = vector.broadcast %add3A_341 : i32 to vector<16xi32>
    %add3A_343 = arith.addi %add3A_342, %iota3A : vector<16xi32>
    %add3A_344 = arith.constant 112 : i32
    %add3A_345 = vector.broadcast %add3A_344 : i32 to vector<16xi32>
    %add3A_346 = arith.addi %add3A_343, %add3A_345 : vector<16xi32>
    %swap3A_347 = arith.constant 0 : i32
    %swap3A_348 = arith.index_cast %swap3A_347 : i32 to index
    %swap3A_349 = arith.constant 112 : index
    %swap3A_350 = tpu.vector_load %arg10[%swap3A_348, %swap3A_349] {strides = array<i32>} : memref<2x128xi32, #tpu.memory_space<vmem>>, vector<1x16xi32>,
    %swap3A_351 = vector.shape_cast %swap3A_350 : vector<1x16xi32> to vector<16xi32>
    %swap3A_352 = vector.shape_cast %add3A_346 : vector<16xi32> to vector<1x16xi32>
    tpu.vector_store %arg10[%swap3A_348, %swap3A_349], %swap3A_352 {strides = array<i32>} : memref<2x128xi32, #tpu.memory_space<vmem>>, vector<1x16xi32>,
    %broadcast_in_dim3A_353 = arith.constant 5120 : i32
    %broadcast_in_dim3A_354 = vector.broadcast %broadcast_in_dim3A_353 : i32 to vector<16xi32>
    %swap3A_355 = arith.constant 0 : i32
    %swap3A_356 = arith.index_cast %swap3A_355 : i32 to index
    %swap3A_357 = arith.constant 112 : index
    %swap3A_358 = tpu.vector_load %arg11[%swap3A_356, %swap3A_357] {strides = array<i32>} : memref<2x128xi32, #tpu.memory_space<vmem>>, vector<1x16xi32>,
    %swap3A_359 = vector.shape_cast %swap3A_358 : vector<1x16xi32> to vector<16xi32>
    %swap3A_360 = vector.shape_cast %broadcast_in_dim3A_354 : vector<16xi32> to vector<1x16xi32>
    tpu.vector_store %arg11[%swap3A_356, %swap3A_357], %swap3A_360 {strides = array<i32>} : memref<2x128xi32, #tpu.memory_space<vmem>>, vector<1x16xi32>,
    %broadcast_in_dim3A_361 = arith.constant 10000 : i32
    %broadcast_in_dim3A_362 = vector.broadcast %broadcast_in_dim3A_361 : i32 to vector<16xi32>
    %swap3A_363 = arith.constant 0 : i32
    %swap3A_364 = arith.index_cast %swap3A_363 : i32 to index
    %swap3A_365 = arith.constant 112 : index
    %swap3A_366 = tpu.vector_load %arg8[%swap3A_364, %swap3A_365] {strides = array<i32>} : memref<160x128xi32, #tpu.memory_space<vmem>>, vector<1x16xi32>,
    %swap3A_367 = vector.shape_cast %swap3A_366 : vector<1x16xi32> to vector<16xi32>
    %swap3A_368 = vector.shape_cast %broadcast_in_dim3A_362 : vector<16xi32> to vector<1x16xi32>
    tpu.vector_store %arg8[%swap3A_364, %swap3A_365], %swap3A_368 {strides = array<i32>} : memref<160x128xi32, #tpu.memory_space<vmem>>, vector<1x16xi32>,
    %run_scoped3A = arith.constant 0 : i32
    %run_scoped3A_369 = arith.constant 0 : i32
    "tpu.region"() ({
      %run_scoped3A_389 = tpu.sem_alloc : memref<!tpu.dma_semaphore, #tpu.memory_space<semaphore_mem>>
      %dma_start3A = arith.constant 0 : i32
      %dma_start3A_390 = tpu.memref_slice %arg8[%run_scoped3A, %dma_start3A] : memref<160x128xi32, #tpu.memory_space<vmem>> -> memref<1x128xi32, #tpu.memory_space<vmem>>
      %dma_start3A_391 = tpu.memref_squeeze %dma_start3A_390 : memref<1x128xi32, #tpu.memory_space<vmem>> -> memref<128xi32, #tpu.memory_space<vmem>>
      %dma_start3A_392 = arith.constant 0 : i32
      %dma_start3A_393 = tpu.memref_slice %arg10[%run_scoped3A_369, %dma_start3A_392] : memref<2x128xi32, #tpu.memory_space<vmem>> -> memref<1x128xi32, #tpu.memory_space<vmem>>
      %dma_start3A_394 = tpu.memref_squeeze %dma_start3A_393 : memref<1x128xi32, #tpu.memory_space<vmem>> -> memref<128xi32, #tpu.memory_space<vmem>>
      %dma_start3A_395 = arith.constant 0 : i32
      %dma_start3A_396 = tpu.memref_slice %arg15[%dma_start3A_395] : memref<331776xi32, #tpu.memory_space<vmem_shared>> -> memref<331776xi32, #tpu.memory_space<vmem_shared>>
      tpu.enqueue_indirect_dma source(%dma_start3A_391 : memref<128xi32, #tpu.memory_space<vmem>>) target(%dma_start3A_396 : memref<331776xi32, #tpu.memory_space<vmem_shared>>) offsets(%dma_start3A_394 : memref<128xi32, #tpu.memory_space<vmem>>) semaphore(%run_scoped3A_389 : memref<!tpu.dma_semaphore, #tpu.memory_space<semaphore_mem>>)
      %dma_wait3A_397 = arith.constant 0 : i32
      %dma_wait3A_398 = tpu.memref_slice %arg8[%run_scoped3A, %dma_wait3A_397] : memref<160x128xi32, #tpu.memory_space<vmem>> -> memref<1x128xi32, #tpu.memory_space<vmem>>
      %dma_wait3A_399 = tpu.memref_squeeze %dma_wait3A_398 : memref<1x128xi32, #tpu.memory_space<vmem>> -> memref<128xi32, #tpu.memory_space<vmem>>
      %dma_wait3A_400 = arith.constant 0 : i32
      %dma_wait3A_401 = tpu.memref_slice %arg10[%run_scoped3A_369, %dma_wait3A_400] : memref<2x128xi32, #tpu.memory_space<vmem>> -> memref<1x128xi32, #tpu.memory_space<vmem>>
      %dma_wait3A_402 = tpu.memref_squeeze %dma_wait3A_401 : memref<1x128xi32, #tpu.memory_space<vmem>> -> memref<128xi32, #tpu.memory_space<vmem>>
      %dma_wait3A_403 = arith.constant 0 : i32
      %dma_wait3A_404 = tpu.memref_slice %arg15[%dma_wait3A_403] : memref<331776xi32, #tpu.memory_space<vmem_shared>> -> memref<331776xi32, #tpu.memory_space<vmem_shared>>
      tpu.wait_indirect_dma semaphore(%run_scoped3A_389 : memref<!tpu.dma_semaphore, #tpu.memory_space<semaphore_mem>>) src(%dma_wait3A_399 : memref<128xi32, #tpu.memory_space<vmem>>) dst(%dma_wait3A_404 : memref<331776xi32, #tpu.memory_space<vmem_shared>>)
      tpu.yield
    }) : () -> ()
    %run_scoped3A_370 = arith.constant 0 : i32
    %run_scoped3A_371 = arith.constant 0 : i32
    "tpu.region"() ({
      %run_scoped3A_389 = tpu.sem_alloc : memref<!tpu.dma_semaphore, #tpu.memory_space<semaphore_mem>>
      %dma_start3A = arith.constant 0 : i32
      %dma_start3A_390 = tpu.memref_slice %arg11[%run_scoped3A_370, %dma_start3A] : memref<2x128xi32, #tpu.memory_space<vmem>> -> memref<1x128xi32, #tpu.memory_space<vmem>>
      %dma_start3A_391 = tpu.memref_squeeze %dma_start3A_390 : memref<1x128xi32, #tpu.memory_space<vmem>> -> memref<128xi32, #tpu.memory_space<vmem>>
      %dma_start3A_392 = arith.constant 0 : i32
      %dma_start3A_393 = tpu.memref_slice %arg10[%run_scoped3A_371, %dma_start3A_392] : memref<2x128xi32, #tpu.memory_space<vmem>> -> memref<1x128xi32, #tpu.memory_space<vmem>>
      %dma_start3A_394 = tpu.memref_squeeze %dma_start3A_393 : memref<1x128xi32, #tpu.memory_space<vmem>> -> memref<128xi32, #tpu.memory_space<vmem>>
      %dma_start3A_395 = arith.constant 0 : i32
      %dma_start3A_396 = tpu.memref_slice %arg16[%dma_start3A_395] : memref<331776xi32, #tpu.memory_space<vmem_shared>> -> memref<331776xi32, #tpu.memory_space<vmem_shared>>
      tpu.enqueue_indirect_dma source(%dma_start3A_391 : memref<128xi32, #tpu.memory_space<vmem>>) target(%dma_start3A_396 : memref<331776xi32, #tpu.memory_space<vmem_shared>>) offsets(%dma_start3A_394 : memref<128xi32, #tpu.memory_space<vmem>>) semaphore(%run_scoped3A_389 : memref<!tpu.dma_semaphore, #tpu.memory_space<semaphore_mem>>)
      %dma_wait3A_397 = arith.constant 0 : i32
      %dma_wait3A_398 = tpu.memref_slice %arg11[%run_scoped3A_370, %dma_wait3A_397] : memref<2x128xi32, #tpu.memory_space<vmem>> -> memref<1x128xi32, #tpu.memory_space<vmem>>
      %dma_wait3A_399 = tpu.memref_squeeze %dma_wait3A_398 : memref<1x128xi32, #tpu.memory_space<vmem>> -> memref<128xi32, #tpu.memory_space<vmem>>
      %dma_wait3A_400 = arith.constant 0 : i32
      %dma_wait3A_401 = tpu.memref_slice %arg10[%run_scoped3A_371, %dma_wait3A_400] : memref<2x128xi32, #tpu.memory_space<vmem>> -> memref<1x128xi32, #tpu.memory_space<vmem>>
      %dma_wait3A_402 = tpu.memref_squeeze %dma_wait3A_401 : memref<1x128xi32, #tpu.memory_space<vmem>> -> memref<128xi32, #tpu.memory_space<vmem>>
      %dma_wait3A_403 = arith.constant 0 : i32
      %dma_wait3A_404 = tpu.memref_slice %arg16[%dma_wait3A_403] : memref<331776xi32, #tpu.memory_space<vmem_shared>> -> memref<331776xi32, #tpu.memory_space<vmem_shared>>
      tpu.wait_indirect_dma semaphore(%run_scoped3A_389 : memref<!tpu.dma_semaphore, #tpu.memory_space<semaphore_mem>>) src(%dma_wait3A_399 : memref<128xi32, #tpu.memory_space<vmem>>) dst(%dma_wait3A_404 : memref<331776xi32, #tpu.memory_space<vmem_shared>>)
      tpu.yield
    }) : () -> ()
    %add3A_372 = arith.constant 128 : i32
    %add3A_373 = arith.addi %scan3A_69, %add3A_372 : i32
    %sub3A = arith.constant 1 : i32
    %sub3A_374 = arith.subi %add3A_373, %sub3A : i32
    %div3A = arith.constant 128 : i32
    %div3A_375 = arith.divsi %sub3A_374, %div3A : i32
    %broadcast_in_dim3A_376 = arith.constant 0 : i32
    %broadcast_in_dim3A_377 = vector.broadcast %broadcast_in_dim3A_376 : i32 to vector<16xi32>
    %add3A_378 = vector.broadcast %div3A_375 : i32 to vector<16xi32>
    %add3A_379 = arith.addi %broadcast_in_dim3A_377, %add3A_378 : vector<16xi32>
    %swap3A_380 = arith.constant 0 : index
    %swap3A_381 = tpu.vector_load %arg12[%swap3A_380] {strides = array<i32>} : memref<16xi32, #tpu.memory_space<vmem>>, vector<16xi32>,
    %swap3A_382 = vector.shape_cast %swap3A_381 : vector<16xi32> to vector<16xi32>
    %swap3A_383 = vector.shape_cast %add3A_379 : vector<16xi32> to vector<16xi32>
    tpu.vector_store %arg12[%swap3A_380], %swap3A_383 {strides = array<i32>} : memref<16xi32, #tpu.memory_space<vmem>>, vector<16xi32>,
    "tpu.region"() ({
      %run_scoped3A_389 = tpu.sem_alloc : memref<!tpu.dma_semaphore, #tpu.memory_space<semaphore_mem>>
      %dma_start3A = arith.constant 0 : i32
      %dma_start3A_390 = tpu.memref_slice %arg6[%arg0, %arg1, %dma_start3A] : memref<2x16x16xi32, #tpu.memory_space<hbm>> -> memref<1x1x16xi32, #tpu.memory_space<hbm>>
      %dma_start3A_391 = tpu.memref_squeeze %dma_start3A_390 : memref<1x1x16xi32, #tpu.memory_space<hbm>> -> memref<16xi32, #tpu.memory_space<hbm>>
      %dma_start3A_392 = arith.constant 0 : i32
      %dma_start3A_393 = tpu.memref_slice %arg6[%arg0, %arg1, %dma_start3A_392] : memref<2x16x16xi32, #tpu.memory_space<hbm>> -> memref<1x1x16xi32, #tpu.memory_space<hbm>>
      %dma_start3A_394 = tpu.memref_squeeze %dma_start3A_393 : memref<1x1x16xi32, #tpu.memory_space<hbm>> -> memref<16xi32, #tpu.memory_space<hbm>>
      tpu.enqueue_dma source(%arg12 : memref<16xi32, #tpu.memory_space<vmem>>) target(%dma_start3A_394 : memref<16xi32, #tpu.memory_space<hbm>>) target_semaphore(%run_scoped3A_389 : memref<!tpu.dma_semaphore, #tpu.memory_space<semaphore_mem>>)
      %dma_wait3A_395 = arith.constant 0 : i32
      %dma_wait3A_396 = tpu.memref_slice %arg6[%arg0, %arg1, %dma_wait3A_395] : memref<2x16x16xi32, #tpu.memory_space<hbm>> -> memref<1x1x16xi32, #tpu.memory_space<hbm>>
      %dma_wait3A_397 = tpu.memref_squeeze %dma_wait3A_396 : memref<1x1x16xi32, #tpu.memory_space<hbm>> -> memref<16xi32, #tpu.memory_space<hbm>>
      %dma_wait3A_398 = arith.constant 0 : i32
      %dma_wait3A_399 = tpu.memref_slice %arg6[%arg0, %arg1, %dma_wait3A_398] : memref<2x16x16xi32, #tpu.memory_space<hbm>> -> memref<1x1x16xi32, #tpu.memory_space<hbm>>
      %dma_wait3A_400 = tpu.memref_squeeze %dma_wait3A_399 : memref<1x1x16xi32, #tpu.memory_space<hbm>> -> memref<16xi32, #tpu.memory_space<hbm>>
      tpu.wait_dma2 semaphore(%run_scoped3A_389 : memref<!tpu.dma_semaphore, #tpu.memory_space<semaphore_mem>>) src(%arg12 : memref<16xi32, #tpu.memory_space<vmem>>) dst(%dma_wait3A_400 : memref<16xi32, #tpu.memory_space<hbm>>)
      tpu.yield
    }) : () -> ()
    "tpu.region"() ({
      %run_scoped3A_389 = tpu.sem_alloc : memref<!tpu.dma_semaphore, #tpu.memory_space<semaphore_mem>>
      %dma_start3A = arith.constant 0 : i32
      %dma_start3A_390 = tpu.memref_slice %arg4[%arg0, %arg1, %dma_start3A] : memref<2x16x20736xi32, #tpu.memory_space<hbm>> -> memref<1x1x20736xi32, #tpu.memory_space<hbm>>
      %dma_start3A_391 = tpu.memref_squeeze %dma_start3A_390 : memref<1x1x20736xi32, #tpu.memory_space<hbm>> -> memref<20736xi32, #tpu.memory_space<hbm>>
      %dma_start3A_392 = tpu.memref_slice %arg15[%mul3A_2] : memref<331776xi32, #tpu.memory_space<vmem_shared>> -> memref<20736xi32, #tpu.memory_space<vmem_shared>>
      tpu.enqueue_dma source(%dma_start3A_392 : memref<20736xi32, #tpu.memory_space<vmem_shared>>) target(%dma_start3A_391 : memref<20736xi32, #tpu.memory_space<hbm>>) target_semaphore(%run_scoped3A_389 : memref<!tpu.dma_semaphore, #tpu.memory_space<semaphore_mem>>)
      %dma_wait3A_393 = arith.constant 0 : i32
      %dma_wait3A_394 = tpu.memref_slice %arg4[%arg0, %arg1, %dma_wait3A_393] : memref<2x16x20736xi32, #tpu.memory_space<hbm>> -> memref<1x1x20736xi32, #tpu.memory_space<hbm>>
      %dma_wait3A_395 = tpu.memref_squeeze %dma_wait3A_394 : memref<1x1x20736xi32, #tpu.memory_space<hbm>> -> memref<20736xi32, #tpu.memory_space<hbm>>
      %dma_wait3A_396 = tpu.memref_slice %arg15[%mul3A_2] : memref<331776xi32, #tpu.memory_space<vmem_shared>> -> memref<20736xi32, #tpu.memory_space<vmem_shared>>
      tpu.wait_dma2 semaphore(%run_scoped3A_389 : memref<!tpu.dma_semaphore, #tpu.memory_space<semaphore_mem>>) src(%dma_wait3A_396 : memref<20736xi32, #tpu.memory_space<vmem_shared>>) dst(%dma_wait3A_395 : memref<20736xi32, #tpu.memory_space<hbm>>)
      tpu.yield
    }) : () -> ()
    "tpu.region"() ({
      %run_scoped3A_389 = tpu.sem_alloc : memref<!tpu.dma_semaphore, #tpu.memory_space<semaphore_mem>>
      %dma_start3A = arith.constant 0 : i32
      %dma_start3A_390 = tpu.memref_slice %arg5[%arg0, %arg1, %dma_start3A] : memref<2x16x20736xi32, #tpu.memory_space<hbm>> -> memref<1x1x20736xi32, #tpu.memory_space<hbm>>
      %dma_start3A_391 = tpu.memref_squeeze %dma_start3A_390 : memref<1x1x20736xi32, #tpu.memory_space<hbm>> -> memref<20736xi32, #tpu.memory_space<hbm>>
      %dma_start3A_392 = tpu.memref_slice %arg16[%mul3A_2] : memref<331776xi32, #tpu.memory_space<vmem_shared>> -> memref<20736xi32, #tpu.memory_space<vmem_shared>>
      tpu.enqueue_dma source(%dma_start3A_392 : memref<20736xi32, #tpu.memory_space<vmem_shared>>) target(%dma_start3A_391 : memref<20736xi32, #tpu.memory_space<hbm>>) target_semaphore(%run_scoped3A_389 : memref<!tpu.dma_semaphore, #tpu.memory_space<semaphore_mem>>)
      %dma_wait3A_393 = arith.constant 0 : i32
      %dma_wait3A_394 = tpu.memref_slice %arg5[%arg0, %arg1, %dma_wait3A_393] : memref<2x16x20736xi32, #tpu.memory_space<hbm>> -> memref<1x1x20736xi32, #tpu.memory_space<hbm>>
      %dma_wait3A_395 = tpu.memref_squeeze %dma_wait3A_394 : memref<1x1x20736xi32, #tpu.memory_space<hbm>> -> memref<20736xi32, #tpu.memory_space<hbm>>
      %dma_wait3A_396 = tpu.memref_slice %arg16[%mul3A_2] : memref<331776xi32, #tpu.memory_space<vmem_shared>> -> memref<20736xi32, #tpu.memory_space<vmem_shared>>
      tpu.wait_dma2 semaphore(%run_scoped3A_389 : memref<!tpu.dma_semaphore, #tpu.memory_space<semaphore_mem>>) src(%dma_wait3A_396 : memref<20736xi32, #tpu.memory_space<vmem_shared>>) dst(%dma_wait3A_395 : memref<20736xi32, #tpu.memory_space<hbm>>)
      tpu.yield
    }) : () -> ()
    %barrier3A_384 = arith.constant 0 : index
    tpu.barrier barrier_id(%barrier3A_384)
    %mul3A_385 = arith.constant 640 : i32
    %mul3A_386 = arith.muli %arg1, %mul3A_385 : i32
    %mul3A_387 = arith.constant 640 : i32
    %mul3A_388 = arith.muli %arg1, %mul3A_387 : i32
    "tpu.region"() ({
      %run_scoped3A_389 = tpu.sem_alloc : memref<!tpu.dma_semaphore, #tpu.memory_space<semaphore_mem>>
      %dma_start3A = tpu.memref_slice %arg7[%arg0, %mul3A_388] : memref<2x10240xf32, #tpu.memory_space<hbm>> -> memref<1x640xf32, #tpu.memory_space<hbm>>
      %dma_start3A_390 = tpu.memref_squeeze %dma_start3A : memref<1x640xf32, #tpu.memory_space<hbm>> -> memref<640xf32, #tpu.memory_space<hbm>>
      %dma_start3A_391 = tpu.memref_slice %arg17[%mul3A_386] : memref<10240xf32, #tpu.memory_space<vmem_shared>> -> memref<640xf32, #tpu.memory_space<vmem_shared>>
      tpu.enqueue_dma source(%dma_start3A_391 : memref<640xf32, #tpu.memory_space<vmem_shared>>) target(%dma_start3A_390 : memref<640xf32, #tpu.memory_space<hbm>>) target_semaphore(%run_scoped3A_389 : memref<!tpu.dma_semaphore, #tpu.memory_space<semaphore_mem>>)
      %dma_wait3A_392 = tpu.memref_slice %arg7[%arg0, %mul3A_388] : memref<2x10240xf32, #tpu.memory_space<hbm>> -> memref<1x640xf32, #tpu.memory_space<hbm>>
      %dma_wait3A_393 = tpu.memref_squeeze %dma_wait3A_392 : memref<1x640xf32, #tpu.memory_space<hbm>> -> memref<640xf32, #tpu.memory_space<hbm>>
      %dma_wait3A_394 = tpu.memref_slice %arg17[%mul3A_386] : memref<10240xf32, #tpu.memory_space<vmem_shared>> -> memref<640xf32, #tpu.memory_space<vmem_shared>>
      tpu.wait_dma2 semaphore(%run_scoped3A_389 : memref<!tpu.dma_semaphore, #tpu.memory_space<semaphore_mem>>) src(%dma_wait3A_394 : memref<640xf32, #tpu.memory_space<vmem_shared>>) dst(%dma_wait3A_393 : memref<640xf32, #tpu.memory_space<hbm>>)
      tpu.yield
    }) : () -> ()
    return
  }
}

#map = affine_map<(d0, d1) -> (0, 0)>
#map1 = affine_map<(d0, d1) -> (0, 0, 0)>
#map2 = affine_map<(d0, d1) -> (0, 0, 0, 0)>
module attributes {stable_mosaic.version = 14 : i64} {
  func.func @sc_agg(%arg0: i32, %arg1: i32, %arg2: memref<10240x128xf32, #tpu.memory_space<hbm>>, %arg3: memref<2x16x20736xi32, #tpu.memory_space<hbm>>, %arg4: memref<2x16x162x128xi32, #tpu.memory_space<hbm>>, %arg5: memref<2x16x16xi32, #tpu.memory_space<hbm>>, %arg6: memref<2x5120x128xf32, #tpu.memory_space<hbm>>, %arg7: memref<20736xi32, #tpu.memory_space<vmem>>, %arg8: memref<162x128xi32, #tpu.memory_space<vmem>>, %arg9: memref<16xi32, #tpu.memory_space<vmem>>, %arg10: memref<2x128x128xf32, #tpu.memory_space<vmem>>, %arg11: memref<5128x128xf32, #tpu.memory_space<vmem_shared>>, %arg12: memref<!tpu.dma_semaphore, #tpu.memory_space<semaphore_mem>>) attributes {dimension_semantics = [#tpu.dimension_semantics<core_parallel>, #tpu.dimension_semantics<subcore_parallel>], iteration_bounds = array<i64: 2, 16>, scalar_prefetch = 0 : i64, scratch_operands = 6 : i64, tpu.core_type = #tpu.core_type<sc_vector_subcore>, window_params = [{transform_indices = #map}, {transform_indices = #map1}, {transform_indices = #map2}, {transform_indices = #map1}, {transform_indices = #map1}]} {
    "tpu.region"() ({
      %run_scoped3A_38 = tpu.sem_alloc : memref<!tpu.dma_semaphore, #tpu.memory_space<semaphore_mem>>
      %dma_start3A = arith.constant 0 : i32
      %dma_start3A_39 = tpu.memref_slice %arg3[%arg0, %arg1, %dma_start3A] : memref<2x16x20736xi32, #tpu.memory_space<hbm>> -> memref<1x1x20736xi32, #tpu.memory_space<hbm>>
      %dma_start3A_40 = tpu.memref_squeeze %dma_start3A_39 : memref<1x1x20736xi32, #tpu.memory_space<hbm>> -> memref<20736xi32, #tpu.memory_space<hbm>>
      %dma_start3A_41 = arith.constant 0 : i32
      %dma_start3A_42 = tpu.memref_slice %arg3[%arg0, %arg1, %dma_start3A_41] : memref<2x16x20736xi32, #tpu.memory_space<hbm>> -> memref<1x1x20736xi32, #tpu.memory_space<hbm>>
      %dma_start3A_43 = tpu.memref_squeeze %dma_start3A_42 : memref<1x1x20736xi32, #tpu.memory_space<hbm>> -> memref<20736xi32, #tpu.memory_space<hbm>>
      tpu.enqueue_dma source(%dma_start3A_43 : memref<20736xi32, #tpu.memory_space<hbm>>) target(%arg7 : memref<20736xi32, #tpu.memory_space<vmem>>) target_semaphore(%run_scoped3A_38 : memref<!tpu.dma_semaphore, #tpu.memory_space<semaphore_mem>>)
      %dma_wait3A = arith.constant 0 : i32
      %dma_wait3A_44 = tpu.memref_slice %arg3[%arg0, %arg1, %dma_wait3A] : memref<2x16x20736xi32, #tpu.memory_space<hbm>> -> memref<1x1x20736xi32, #tpu.memory_space<hbm>>
      %dma_wait3A_45 = tpu.memref_squeeze %dma_wait3A_44 : memref<1x1x20736xi32, #tpu.memory_space<hbm>> -> memref<20736xi32, #tpu.memory_space<hbm>>
      %dma_wait3A_46 = arith.constant 0 : i32
      %dma_wait3A_47 = tpu.memref_slice %arg3[%arg0, %arg1, %dma_wait3A_46] : memref<2x16x20736xi32, #tpu.memory_space<hbm>> -> memref<1x1x20736xi32, #tpu.memory_space<hbm>>
      %dma_wait3A_48 = tpu.memref_squeeze %dma_wait3A_47 : memref<1x1x20736xi32, #tpu.memory_space<hbm>> -> memref<20736xi32, #tpu.memory_space<hbm>>
      tpu.wait_dma2 semaphore(%run_scoped3A_38 : memref<!tpu.dma_semaphore, #tpu.memory_space<semaphore_mem>>) src(%dma_wait3A_48 : memref<20736xi32, #tpu.memory_space<hbm>>) dst(%arg7 : memref<20736xi32, #tpu.memory_space<vmem>>)
      tpu.yield
    }) : () -> ()
    "tpu.region"() ({
      %run_scoped3A_38 = tpu.sem_alloc : memref<!tpu.dma_semaphore, #tpu.memory_space<semaphore_mem>>
      %dma_start3A = arith.constant 0 : i32
      %dma_start3A_39 = arith.constant 0 : i32
      %dma_start3A_40 = tpu.memref_slice %arg4[%arg0, %arg1, %dma_start3A, %dma_start3A_39] : memref<2x16x162x128xi32, #tpu.memory_space<hbm>> -> memref<1x1x162x128xi32, #tpu.memory_space<hbm>>
      %dma_start3A_41 = tpu.memref_squeeze %dma_start3A_40 : memref<1x1x162x128xi32, #tpu.memory_space<hbm>> -> memref<162x128xi32, #tpu.memory_space<hbm>>
      %dma_start3A_42 = arith.constant 0 : i32
      %dma_start3A_43 = arith.constant 0 : i32
      %dma_start3A_44 = tpu.memref_slice %arg4[%arg0, %arg1, %dma_start3A_42, %dma_start3A_43] : memref<2x16x162x128xi32, #tpu.memory_space<hbm>> -> memref<1x1x162x128xi32, #tpu.memory_space<hbm>>
      %dma_start3A_45 = tpu.memref_squeeze %dma_start3A_44 : memref<1x1x162x128xi32, #tpu.memory_space<hbm>> -> memref<162x128xi32, #tpu.memory_space<hbm>>
      tpu.enqueue_dma source(%dma_start3A_45 : memref<162x128xi32, #tpu.memory_space<hbm>>) target(%arg8 : memref<162x128xi32, #tpu.memory_space<vmem>>) target_semaphore(%run_scoped3A_38 : memref<!tpu.dma_semaphore, #tpu.memory_space<semaphore_mem>>)
      %dma_wait3A = arith.constant 0 : i32
      %dma_wait3A_46 = arith.constant 0 : i32
      %dma_wait3A_47 = tpu.memref_slice %arg4[%arg0, %arg1, %dma_wait3A, %dma_wait3A_46] : memref<2x16x162x128xi32, #tpu.memory_space<hbm>> -> memref<1x1x162x128xi32, #tpu.memory_space<hbm>>
      %dma_wait3A_48 = tpu.memref_squeeze %dma_wait3A_47 : memref<1x1x162x128xi32, #tpu.memory_space<hbm>> -> memref<162x128xi32, #tpu.memory_space<hbm>>
      %dma_wait3A_49 = arith.constant 0 : i32
      %dma_wait3A_50 = arith.constant 0 : i32
      %dma_wait3A_51 = tpu.memref_slice %arg4[%arg0, %arg1, %dma_wait3A_49, %dma_wait3A_50] : memref<2x16x162x128xi32, #tpu.memory_space<hbm>> -> memref<1x1x162x128xi32, #tpu.memory_space<hbm>>
      %dma_wait3A_52 = tpu.memref_squeeze %dma_wait3A_51 : memref<1x1x162x128xi32, #tpu.memory_space<hbm>> -> memref<162x128xi32, #tpu.memory_space<hbm>>
      tpu.wait_dma2 semaphore(%run_scoped3A_38 : memref<!tpu.dma_semaphore, #tpu.memory_space<semaphore_mem>>) src(%dma_wait3A_52 : memref<162x128xi32, #tpu.memory_space<hbm>>) dst(%arg8 : memref<162x128xi32, #tpu.memory_space<vmem>>)
      tpu.yield
    }) : () -> ()
    "tpu.region"() ({
      %run_scoped3A_38 = tpu.sem_alloc : memref<!tpu.dma_semaphore, #tpu.memory_space<semaphore_mem>>
      %dma_start3A = arith.constant 0 : i32
      %dma_start3A_39 = tpu.memref_slice %arg5[%arg0, %arg1, %dma_start3A] : memref<2x16x16xi32, #tpu.memory_space<hbm>> -> memref<1x1x16xi32, #tpu.memory_space<hbm>>
      %dma_start3A_40 = tpu.memref_squeeze %dma_start3A_39 : memref<1x1x16xi32, #tpu.memory_space<hbm>> -> memref<16xi32, #tpu.memory_space<hbm>>
      %dma_start3A_41 = arith.constant 0 : i32
      %dma_start3A_42 = tpu.memref_slice %arg5[%arg0, %arg1, %dma_start3A_41] : memref<2x16x16xi32, #tpu.memory_space<hbm>> -> memref<1x1x16xi32, #tpu.memory_space<hbm>>
      %dma_start3A_43 = tpu.memref_squeeze %dma_start3A_42 : memref<1x1x16xi32, #tpu.memory_space<hbm>> -> memref<16xi32, #tpu.memory_space<hbm>>
      tpu.enqueue_dma source(%dma_start3A_43 : memref<16xi32, #tpu.memory_space<hbm>>) target(%arg9 : memref<16xi32, #tpu.memory_space<vmem>>) target_semaphore(%run_scoped3A_38 : memref<!tpu.dma_semaphore, #tpu.memory_space<semaphore_mem>>)
      %dma_wait3A = arith.constant 0 : i32
      %dma_wait3A_44 = tpu.memref_slice %arg5[%arg0, %arg1, %dma_wait3A] : memref<2x16x16xi32, #tpu.memory_space<hbm>> -> memref<1x1x16xi32, #tpu.memory_space<hbm>>
      %dma_wait3A_45 = tpu.memref_squeeze %dma_wait3A_44 : memref<1x1x16xi32, #tpu.memory_space<hbm>> -> memref<16xi32, #tpu.memory_space<hbm>>
      %dma_wait3A_46 = arith.constant 0 : i32
      %dma_wait3A_47 = tpu.memref_slice %arg5[%arg0, %arg1, %dma_wait3A_46] : memref<2x16x16xi32, #tpu.memory_space<hbm>> -> memref<1x1x16xi32, #tpu.memory_space<hbm>>
      %dma_wait3A_48 = tpu.memref_squeeze %dma_wait3A_47 : memref<1x1x16xi32, #tpu.memory_space<hbm>> -> memref<16xi32, #tpu.memory_space<hbm>>
      tpu.wait_dma2 semaphore(%run_scoped3A_38 : memref<!tpu.dma_semaphore, #tpu.memory_space<semaphore_mem>>) src(%dma_wait3A_48 : memref<16xi32, #tpu.memory_space<hbm>>) dst(%arg9 : memref<16xi32, #tpu.memory_space<vmem>>)
      tpu.yield
    }) : () -> ()
    %get3A = arith.constant 0 : index
    %get3A_0 = tpu.vector_load %arg9[%get3A] {strides = array<i32>} : memref<16xi32, #tpu.memory_space<vmem>>, vector<16xi32>,
    %get3A_1 = vector.shape_cast %get3A_0 : vector<16xi32> to vector<16xi32>
    %slice3A = vector.extract_strided_slice %get3A_1 {offsets = [0], sizes = [1], strides = [1]} : vector<16xi32> to vector<1xi32>
    %squeeze3A = vector.extract %slice3A[0] : i32 from vector<1xi32>
    %scan3A = arith.constant 0 : i32
    %scan3A_2 = arith.constant 0 : i32
    %scan3A_3 = arith.constant 128 : i32
    %scan3A_4 = arith.addi %scan3A_2, %scan3A_3 : i32
    %scan3A_5 = arith.constant 1 : i32
    %scan3A_6 = scf.for %scan3A_38 = %scan3A_2 to %scan3A_4 step %scan3A_5 iter_args(%scan3A_39 = %scan3A) -> (i32)  : i32 {
      %broadcast_in_dim3A = arith.constant 0.000000e+00 : f32
      %broadcast_in_dim3A_40 = vector.broadcast %broadcast_in_dim3A : f32 to vector<16xf32>
      %swap3A = arith.constant 0 : i32
      %swap3A_41 = arith.index_cast %swap3A : i32 to index
      %swap3A_42 = arith.index_cast %scan3A_38 : i32 to index
      %swap3A_43 = arith.constant 0 : index
      %swap3A_44 = tpu.vector_load %arg10[%swap3A_41, %swap3A_42, %swap3A_43] {strides = array<i32>} : memref<2x128x128xf32, #tpu.memory_space<vmem>>, vector<1x1x16xf32>,
      %swap3A_45 = vector.shape_cast %swap3A_44 : vector<1x1x16xf32> to vector<16xf32>
      %swap3A_46 = vector.shape_cast %broadcast_in_dim3A_40 : vector<16xf32> to vector<1x1x16xf32>
      tpu.vector_store %arg10[%swap3A_41, %swap3A_42, %swap3A_43], %swap3A_46 {strides = array<i32>} : memref<2x128x128xf32, #tpu.memory_space<vmem>>, vector<1x1x16xf32>,
      %broadcast_in_dim3A_47 = arith.constant 0.000000e+00 : f32
      %broadcast_in_dim3A_48 = vector.broadcast %broadcast_in_dim3A_47 : f32 to vector<16xf32>
      %swap3A_49 = arith.constant 0 : i32
      %swap3A_50 = arith.index_cast %swap3A_49 : i32 to index
      %swap3A_51 = arith.index_cast %scan3A_38 : i32 to index
      %swap3A_52 = arith.constant 16 : index
      %swap3A_53 = tpu.vector_load %arg10[%swap3A_50, %swap3A_51, %swap3A_52] {strides = array<i32>} : memref<2x128x128xf32, #tpu.memory_space<vmem>>, vector<1x1x16xf32>,
      %swap3A_54 = vector.shape_cast %swap3A_53 : vector<1x1x16xf32> to vector<16xf32>
      %swap3A_55 = vector.shape_cast %broadcast_in_dim3A_48 : vector<16xf32> to vector<1x1x16xf32>
      tpu.vector_store %arg10[%swap3A_50, %swap3A_51, %swap3A_52], %swap3A_55 {strides = array<i32>} : memref<2x128x128xf32, #tpu.memory_space<vmem>>, vector<1x1x16xf32>,
      %broadcast_in_dim3A_56 = arith.constant 0.000000e+00 : f32
      %broadcast_in_dim3A_57 = vector.broadcast %broadcast_in_dim3A_56 : f32 to vector<16xf32>
      %swap3A_58 = arith.constant 0 : i32
      %swap3A_59 = arith.index_cast %swap3A_58 : i32 to index
      %swap3A_60 = arith.index_cast %scan3A_38 : i32 to index
      %swap3A_61 = arith.constant 32 : index
      %swap3A_62 = tpu.vector_load %arg10[%swap3A_59, %swap3A_60, %swap3A_61] {strides = array<i32>} : memref<2x128x128xf32, #tpu.memory_space<vmem>>, vector<1x1x16xf32>,
      %swap3A_63 = vector.shape_cast %swap3A_62 : vector<1x1x16xf32> to vector<16xf32>
      %swap3A_64 = vector.shape_cast %broadcast_in_dim3A_57 : vector<16xf32> to vector<1x1x16xf32>
      tpu.vector_store %arg10[%swap3A_59, %swap3A_60, %swap3A_61], %swap3A_64 {strides = array<i32>} : memref<2x128x128xf32, #tpu.memory_space<vmem>>, vector<1x1x16xf32>,
      %broadcast_in_dim3A_65 = arith.constant 0.000000e+00 : f32
      %broadcast_in_dim3A_66 = vector.broadcast %broadcast_in_dim3A_65 : f32 to vector<16xf32>
      %swap3A_67 = arith.constant 0 : i32
      %swap3A_68 = arith.index_cast %swap3A_67 : i32 to index
      %swap3A_69 = arith.index_cast %scan3A_38 : i32 to index
      %swap3A_70 = arith.constant 48 : index
      %swap3A_71 = tpu.vector_load %arg10[%swap3A_68, %swap3A_69, %swap3A_70] {strides = array<i32>} : memref<2x128x128xf32, #tpu.memory_space<vmem>>, vector<1x1x16xf32>,
      %swap3A_72 = vector.shape_cast %swap3A_71 : vector<1x1x16xf32> to vector<16xf32>
      %swap3A_73 = vector.shape_cast %broadcast_in_dim3A_66 : vector<16xf32> to vector<1x1x16xf32>
      tpu.vector_store %arg10[%swap3A_68, %swap3A_69, %swap3A_70], %swap3A_73 {strides = array<i32>} : memref<2x128x128xf32, #tpu.memory_space<vmem>>, vector<1x1x16xf32>,
      %broadcast_in_dim3A_74 = arith.constant 0.000000e+00 : f32
      %broadcast_in_dim3A_75 = vector.broadcast %broadcast_in_dim3A_74 : f32 to vector<16xf32>
      %swap3A_76 = arith.constant 0 : i32
      %swap3A_77 = arith.index_cast %swap3A_76 : i32 to index
      %swap3A_78 = arith.index_cast %scan3A_38 : i32 to index
      %swap3A_79 = arith.constant 64 : index
      %swap3A_80 = tpu.vector_load %arg10[%swap3A_77, %swap3A_78, %swap3A_79] {strides = array<i32>} : memref<2x128x128xf32, #tpu.memory_space<vmem>>, vector<1x1x16xf32>,
      %swap3A_81 = vector.shape_cast %swap3A_80 : vector<1x1x16xf32> to vector<16xf32>
      %swap3A_82 = vector.shape_cast %broadcast_in_dim3A_75 : vector<16xf32> to vector<1x1x16xf32>
      tpu.vector_store %arg10[%swap3A_77, %swap3A_78, %swap3A_79], %swap3A_82 {strides = array<i32>} : memref<2x128x128xf32, #tpu.memory_space<vmem>>, vector<1x1x16xf32>,
      %broadcast_in_dim3A_83 = arith.constant 0.000000e+00 : f32
      %broadcast_in_dim3A_84 = vector.broadcast %broadcast_in_dim3A_83 : f32 to vector<16xf32>
      %swap3A_85 = arith.constant 0 : i32
      %swap3A_86 = arith.index_cast %swap3A_85 : i32 to index
      %swap3A_87 = arith.index_cast %scan3A_38 : i32 to index
      %swap3A_88 = arith.constant 80 : index
      %swap3A_89 = tpu.vector_load %arg10[%swap3A_86, %swap3A_87, %swap3A_88] {strides = array<i32>} : memref<2x128x128xf32, #tpu.memory_space<vmem>>, vector<1x1x16xf32>,
      %swap3A_90 = vector.shape_cast %swap3A_89 : vector<1x1x16xf32> to vector<16xf32>
      %swap3A_91 = vector.shape_cast %broadcast_in_dim3A_84 : vector<16xf32> to vector<1x1x16xf32>
      tpu.vector_store %arg10[%swap3A_86, %swap3A_87, %swap3A_88], %swap3A_91 {strides = array<i32>} : memref<2x128x128xf32, #tpu.memory_space<vmem>>, vector<1x1x16xf32>,
      %broadcast_in_dim3A_92 = arith.constant 0.000000e+00 : f32
      %broadcast_in_dim3A_93 = vector.broadcast %broadcast_in_dim3A_92 : f32 to vector<16xf32>
      %swap3A_94 = arith.constant 0 : i32
      %swap3A_95 = arith.index_cast %swap3A_94 : i32 to index
      %swap3A_96 = arith.index_cast %scan3A_38 : i32 to index
      %swap3A_97 = arith.constant 96 : index
      %swap3A_98 = tpu.vector_load %arg10[%swap3A_95, %swap3A_96, %swap3A_97] {strides = array<i32>} : memref<2x128x128xf32, #tpu.memory_space<vmem>>, vector<1x1x16xf32>,
      %swap3A_99 = vector.shape_cast %swap3A_98 : vector<1x1x16xf32> to vector<16xf32>
      %swap3A_100 = vector.shape_cast %broadcast_in_dim3A_93 : vector<16xf32> to vector<1x1x16xf32>
      tpu.vector_store %arg10[%swap3A_95, %swap3A_96, %swap3A_97], %swap3A_100 {strides = array<i32>} : memref<2x128x128xf32, #tpu.memory_space<vmem>>, vector<1x1x16xf32>,
      %broadcast_in_dim3A_101 = arith.constant 0.000000e+00 : f32
      %broadcast_in_dim3A_102 = vector.broadcast %broadcast_in_dim3A_101 : f32 to vector<16xf32>
      %swap3A_103 = arith.constant 0 : i32
      %swap3A_104 = arith.index_cast %swap3A_103 : i32 to index
      %swap3A_105 = arith.index_cast %scan3A_38 : i32 to index
      %swap3A_106 = arith.constant 112 : index
      %swap3A_107 = tpu.vector_load %arg10[%swap3A_104, %swap3A_105, %swap3A_106] {strides = array<i32>} : memref<2x128x128xf32, #tpu.memory_space<vmem>>, vector<1x1x16xf32>,
      %swap3A_108 = vector.shape_cast %swap3A_107 : vector<1x1x16xf32> to vector<16xf32>
      %swap3A_109 = vector.shape_cast %broadcast_in_dim3A_102 : vector<16xf32> to vector<1x1x16xf32>
      tpu.vector_store %arg10[%swap3A_104, %swap3A_105, %swap3A_106], %swap3A_109 {strides = array<i32>} : memref<2x128x128xf32, #tpu.memory_space<vmem>>, vector<1x1x16xf32>,
      %scan3A_110 = arith.constant 0 : i32
      scf.yield %scan3A_110 : i32
    }
    %scan3A_7 = arith.constant 128 : i32
    %mul3A = arith.constant 320 : i32
    %mul3A_8 = arith.muli %arg1, %mul3A : i32
    %add3A = arith.constant 0 : i32
    %add3A_9 = arith.addi %mul3A_8, %add3A : i32
    %run_scoped3A = arith.constant 0 : i32
    "tpu.region"() ({
      %run_scoped3A_38 = tpu.sem_alloc : memref<!tpu.dma_semaphore, #tpu.memory_space<semaphore_mem>>
      %dma_start3A = arith.constant 0 : i32
      %dma_start3A_39 = arith.constant 0 : i32
      %dma_start3A_40 = tpu.memref_slice %arg10[%run_scoped3A, %dma_start3A, %dma_start3A_39] : memref<2x128x128xf32, #tpu.memory_space<vmem>> -> memref<1x128x128xf32, #tpu.memory_space<vmem>>
      %dma_start3A_41 = tpu.memref_squeeze %dma_start3A_40 : memref<1x128x128xf32, #tpu.memory_space<vmem>> -> memref<128x128xf32, #tpu.memory_space<vmem>>
      %dma_start3A_42 = arith.constant 0 : i32
      %dma_start3A_43 = tpu.memref_slice %arg11[%add3A_9, %dma_start3A_42] : memref<5128x128xf32, #tpu.memory_space<vmem_shared>> -> memref<128x128xf32, #tpu.memory_space<vmem_shared>>
      %dma_start3A_44 = arith.constant 0 : i32
      %dma_start3A_45 = tpu.memref_slice %arg11[%add3A_9, %dma_start3A_44] : memref<5128x128xf32, #tpu.memory_space<vmem_shared>> -> memref<128x128xf32, #tpu.memory_space<vmem_shared>>
      %dma_start3A_46 = arith.constant 0 : i32
      %dma_start3A_47 = arith.constant 0 : i32
      %dma_start3A_48 = tpu.memref_slice %arg10[%run_scoped3A, %dma_start3A_46, %dma_start3A_47] : memref<2x128x128xf32, #tpu.memory_space<vmem>> -> memref<1x128x128xf32, #tpu.memory_space<vmem>>
      %dma_start3A_49 = tpu.memref_squeeze %dma_start3A_48 : memref<1x128x128xf32, #tpu.memory_space<vmem>> -> memref<128x128xf32, #tpu.memory_space<vmem>>
      tpu.enqueue_dma source(%dma_start3A_49 : memref<128x128xf32, #tpu.memory_space<vmem>>) target(%dma_start3A_45 : memref<128x128xf32, #tpu.memory_space<vmem_shared>>) target_semaphore(%run_scoped3A_38 : memref<!tpu.dma_semaphore, #tpu.memory_space<semaphore_mem>>)
      %dma_wait3A = arith.constant 0 : i32
      %dma_wait3A_50 = arith.constant 0 : i32
      %dma_wait3A_51 = tpu.memref_slice %arg10[%run_scoped3A, %dma_wait3A, %dma_wait3A_50] : memref<2x128x128xf32, #tpu.memory_space<vmem>> -> memref<1x128x128xf32, #tpu.memory_space<vmem>>
      %dma_wait3A_52 = tpu.memref_squeeze %dma_wait3A_51 : memref<1x128x128xf32, #tpu.memory_space<vmem>> -> memref<128x128xf32, #tpu.memory_space<vmem>>
      %dma_wait3A_53 = arith.constant 0 : i32
      %dma_wait3A_54 = tpu.memref_slice %arg11[%add3A_9, %dma_wait3A_53] : memref<5128x128xf32, #tpu.memory_space<vmem_shared>> -> memref<128x128xf32, #tpu.memory_space<vmem_shared>>
      %dma_wait3A_55 = arith.constant 0 : i32
      %dma_wait3A_56 = tpu.memref_slice %arg11[%add3A_9, %dma_wait3A_55] : memref<5128x128xf32, #tpu.memory_space<vmem_shared>> -> memref<128x128xf32, #tpu.memory_space<vmem_shared>>
      %dma_wait3A_57 = arith.constant 0 : i32
      %dma_wait3A_58 = arith.constant 0 : i32
      %dma_wait3A_59 = tpu.memref_slice %arg10[%run_scoped3A, %dma_wait3A_57, %dma_wait3A_58] : memref<2x128x128xf32, #tpu.memory_space<vmem>> -> memref<1x128x128xf32, #tpu.memory_space<vmem>>
      %dma_wait3A_60 = tpu.memref_squeeze %dma_wait3A_59 : memref<1x128x128xf32, #tpu.memory_space<vmem>> -> memref<128x128xf32, #tpu.memory_space<vmem>>
      tpu.wait_dma2 semaphore(%run_scoped3A_38 : memref<!tpu.dma_semaphore, #tpu.memory_space<semaphore_mem>>) src(%dma_wait3A_60 : memref<128x128xf32, #tpu.memory_space<vmem>>) dst(%dma_wait3A_56 : memref<128x128xf32, #tpu.memory_space<vmem_shared>>)
      tpu.yield
    }) : () -> ()
    %mul3A_10 = arith.constant 320 : i32
    %mul3A_11 = arith.muli %arg1, %mul3A_10 : i32
    %add3A_12 = arith.constant 128 : i32
    %add3A_13 = arith.addi %mul3A_11, %add3A_12 : i32
    %run_scoped3A_14 = arith.constant 0 : i32
    "tpu.region"() ({
      %run_scoped3A_38 = tpu.sem_alloc : memref<!tpu.dma_semaphore, #tpu.memory_space<semaphore_mem>>
      %dma_start3A = arith.constant 0 : i32
      %dma_start3A_39 = arith.constant 0 : i32
      %dma_start3A_40 = tpu.memref_slice %arg10[%run_scoped3A_14, %dma_start3A, %dma_start3A_39] : memref<2x128x128xf32, #tpu.memory_space<vmem>> -> memref<1x128x128xf32, #tpu.memory_space<vmem>>
      %dma_start3A_41 = tpu.memref_squeeze %dma_start3A_40 : memref<1x128x128xf32, #tpu.memory_space<vmem>> -> memref<128x128xf32, #tpu.memory_space<vmem>>
      %dma_start3A_42 = arith.constant 0 : i32
      %dma_start3A_43 = tpu.memref_slice %arg11[%add3A_13, %dma_start3A_42] : memref<5128x128xf32, #tpu.memory_space<vmem_shared>> -> memref<128x128xf32, #tpu.memory_space<vmem_shared>>
      %dma_start3A_44 = arith.constant 0 : i32
      %dma_start3A_45 = tpu.memref_slice %arg11[%add3A_13, %dma_start3A_44] : memref<5128x128xf32, #tpu.memory_space<vmem_shared>> -> memref<128x128xf32, #tpu.memory_space<vmem_shared>>
      %dma_start3A_46 = arith.constant 0 : i32
      %dma_start3A_47 = arith.constant 0 : i32
      %dma_start3A_48 = tpu.memref_slice %arg10[%run_scoped3A_14, %dma_start3A_46, %dma_start3A_47] : memref<2x128x128xf32, #tpu.memory_space<vmem>> -> memref<1x128x128xf32, #tpu.memory_space<vmem>>
      %dma_start3A_49 = tpu.memref_squeeze %dma_start3A_48 : memref<1x128x128xf32, #tpu.memory_space<vmem>> -> memref<128x128xf32, #tpu.memory_space<vmem>>
      tpu.enqueue_dma source(%dma_start3A_49 : memref<128x128xf32, #tpu.memory_space<vmem>>) target(%dma_start3A_45 : memref<128x128xf32, #tpu.memory_space<vmem_shared>>) target_semaphore(%run_scoped3A_38 : memref<!tpu.dma_semaphore, #tpu.memory_space<semaphore_mem>>)
      %dma_wait3A = arith.constant 0 : i32
      %dma_wait3A_50 = arith.constant 0 : i32
      %dma_wait3A_51 = tpu.memref_slice %arg10[%run_scoped3A_14, %dma_wait3A, %dma_wait3A_50] : memref<2x128x128xf32, #tpu.memory_space<vmem>> -> memref<1x128x128xf32, #tpu.memory_space<vmem>>
      %dma_wait3A_52 = tpu.memref_squeeze %dma_wait3A_51 : memref<1x128x128xf32, #tpu.memory_space<vmem>> -> memref<128x128xf32, #tpu.memory_space<vmem>>
      %dma_wait3A_53 = arith.constant 0 : i32
      %dma_wait3A_54 = tpu.memref_slice %arg11[%add3A_13, %dma_wait3A_53] : memref<5128x128xf32, #tpu.memory_space<vmem_shared>> -> memref<128x128xf32, #tpu.memory_space<vmem_shared>>
      %dma_wait3A_55 = arith.constant 0 : i32
      %dma_wait3A_56 = tpu.memref_slice %arg11[%add3A_13, %dma_wait3A_55] : memref<5128x128xf32, #tpu.memory_space<vmem_shared>> -> memref<128x128xf32, #tpu.memory_space<vmem_shared>>
      %dma_wait3A_57 = arith.constant 0 : i32
      %dma_wait3A_58 = arith.constant 0 : i32
      %dma_wait3A_59 = tpu.memref_slice %arg10[%run_scoped3A_14, %dma_wait3A_57, %dma_wait3A_58] : memref<2x128x128xf32, #tpu.memory_space<vmem>> -> memref<1x128x128xf32, #tpu.memory_space<vmem>>
      %dma_wait3A_60 = tpu.memref_squeeze %dma_wait3A_59 : memref<1x128x128xf32, #tpu.memory_space<vmem>> -> memref<128x128xf32, #tpu.memory_space<vmem>>
      tpu.wait_dma2 semaphore(%run_scoped3A_38 : memref<!tpu.dma_semaphore, #tpu.memory_space<semaphore_mem>>) src(%dma_wait3A_60 : memref<128x128xf32, #tpu.memory_space<vmem>>) dst(%dma_wait3A_56 : memref<128x128xf32, #tpu.memory_space<vmem_shared>>)
      tpu.yield
    }) : () -> ()
    %mul3A_15 = arith.constant 320 : i32
    %mul3A_16 = arith.muli %arg1, %mul3A_15 : i32
    %add3A_17 = arith.constant 256 : i32
    %add3A_18 = arith.addi %mul3A_16, %add3A_17 : i32
    %run_scoped3A_19 = arith.constant 0 : i32
    "tpu.region"() ({
      %run_scoped3A_38 = tpu.sem_alloc : memref<!tpu.dma_semaphore, #tpu.memory_space<semaphore_mem>>
      %dma_start3A = arith.constant 0 : i32
      %dma_start3A_39 = arith.constant 0 : i32
      %dma_start3A_40 = tpu.memref_slice %arg10[%run_scoped3A_19, %dma_start3A, %dma_start3A_39] : memref<2x128x128xf32, #tpu.memory_space<vmem>> -> memref<1x128x128xf32, #tpu.memory_space<vmem>>
      %dma_start3A_41 = tpu.memref_squeeze %dma_start3A_40 : memref<1x128x128xf32, #tpu.memory_space<vmem>> -> memref<128x128xf32, #tpu.memory_space<vmem>>
      %dma_start3A_42 = arith.constant 0 : i32
      %dma_start3A_43 = arith.constant 0 : i32
      %dma_start3A_44 = tpu.memref_slice %dma_start3A_41[%dma_start3A_42, %dma_start3A_43] : memref<128x128xf32, #tpu.memory_space<vmem>> -> memref<64x128xf32, #tpu.memory_space<vmem>>
      %dma_start3A_45 = arith.constant 0 : i32
      %dma_start3A_46 = tpu.memref_slice %arg11[%add3A_18, %dma_start3A_45] : memref<5128x128xf32, #tpu.memory_space<vmem_shared>> -> memref<64x128xf32, #tpu.memory_space<vmem_shared>>
      %dma_start3A_47 = arith.constant 0 : i32
      %dma_start3A_48 = tpu.memref_slice %arg11[%add3A_18, %dma_start3A_47] : memref<5128x128xf32, #tpu.memory_space<vmem_shared>> -> memref<64x128xf32, #tpu.memory_space<vmem_shared>>
      %dma_start3A_49 = arith.constant 0 : i32
      %dma_start3A_50 = arith.constant 0 : i32
      %dma_start3A_51 = tpu.memref_slice %arg10[%run_scoped3A_19, %dma_start3A_49, %dma_start3A_50] : memref<2x128x128xf32, #tpu.memory_space<vmem>> -> memref<1x128x128xf32, #tpu.memory_space<vmem>>
      %dma_start3A_52 = tpu.memref_squeeze %dma_start3A_51 : memref<1x128x128xf32, #tpu.memory_space<vmem>> -> memref<128x128xf32, #tpu.memory_space<vmem>>
      %dma_start3A_53 = arith.constant 0 : i32
      %dma_start3A_54 = arith.constant 0 : i32
      %dma_start3A_55 = tpu.memref_slice %dma_start3A_52[%dma_start3A_53, %dma_start3A_54] : memref<128x128xf32, #tpu.memory_space<vmem>> -> memref<64x128xf32, #tpu.memory_space<vmem>>
      tpu.enqueue_dma source(%dma_start3A_55 : memref<64x128xf32, #tpu.memory_space<vmem>>) target(%dma_start3A_48 : memref<64x128xf32, #tpu.memory_space<vmem_shared>>) target_semaphore(%run_scoped3A_38 : memref<!tpu.dma_semaphore, #tpu.memory_space<semaphore_mem>>)
      %dma_wait3A = arith.constant 0 : i32
      %dma_wait3A_56 = arith.constant 0 : i32
      %dma_wait3A_57 = tpu.memref_slice %arg10[%run_scoped3A_19, %dma_wait3A, %dma_wait3A_56] : memref<2x128x128xf32, #tpu.memory_space<vmem>> -> memref<1x128x128xf32, #tpu.memory_space<vmem>>
      %dma_wait3A_58 = tpu.memref_squeeze %dma_wait3A_57 : memref<1x128x128xf32, #tpu.memory_space<vmem>> -> memref<128x128xf32, #tpu.memory_space<vmem>>
      %dma_wait3A_59 = arith.constant 0 : i32
      %dma_wait3A_60 = arith.constant 0 : i32
      %dma_wait3A_61 = tpu.memref_slice %dma_wait3A_58[%dma_wait3A_59, %dma_wait3A_60] : memref<128x128xf32, #tpu.memory_space<vmem>> -> memref<64x128xf32, #tpu.memory_space<vmem>>
      %dma_wait3A_62 = arith.constant 0 : i32
      %dma_wait3A_63 = tpu.memref_slice %arg11[%add3A_18, %dma_wait3A_62] : memref<5128x128xf32, #tpu.memory_space<vmem_shared>> -> memref<64x128xf32, #tpu.memory_space<vmem_shared>>
      %dma_wait3A_64 = arith.constant 0 : i32
      %dma_wait3A_65 = tpu.memref_slice %arg11[%add3A_18, %dma_wait3A_64] : memref<5128x128xf32, #tpu.memory_space<vmem_shared>> -> memref<64x128xf32, #tpu.memory_space<vmem_shared>>
      %dma_wait3A_66 = arith.constant 0 : i32
      %dma_wait3A_67 = arith.constant 0 : i32
      %dma_wait3A_68 = tpu.memref_slice %arg10[%run_scoped3A_19, %dma_wait3A_66, %dma_wait3A_67] : memref<2x128x128xf32, #tpu.memory_space<vmem>> -> memref<1x128x128xf32, #tpu.memory_space<vmem>>
      %dma_wait3A_69 = tpu.memref_squeeze %dma_wait3A_68 : memref<1x128x128xf32, #tpu.memory_space<vmem>> -> memref<128x128xf32, #tpu.memory_space<vmem>>
      %dma_wait3A_70 = arith.constant 0 : i32
      %dma_wait3A_71 = arith.constant 0 : i32
      %dma_wait3A_72 = tpu.memref_slice %dma_wait3A_69[%dma_wait3A_70, %dma_wait3A_71] : memref<128x128xf32, #tpu.memory_space<vmem>> -> memref<64x128xf32, #tpu.memory_space<vmem>>
      tpu.wait_dma2 semaphore(%run_scoped3A_38 : memref<!tpu.dma_semaphore, #tpu.memory_space<semaphore_mem>>) src(%dma_wait3A_72 : memref<64x128xf32, #tpu.memory_space<vmem>>) dst(%dma_wait3A_65 : memref<64x128xf32, #tpu.memory_space<vmem_shared>>)
      tpu.yield
    }) : () -> ()
    %barrier3A = arith.constant 0 : index
    tpu.barrier barrier_id(%barrier3A)
    %gt3A = arith.constant 0 : i32
    %gt3A_20 = arith.cmpi sgt, %squeeze3A, %gt3A : i32
    %convert_element_type3A = arith.extui %gt3A_20 : i1 to i32
    %cond3A = arith.constant 0 : i32
    %cond3A_21 = arith.cmpi ne, %convert_element_type3A, %cond3A : i32
    scf.if %cond3A_21 {
      %dma_start3A = arith.constant 0 : i32
      %dma_start3A_38 = arith.constant 0 : i32
      %dma_start3A_39 = arith.constant 0 : i32
      %dma_start3A_40 = tpu.memref_slice %arg10[%dma_start3A, %dma_start3A_38, %dma_start3A_39] : memref<2x128x128xf32, #tpu.memory_space<vmem>> -> memref<1x64x128xf32, #tpu.memory_space<vmem>>
      %dma_start3A_41 = tpu.memref_squeeze %dma_start3A_40 : memref<1x64x128xf32, #tpu.memory_space<vmem>> -> memref<64x128xf32, #tpu.memory_space<vmem>>
      %dma_start3A_42 = arith.constant 0 : i32
      %dma_start3A_43 = tpu.memref_slice %arg7[%dma_start3A_42] : memref<20736xi32, #tpu.memory_space<vmem>> -> memref<64xi32, #tpu.memory_space<vmem>>
      %dma_start3A_44 = arith.constant 0 : i32
      %dma_start3A_45 = arith.constant 0 : i32
      %dma_start3A_46 = tpu.memref_slice %arg2[%dma_start3A_44, %dma_start3A_45] : memref<10240x128xf32, #tpu.memory_space<hbm>> -> memref<10240x128xf32, #tpu.memory_space<hbm>>
      tpu.enqueue_indirect_dma source(%dma_start3A_46 : memref<10240x128xf32, #tpu.memory_space<hbm>>) target(%dma_start3A_41 : memref<64x128xf32, #tpu.memory_space<vmem>>) offsets(%dma_start3A_43 : memref<64xi32, #tpu.memory_space<vmem>>) semaphore(%arg12 : memref<!tpu.dma_semaphore, #tpu.memory_space<semaphore_mem>>)
      %dma_start3A_47 = arith.constant 0 : i32
      %dma_start3A_48 = arith.constant 64 : i32
      %dma_start3A_49 = arith.constant 0 : i32
      %dma_start3A_50 = tpu.memref_slice %arg10[%dma_start3A_47, %dma_start3A_48, %dma_start3A_49] : memref<2x128x128xf32, #tpu.memory_space<vmem>> -> memref<1x64x128xf32, #tpu.memory_space<vmem>>
      %dma_start3A_51 = tpu.memref_squeeze %dma_start3A_50 : memref<1x64x128xf32, #tpu.memory_space<vmem>> -> memref<64x128xf32, #tpu.memory_space<vmem>>
      %dma_start3A_52 = arith.constant 64 : i32
      %dma_start3A_53 = tpu.memref_slice %arg7[%dma_start3A_52] : memref<20736xi32, #tpu.memory_space<vmem>> -> memref<64xi32, #tpu.memory_space<vmem>>
      %dma_start3A_54 = arith.constant 0 : i32
      %dma_start3A_55 = arith.constant 0 : i32
      %dma_start3A_56 = tpu.memref_slice %arg2[%dma_start3A_54, %dma_start3A_55] : memref<10240x128xf32, #tpu.memory_space<hbm>> -> memref<10240x128xf32, #tpu.memory_space<hbm>>
      tpu.enqueue_indirect_dma source(%dma_start3A_56 : memref<10240x128xf32, #tpu.memory_space<hbm>>) target(%dma_start3A_51 : memref<64x128xf32, #tpu.memory_space<vmem>>) offsets(%dma_start3A_53 : memref<64xi32, #tpu.memory_space<vmem>>) semaphore(%arg12 : memref<!tpu.dma_semaphore, #tpu.memory_space<semaphore_mem>>)
    } else {
    }
    %while3A = arith.constant 0 : i32
    %while3A_22 = arith.constant 0 : i32
    %while3A_23 = arith.subi %squeeze3A, %while3A : i32
    %while3A_24 = arith.addi %while3A, %while3A_23 : i32
    %while3A_25 = arith.constant 1 : i32
    %while3A_26 = arith.divsi %while3A_23, %while3A_25 : i32
    %while3A_27 = arith.muli %while3A_26, %while3A_25 : i32
    %while3A_28 = arith.addi %while3A, %while3A_27 : i32
    %while3A_29 = arith.constant 1 : i32
    %while3A_30 = scf.for %while3A_38 = %while3A to %while3A_28 step %while3A_29 iter_args(%while3A_39 = %while3A_22) -> (i32)  : i32 {
      %rem3A = arith.constant 2 : i32
      %rem3A_40 = arith.remsi %while3A_38, %rem3A : i32
      %mul3A_41 = arith.constant 128 : i32
      %mul3A_42 = arith.muli %while3A_38, %mul3A_41 : i32
      %add3A_43 = arith.constant 0 : i32
      %add3A_44 = arith.addi %mul3A_42, %add3A_43 : i32
      %dma_wait3A = arith.constant 0 : i32
      %dma_wait3A_45 = arith.constant 0 : i32
      %dma_wait3A_46 = tpu.memref_slice %arg10[%rem3A_40, %dma_wait3A, %dma_wait3A_45] : memref<2x128x128xf32, #tpu.memory_space<vmem>> -> memref<1x64x128xf32, #tpu.memory_space<vmem>>
      %dma_wait3A_47 = tpu.memref_squeeze %dma_wait3A_46 : memref<1x64x128xf32, #tpu.memory_space<vmem>> -> memref<64x128xf32, #tpu.memory_space<vmem>>
      %dma_wait3A_48 = tpu.memref_slice %arg7[%add3A_44] : memref<20736xi32, #tpu.memory_space<vmem>> -> memref<64xi32, #tpu.memory_space<vmem>>
      %dma_wait3A_49 = arith.constant 0 : i32
      %dma_wait3A_50 = arith.constant 0 : i32
      %dma_wait3A_51 = tpu.memref_slice %arg2[%dma_wait3A_49, %dma_wait3A_50] : memref<10240x128xf32, #tpu.memory_space<hbm>> -> memref<10240x128xf32, #tpu.memory_space<hbm>>
      tpu.wait_indirect_dma semaphore(%arg12 : memref<!tpu.dma_semaphore, #tpu.memory_space<semaphore_mem>>) src(%dma_wait3A_51 : memref<10240x128xf32, #tpu.memory_space<hbm>>) dst(%dma_wait3A_47 : memref<64x128xf32, #tpu.memory_space<vmem>>)
      %mul3A_52 = arith.constant 128 : i32
      %mul3A_53 = arith.muli %while3A_38, %mul3A_52 : i32
      %add3A_54 = arith.constant 64 : i32
      %add3A_55 = arith.addi %mul3A_53, %add3A_54 : i32
      %dma_wait3A_56 = arith.constant 64 : i32
      %dma_wait3A_57 = arith.constant 0 : i32
      %dma_wait3A_58 = tpu.memref_slice %arg10[%rem3A_40, %dma_wait3A_56, %dma_wait3A_57] : memref<2x128x128xf32, #tpu.memory_space<vmem>> -> memref<1x64x128xf32, #tpu.memory_space<vmem>>
      %dma_wait3A_59 = tpu.memref_squeeze %dma_wait3A_58 : memref<1x64x128xf32, #tpu.memory_space<vmem>> -> memref<64x128xf32, #tpu.memory_space<vmem>>
      %dma_wait3A_60 = tpu.memref_slice %arg7[%add3A_55] : memref<20736xi32, #tpu.memory_space<vmem>> -> memref<64xi32, #tpu.memory_space<vmem>>
      %dma_wait3A_61 = arith.constant 0 : i32
      %dma_wait3A_62 = arith.constant 0 : i32
      %dma_wait3A_63 = tpu.memref_slice %arg2[%dma_wait3A_61, %dma_wait3A_62] : memref<10240x128xf32, #tpu.memory_space<hbm>> -> memref<10240x128xf32, #tpu.memory_space<hbm>>
      tpu.wait_indirect_dma semaphore(%arg12 : memref<!tpu.dma_semaphore, #tpu.memory_space<semaphore_mem>>) src(%dma_wait3A_63 : memref<10240x128xf32, #tpu.memory_space<hbm>>) dst(%dma_wait3A_59 : memref<64x128xf32, #tpu.memory_space<vmem>>)
      %add3A_64 = arith.constant 1 : i32
      %add3A_65 = arith.addi %while3A_38, %add3A_64 : i32
      %lt3A = arith.cmpi slt, %add3A_65, %squeeze3A : i32
      %convert_element_type3A_66 = arith.extui %lt3A : i1 to i32
      %cond3A_67 = arith.constant 0 : i32
      %cond3A_68 = arith.cmpi ne, %convert_element_type3A_66, %cond3A_67 : i32
      scf.if %cond3A_68 {
        %add3A_70 = arith.constant 1 : i32
        %add3A_71 = arith.addi %while3A_38, %add3A_70 : i32
        %sub3A = arith.constant 1 : i32
        %sub3A_72 = arith.subi %sub3A, %rem3A_40 : i32
        %mul3A_73 = arith.constant 128 : i32
        %mul3A_74 = arith.muli %add3A_71, %mul3A_73 : i32
        %add3A_75 = arith.constant 0 : i32
        %add3A_76 = arith.addi %mul3A_74, %add3A_75 : i32
        %dma_start3A = arith.constant 0 : i32
        %dma_start3A_77 = arith.constant 0 : i32
        %dma_start3A_78 = tpu.memref_slice %arg10[%sub3A_72, %dma_start3A, %dma_start3A_77] : memref<2x128x128xf32, #tpu.memory_space<vmem>> -> memref<1x64x128xf32, #tpu.memory_space<vmem>>
        %dma_start3A_79 = tpu.memref_squeeze %dma_start3A_78 : memref<1x64x128xf32, #tpu.memory_space<vmem>> -> memref<64x128xf32, #tpu.memory_space<vmem>>
        %dma_start3A_80 = tpu.memref_slice %arg7[%add3A_76] : memref<20736xi32, #tpu.memory_space<vmem>> -> memref<64xi32, #tpu.memory_space<vmem>>
        %dma_start3A_81 = arith.constant 0 : i32
        %dma_start3A_82 = arith.constant 0 : i32
        %dma_start3A_83 = tpu.memref_slice %arg2[%dma_start3A_81, %dma_start3A_82] : memref<10240x128xf32, #tpu.memory_space<hbm>> -> memref<10240x128xf32, #tpu.memory_space<hbm>>
        tpu.enqueue_indirect_dma source(%dma_start3A_83 : memref<10240x128xf32, #tpu.memory_space<hbm>>) target(%dma_start3A_79 : memref<64x128xf32, #tpu.memory_space<vmem>>) offsets(%dma_start3A_80 : memref<64xi32, #tpu.memory_space<vmem>>) semaphore(%arg12 : memref<!tpu.dma_semaphore, #tpu.memory_space<semaphore_mem>>)
        %mul3A_84 = arith.constant 128 : i32
        %mul3A_85 = arith.muli %add3A_71, %mul3A_84 : i32
        %add3A_86 = arith.constant 64 : i32
        %add3A_87 = arith.addi %mul3A_85, %add3A_86 : i32
        %dma_start3A_88 = arith.constant 64 : i32
        %dma_start3A_89 = arith.constant 0 : i32
        %dma_start3A_90 = tpu.memref_slice %arg10[%sub3A_72, %dma_start3A_88, %dma_start3A_89] : memref<2x128x128xf32, #tpu.memory_space<vmem>> -> memref<1x64x128xf32, #tpu.memory_space<vmem>>
        %dma_start3A_91 = tpu.memref_squeeze %dma_start3A_90 : memref<1x64x128xf32, #tpu.memory_space<vmem>> -> memref<64x128xf32, #tpu.memory_space<vmem>>
        %dma_start3A_92 = tpu.memref_slice %arg7[%add3A_87] : memref<20736xi32, #tpu.memory_space<vmem>> -> memref<64xi32, #tpu.memory_space<vmem>>
        %dma_start3A_93 = arith.constant 0 : i32
        %dma_start3A_94 = arith.constant 0 : i32
        %dma_start3A_95 = tpu.memref_slice %arg2[%dma_start3A_93, %dma_start3A_94] : memref<10240x128xf32, #tpu.memory_space<hbm>> -> memref<10240x128xf32, #tpu.memory_space<hbm>>
        tpu.enqueue_indirect_dma source(%dma_start3A_95 : memref<10240x128xf32, #tpu.memory_space<hbm>>) target(%dma_start3A_91 : memref<64x128xf32, #tpu.memory_space<vmem>>) offsets(%dma_start3A_92 : memref<64xi32, #tpu.memory_space<vmem>>) semaphore(%arg12 : memref<!tpu.dma_semaphore, #tpu.memory_space<semaphore_mem>>)
      } else {
      }
      "tpu.region"() ({
        %run_scoped3A_70 = tpu.sem_alloc : memref<!tpu.dma_semaphore, #tpu.memory_space<semaphore_mem>>
        %dma_start3A = arith.constant 0 : i32
        %dma_start3A_71 = arith.constant 0 : i32
        %dma_start3A_72 = tpu.memref_slice %arg10[%rem3A_40, %dma_start3A, %dma_start3A_71] : memref<2x128x128xf32, #tpu.memory_space<vmem>> -> memref<1x128x128xf32, #tpu.memory_space<vmem>>
        %dma_start3A_73 = tpu.memref_squeeze %dma_start3A_72 : memref<1x128x128xf32, #tpu.memory_space<vmem>> -> memref<128x128xf32, #tpu.memory_space<vmem>>
        %dma_start3A_74 = arith.constant 0 : i32
        %dma_start3A_75 = tpu.memref_slice %arg8[%while3A_38, %dma_start3A_74] : memref<162x128xi32, #tpu.memory_space<vmem>> -> memref<1x128xi32, #tpu.memory_space<vmem>>
        %dma_start3A_76 = tpu.memref_squeeze %dma_start3A_75 : memref<1x128xi32, #tpu.memory_space<vmem>> -> memref<128xi32, #tpu.memory_space<vmem>>
        %dma_start3A_77 = arith.constant 0 : i32
        %dma_start3A_78 = arith.constant 0 : i32
        %dma_start3A_79 = tpu.memref_slice %arg11[%dma_start3A_77, %dma_start3A_78] : memref<5128x128xf32, #tpu.memory_space<vmem_shared>> -> memref<5128x128xf32, #tpu.memory_space<vmem_shared>>
        tpu.enqueue_indirect_dma source(%dma_start3A_73 : memref<128x128xf32, #tpu.memory_space<vmem>>) target(%dma_start3A_79 : memref<5128x128xf32, #tpu.memory_space<vmem_shared>>) offsets(%dma_start3A_76 : memref<128xi32, #tpu.memory_space<vmem>>) semaphore(%run_scoped3A_70 : memref<!tpu.dma_semaphore, #tpu.memory_space<semaphore_mem>>) {add = true}
        %dma_wait3A_80 = arith.constant 0 : i32
        %dma_wait3A_81 = arith.constant 0 : i32
        %dma_wait3A_82 = tpu.memref_slice %arg10[%rem3A_40, %dma_wait3A_80, %dma_wait3A_81] : memref<2x128x128xf32, #tpu.memory_space<vmem>> -> memref<1x128x128xf32, #tpu.memory_space<vmem>>
        %dma_wait3A_83 = tpu.memref_squeeze %dma_wait3A_82 : memref<1x128x128xf32, #tpu.memory_space<vmem>> -> memref<128x128xf32, #tpu.memory_space<vmem>>
        %dma_wait3A_84 = arith.constant 0 : i32
        %dma_wait3A_85 = tpu.memref_slice %arg8[%while3A_38, %dma_wait3A_84] : memref<162x128xi32, #tpu.memory_space<vmem>> -> memref<1x128xi32, #tpu.memory_space<vmem>>
        %dma_wait3A_86 = tpu.memref_squeeze %dma_wait3A_85 : memref<1x128xi32, #tpu.memory_space<vmem>> -> memref<128xi32, #tpu.memory_space<vmem>>
        %dma_wait3A_87 = arith.constant 0 : i32
        %dma_wait3A_88 = arith.constant 0 : i32
        %dma_wait3A_89 = tpu.memref_slice %arg11[%dma_wait3A_87, %dma_wait3A_88] : memref<5128x128xf32, #tpu.memory_space<vmem_shared>> -> memref<5128x128xf32, #tpu.memory_space<vmem_shared>>
        tpu.wait_indirect_dma semaphore(%run_scoped3A_70 : memref<!tpu.dma_semaphore, #tpu.memory_space<semaphore_mem>>) src(%dma_wait3A_83 : memref<128x128xf32, #tpu.memory_space<vmem>>) dst(%dma_wait3A_89 : memref<5128x128xf32, #tpu.memory_space<vmem_shared>>)
        tpu.yield
      }) : () -> ()
      %while3A_69 = arith.constant 0 : i32
      scf.yield %while3A_69 : i32
    }
    %while3A_31 = arith.constant 1 : i32
    %while3A_32 = scf.for %while3A_38 = %while3A_28 to %while3A_24 step %while3A_31 iter_args(%while3A_39 = %while3A_30) -> (i32)  : i32 {
      %rem3A = arith.constant 2 : i32
      %rem3A_40 = arith.remsi %while3A_38, %rem3A : i32
      %mul3A_41 = arith.constant 128 : i32
      %mul3A_42 = arith.muli %while3A_38, %mul3A_41 : i32
      %add3A_43 = arith.constant 0 : i32
      %add3A_44 = arith.addi %mul3A_42, %add3A_43 : i32
      %dma_wait3A = arith.constant 0 : i32
      %dma_wait3A_45 = arith.constant 0 : i32
      %dma_wait3A_46 = tpu.memref_slice %arg10[%rem3A_40, %dma_wait3A, %dma_wait3A_45] : memref<2x128x128xf32, #tpu.memory_space<vmem>> -> memref<1x64x128xf32, #tpu.memory_space<vmem>>
      %dma_wait3A_47 = tpu.memref_squeeze %dma_wait3A_46 : memref<1x64x128xf32, #tpu.memory_space<vmem>> -> memref<64x128xf32, #tpu.memory_space<vmem>>
      %dma_wait3A_48 = tpu.memref_slice %arg7[%add3A_44] : memref<20736xi32, #tpu.memory_space<vmem>> -> memref<64xi32, #tpu.memory_space<vmem>>
      %dma_wait3A_49 = arith.constant 0 : i32
      %dma_wait3A_50 = arith.constant 0 : i32
      %dma_wait3A_51 = tpu.memref_slice %arg2[%dma_wait3A_49, %dma_wait3A_50] : memref<10240x128xf32, #tpu.memory_space<hbm>> -> memref<10240x128xf32, #tpu.memory_space<hbm>>
      tpu.wait_indirect_dma semaphore(%arg12 : memref<!tpu.dma_semaphore, #tpu.memory_space<semaphore_mem>>) src(%dma_wait3A_51 : memref<10240x128xf32, #tpu.memory_space<hbm>>) dst(%dma_wait3A_47 : memref<64x128xf32, #tpu.memory_space<vmem>>)
      %mul3A_52 = arith.constant 128 : i32
      %mul3A_53 = arith.muli %while3A_38, %mul3A_52 : i32
      %add3A_54 = arith.constant 64 : i32
      %add3A_55 = arith.addi %mul3A_53, %add3A_54 : i32
      %dma_wait3A_56 = arith.constant 64 : i32
      %dma_wait3A_57 = arith.constant 0 : i32
      %dma_wait3A_58 = tpu.memref_slice %arg10[%rem3A_40, %dma_wait3A_56, %dma_wait3A_57] : memref<2x128x128xf32, #tpu.memory_space<vmem>> -> memref<1x64x128xf32, #tpu.memory_space<vmem>>
      %dma_wait3A_59 = tpu.memref_squeeze %dma_wait3A_58 : memref<1x64x128xf32, #tpu.memory_space<vmem>> -> memref<64x128xf32, #tpu.memory_space<vmem>>
      %dma_wait3A_60 = tpu.memref_slice %arg7[%add3A_55] : memref<20736xi32, #tpu.memory_space<vmem>> -> memref<64xi32, #tpu.memory_space<vmem>>
      %dma_wait3A_61 = arith.constant 0 : i32
      %dma_wait3A_62 = arith.constant 0 : i32
      %dma_wait3A_63 = tpu.memref_slice %arg2[%dma_wait3A_61, %dma_wait3A_62] : memref<10240x128xf32, #tpu.memory_space<hbm>> -> memref<10240x128xf32, #tpu.memory_space<hbm>>
      tpu.wait_indirect_dma semaphore(%arg12 : memref<!tpu.dma_semaphore, #tpu.memory_space<semaphore_mem>>) src(%dma_wait3A_63 : memref<10240x128xf32, #tpu.memory_space<hbm>>) dst(%dma_wait3A_59 : memref<64x128xf32, #tpu.memory_space<vmem>>)
      %add3A_64 = arith.constant 1 : i32
      %add3A_65 = arith.addi %while3A_38, %add3A_64 : i32
      %lt3A = arith.cmpi slt, %add3A_65, %squeeze3A : i32
      %convert_element_type3A_66 = arith.extui %lt3A : i1 to i32
      %cond3A_67 = arith.constant 0 : i32
      %cond3A_68 = arith.cmpi ne, %convert_element_type3A_66, %cond3A_67 : i32
      scf.if %cond3A_68 {
        %add3A_70 = arith.constant 1 : i32
        %add3A_71 = arith.addi %while3A_38, %add3A_70 : i32
        %sub3A = arith.constant 1 : i32
        %sub3A_72 = arith.subi %sub3A, %rem3A_40 : i32
        %mul3A_73 = arith.constant 128 : i32
        %mul3A_74 = arith.muli %add3A_71, %mul3A_73 : i32
        %add3A_75 = arith.constant 0 : i32
        %add3A_76 = arith.addi %mul3A_74, %add3A_75 : i32
        %dma_start3A = arith.constant 0 : i32
        %dma_start3A_77 = arith.constant 0 : i32
        %dma_start3A_78 = tpu.memref_slice %arg10[%sub3A_72, %dma_start3A, %dma_start3A_77] : memref<2x128x128xf32, #tpu.memory_space<vmem>> -> memref<1x64x128xf32, #tpu.memory_space<vmem>>
        %dma_start3A_79 = tpu.memref_squeeze %dma_start3A_78 : memref<1x64x128xf32, #tpu.memory_space<vmem>> -> memref<64x128xf32, #tpu.memory_space<vmem>>
        %dma_start3A_80 = tpu.memref_slice %arg7[%add3A_76] : memref<20736xi32, #tpu.memory_space<vmem>> -> memref<64xi32, #tpu.memory_space<vmem>>
        %dma_start3A_81 = arith.constant 0 : i32
        %dma_start3A_82 = arith.constant 0 : i32
        %dma_start3A_83 = tpu.memref_slice %arg2[%dma_start3A_81, %dma_start3A_82] : memref<10240x128xf32, #tpu.memory_space<hbm>> -> memref<10240x128xf32, #tpu.memory_space<hbm>>
        tpu.enqueue_indirect_dma source(%dma_start3A_83 : memref<10240x128xf32, #tpu.memory_space<hbm>>) target(%dma_start3A_79 : memref<64x128xf32, #tpu.memory_space<vmem>>) offsets(%dma_start3A_80 : memref<64xi32, #tpu.memory_space<vmem>>) semaphore(%arg12 : memref<!tpu.dma_semaphore, #tpu.memory_space<semaphore_mem>>)
        %mul3A_84 = arith.constant 128 : i32
        %mul3A_85 = arith.muli %add3A_71, %mul3A_84 : i32
        %add3A_86 = arith.constant 64 : i32
        %add3A_87 = arith.addi %mul3A_85, %add3A_86 : i32
        %dma_start3A_88 = arith.constant 64 : i32
        %dma_start3A_89 = arith.constant 0 : i32
        %dma_start3A_90 = tpu.memref_slice %arg10[%sub3A_72, %dma_start3A_88, %dma_start3A_89] : memref<2x128x128xf32, #tpu.memory_space<vmem>> -> memref<1x64x128xf32, #tpu.memory_space<vmem>>
        %dma_start3A_91 = tpu.memref_squeeze %dma_start3A_90 : memref<1x64x128xf32, #tpu.memory_space<vmem>> -> memref<64x128xf32, #tpu.memory_space<vmem>>
        %dma_start3A_92 = tpu.memref_slice %arg7[%add3A_87] : memref<20736xi32, #tpu.memory_space<vmem>> -> memref<64xi32, #tpu.memory_space<vmem>>
        %dma_start3A_93 = arith.constant 0 : i32
        %dma_start3A_94 = arith.constant 0 : i32
        %dma_start3A_95 = tpu.memref_slice %arg2[%dma_start3A_93, %dma_start3A_94] : memref<10240x128xf32, #tpu.memory_space<hbm>> -> memref<10240x128xf32, #tpu.memory_space<hbm>>
        tpu.enqueue_indirect_dma source(%dma_start3A_95 : memref<10240x128xf32, #tpu.memory_space<hbm>>) target(%dma_start3A_91 : memref<64x128xf32, #tpu.memory_space<vmem>>) offsets(%dma_start3A_92 : memref<64xi32, #tpu.memory_space<vmem>>) semaphore(%arg12 : memref<!tpu.dma_semaphore, #tpu.memory_space<semaphore_mem>>)
      } else {
      }
      "tpu.region"() ({
        %run_scoped3A_70 = tpu.sem_alloc : memref<!tpu.dma_semaphore, #tpu.memory_space<semaphore_mem>>
        %dma_start3A = arith.constant 0 : i32
        %dma_start3A_71 = arith.constant 0 : i32
        %dma_start3A_72 = tpu.memref_slice %arg10[%rem3A_40, %dma_start3A, %dma_start3A_71] : memref<2x128x128xf32, #tpu.memory_space<vmem>> -> memref<1x128x128xf32, #tpu.memory_space<vmem>>
        %dma_start3A_73 = tpu.memref_squeeze %dma_start3A_72 : memref<1x128x128xf32, #tpu.memory_space<vmem>> -> memref<128x128xf32, #tpu.memory_space<vmem>>
        %dma_start3A_74 = arith.constant 0 : i32
        %dma_start3A_75 = tpu.memref_slice %arg8[%while3A_38, %dma_start3A_74] : memref<162x128xi32, #tpu.memory_space<vmem>> -> memref<1x128xi32, #tpu.memory_space<vmem>>
        %dma_start3A_76 = tpu.memref_squeeze %dma_start3A_75 : memref<1x128xi32, #tpu.memory_space<vmem>> -> memref<128xi32, #tpu.memory_space<vmem>>
        %dma_start3A_77 = arith.constant 0 : i32
        %dma_start3A_78 = arith.constant 0 : i32
        %dma_start3A_79 = tpu.memref_slice %arg11[%dma_start3A_77, %dma_start3A_78] : memref<5128x128xf32, #tpu.memory_space<vmem_shared>> -> memref<5128x128xf32, #tpu.memory_space<vmem_shared>>
        tpu.enqueue_indirect_dma source(%dma_start3A_73 : memref<128x128xf32, #tpu.memory_space<vmem>>) target(%dma_start3A_79 : memref<5128x128xf32, #tpu.memory_space<vmem_shared>>) offsets(%dma_start3A_76 : memref<128xi32, #tpu.memory_space<vmem>>) semaphore(%run_scoped3A_70 : memref<!tpu.dma_semaphore, #tpu.memory_space<semaphore_mem>>) {add = true}
        %dma_wait3A_80 = arith.constant 0 : i32
        %dma_wait3A_81 = arith.constant 0 : i32
        %dma_wait3A_82 = tpu.memref_slice %arg10[%rem3A_40, %dma_wait3A_80, %dma_wait3A_81] : memref<2x128x128xf32, #tpu.memory_space<vmem>> -> memref<1x128x128xf32, #tpu.memory_space<vmem>>
        %dma_wait3A_83 = tpu.memref_squeeze %dma_wait3A_82 : memref<1x128x128xf32, #tpu.memory_space<vmem>> -> memref<128x128xf32, #tpu.memory_space<vmem>>
        %dma_wait3A_84 = arith.constant 0 : i32
        %dma_wait3A_85 = tpu.memref_slice %arg8[%while3A_38, %dma_wait3A_84] : memref<162x128xi32, #tpu.memory_space<vmem>> -> memref<1x128xi32, #tpu.memory_space<vmem>>
        %dma_wait3A_86 = tpu.memref_squeeze %dma_wait3A_85 : memref<1x128xi32, #tpu.memory_space<vmem>> -> memref<128xi32, #tpu.memory_space<vmem>>
        %dma_wait3A_87 = arith.constant 0 : i32
        %dma_wait3A_88 = arith.constant 0 : i32
        %dma_wait3A_89 = tpu.memref_slice %arg11[%dma_wait3A_87, %dma_wait3A_88] : memref<5128x128xf32, #tpu.memory_space<vmem_shared>> -> memref<5128x128xf32, #tpu.memory_space<vmem_shared>>
        tpu.wait_indirect_dma semaphore(%run_scoped3A_70 : memref<!tpu.dma_semaphore, #tpu.memory_space<semaphore_mem>>) src(%dma_wait3A_83 : memref<128x128xf32, #tpu.memory_space<vmem>>) dst(%dma_wait3A_89 : memref<5128x128xf32, #tpu.memory_space<vmem_shared>>)
        tpu.yield
      }) : () -> ()
      %while3A_69 = arith.constant 0 : i32
      scf.yield %while3A_69 : i32
    }
    %barrier3A_33 = arith.constant 0 : index
    tpu.barrier barrier_id(%barrier3A_33)
    %mul3A_34 = arith.constant 320 : i32
    %mul3A_35 = arith.muli %arg1, %mul3A_34 : i32
    %mul3A_36 = arith.constant 320 : i32
    %mul3A_37 = arith.muli %arg1, %mul3A_36 : i32
    "tpu.region"() ({
      %run_scoped3A_38 = tpu.sem_alloc : memref<!tpu.dma_semaphore, #tpu.memory_space<semaphore_mem>>
      %dma_start3A = arith.constant 0 : i32
      %dma_start3A_39 = tpu.memref_slice %arg6[%arg0, %mul3A_37, %dma_start3A] : memref<2x5120x128xf32, #tpu.memory_space<hbm>> -> memref<1x320x128xf32, #tpu.memory_space<hbm>>
      %dma_start3A_40 = tpu.memref_squeeze %dma_start3A_39 : memref<1x320x128xf32, #tpu.memory_space<hbm>> -> memref<320x128xf32, #tpu.memory_space<hbm>>
      %dma_start3A_41 = arith.constant 0 : i32
      %dma_start3A_42 = tpu.memref_slice %arg11[%mul3A_35, %dma_start3A_41] : memref<5128x128xf32, #tpu.memory_space<vmem_shared>> -> memref<320x128xf32, #tpu.memory_space<vmem_shared>>
      tpu.enqueue_dma source(%dma_start3A_42 : memref<320x128xf32, #tpu.memory_space<vmem_shared>>) target(%dma_start3A_40 : memref<320x128xf32, #tpu.memory_space<hbm>>) target_semaphore(%run_scoped3A_38 : memref<!tpu.dma_semaphore, #tpu.memory_space<semaphore_mem>>)
      %dma_wait3A = arith.constant 0 : i32
      %dma_wait3A_43 = tpu.memref_slice %arg6[%arg0, %mul3A_37, %dma_wait3A] : memref<2x5120x128xf32, #tpu.memory_space<hbm>> -> memref<1x320x128xf32, #tpu.memory_space<hbm>>
      %dma_wait3A_44 = tpu.memref_squeeze %dma_wait3A_43 : memref<1x320x128xf32, #tpu.memory_space<hbm>> -> memref<320x128xf32, #tpu.memory_space<hbm>>
      %dma_wait3A_45 = arith.constant 0 : i32
      %dma_wait3A_46 = tpu.memref_slice %arg11[%mul3A_35, %dma_wait3A_45] : memref<5128x128xf32, #tpu.memory_space<vmem_shared>> -> memref<320x128xf32, #tpu.memory_space<vmem_shared>>
      tpu.wait_dma2 semaphore(%run_scoped3A_38 : memref<!tpu.dma_semaphore, #tpu.memory_space<semaphore_mem>>) src(%dma_wait3A_46 : memref<320x128xf32, #tpu.memory_space<vmem_shared>>) dst(%dma_wait3A_44 : memref<320x128xf32, #tpu.memory_space<hbm>>)
      tpu.yield
    }) : () -> ()
    return
  }
}

#map = affine_map<(d0, d1) -> (0, 0)>
#map1 = affine_map<(d0, d1) -> (0, 0, 0)>
#map2 = affine_map<(d0, d1) -> (0, 0, 0, 0)>
module attributes {stable_mosaic.version = 14 : i64} {
  func.func @sc_agg(%arg0: i32, %arg1: i32, %arg2: memref<10240x128xf32, #tpu.memory_space<hbm>>, %arg3: memref<2x16x20736xi32, #tpu.memory_space<hbm>>, %arg4: memref<2x16x162x128xi32, #tpu.memory_space<hbm>>, %arg5: memref<2x16x16xi32, #tpu.memory_space<hbm>>, %arg6: memref<2x5120x128xf32, #tpu.memory_space<hbm>>, %arg7: memref<20736xi32, #tpu.memory_space<vmem>>, %arg8: memref<162x128xi32, #tpu.memory_space<vmem>>, %arg9: memref<16xi32, #tpu.memory_space<vmem>>, %arg10: memref<2x128x128xf32, #tpu.memory_space<vmem>>, %arg11: memref<5128x128xf32, #tpu.memory_space<vmem_shared>>, %arg12: memref<!tpu.dma_semaphore, #tpu.memory_space<semaphore_mem>>) attributes {dimension_semantics = [#tpu.dimension_semantics<core_parallel>, #tpu.dimension_semantics<subcore_parallel>], iteration_bounds = array<i64: 2, 16>, scalar_prefetch = 0 : i64, scratch_operands = 6 : i64, tpu.core_type = #tpu.core_type<sc_vector_subcore>, window_params = [{transform_indices = #map}, {transform_indices = #map1}, {transform_indices = #map2}, {transform_indices = #map1}, {transform_indices = #map1}]} {
    "tpu.region"() ({
      %run_scoped3A_38 = tpu.sem_alloc : memref<!tpu.dma_semaphore, #tpu.memory_space<semaphore_mem>>
      %dma_start3A = arith.constant 0 : i32
      %dma_start3A_39 = tpu.memref_slice %arg3[%arg0, %arg1, %dma_start3A] : memref<2x16x20736xi32, #tpu.memory_space<hbm>> -> memref<1x1x20736xi32, #tpu.memory_space<hbm>>
      %dma_start3A_40 = tpu.memref_squeeze %dma_start3A_39 : memref<1x1x20736xi32, #tpu.memory_space<hbm>> -> memref<20736xi32, #tpu.memory_space<hbm>>
      %dma_start3A_41 = arith.constant 0 : i32
      %dma_start3A_42 = tpu.memref_slice %arg3[%arg0, %arg1, %dma_start3A_41] : memref<2x16x20736xi32, #tpu.memory_space<hbm>> -> memref<1x1x20736xi32, #tpu.memory_space<hbm>>
      %dma_start3A_43 = tpu.memref_squeeze %dma_start3A_42 : memref<1x1x20736xi32, #tpu.memory_space<hbm>> -> memref<20736xi32, #tpu.memory_space<hbm>>
      tpu.enqueue_dma source(%dma_start3A_43 : memref<20736xi32, #tpu.memory_space<hbm>>) target(%arg7 : memref<20736xi32, #tpu.memory_space<vmem>>) target_semaphore(%run_scoped3A_38 : memref<!tpu.dma_semaphore, #tpu.memory_space<semaphore_mem>>)
      %dma_wait3A = arith.constant 0 : i32
      %dma_wait3A_44 = tpu.memref_slice %arg3[%arg0, %arg1, %dma_wait3A] : memref<2x16x20736xi32, #tpu.memory_space<hbm>> -> memref<1x1x20736xi32, #tpu.memory_space<hbm>>
      %dma_wait3A_45 = tpu.memref_squeeze %dma_wait3A_44 : memref<1x1x20736xi32, #tpu.memory_space<hbm>> -> memref<20736xi32, #tpu.memory_space<hbm>>
      %dma_wait3A_46 = arith.constant 0 : i32
      %dma_wait3A_47 = tpu.memref_slice %arg3[%arg0, %arg1, %dma_wait3A_46] : memref<2x16x20736xi32, #tpu.memory_space<hbm>> -> memref<1x1x20736xi32, #tpu.memory_space<hbm>>
      %dma_wait3A_48 = tpu.memref_squeeze %dma_wait3A_47 : memref<1x1x20736xi32, #tpu.memory_space<hbm>> -> memref<20736xi32, #tpu.memory_space<hbm>>
      tpu.wait_dma2 semaphore(%run_scoped3A_38 : memref<!tpu.dma_semaphore, #tpu.memory_space<semaphore_mem>>) src(%dma_wait3A_48 : memref<20736xi32, #tpu.memory_space<hbm>>) dst(%arg7 : memref<20736xi32, #tpu.memory_space<vmem>>)
      tpu.yield
    }) : () -> ()
    "tpu.region"() ({
      %run_scoped3A_38 = tpu.sem_alloc : memref<!tpu.dma_semaphore, #tpu.memory_space<semaphore_mem>>
      %dma_start3A = arith.constant 0 : i32
      %dma_start3A_39 = arith.constant 0 : i32
      %dma_start3A_40 = tpu.memref_slice %arg4[%arg0, %arg1, %dma_start3A, %dma_start3A_39] : memref<2x16x162x128xi32, #tpu.memory_space<hbm>> -> memref<1x1x162x128xi32, #tpu.memory_space<hbm>>
      %dma_start3A_41 = tpu.memref_squeeze %dma_start3A_40 : memref<1x1x162x128xi32, #tpu.memory_space<hbm>> -> memref<162x128xi32, #tpu.memory_space<hbm>>
      %dma_start3A_42 = arith.constant 0 : i32
      %dma_start3A_43 = arith.constant 0 : i32
      %dma_start3A_44 = tpu.memref_slice %arg4[%arg0, %arg1, %dma_start3A_42, %dma_start3A_43] : memref<2x16x162x128xi32, #tpu.memory_space<hbm>> -> memref<1x1x162x128xi32, #tpu.memory_space<hbm>>
      %dma_start3A_45 = tpu.memref_squeeze %dma_start3A_44 : memref<1x1x162x128xi32, #tpu.memory_space<hbm>> -> memref<162x128xi32, #tpu.memory_space<hbm>>
      tpu.enqueue_dma source(%dma_start3A_45 : memref<162x128xi32, #tpu.memory_space<hbm>>) target(%arg8 : memref<162x128xi32, #tpu.memory_space<vmem>>) target_semaphore(%run_scoped3A_38 : memref<!tpu.dma_semaphore, #tpu.memory_space<semaphore_mem>>)
      %dma_wait3A = arith.constant 0 : i32
      %dma_wait3A_46 = arith.constant 0 : i32
      %dma_wait3A_47 = tpu.memref_slice %arg4[%arg0, %arg1, %dma_wait3A, %dma_wait3A_46] : memref<2x16x162x128xi32, #tpu.memory_space<hbm>> -> memref<1x1x162x128xi32, #tpu.memory_space<hbm>>
      %dma_wait3A_48 = tpu.memref_squeeze %dma_wait3A_47 : memref<1x1x162x128xi32, #tpu.memory_space<hbm>> -> memref<162x128xi32, #tpu.memory_space<hbm>>
      %dma_wait3A_49 = arith.constant 0 : i32
      %dma_wait3A_50 = arith.constant 0 : i32
      %dma_wait3A_51 = tpu.memref_slice %arg4[%arg0, %arg1, %dma_wait3A_49, %dma_wait3A_50] : memref<2x16x162x128xi32, #tpu.memory_space<hbm>> -> memref<1x1x162x128xi32, #tpu.memory_space<hbm>>
      %dma_wait3A_52 = tpu.memref_squeeze %dma_wait3A_51 : memref<1x1x162x128xi32, #tpu.memory_space<hbm>> -> memref<162x128xi32, #tpu.memory_space<hbm>>
      tpu.wait_dma2 semaphore(%run_scoped3A_38 : memref<!tpu.dma_semaphore, #tpu.memory_space<semaphore_mem>>) src(%dma_wait3A_52 : memref<162x128xi32, #tpu.memory_space<hbm>>) dst(%arg8 : memref<162x128xi32, #tpu.memory_space<vmem>>)
      tpu.yield
    }) : () -> ()
    "tpu.region"() ({
      %run_scoped3A_38 = tpu.sem_alloc : memref<!tpu.dma_semaphore, #tpu.memory_space<semaphore_mem>>
      %dma_start3A = arith.constant 0 : i32
      %dma_start3A_39 = tpu.memref_slice %arg5[%arg0, %arg1, %dma_start3A] : memref<2x16x16xi32, #tpu.memory_space<hbm>> -> memref<1x1x16xi32, #tpu.memory_space<hbm>>
      %dma_start3A_40 = tpu.memref_squeeze %dma_start3A_39 : memref<1x1x16xi32, #tpu.memory_space<hbm>> -> memref<16xi32, #tpu.memory_space<hbm>>
      %dma_start3A_41 = arith.constant 0 : i32
      %dma_start3A_42 = tpu.memref_slice %arg5[%arg0, %arg1, %dma_start3A_41] : memref<2x16x16xi32, #tpu.memory_space<hbm>> -> memref<1x1x16xi32, #tpu.memory_space<hbm>>
      %dma_start3A_43 = tpu.memref_squeeze %dma_start3A_42 : memref<1x1x16xi32, #tpu.memory_space<hbm>> -> memref<16xi32, #tpu.memory_space<hbm>>
      tpu.enqueue_dma source(%dma_start3A_43 : memref<16xi32, #tpu.memory_space<hbm>>) target(%arg9 : memref<16xi32, #tpu.memory_space<vmem>>) target_semaphore(%run_scoped3A_38 : memref<!tpu.dma_semaphore, #tpu.memory_space<semaphore_mem>>)
      %dma_wait3A = arith.constant 0 : i32
      %dma_wait3A_44 = tpu.memref_slice %arg5[%arg0, %arg1, %dma_wait3A] : memref<2x16x16xi32, #tpu.memory_space<hbm>> -> memref<1x1x16xi32, #tpu.memory_space<hbm>>
      %dma_wait3A_45 = tpu.memref_squeeze %dma_wait3A_44 : memref<1x1x16xi32, #tpu.memory_space<hbm>> -> memref<16xi32, #tpu.memory_space<hbm>>
      %dma_wait3A_46 = arith.constant 0 : i32
      %dma_wait3A_47 = tpu.memref_slice %arg5[%arg0, %arg1, %dma_wait3A_46] : memref<2x16x16xi32, #tpu.memory_space<hbm>> -> memref<1x1x16xi32, #tpu.memory_space<hbm>>
      %dma_wait3A_48 = tpu.memref_squeeze %dma_wait3A_47 : memref<1x1x16xi32, #tpu.memory_space<hbm>> -> memref<16xi32, #tpu.memory_space<hbm>>
      tpu.wait_dma2 semaphore(%run_scoped3A_38 : memref<!tpu.dma_semaphore, #tpu.memory_space<semaphore_mem>>) src(%dma_wait3A_48 : memref<16xi32, #tpu.memory_space<hbm>>) dst(%arg9 : memref<16xi32, #tpu.memory_space<vmem>>)
      tpu.yield
    }) : () -> ()
    %get3A = arith.constant 0 : index
    %get3A_0 = tpu.vector_load %arg9[%get3A] {strides = array<i32>} : memref<16xi32, #tpu.memory_space<vmem>>, vector<16xi32>,
    %get3A_1 = vector.shape_cast %get3A_0 : vector<16xi32> to vector<16xi32>
    %slice3A = vector.extract_strided_slice %get3A_1 {offsets = [0], sizes = [1], strides = [1]} : vector<16xi32> to vector<1xi32>
    %squeeze3A = vector.extract %slice3A[0] : i32 from vector<1xi32>
    %scan3A = arith.constant 0 : i32
    %scan3A_2 = arith.constant 0 : i32
    %scan3A_3 = arith.constant 128 : i32
    %scan3A_4 = arith.addi %scan3A_2, %scan3A_3 : i32
    %scan3A_5 = arith.constant 1 : i32
    %scan3A_6 = scf.for %scan3A_38 = %scan3A_2 to %scan3A_4 step %scan3A_5 iter_args(%scan3A_39 = %scan3A) -> (i32)  : i32 {
      %broadcast_in_dim3A = arith.constant 0.000000e+00 : f32
      %broadcast_in_dim3A_40 = vector.broadcast %broadcast_in_dim3A : f32 to vector<16xf32>
      %swap3A = arith.constant 0 : i32
      %swap3A_41 = arith.index_cast %swap3A : i32 to index
      %swap3A_42 = arith.index_cast %scan3A_38 : i32 to index
      %swap3A_43 = arith.constant 0 : index
      %swap3A_44 = tpu.vector_load %arg10[%swap3A_41, %swap3A_42, %swap3A_43] {strides = array<i32>} : memref<2x128x128xf32, #tpu.memory_space<vmem>>, vector<1x1x16xf32>,
      %swap3A_45 = vector.shape_cast %swap3A_44 : vector<1x1x16xf32> to vector<16xf32>
      %swap3A_46 = vector.shape_cast %broadcast_in_dim3A_40 : vector<16xf32> to vector<1x1x16xf32>
      tpu.vector_store %arg10[%swap3A_41, %swap3A_42, %swap3A_43], %swap3A_46 {strides = array<i32>} : memref<2x128x128xf32, #tpu.memory_space<vmem>>, vector<1x1x16xf32>,
      %broadcast_in_dim3A_47 = arith.constant 0.000000e+00 : f32
      %broadcast_in_dim3A_48 = vector.broadcast %broadcast_in_dim3A_47 : f32 to vector<16xf32>
      %swap3A_49 = arith.constant 0 : i32
      %swap3A_50 = arith.index_cast %swap3A_49 : i32 to index
      %swap3A_51 = arith.index_cast %scan3A_38 : i32 to index
      %swap3A_52 = arith.constant 16 : index
      %swap3A_53 = tpu.vector_load %arg10[%swap3A_50, %swap3A_51, %swap3A_52] {strides = array<i32>} : memref<2x128x128xf32, #tpu.memory_space<vmem>>, vector<1x1x16xf32>,
      %swap3A_54 = vector.shape_cast %swap3A_53 : vector<1x1x16xf32> to vector<16xf32>
      %swap3A_55 = vector.shape_cast %broadcast_in_dim3A_48 : vector<16xf32> to vector<1x1x16xf32>
      tpu.vector_store %arg10[%swap3A_50, %swap3A_51, %swap3A_52], %swap3A_55 {strides = array<i32>} : memref<2x128x128xf32, #tpu.memory_space<vmem>>, vector<1x1x16xf32>,
      %broadcast_in_dim3A_56 = arith.constant 0.000000e+00 : f32
      %broadcast_in_dim3A_57 = vector.broadcast %broadcast_in_dim3A_56 : f32 to vector<16xf32>
      %swap3A_58 = arith.constant 0 : i32
      %swap3A_59 = arith.index_cast %swap3A_58 : i32 to index
      %swap3A_60 = arith.index_cast %scan3A_38 : i32 to index
      %swap3A_61 = arith.constant 32 : index
      %swap3A_62 = tpu.vector_load %arg10[%swap3A_59, %swap3A_60, %swap3A_61] {strides = array<i32>} : memref<2x128x128xf32, #tpu.memory_space<vmem>>, vector<1x1x16xf32>,
      %swap3A_63 = vector.shape_cast %swap3A_62 : vector<1x1x16xf32> to vector<16xf32>
      %swap3A_64 = vector.shape_cast %broadcast_in_dim3A_57 : vector<16xf32> to vector<1x1x16xf32>
      tpu.vector_store %arg10[%swap3A_59, %swap3A_60, %swap3A_61], %swap3A_64 {strides = array<i32>} : memref<2x128x128xf32, #tpu.memory_space<vmem>>, vector<1x1x16xf32>,
      %broadcast_in_dim3A_65 = arith.constant 0.000000e+00 : f32
      %broadcast_in_dim3A_66 = vector.broadcast %broadcast_in_dim3A_65 : f32 to vector<16xf32>
      %swap3A_67 = arith.constant 0 : i32
      %swap3A_68 = arith.index_cast %swap3A_67 : i32 to index
      %swap3A_69 = arith.index_cast %scan3A_38 : i32 to index
      %swap3A_70 = arith.constant 48 : index
      %swap3A_71 = tpu.vector_load %arg10[%swap3A_68, %swap3A_69, %swap3A_70] {strides = array<i32>} : memref<2x128x128xf32, #tpu.memory_space<vmem>>, vector<1x1x16xf32>,
      %swap3A_72 = vector.shape_cast %swap3A_71 : vector<1x1x16xf32> to vector<16xf32>
      %swap3A_73 = vector.shape_cast %broadcast_in_dim3A_66 : vector<16xf32> to vector<1x1x16xf32>
      tpu.vector_store %arg10[%swap3A_68, %swap3A_69, %swap3A_70], %swap3A_73 {strides = array<i32>} : memref<2x128x128xf32, #tpu.memory_space<vmem>>, vector<1x1x16xf32>,
      %broadcast_in_dim3A_74 = arith.constant 0.000000e+00 : f32
      %broadcast_in_dim3A_75 = vector.broadcast %broadcast_in_dim3A_74 : f32 to vector<16xf32>
      %swap3A_76 = arith.constant 0 : i32
      %swap3A_77 = arith.index_cast %swap3A_76 : i32 to index
      %swap3A_78 = arith.index_cast %scan3A_38 : i32 to index
      %swap3A_79 = arith.constant 64 : index
      %swap3A_80 = tpu.vector_load %arg10[%swap3A_77, %swap3A_78, %swap3A_79] {strides = array<i32>} : memref<2x128x128xf32, #tpu.memory_space<vmem>>, vector<1x1x16xf32>,
      %swap3A_81 = vector.shape_cast %swap3A_80 : vector<1x1x16xf32> to vector<16xf32>
      %swap3A_82 = vector.shape_cast %broadcast_in_dim3A_75 : vector<16xf32> to vector<1x1x16xf32>
      tpu.vector_store %arg10[%swap3A_77, %swap3A_78, %swap3A_79], %swap3A_82 {strides = array<i32>} : memref<2x128x128xf32, #tpu.memory_space<vmem>>, vector<1x1x16xf32>,
      %broadcast_in_dim3A_83 = arith.constant 0.000000e+00 : f32
      %broadcast_in_dim3A_84 = vector.broadcast %broadcast_in_dim3A_83 : f32 to vector<16xf32>
      %swap3A_85 = arith.constant 0 : i32
      %swap3A_86 = arith.index_cast %swap3A_85 : i32 to index
      %swap3A_87 = arith.index_cast %scan3A_38 : i32 to index
      %swap3A_88 = arith.constant 80 : index
      %swap3A_89 = tpu.vector_load %arg10[%swap3A_86, %swap3A_87, %swap3A_88] {strides = array<i32>} : memref<2x128x128xf32, #tpu.memory_space<vmem>>, vector<1x1x16xf32>,
      %swap3A_90 = vector.shape_cast %swap3A_89 : vector<1x1x16xf32> to vector<16xf32>
      %swap3A_91 = vector.shape_cast %broadcast_in_dim3A_84 : vector<16xf32> to vector<1x1x16xf32>
      tpu.vector_store %arg10[%swap3A_86, %swap3A_87, %swap3A_88], %swap3A_91 {strides = array<i32>} : memref<2x128x128xf32, #tpu.memory_space<vmem>>, vector<1x1x16xf32>,
      %broadcast_in_dim3A_92 = arith.constant 0.000000e+00 : f32
      %broadcast_in_dim3A_93 = vector.broadcast %broadcast_in_dim3A_92 : f32 to vector<16xf32>
      %swap3A_94 = arith.constant 0 : i32
      %swap3A_95 = arith.index_cast %swap3A_94 : i32 to index
      %swap3A_96 = arith.index_cast %scan3A_38 : i32 to index
      %swap3A_97 = arith.constant 96 : index
      %swap3A_98 = tpu.vector_load %arg10[%swap3A_95, %swap3A_96, %swap3A_97] {strides = array<i32>} : memref<2x128x128xf32, #tpu.memory_space<vmem>>, vector<1x1x16xf32>,
      %swap3A_99 = vector.shape_cast %swap3A_98 : vector<1x1x16xf32> to vector<16xf32>
      %swap3A_100 = vector.shape_cast %broadcast_in_dim3A_93 : vector<16xf32> to vector<1x1x16xf32>
      tpu.vector_store %arg10[%swap3A_95, %swap3A_96, %swap3A_97], %swap3A_100 {strides = array<i32>} : memref<2x128x128xf32, #tpu.memory_space<vmem>>, vector<1x1x16xf32>,
      %broadcast_in_dim3A_101 = arith.constant 0.000000e+00 : f32
      %broadcast_in_dim3A_102 = vector.broadcast %broadcast_in_dim3A_101 : f32 to vector<16xf32>
      %swap3A_103 = arith.constant 0 : i32
      %swap3A_104 = arith.index_cast %swap3A_103 : i32 to index
      %swap3A_105 = arith.index_cast %scan3A_38 : i32 to index
      %swap3A_106 = arith.constant 112 : index
      %swap3A_107 = tpu.vector_load %arg10[%swap3A_104, %swap3A_105, %swap3A_106] {strides = array<i32>} : memref<2x128x128xf32, #tpu.memory_space<vmem>>, vector<1x1x16xf32>,
      %swap3A_108 = vector.shape_cast %swap3A_107 : vector<1x1x16xf32> to vector<16xf32>
      %swap3A_109 = vector.shape_cast %broadcast_in_dim3A_102 : vector<16xf32> to vector<1x1x16xf32>
      tpu.vector_store %arg10[%swap3A_104, %swap3A_105, %swap3A_106], %swap3A_109 {strides = array<i32>} : memref<2x128x128xf32, #tpu.memory_space<vmem>>, vector<1x1x16xf32>,
      %scan3A_110 = arith.constant 0 : i32
      scf.yield %scan3A_110 : i32
    }
    %scan3A_7 = arith.constant 128 : i32
    %mul3A = arith.constant 320 : i32
    %mul3A_8 = arith.muli %arg1, %mul3A : i32
    %add3A = arith.constant 0 : i32
    %add3A_9 = arith.addi %mul3A_8, %add3A : i32
    %run_scoped3A = arith.constant 0 : i32
    "tpu.region"() ({
      %run_scoped3A_38 = tpu.sem_alloc : memref<!tpu.dma_semaphore, #tpu.memory_space<semaphore_mem>>
      %dma_start3A = arith.constant 0 : i32
      %dma_start3A_39 = arith.constant 0 : i32
      %dma_start3A_40 = tpu.memref_slice %arg10[%run_scoped3A, %dma_start3A, %dma_start3A_39] : memref<2x128x128xf32, #tpu.memory_space<vmem>> -> memref<1x128x128xf32, #tpu.memory_space<vmem>>
      %dma_start3A_41 = tpu.memref_squeeze %dma_start3A_40 : memref<1x128x128xf32, #tpu.memory_space<vmem>> -> memref<128x128xf32, #tpu.memory_space<vmem>>
      %dma_start3A_42 = arith.constant 0 : i32
      %dma_start3A_43 = tpu.memref_slice %arg11[%add3A_9, %dma_start3A_42] : memref<5128x128xf32, #tpu.memory_space<vmem_shared>> -> memref<128x128xf32, #tpu.memory_space<vmem_shared>>
      %dma_start3A_44 = arith.constant 0 : i32
      %dma_start3A_45 = tpu.memref_slice %arg11[%add3A_9, %dma_start3A_44] : memref<5128x128xf32, #tpu.memory_space<vmem_shared>> -> memref<128x128xf32, #tpu.memory_space<vmem_shared>>
      %dma_start3A_46 = arith.constant 0 : i32
      %dma_start3A_47 = arith.constant 0 : i32
      %dma_start3A_48 = tpu.memref_slice %arg10[%run_scoped3A, %dma_start3A_46, %dma_start3A_47] : memref<2x128x128xf32, #tpu.memory_space<vmem>> -> memref<1x128x128xf32, #tpu.memory_space<vmem>>
      %dma_start3A_49 = tpu.memref_squeeze %dma_start3A_48 : memref<1x128x128xf32, #tpu.memory_space<vmem>> -> memref<128x128xf32, #tpu.memory_space<vmem>>
      tpu.enqueue_dma source(%dma_start3A_49 : memref<128x128xf32, #tpu.memory_space<vmem>>) target(%dma_start3A_45 : memref<128x128xf32, #tpu.memory_space<vmem_shared>>) target_semaphore(%run_scoped3A_38 : memref<!tpu.dma_semaphore, #tpu.memory_space<semaphore_mem>>)
      %dma_wait3A = arith.constant 0 : i32
      %dma_wait3A_50 = arith.constant 0 : i32
      %dma_wait3A_51 = tpu.memref_slice %arg10[%run_scoped3A, %dma_wait3A, %dma_wait3A_50] : memref<2x128x128xf32, #tpu.memory_space<vmem>> -> memref<1x128x128xf32, #tpu.memory_space<vmem>>
      %dma_wait3A_52 = tpu.memref_squeeze %dma_wait3A_51 : memref<1x128x128xf32, #tpu.memory_space<vmem>> -> memref<128x128xf32, #tpu.memory_space<vmem>>
      %dma_wait3A_53 = arith.constant 0 : i32
      %dma_wait3A_54 = tpu.memref_slice %arg11[%add3A_9, %dma_wait3A_53] : memref<5128x128xf32, #tpu.memory_space<vmem_shared>> -> memref<128x128xf32, #tpu.memory_space<vmem_shared>>
      %dma_wait3A_55 = arith.constant 0 : i32
      %dma_wait3A_56 = tpu.memref_slice %arg11[%add3A_9, %dma_wait3A_55] : memref<5128x128xf32, #tpu.memory_space<vmem_shared>> -> memref<128x128xf32, #tpu.memory_space<vmem_shared>>
      %dma_wait3A_57 = arith.constant 0 : i32
      %dma_wait3A_58 = arith.constant 0 : i32
      %dma_wait3A_59 = tpu.memref_slice %arg10[%run_scoped3A, %dma_wait3A_57, %dma_wait3A_58] : memref<2x128x128xf32, #tpu.memory_space<vmem>> -> memref<1x128x128xf32, #tpu.memory_space<vmem>>
      %dma_wait3A_60 = tpu.memref_squeeze %dma_wait3A_59 : memref<1x128x128xf32, #tpu.memory_space<vmem>> -> memref<128x128xf32, #tpu.memory_space<vmem>>
      tpu.wait_dma2 semaphore(%run_scoped3A_38 : memref<!tpu.dma_semaphore, #tpu.memory_space<semaphore_mem>>) src(%dma_wait3A_60 : memref<128x128xf32, #tpu.memory_space<vmem>>) dst(%dma_wait3A_56 : memref<128x128xf32, #tpu.memory_space<vmem_shared>>)
      tpu.yield
    }) : () -> ()
    %mul3A_10 = arith.constant 320 : i32
    %mul3A_11 = arith.muli %arg1, %mul3A_10 : i32
    %add3A_12 = arith.constant 128 : i32
    %add3A_13 = arith.addi %mul3A_11, %add3A_12 : i32
    %run_scoped3A_14 = arith.constant 0 : i32
    "tpu.region"() ({
      %run_scoped3A_38 = tpu.sem_alloc : memref<!tpu.dma_semaphore, #tpu.memory_space<semaphore_mem>>
      %dma_start3A = arith.constant 0 : i32
      %dma_start3A_39 = arith.constant 0 : i32
      %dma_start3A_40 = tpu.memref_slice %arg10[%run_scoped3A_14, %dma_start3A, %dma_start3A_39] : memref<2x128x128xf32, #tpu.memory_space<vmem>> -> memref<1x128x128xf32, #tpu.memory_space<vmem>>
      %dma_start3A_41 = tpu.memref_squeeze %dma_start3A_40 : memref<1x128x128xf32, #tpu.memory_space<vmem>> -> memref<128x128xf32, #tpu.memory_space<vmem>>
      %dma_start3A_42 = arith.constant 0 : i32
      %dma_start3A_43 = tpu.memref_slice %arg11[%add3A_13, %dma_start3A_42] : memref<5128x128xf32, #tpu.memory_space<vmem_shared>> -> memref<128x128xf32, #tpu.memory_space<vmem_shared>>
      %dma_start3A_44 = arith.constant 0 : i32
      %dma_start3A_45 = tpu.memref_slice %arg11[%add3A_13, %dma_start3A_44] : memref<5128x128xf32, #tpu.memory_space<vmem_shared>> -> memref<128x128xf32, #tpu.memory_space<vmem_shared>>
      %dma_start3A_46 = arith.constant 0 : i32
      %dma_start3A_47 = arith.constant 0 : i32
      %dma_start3A_48 = tpu.memref_slice %arg10[%run_scoped3A_14, %dma_start3A_46, %dma_start3A_47] : memref<2x128x128xf32, #tpu.memory_space<vmem>> -> memref<1x128x128xf32, #tpu.memory_space<vmem>>
      %dma_start3A_49 = tpu.memref_squeeze %dma_start3A_48 : memref<1x128x128xf32, #tpu.memory_space<vmem>> -> memref<128x128xf32, #tpu.memory_space<vmem>>
      tpu.enqueue_dma source(%dma_start3A_49 : memref<128x128xf32, #tpu.memory_space<vmem>>) target(%dma_start3A_45 : memref<128x128xf32, #tpu.memory_space<vmem_shared>>) target_semaphore(%run_scoped3A_38 : memref<!tpu.dma_semaphore, #tpu.memory_space<semaphore_mem>>)
      %dma_wait3A = arith.constant 0 : i32
      %dma_wait3A_50 = arith.constant 0 : i32
      %dma_wait3A_51 = tpu.memref_slice %arg10[%run_scoped3A_14, %dma_wait3A, %dma_wait3A_50] : memref<2x128x128xf32, #tpu.memory_space<vmem>> -> memref<1x128x128xf32, #tpu.memory_space<vmem>>
      %dma_wait3A_52 = tpu.memref_squeeze %dma_wait3A_51 : memref<1x128x128xf32, #tpu.memory_space<vmem>> -> memref<128x128xf32, #tpu.memory_space<vmem>>
      %dma_wait3A_53 = arith.constant 0 : i32
      %dma_wait3A_54 = tpu.memref_slice %arg11[%add3A_13, %dma_wait3A_53] : memref<5128x128xf32, #tpu.memory_space<vmem_shared>> -> memref<128x128xf32, #tpu.memory_space<vmem_shared>>
      %dma_wait3A_55 = arith.constant 0 : i32
      %dma_wait3A_56 = tpu.memref_slice %arg11[%add3A_13, %dma_wait3A_55] : memref<5128x128xf32, #tpu.memory_space<vmem_shared>> -> memref<128x128xf32, #tpu.memory_space<vmem_shared>>
      %dma_wait3A_57 = arith.constant 0 : i32
      %dma_wait3A_58 = arith.constant 0 : i32
      %dma_wait3A_59 = tpu.memref_slice %arg10[%run_scoped3A_14, %dma_wait3A_57, %dma_wait3A_58] : memref<2x128x128xf32, #tpu.memory_space<vmem>> -> memref<1x128x128xf32, #tpu.memory_space<vmem>>
      %dma_wait3A_60 = tpu.memref_squeeze %dma_wait3A_59 : memref<1x128x128xf32, #tpu.memory_space<vmem>> -> memref<128x128xf32, #tpu.memory_space<vmem>>
      tpu.wait_dma2 semaphore(%run_scoped3A_38 : memref<!tpu.dma_semaphore, #tpu.memory_space<semaphore_mem>>) src(%dma_wait3A_60 : memref<128x128xf32, #tpu.memory_space<vmem>>) dst(%dma_wait3A_56 : memref<128x128xf32, #tpu.memory_space<vmem_shared>>)
      tpu.yield
    }) : () -> ()
    %mul3A_15 = arith.constant 320 : i32
    %mul3A_16 = arith.muli %arg1, %mul3A_15 : i32
    %add3A_17 = arith.constant 256 : i32
    %add3A_18 = arith.addi %mul3A_16, %add3A_17 : i32
    %run_scoped3A_19 = arith.constant 0 : i32
    "tpu.region"() ({
      %run_scoped3A_38 = tpu.sem_alloc : memref<!tpu.dma_semaphore, #tpu.memory_space<semaphore_mem>>
      %dma_start3A = arith.constant 0 : i32
      %dma_start3A_39 = arith.constant 0 : i32
      %dma_start3A_40 = tpu.memref_slice %arg10[%run_scoped3A_19, %dma_start3A, %dma_start3A_39] : memref<2x128x128xf32, #tpu.memory_space<vmem>> -> memref<1x128x128xf32, #tpu.memory_space<vmem>>
      %dma_start3A_41 = tpu.memref_squeeze %dma_start3A_40 : memref<1x128x128xf32, #tpu.memory_space<vmem>> -> memref<128x128xf32, #tpu.memory_space<vmem>>
      %dma_start3A_42 = arith.constant 0 : i32
      %dma_start3A_43 = arith.constant 0 : i32
      %dma_start3A_44 = tpu.memref_slice %dma_start3A_41[%dma_start3A_42, %dma_start3A_43] : memref<128x128xf32, #tpu.memory_space<vmem>> -> memref<64x128xf32, #tpu.memory_space<vmem>>
      %dma_start3A_45 = arith.constant 0 : i32
      %dma_start3A_46 = tpu.memref_slice %arg11[%add3A_18, %dma_start3A_45] : memref<5128x128xf32, #tpu.memory_space<vmem_shared>> -> memref<64x128xf32, #tpu.memory_space<vmem_shared>>
      %dma_start3A_47 = arith.constant 0 : i32
      %dma_start3A_48 = tpu.memref_slice %arg11[%add3A_18, %dma_start3A_47] : memref<5128x128xf32, #tpu.memory_space<vmem_shared>> -> memref<64x128xf32, #tpu.memory_space<vmem_shared>>
      %dma_start3A_49 = arith.constant 0 : i32
      %dma_start3A_50 = arith.constant 0 : i32
      %dma_start3A_51 = tpu.memref_slice %arg10[%run_scoped3A_19, %dma_start3A_49, %dma_start3A_50] : memref<2x128x128xf32, #tpu.memory_space<vmem>> -> memref<1x128x128xf32, #tpu.memory_space<vmem>>
      %dma_start3A_52 = tpu.memref_squeeze %dma_start3A_51 : memref<1x128x128xf32, #tpu.memory_space<vmem>> -> memref<128x128xf32, #tpu.memory_space<vmem>>
      %dma_start3A_53 = arith.constant 0 : i32
      %dma_start3A_54 = arith.constant 0 : i32
      %dma_start3A_55 = tpu.memref_slice %dma_start3A_52[%dma_start3A_53, %dma_start3A_54] : memref<128x128xf32, #tpu.memory_space<vmem>> -> memref<64x128xf32, #tpu.memory_space<vmem>>
      tpu.enqueue_dma source(%dma_start3A_55 : memref<64x128xf32, #tpu.memory_space<vmem>>) target(%dma_start3A_48 : memref<64x128xf32, #tpu.memory_space<vmem_shared>>) target_semaphore(%run_scoped3A_38 : memref<!tpu.dma_semaphore, #tpu.memory_space<semaphore_mem>>)
      %dma_wait3A = arith.constant 0 : i32
      %dma_wait3A_56 = arith.constant 0 : i32
      %dma_wait3A_57 = tpu.memref_slice %arg10[%run_scoped3A_19, %dma_wait3A, %dma_wait3A_56] : memref<2x128x128xf32, #tpu.memory_space<vmem>> -> memref<1x128x128xf32, #tpu.memory_space<vmem>>
      %dma_wait3A_58 = tpu.memref_squeeze %dma_wait3A_57 : memref<1x128x128xf32, #tpu.memory_space<vmem>> -> memref<128x128xf32, #tpu.memory_space<vmem>>
      %dma_wait3A_59 = arith.constant 0 : i32
      %dma_wait3A_60 = arith.constant 0 : i32
      %dma_wait3A_61 = tpu.memref_slice %dma_wait3A_58[%dma_wait3A_59, %dma_wait3A_60] : memref<128x128xf32, #tpu.memory_space<vmem>> -> memref<64x128xf32, #tpu.memory_space<vmem>>
      %dma_wait3A_62 = arith.constant 0 : i32
      %dma_wait3A_63 = tpu.memref_slice %arg11[%add3A_18, %dma_wait3A_62] : memref<5128x128xf32, #tpu.memory_space<vmem_shared>> -> memref<64x128xf32, #tpu.memory_space<vmem_shared>>
      %dma_wait3A_64 = arith.constant 0 : i32
      %dma_wait3A_65 = tpu.memref_slice %arg11[%add3A_18, %dma_wait3A_64] : memref<5128x128xf32, #tpu.memory_space<vmem_shared>> -> memref<64x128xf32, #tpu.memory_space<vmem_shared>>
      %dma_wait3A_66 = arith.constant 0 : i32
      %dma_wait3A_67 = arith.constant 0 : i32
      %dma_wait3A_68 = tpu.memref_slice %arg10[%run_scoped3A_19, %dma_wait3A_66, %dma_wait3A_67] : memref<2x128x128xf32, #tpu.memory_space<vmem>> -> memref<1x128x128xf32, #tpu.memory_space<vmem>>
      %dma_wait3A_69 = tpu.memref_squeeze %dma_wait3A_68 : memref<1x128x128xf32, #tpu.memory_space<vmem>> -> memref<128x128xf32, #tpu.memory_space<vmem>>
      %dma_wait3A_70 = arith.constant 0 : i32
      %dma_wait3A_71 = arith.constant 0 : i32
      %dma_wait3A_72 = tpu.memref_slice %dma_wait3A_69[%dma_wait3A_70, %dma_wait3A_71] : memref<128x128xf32, #tpu.memory_space<vmem>> -> memref<64x128xf32, #tpu.memory_space<vmem>>
      tpu.wait_dma2 semaphore(%run_scoped3A_38 : memref<!tpu.dma_semaphore, #tpu.memory_space<semaphore_mem>>) src(%dma_wait3A_72 : memref<64x128xf32, #tpu.memory_space<vmem>>) dst(%dma_wait3A_65 : memref<64x128xf32, #tpu.memory_space<vmem_shared>>)
      tpu.yield
    }) : () -> ()
    %barrier3A = arith.constant 0 : index
    tpu.barrier barrier_id(%barrier3A)
    %gt3A = arith.constant 0 : i32
    %gt3A_20 = arith.cmpi sgt, %squeeze3A, %gt3A : i32
    %convert_element_type3A = arith.extui %gt3A_20 : i1 to i32
    %cond3A = arith.constant 0 : i32
    %cond3A_21 = arith.cmpi ne, %convert_element_type3A, %cond3A : i32
    scf.if %cond3A_21 {
      %dma_start3A = arith.constant 0 : i32
      %dma_start3A_38 = arith.constant 0 : i32
      %dma_start3A_39 = arith.constant 0 : i32
      %dma_start3A_40 = tpu.memref_slice %arg10[%dma_start3A, %dma_start3A_38, %dma_start3A_39] : memref<2x128x128xf32, #tpu.memory_space<vmem>> -> memref<1x64x128xf32, #tpu.memory_space<vmem>>
      %dma_start3A_41 = tpu.memref_squeeze %dma_start3A_40 : memref<1x64x128xf32, #tpu.memory_space<vmem>> -> memref<64x128xf32, #tpu.memory_space<vmem>>
      %dma_start3A_42 = arith.constant 0 : i32
      %dma_start3A_43 = tpu.memref_slice %arg7[%dma_start3A_42] : memref<20736xi32, #tpu.memory_space<vmem>> -> memref<64xi32, #tpu.memory_space<vmem>>
      %dma_start3A_44 = arith.constant 0 : i32
      %dma_start3A_45 = arith.constant 0 : i32
      %dma_start3A_46 = tpu.memref_slice %arg2[%dma_start3A_44, %dma_start3A_45] : memref<10240x128xf32, #tpu.memory_space<hbm>> -> memref<10240x128xf32, #tpu.memory_space<hbm>>
      tpu.enqueue_indirect_dma source(%dma_start3A_46 : memref<10240x128xf32, #tpu.memory_space<hbm>>) target(%dma_start3A_41 : memref<64x128xf32, #tpu.memory_space<vmem>>) offsets(%dma_start3A_43 : memref<64xi32, #tpu.memory_space<vmem>>) semaphore(%arg12 : memref<!tpu.dma_semaphore, #tpu.memory_space<semaphore_mem>>)
      %dma_start3A_47 = arith.constant 0 : i32
      %dma_start3A_48 = arith.constant 64 : i32
      %dma_start3A_49 = arith.constant 0 : i32
      %dma_start3A_50 = tpu.memref_slice %arg10[%dma_start3A_47, %dma_start3A_48, %dma_start3A_49] : memref<2x128x128xf32, #tpu.memory_space<vmem>> -> memref<1x64x128xf32, #tpu.memory_space<vmem>>
      %dma_start3A_51 = tpu.memref_squeeze %dma_start3A_50 : memref<1x64x128xf32, #tpu.memory_space<vmem>> -> memref<64x128xf32, #tpu.memory_space<vmem>>
      %dma_start3A_52 = arith.constant 64 : i32
      %dma_start3A_53 = tpu.memref_slice %arg7[%dma_start3A_52] : memref<20736xi32, #tpu.memory_space<vmem>> -> memref<64xi32, #tpu.memory_space<vmem>>
      %dma_start3A_54 = arith.constant 0 : i32
      %dma_start3A_55 = arith.constant 0 : i32
      %dma_start3A_56 = tpu.memref_slice %arg2[%dma_start3A_54, %dma_start3A_55] : memref<10240x128xf32, #tpu.memory_space<hbm>> -> memref<10240x128xf32, #tpu.memory_space<hbm>>
      tpu.enqueue_indirect_dma source(%dma_start3A_56 : memref<10240x128xf32, #tpu.memory_space<hbm>>) target(%dma_start3A_51 : memref<64x128xf32, #tpu.memory_space<vmem>>) offsets(%dma_start3A_53 : memref<64xi32, #tpu.memory_space<vmem>>) semaphore(%arg12 : memref<!tpu.dma_semaphore, #tpu.memory_space<semaphore_mem>>)
    } else {
    }
    %while3A = arith.constant 0 : i32
    %while3A_22 = arith.constant 0 : i32
    %while3A_23 = arith.subi %squeeze3A, %while3A : i32
    %while3A_24 = arith.addi %while3A, %while3A_23 : i32
    %while3A_25 = arith.constant 1 : i32
    %while3A_26 = arith.divsi %while3A_23, %while3A_25 : i32
    %while3A_27 = arith.muli %while3A_26, %while3A_25 : i32
    %while3A_28 = arith.addi %while3A, %while3A_27 : i32
    %while3A_29 = arith.constant 1 : i32
    %while3A_30 = scf.for %while3A_38 = %while3A to %while3A_28 step %while3A_29 iter_args(%while3A_39 = %while3A_22) -> (i32)  : i32 {
      %rem3A = arith.constant 2 : i32
      %rem3A_40 = arith.remsi %while3A_38, %rem3A : i32
      %mul3A_41 = arith.constant 128 : i32
      %mul3A_42 = arith.muli %while3A_38, %mul3A_41 : i32
      %add3A_43 = arith.constant 0 : i32
      %add3A_44 = arith.addi %mul3A_42, %add3A_43 : i32
      %dma_wait3A = arith.constant 0 : i32
      %dma_wait3A_45 = arith.constant 0 : i32
      %dma_wait3A_46 = tpu.memref_slice %arg10[%rem3A_40, %dma_wait3A, %dma_wait3A_45] : memref<2x128x128xf32, #tpu.memory_space<vmem>> -> memref<1x64x128xf32, #tpu.memory_space<vmem>>
      %dma_wait3A_47 = tpu.memref_squeeze %dma_wait3A_46 : memref<1x64x128xf32, #tpu.memory_space<vmem>> -> memref<64x128xf32, #tpu.memory_space<vmem>>
      %dma_wait3A_48 = tpu.memref_slice %arg7[%add3A_44] : memref<20736xi32, #tpu.memory_space<vmem>> -> memref<64xi32, #tpu.memory_space<vmem>>
      %dma_wait3A_49 = arith.constant 0 : i32
      %dma_wait3A_50 = arith.constant 0 : i32
      %dma_wait3A_51 = tpu.memref_slice %arg2[%dma_wait3A_49, %dma_wait3A_50] : memref<10240x128xf32, #tpu.memory_space<hbm>> -> memref<10240x128xf32, #tpu.memory_space<hbm>>
      tpu.wait_indirect_dma semaphore(%arg12 : memref<!tpu.dma_semaphore, #tpu.memory_space<semaphore_mem>>) src(%dma_wait3A_51 : memref<10240x128xf32, #tpu.memory_space<hbm>>) dst(%dma_wait3A_47 : memref<64x128xf32, #tpu.memory_space<vmem>>)
      %mul3A_52 = arith.constant 128 : i32
      %mul3A_53 = arith.muli %while3A_38, %mul3A_52 : i32
      %add3A_54 = arith.constant 64 : i32
      %add3A_55 = arith.addi %mul3A_53, %add3A_54 : i32
      %dma_wait3A_56 = arith.constant 64 : i32
      %dma_wait3A_57 = arith.constant 0 : i32
      %dma_wait3A_58 = tpu.memref_slice %arg10[%rem3A_40, %dma_wait3A_56, %dma_wait3A_57] : memref<2x128x128xf32, #tpu.memory_space<vmem>> -> memref<1x64x128xf32, #tpu.memory_space<vmem>>
      %dma_wait3A_59 = tpu.memref_squeeze %dma_wait3A_58 : memref<1x64x128xf32, #tpu.memory_space<vmem>> -> memref<64x128xf32, #tpu.memory_space<vmem>>
      %dma_wait3A_60 = tpu.memref_slice %arg7[%add3A_55] : memref<20736xi32, #tpu.memory_space<vmem>> -> memref<64xi32, #tpu.memory_space<vmem>>
      %dma_wait3A_61 = arith.constant 0 : i32
      %dma_wait3A_62 = arith.constant 0 : i32
      %dma_wait3A_63 = tpu.memref_slice %arg2[%dma_wait3A_61, %dma_wait3A_62] : memref<10240x128xf32, #tpu.memory_space<hbm>> -> memref<10240x128xf32, #tpu.memory_space<hbm>>
      tpu.wait_indirect_dma semaphore(%arg12 : memref<!tpu.dma_semaphore, #tpu.memory_space<semaphore_mem>>) src(%dma_wait3A_63 : memref<10240x128xf32, #tpu.memory_space<hbm>>) dst(%dma_wait3A_59 : memref<64x128xf32, #tpu.memory_space<vmem>>)
      %add3A_64 = arith.constant 1 : i32
      %add3A_65 = arith.addi %while3A_38, %add3A_64 : i32
      %lt3A = arith.cmpi slt, %add3A_65, %squeeze3A : i32
      %convert_element_type3A_66 = arith.extui %lt3A : i1 to i32
      %cond3A_67 = arith.constant 0 : i32
      %cond3A_68 = arith.cmpi ne, %convert_element_type3A_66, %cond3A_67 : i32
      scf.if %cond3A_68 {
        %add3A_70 = arith.constant 1 : i32
        %add3A_71 = arith.addi %while3A_38, %add3A_70 : i32
        %sub3A = arith.constant 1 : i32
        %sub3A_72 = arith.subi %sub3A, %rem3A_40 : i32
        %mul3A_73 = arith.constant 128 : i32
        %mul3A_74 = arith.muli %add3A_71, %mul3A_73 : i32
        %add3A_75 = arith.constant 0 : i32
        %add3A_76 = arith.addi %mul3A_74, %add3A_75 : i32
        %dma_start3A = arith.constant 0 : i32
        %dma_start3A_77 = arith.constant 0 : i32
        %dma_start3A_78 = tpu.memref_slice %arg10[%sub3A_72, %dma_start3A, %dma_start3A_77] : memref<2x128x128xf32, #tpu.memory_space<vmem>> -> memref<1x64x128xf32, #tpu.memory_space<vmem>>
        %dma_start3A_79 = tpu.memref_squeeze %dma_start3A_78 : memref<1x64x128xf32, #tpu.memory_space<vmem>> -> memref<64x128xf32, #tpu.memory_space<vmem>>
        %dma_start3A_80 = tpu.memref_slice %arg7[%add3A_76] : memref<20736xi32, #tpu.memory_space<vmem>> -> memref<64xi32, #tpu.memory_space<vmem>>
        %dma_start3A_81 = arith.constant 0 : i32
        %dma_start3A_82 = arith.constant 0 : i32
        %dma_start3A_83 = tpu.memref_slice %arg2[%dma_start3A_81, %dma_start3A_82] : memref<10240x128xf32, #tpu.memory_space<hbm>> -> memref<10240x128xf32, #tpu.memory_space<hbm>>
        tpu.enqueue_indirect_dma source(%dma_start3A_83 : memref<10240x128xf32, #tpu.memory_space<hbm>>) target(%dma_start3A_79 : memref<64x128xf32, #tpu.memory_space<vmem>>) offsets(%dma_start3A_80 : memref<64xi32, #tpu.memory_space<vmem>>) semaphore(%arg12 : memref<!tpu.dma_semaphore, #tpu.memory_space<semaphore_mem>>)
        %mul3A_84 = arith.constant 128 : i32
        %mul3A_85 = arith.muli %add3A_71, %mul3A_84 : i32
        %add3A_86 = arith.constant 64 : i32
        %add3A_87 = arith.addi %mul3A_85, %add3A_86 : i32
        %dma_start3A_88 = arith.constant 64 : i32
        %dma_start3A_89 = arith.constant 0 : i32
        %dma_start3A_90 = tpu.memref_slice %arg10[%sub3A_72, %dma_start3A_88, %dma_start3A_89] : memref<2x128x128xf32, #tpu.memory_space<vmem>> -> memref<1x64x128xf32, #tpu.memory_space<vmem>>
        %dma_start3A_91 = tpu.memref_squeeze %dma_start3A_90 : memref<1x64x128xf32, #tpu.memory_space<vmem>> -> memref<64x128xf32, #tpu.memory_space<vmem>>
        %dma_start3A_92 = tpu.memref_slice %arg7[%add3A_87] : memref<20736xi32, #tpu.memory_space<vmem>> -> memref<64xi32, #tpu.memory_space<vmem>>
        %dma_start3A_93 = arith.constant 0 : i32
        %dma_start3A_94 = arith.constant 0 : i32
        %dma_start3A_95 = tpu.memref_slice %arg2[%dma_start3A_93, %dma_start3A_94] : memref<10240x128xf32, #tpu.memory_space<hbm>> -> memref<10240x128xf32, #tpu.memory_space<hbm>>
        tpu.enqueue_indirect_dma source(%dma_start3A_95 : memref<10240x128xf32, #tpu.memory_space<hbm>>) target(%dma_start3A_91 : memref<64x128xf32, #tpu.memory_space<vmem>>) offsets(%dma_start3A_92 : memref<64xi32, #tpu.memory_space<vmem>>) semaphore(%arg12 : memref<!tpu.dma_semaphore, #tpu.memory_space<semaphore_mem>>)
      } else {
      }
      "tpu.region"() ({
        %run_scoped3A_70 = tpu.sem_alloc : memref<!tpu.dma_semaphore, #tpu.memory_space<semaphore_mem>>
        %dma_start3A = arith.constant 0 : i32
        %dma_start3A_71 = arith.constant 0 : i32
        %dma_start3A_72 = tpu.memref_slice %arg10[%rem3A_40, %dma_start3A, %dma_start3A_71] : memref<2x128x128xf32, #tpu.memory_space<vmem>> -> memref<1x128x128xf32, #tpu.memory_space<vmem>>
        %dma_start3A_73 = tpu.memref_squeeze %dma_start3A_72 : memref<1x128x128xf32, #tpu.memory_space<vmem>> -> memref<128x128xf32, #tpu.memory_space<vmem>>
        %dma_start3A_74 = arith.constant 0 : i32
        %dma_start3A_75 = tpu.memref_slice %arg8[%while3A_38, %dma_start3A_74] : memref<162x128xi32, #tpu.memory_space<vmem>> -> memref<1x128xi32, #tpu.memory_space<vmem>>
        %dma_start3A_76 = tpu.memref_squeeze %dma_start3A_75 : memref<1x128xi32, #tpu.memory_space<vmem>> -> memref<128xi32, #tpu.memory_space<vmem>>
        %dma_start3A_77 = arith.constant 0 : i32
        %dma_start3A_78 = arith.constant 0 : i32
        %dma_start3A_79 = tpu.memref_slice %arg11[%dma_start3A_77, %dma_start3A_78] : memref<5128x128xf32, #tpu.memory_space<vmem_shared>> -> memref<5128x128xf32, #tpu.memory_space<vmem_shared>>
        tpu.enqueue_indirect_dma source(%dma_start3A_73 : memref<128x128xf32, #tpu.memory_space<vmem>>) target(%dma_start3A_79 : memref<5128x128xf32, #tpu.memory_space<vmem_shared>>) offsets(%dma_start3A_76 : memref<128xi32, #tpu.memory_space<vmem>>) semaphore(%run_scoped3A_70 : memref<!tpu.dma_semaphore, #tpu.memory_space<semaphore_mem>>) {add = true}
        %dma_wait3A_80 = arith.constant 0 : i32
        %dma_wait3A_81 = arith.constant 0 : i32
        %dma_wait3A_82 = tpu.memref_slice %arg10[%rem3A_40, %dma_wait3A_80, %dma_wait3A_81] : memref<2x128x128xf32, #tpu.memory_space<vmem>> -> memref<1x128x128xf32, #tpu.memory_space<vmem>>
        %dma_wait3A_83 = tpu.memref_squeeze %dma_wait3A_82 : memref<1x128x128xf32, #tpu.memory_space<vmem>> -> memref<128x128xf32, #tpu.memory_space<vmem>>
        %dma_wait3A_84 = arith.constant 0 : i32
        %dma_wait3A_85 = tpu.memref_slice %arg8[%while3A_38, %dma_wait3A_84] : memref<162x128xi32, #tpu.memory_space<vmem>> -> memref<1x128xi32, #tpu.memory_space<vmem>>
        %dma_wait3A_86 = tpu.memref_squeeze %dma_wait3A_85 : memref<1x128xi32, #tpu.memory_space<vmem>> -> memref<128xi32, #tpu.memory_space<vmem>>
        %dma_wait3A_87 = arith.constant 0 : i32
        %dma_wait3A_88 = arith.constant 0 : i32
        %dma_wait3A_89 = tpu.memref_slice %arg11[%dma_wait3A_87, %dma_wait3A_88] : memref<5128x128xf32, #tpu.memory_space<vmem_shared>> -> memref<5128x128xf32, #tpu.memory_space<vmem_shared>>
        tpu.wait_indirect_dma semaphore(%run_scoped3A_70 : memref<!tpu.dma_semaphore, #tpu.memory_space<semaphore_mem>>) src(%dma_wait3A_83 : memref<128x128xf32, #tpu.memory_space<vmem>>) dst(%dma_wait3A_89 : memref<5128x128xf32, #tpu.memory_space<vmem_shared>>)
        tpu.yield
      }) : () -> ()
      %while3A_69 = arith.constant 0 : i32
      scf.yield %while3A_69 : i32
    }
    %while3A_31 = arith.constant 1 : i32
    %while3A_32 = scf.for %while3A_38 = %while3A_28 to %while3A_24 step %while3A_31 iter_args(%while3A_39 = %while3A_30) -> (i32)  : i32 {
      %rem3A = arith.constant 2 : i32
      %rem3A_40 = arith.remsi %while3A_38, %rem3A : i32
      %mul3A_41 = arith.constant 128 : i32
      %mul3A_42 = arith.muli %while3A_38, %mul3A_41 : i32
      %add3A_43 = arith.constant 0 : i32
      %add3A_44 = arith.addi %mul3A_42, %add3A_43 : i32
      %dma_wait3A = arith.constant 0 : i32
      %dma_wait3A_45 = arith.constant 0 : i32
      %dma_wait3A_46 = tpu.memref_slice %arg10[%rem3A_40, %dma_wait3A, %dma_wait3A_45] : memref<2x128x128xf32, #tpu.memory_space<vmem>> -> memref<1x64x128xf32, #tpu.memory_space<vmem>>
      %dma_wait3A_47 = tpu.memref_squeeze %dma_wait3A_46 : memref<1x64x128xf32, #tpu.memory_space<vmem>> -> memref<64x128xf32, #tpu.memory_space<vmem>>
      %dma_wait3A_48 = tpu.memref_slice %arg7[%add3A_44] : memref<20736xi32, #tpu.memory_space<vmem>> -> memref<64xi32, #tpu.memory_space<vmem>>
      %dma_wait3A_49 = arith.constant 0 : i32
      %dma_wait3A_50 = arith.constant 0 : i32
      %dma_wait3A_51 = tpu.memref_slice %arg2[%dma_wait3A_49, %dma_wait3A_50] : memref<10240x128xf32, #tpu.memory_space<hbm>> -> memref<10240x128xf32, #tpu.memory_space<hbm>>
      tpu.wait_indirect_dma semaphore(%arg12 : memref<!tpu.dma_semaphore, #tpu.memory_space<semaphore_mem>>) src(%dma_wait3A_51 : memref<10240x128xf32, #tpu.memory_space<hbm>>) dst(%dma_wait3A_47 : memref<64x128xf32, #tpu.memory_space<vmem>>)
      %mul3A_52 = arith.constant 128 : i32
      %mul3A_53 = arith.muli %while3A_38, %mul3A_52 : i32
      %add3A_54 = arith.constant 64 : i32
      %add3A_55 = arith.addi %mul3A_53, %add3A_54 : i32
      %dma_wait3A_56 = arith.constant 64 : i32
      %dma_wait3A_57 = arith.constant 0 : i32
      %dma_wait3A_58 = tpu.memref_slice %arg10[%rem3A_40, %dma_wait3A_56, %dma_wait3A_57] : memref<2x128x128xf32, #tpu.memory_space<vmem>> -> memref<1x64x128xf32, #tpu.memory_space<vmem>>
      %dma_wait3A_59 = tpu.memref_squeeze %dma_wait3A_58 : memref<1x64x128xf32, #tpu.memory_space<vmem>> -> memref<64x128xf32, #tpu.memory_space<vmem>>
      %dma_wait3A_60 = tpu.memref_slice %arg7[%add3A_55] : memref<20736xi32, #tpu.memory_space<vmem>> -> memref<64xi32, #tpu.memory_space<vmem>>
      %dma_wait3A_61 = arith.constant 0 : i32
      %dma_wait3A_62 = arith.constant 0 : i32
      %dma_wait3A_63 = tpu.memref_slice %arg2[%dma_wait3A_61, %dma_wait3A_62] : memref<10240x128xf32, #tpu.memory_space<hbm>> -> memref<10240x128xf32, #tpu.memory_space<hbm>>
      tpu.wait_indirect_dma semaphore(%arg12 : memref<!tpu.dma_semaphore, #tpu.memory_space<semaphore_mem>>) src(%dma_wait3A_63 : memref<10240x128xf32, #tpu.memory_space<hbm>>) dst(%dma_wait3A_59 : memref<64x128xf32, #tpu.memory_space<vmem>>)
      %add3A_64 = arith.constant 1 : i32
      %add3A_65 = arith.addi %while3A_38, %add3A_64 : i32
      %lt3A = arith.cmpi slt, %add3A_65, %squeeze3A : i32
      %convert_element_type3A_66 = arith.extui %lt3A : i1 to i32
      %cond3A_67 = arith.constant 0 : i32
      %cond3A_68 = arith.cmpi ne, %convert_element_type3A_66, %cond3A_67 : i32
      scf.if %cond3A_68 {
        %add3A_70 = arith.constant 1 : i32
        %add3A_71 = arith.addi %while3A_38, %add3A_70 : i32
        %sub3A = arith.constant 1 : i32
        %sub3A_72 = arith.subi %sub3A, %rem3A_40 : i32
        %mul3A_73 = arith.constant 128 : i32
        %mul3A_74 = arith.muli %add3A_71, %mul3A_73 : i32
        %add3A_75 = arith.constant 0 : i32
        %add3A_76 = arith.addi %mul3A_74, %add3A_75 : i32
        %dma_start3A = arith.constant 0 : i32
        %dma_start3A_77 = arith.constant 0 : i32
        %dma_start3A_78 = tpu.memref_slice %arg10[%sub3A_72, %dma_start3A, %dma_start3A_77] : memref<2x128x128xf32, #tpu.memory_space<vmem>> -> memref<1x64x128xf32, #tpu.memory_space<vmem>>
        %dma_start3A_79 = tpu.memref_squeeze %dma_start3A_78 : memref<1x64x128xf32, #tpu.memory_space<vmem>> -> memref<64x128xf32, #tpu.memory_space<vmem>>
        %dma_start3A_80 = tpu.memref_slice %arg7[%add3A_76] : memref<20736xi32, #tpu.memory_space<vmem>> -> memref<64xi32, #tpu.memory_space<vmem>>
        %dma_start3A_81 = arith.constant 0 : i32
        %dma_start3A_82 = arith.constant 0 : i32
        %dma_start3A_83 = tpu.memref_slice %arg2[%dma_start3A_81, %dma_start3A_82] : memref<10240x128xf32, #tpu.memory_space<hbm>> -> memref<10240x128xf32, #tpu.memory_space<hbm>>
        tpu.enqueue_indirect_dma source(%dma_start3A_83 : memref<10240x128xf32, #tpu.memory_space<hbm>>) target(%dma_start3A_79 : memref<64x128xf32, #tpu.memory_space<vmem>>) offsets(%dma_start3A_80 : memref<64xi32, #tpu.memory_space<vmem>>) semaphore(%arg12 : memref<!tpu.dma_semaphore, #tpu.memory_space<semaphore_mem>>)
        %mul3A_84 = arith.constant 128 : i32
        %mul3A_85 = arith.muli %add3A_71, %mul3A_84 : i32
        %add3A_86 = arith.constant 64 : i32
        %add3A_87 = arith.addi %mul3A_85, %add3A_86 : i32
        %dma_start3A_88 = arith.constant 64 : i32
        %dma_start3A_89 = arith.constant 0 : i32
        %dma_start3A_90 = tpu.memref_slice %arg10[%sub3A_72, %dma_start3A_88, %dma_start3A_89] : memref<2x128x128xf32, #tpu.memory_space<vmem>> -> memref<1x64x128xf32, #tpu.memory_space<vmem>>
        %dma_start3A_91 = tpu.memref_squeeze %dma_start3A_90 : memref<1x64x128xf32, #tpu.memory_space<vmem>> -> memref<64x128xf32, #tpu.memory_space<vmem>>
        %dma_start3A_92 = tpu.memref_slice %arg7[%add3A_87] : memref<20736xi32, #tpu.memory_space<vmem>> -> memref<64xi32, #tpu.memory_space<vmem>>
        %dma_start3A_93 = arith.constant 0 : i32
        %dma_start3A_94 = arith.constant 0 : i32
        %dma_start3A_95 = tpu.memref_slice %arg2[%dma_start3A_93, %dma_start3A_94] : memref<10240x128xf32, #tpu.memory_space<hbm>> -> memref<10240x128xf32, #tpu.memory_space<hbm>>
        tpu.enqueue_indirect_dma source(%dma_start3A_95 : memref<10240x128xf32, #tpu.memory_space<hbm>>) target(%dma_start3A_91 : memref<64x128xf32, #tpu.memory_space<vmem>>) offsets(%dma_start3A_92 : memref<64xi32, #tpu.memory_space<vmem>>) semaphore(%arg12 : memref<!tpu.dma_semaphore, #tpu.memory_space<semaphore_mem>>)
      } else {
      }
      "tpu.region"() ({
        %run_scoped3A_70 = tpu.sem_alloc : memref<!tpu.dma_semaphore, #tpu.memory_space<semaphore_mem>>
        %dma_start3A = arith.constant 0 : i32
        %dma_start3A_71 = arith.constant 0 : i32
        %dma_start3A_72 = tpu.memref_slice %arg10[%rem3A_40, %dma_start3A, %dma_start3A_71] : memref<2x128x128xf32, #tpu.memory_space<vmem>> -> memref<1x128x128xf32, #tpu.memory_space<vmem>>
        %dma_start3A_73 = tpu.memref_squeeze %dma_start3A_72 : memref<1x128x128xf32, #tpu.memory_space<vmem>> -> memref<128x128xf32, #tpu.memory_space<vmem>>
        %dma_start3A_74 = arith.constant 0 : i32
        %dma_start3A_75 = tpu.memref_slice %arg8[%while3A_38, %dma_start3A_74] : memref<162x128xi32, #tpu.memory_space<vmem>> -> memref<1x128xi32, #tpu.memory_space<vmem>>
        %dma_start3A_76 = tpu.memref_squeeze %dma_start3A_75 : memref<1x128xi32, #tpu.memory_space<vmem>> -> memref<128xi32, #tpu.memory_space<vmem>>
        %dma_start3A_77 = arith.constant 0 : i32
        %dma_start3A_78 = arith.constant 0 : i32
        %dma_start3A_79 = tpu.memref_slice %arg11[%dma_start3A_77, %dma_start3A_78] : memref<5128x128xf32, #tpu.memory_space<vmem_shared>> -> memref<5128x128xf32, #tpu.memory_space<vmem_shared>>
        tpu.enqueue_indirect_dma source(%dma_start3A_73 : memref<128x128xf32, #tpu.memory_space<vmem>>) target(%dma_start3A_79 : memref<5128x128xf32, #tpu.memory_space<vmem_shared>>) offsets(%dma_start3A_76 : memref<128xi32, #tpu.memory_space<vmem>>) semaphore(%run_scoped3A_70 : memref<!tpu.dma_semaphore, #tpu.memory_space<semaphore_mem>>) {add = true}
        %dma_wait3A_80 = arith.constant 0 : i32
        %dma_wait3A_81 = arith.constant 0 : i32
        %dma_wait3A_82 = tpu.memref_slice %arg10[%rem3A_40, %dma_wait3A_80, %dma_wait3A_81] : memref<2x128x128xf32, #tpu.memory_space<vmem>> -> memref<1x128x128xf32, #tpu.memory_space<vmem>>
        %dma_wait3A_83 = tpu.memref_squeeze %dma_wait3A_82 : memref<1x128x128xf32, #tpu.memory_space<vmem>> -> memref<128x128xf32, #tpu.memory_space<vmem>>
        %dma_wait3A_84 = arith.constant 0 : i32
        %dma_wait3A_85 = tpu.memref_slice %arg8[%while3A_38, %dma_wait3A_84] : memref<162x128xi32, #tpu.memory_space<vmem>> -> memref<1x128xi32, #tpu.memory_space<vmem>>
        %dma_wait3A_86 = tpu.memref_squeeze %dma_wait3A_85 : memref<1x128xi32, #tpu.memory_space<vmem>> -> memref<128xi32, #tpu.memory_space<vmem>>
        %dma_wait3A_87 = arith.constant 0 : i32
        %dma_wait3A_88 = arith.constant 0 : i32
        %dma_wait3A_89 = tpu.memref_slice %arg11[%dma_wait3A_87, %dma_wait3A_88] : memref<5128x128xf32, #tpu.memory_space<vmem_shared>> -> memref<5128x128xf32, #tpu.memory_space<vmem_shared>>
        tpu.wait_indirect_dma semaphore(%run_scoped3A_70 : memref<!tpu.dma_semaphore, #tpu.memory_space<semaphore_mem>>) src(%dma_wait3A_83 : memref<128x128xf32, #tpu.memory_space<vmem>>) dst(%dma_wait3A_89 : memref<5128x128xf32, #tpu.memory_space<vmem_shared>>)
        tpu.yield
      }) : () -> ()
      %while3A_69 = arith.constant 0 : i32
      scf.yield %while3A_69 : i32
    }
    %barrier3A_33 = arith.constant 0 : index
    tpu.barrier barrier_id(%barrier3A_33)
    %mul3A_34 = arith.constant 320 : i32
    %mul3A_35 = arith.muli %arg1, %mul3A_34 : i32
    %mul3A_36 = arith.constant 320 : i32
    %mul3A_37 = arith.muli %arg1, %mul3A_36 : i32
    "tpu.region"() ({
      %run_scoped3A_38 = tpu.sem_alloc : memref<!tpu.dma_semaphore, #tpu.memory_space<semaphore_mem>>
      %dma_start3A = arith.constant 0 : i32
      %dma_start3A_39 = tpu.memref_slice %arg6[%arg0, %mul3A_37, %dma_start3A] : memref<2x5120x128xf32, #tpu.memory_space<hbm>> -> memref<1x320x128xf32, #tpu.memory_space<hbm>>
      %dma_start3A_40 = tpu.memref_squeeze %dma_start3A_39 : memref<1x320x128xf32, #tpu.memory_space<hbm>> -> memref<320x128xf32, #tpu.memory_space<hbm>>
      %dma_start3A_41 = arith.constant 0 : i32
      %dma_start3A_42 = tpu.memref_slice %arg11[%mul3A_35, %dma_start3A_41] : memref<5128x128xf32, #tpu.memory_space<vmem_shared>> -> memref<320x128xf32, #tpu.memory_space<vmem_shared>>
      tpu.enqueue_dma source(%dma_start3A_42 : memref<320x128xf32, #tpu.memory_space<vmem_shared>>) target(%dma_start3A_40 : memref<320x128xf32, #tpu.memory_space<hbm>>) target_semaphore(%run_scoped3A_38 : memref<!tpu.dma_semaphore, #tpu.memory_space<semaphore_mem>>)
      %dma_wait3A = arith.constant 0 : i32
      %dma_wait3A_43 = tpu.memref_slice %arg6[%arg0, %mul3A_37, %dma_wait3A] : memref<2x5120x128xf32, #tpu.memory_space<hbm>> -> memref<1x320x128xf32, #tpu.memory_space<hbm>>
      %dma_wait3A_44 = tpu.memref_squeeze %dma_wait3A_43 : memref<1x320x128xf32, #tpu.memory_space<hbm>> -> memref<320x128xf32, #tpu.memory_space<hbm>>
      %dma_wait3A_45 = arith.constant 0 : i32
      %dma_wait3A_46 = tpu.memref_slice %arg11[%mul3A_35, %dma_wait3A_45] : memref<5128x128xf32, #tpu.memory_space<vmem_shared>> -> memref<320x128xf32, #tpu.memory_space<vmem_shared>>
      tpu.wait_dma2 semaphore(%run_scoped3A_38 : memref<!tpu.dma_semaphore, #tpu.memory_space<semaphore_mem>>) src(%dma_wait3A_46 : memref<320x128xf32, #tpu.memory_space<vmem_shared>>) dst(%dma_wait3A_44 : memref<320x128xf32, #tpu.memory_space<hbm>>)
      tpu.yield
    }) : () -> ()
    return
  }
}

#map = affine_map<(d0, d1) -> (0, 0)>
#map1 = affine_map<(d0, d1) -> (0, 0, 0)>
#map2 = affine_map<(d0, d1) -> (0, 0, 0, 0)>
module attributes {stable_mosaic.version = 14 : i64} {
  func.func @sc_agg(%arg0: i32, %arg1: i32, %arg2: memref<10240x128xf32, #tpu.memory_space<hbm>>, %arg3: memref<2x16x20736xi32, #tpu.memory_space<hbm>>, %arg4: memref<2x16x162x128xi32, #tpu.memory_space<hbm>>, %arg5: memref<2x16x16xi32, #tpu.memory_space<hbm>>, %arg6: memref<2x5120x128xf32, #tpu.memory_space<hbm>>, %arg7: memref<20736xi32, #tpu.memory_space<vmem>>, %arg8: memref<162x128xi32, #tpu.memory_space<vmem>>, %arg9: memref<16xi32, #tpu.memory_space<vmem>>, %arg10: memref<2x128x128xf32, #tpu.memory_space<vmem>>, %arg11: memref<5128x128xf32, #tpu.memory_space<vmem_shared>>, %arg12: memref<!tpu.dma_semaphore, #tpu.memory_space<semaphore_mem>>) attributes {dimension_semantics = [#tpu.dimension_semantics<core_parallel>, #tpu.dimension_semantics<subcore_parallel>], iteration_bounds = array<i64: 2, 16>, scalar_prefetch = 0 : i64, scratch_operands = 6 : i64, tpu.core_type = #tpu.core_type<sc_vector_subcore>, window_params = [{transform_indices = #map}, {transform_indices = #map1}, {transform_indices = #map2}, {transform_indices = #map1}, {transform_indices = #map1}]} {
    "tpu.region"() ({
      %run_scoped3A_38 = tpu.sem_alloc : memref<!tpu.dma_semaphore, #tpu.memory_space<semaphore_mem>>
      %dma_start3A = arith.constant 0 : i32
      %dma_start3A_39 = tpu.memref_slice %arg3[%arg0, %arg1, %dma_start3A] : memref<2x16x20736xi32, #tpu.memory_space<hbm>> -> memref<1x1x20736xi32, #tpu.memory_space<hbm>>
      %dma_start3A_40 = tpu.memref_squeeze %dma_start3A_39 : memref<1x1x20736xi32, #tpu.memory_space<hbm>> -> memref<20736xi32, #tpu.memory_space<hbm>>
      %dma_start3A_41 = arith.constant 0 : i32
      %dma_start3A_42 = tpu.memref_slice %arg3[%arg0, %arg1, %dma_start3A_41] : memref<2x16x20736xi32, #tpu.memory_space<hbm>> -> memref<1x1x20736xi32, #tpu.memory_space<hbm>>
      %dma_start3A_43 = tpu.memref_squeeze %dma_start3A_42 : memref<1x1x20736xi32, #tpu.memory_space<hbm>> -> memref<20736xi32, #tpu.memory_space<hbm>>
      tpu.enqueue_dma source(%dma_start3A_43 : memref<20736xi32, #tpu.memory_space<hbm>>) target(%arg7 : memref<20736xi32, #tpu.memory_space<vmem>>) target_semaphore(%run_scoped3A_38 : memref<!tpu.dma_semaphore, #tpu.memory_space<semaphore_mem>>)
      %dma_wait3A = arith.constant 0 : i32
      %dma_wait3A_44 = tpu.memref_slice %arg3[%arg0, %arg1, %dma_wait3A] : memref<2x16x20736xi32, #tpu.memory_space<hbm>> -> memref<1x1x20736xi32, #tpu.memory_space<hbm>>
      %dma_wait3A_45 = tpu.memref_squeeze %dma_wait3A_44 : memref<1x1x20736xi32, #tpu.memory_space<hbm>> -> memref<20736xi32, #tpu.memory_space<hbm>>
      %dma_wait3A_46 = arith.constant 0 : i32
      %dma_wait3A_47 = tpu.memref_slice %arg3[%arg0, %arg1, %dma_wait3A_46] : memref<2x16x20736xi32, #tpu.memory_space<hbm>> -> memref<1x1x20736xi32, #tpu.memory_space<hbm>>
      %dma_wait3A_48 = tpu.memref_squeeze %dma_wait3A_47 : memref<1x1x20736xi32, #tpu.memory_space<hbm>> -> memref<20736xi32, #tpu.memory_space<hbm>>
      tpu.wait_dma2 semaphore(%run_scoped3A_38 : memref<!tpu.dma_semaphore, #tpu.memory_space<semaphore_mem>>) src(%dma_wait3A_48 : memref<20736xi32, #tpu.memory_space<hbm>>) dst(%arg7 : memref<20736xi32, #tpu.memory_space<vmem>>)
      tpu.yield
    }) : () -> ()
    "tpu.region"() ({
      %run_scoped3A_38 = tpu.sem_alloc : memref<!tpu.dma_semaphore, #tpu.memory_space<semaphore_mem>>
      %dma_start3A = arith.constant 0 : i32
      %dma_start3A_39 = arith.constant 0 : i32
      %dma_start3A_40 = tpu.memref_slice %arg4[%arg0, %arg1, %dma_start3A, %dma_start3A_39] : memref<2x16x162x128xi32, #tpu.memory_space<hbm>> -> memref<1x1x162x128xi32, #tpu.memory_space<hbm>>
      %dma_start3A_41 = tpu.memref_squeeze %dma_start3A_40 : memref<1x1x162x128xi32, #tpu.memory_space<hbm>> -> memref<162x128xi32, #tpu.memory_space<hbm>>
      %dma_start3A_42 = arith.constant 0 : i32
      %dma_start3A_43 = arith.constant 0 : i32
      %dma_start3A_44 = tpu.memref_slice %arg4[%arg0, %arg1, %dma_start3A_42, %dma_start3A_43] : memref<2x16x162x128xi32, #tpu.memory_space<hbm>> -> memref<1x1x162x128xi32, #tpu.memory_space<hbm>>
      %dma_start3A_45 = tpu.memref_squeeze %dma_start3A_44 : memref<1x1x162x128xi32, #tpu.memory_space<hbm>> -> memref<162x128xi32, #tpu.memory_space<hbm>>
      tpu.enqueue_dma source(%dma_start3A_45 : memref<162x128xi32, #tpu.memory_space<hbm>>) target(%arg8 : memref<162x128xi32, #tpu.memory_space<vmem>>) target_semaphore(%run_scoped3A_38 : memref<!tpu.dma_semaphore, #tpu.memory_space<semaphore_mem>>)
      %dma_wait3A = arith.constant 0 : i32
      %dma_wait3A_46 = arith.constant 0 : i32
      %dma_wait3A_47 = tpu.memref_slice %arg4[%arg0, %arg1, %dma_wait3A, %dma_wait3A_46] : memref<2x16x162x128xi32, #tpu.memory_space<hbm>> -> memref<1x1x162x128xi32, #tpu.memory_space<hbm>>
      %dma_wait3A_48 = tpu.memref_squeeze %dma_wait3A_47 : memref<1x1x162x128xi32, #tpu.memory_space<hbm>> -> memref<162x128xi32, #tpu.memory_space<hbm>>
      %dma_wait3A_49 = arith.constant 0 : i32
      %dma_wait3A_50 = arith.constant 0 : i32
      %dma_wait3A_51 = tpu.memref_slice %arg4[%arg0, %arg1, %dma_wait3A_49, %dma_wait3A_50] : memref<2x16x162x128xi32, #tpu.memory_space<hbm>> -> memref<1x1x162x128xi32, #tpu.memory_space<hbm>>
      %dma_wait3A_52 = tpu.memref_squeeze %dma_wait3A_51 : memref<1x1x162x128xi32, #tpu.memory_space<hbm>> -> memref<162x128xi32, #tpu.memory_space<hbm>>
      tpu.wait_dma2 semaphore(%run_scoped3A_38 : memref<!tpu.dma_semaphore, #tpu.memory_space<semaphore_mem>>) src(%dma_wait3A_52 : memref<162x128xi32, #tpu.memory_space<hbm>>) dst(%arg8 : memref<162x128xi32, #tpu.memory_space<vmem>>)
      tpu.yield
    }) : () -> ()
    "tpu.region"() ({
      %run_scoped3A_38 = tpu.sem_alloc : memref<!tpu.dma_semaphore, #tpu.memory_space<semaphore_mem>>
      %dma_start3A = arith.constant 0 : i32
      %dma_start3A_39 = tpu.memref_slice %arg5[%arg0, %arg1, %dma_start3A] : memref<2x16x16xi32, #tpu.memory_space<hbm>> -> memref<1x1x16xi32, #tpu.memory_space<hbm>>
      %dma_start3A_40 = tpu.memref_squeeze %dma_start3A_39 : memref<1x1x16xi32, #tpu.memory_space<hbm>> -> memref<16xi32, #tpu.memory_space<hbm>>
      %dma_start3A_41 = arith.constant 0 : i32
      %dma_start3A_42 = tpu.memref_slice %arg5[%arg0, %arg1, %dma_start3A_41] : memref<2x16x16xi32, #tpu.memory_space<hbm>> -> memref<1x1x16xi32, #tpu.memory_space<hbm>>
      %dma_start3A_43 = tpu.memref_squeeze %dma_start3A_42 : memref<1x1x16xi32, #tpu.memory_space<hbm>> -> memref<16xi32, #tpu.memory_space<hbm>>
      tpu.enqueue_dma source(%dma_start3A_43 : memref<16xi32, #tpu.memory_space<hbm>>) target(%arg9 : memref<16xi32, #tpu.memory_space<vmem>>) target_semaphore(%run_scoped3A_38 : memref<!tpu.dma_semaphore, #tpu.memory_space<semaphore_mem>>)
      %dma_wait3A = arith.constant 0 : i32
      %dma_wait3A_44 = tpu.memref_slice %arg5[%arg0, %arg1, %dma_wait3A] : memref<2x16x16xi32, #tpu.memory_space<hbm>> -> memref<1x1x16xi32, #tpu.memory_space<hbm>>
      %dma_wait3A_45 = tpu.memref_squeeze %dma_wait3A_44 : memref<1x1x16xi32, #tpu.memory_space<hbm>> -> memref<16xi32, #tpu.memory_space<hbm>>
      %dma_wait3A_46 = arith.constant 0 : i32
      %dma_wait3A_47 = tpu.memref_slice %arg5[%arg0, %arg1, %dma_wait3A_46] : memref<2x16x16xi32, #tpu.memory_space<hbm>> -> memref<1x1x16xi32, #tpu.memory_space<hbm>>
      %dma_wait3A_48 = tpu.memref_squeeze %dma_wait3A_47 : memref<1x1x16xi32, #tpu.memory_space<hbm>> -> memref<16xi32, #tpu.memory_space<hbm>>
      tpu.wait_dma2 semaphore(%run_scoped3A_38 : memref<!tpu.dma_semaphore, #tpu.memory_space<semaphore_mem>>) src(%dma_wait3A_48 : memref<16xi32, #tpu.memory_space<hbm>>) dst(%arg9 : memref<16xi32, #tpu.memory_space<vmem>>)
      tpu.yield
    }) : () -> ()
    %get3A = arith.constant 0 : index
    %get3A_0 = tpu.vector_load %arg9[%get3A] {strides = array<i32>} : memref<16xi32, #tpu.memory_space<vmem>>, vector<16xi32>,
    %get3A_1 = vector.shape_cast %get3A_0 : vector<16xi32> to vector<16xi32>
    %slice3A = vector.extract_strided_slice %get3A_1 {offsets = [0], sizes = [1], strides = [1]} : vector<16xi32> to vector<1xi32>
    %squeeze3A = vector.extract %slice3A[0] : i32 from vector<1xi32>
    %scan3A = arith.constant 0 : i32
    %scan3A_2 = arith.constant 0 : i32
    %scan3A_3 = arith.constant 128 : i32
    %scan3A_4 = arith.addi %scan3A_2, %scan3A_3 : i32
    %scan3A_5 = arith.constant 1 : i32
    %scan3A_6 = scf.for %scan3A_38 = %scan3A_2 to %scan3A_4 step %scan3A_5 iter_args(%scan3A_39 = %scan3A) -> (i32)  : i32 {
      %broadcast_in_dim3A = arith.constant 0.000000e+00 : f32
      %broadcast_in_dim3A_40 = vector.broadcast %broadcast_in_dim3A : f32 to vector<16xf32>
      %swap3A = arith.constant 0 : i32
      %swap3A_41 = arith.index_cast %swap3A : i32 to index
      %swap3A_42 = arith.index_cast %scan3A_38 : i32 to index
      %swap3A_43 = arith.constant 0 : index
      %swap3A_44 = tpu.vector_load %arg10[%swap3A_41, %swap3A_42, %swap3A_43] {strides = array<i32>} : memref<2x128x128xf32, #tpu.memory_space<vmem>>, vector<1x1x16xf32>,
      %swap3A_45 = vector.shape_cast %swap3A_44 : vector<1x1x16xf32> to vector<16xf32>
      %swap3A_46 = vector.shape_cast %broadcast_in_dim3A_40 : vector<16xf32> to vector<1x1x16xf32>
      tpu.vector_store %arg10[%swap3A_41, %swap3A_42, %swap3A_43], %swap3A_46 {strides = array<i32>} : memref<2x128x128xf32, #tpu.memory_space<vmem>>, vector<1x1x16xf32>,
      %broadcast_in_dim3A_47 = arith.constant 0.000000e+00 : f32
      %broadcast_in_dim3A_48 = vector.broadcast %broadcast_in_dim3A_47 : f32 to vector<16xf32>
      %swap3A_49 = arith.constant 0 : i32
      %swap3A_50 = arith.index_cast %swap3A_49 : i32 to index
      %swap3A_51 = arith.index_cast %scan3A_38 : i32 to index
      %swap3A_52 = arith.constant 16 : index
      %swap3A_53 = tpu.vector_load %arg10[%swap3A_50, %swap3A_51, %swap3A_52] {strides = array<i32>} : memref<2x128x128xf32, #tpu.memory_space<vmem>>, vector<1x1x16xf32>,
      %swap3A_54 = vector.shape_cast %swap3A_53 : vector<1x1x16xf32> to vector<16xf32>
      %swap3A_55 = vector.shape_cast %broadcast_in_dim3A_48 : vector<16xf32> to vector<1x1x16xf32>
      tpu.vector_store %arg10[%swap3A_50, %swap3A_51, %swap3A_52], %swap3A_55 {strides = array<i32>} : memref<2x128x128xf32, #tpu.memory_space<vmem>>, vector<1x1x16xf32>,
      %broadcast_in_dim3A_56 = arith.constant 0.000000e+00 : f32
      %broadcast_in_dim3A_57 = vector.broadcast %broadcast_in_dim3A_56 : f32 to vector<16xf32>
      %swap3A_58 = arith.constant 0 : i32
      %swap3A_59 = arith.index_cast %swap3A_58 : i32 to index
      %swap3A_60 = arith.index_cast %scan3A_38 : i32 to index
      %swap3A_61 = arith.constant 32 : index
      %swap3A_62 = tpu.vector_load %arg10[%swap3A_59, %swap3A_60, %swap3A_61] {strides = array<i32>} : memref<2x128x128xf32, #tpu.memory_space<vmem>>, vector<1x1x16xf32>,
      %swap3A_63 = vector.shape_cast %swap3A_62 : vector<1x1x16xf32> to vector<16xf32>
      %swap3A_64 = vector.shape_cast %broadcast_in_dim3A_57 : vector<16xf32> to vector<1x1x16xf32>
      tpu.vector_store %arg10[%swap3A_59, %swap3A_60, %swap3A_61], %swap3A_64 {strides = array<i32>} : memref<2x128x128xf32, #tpu.memory_space<vmem>>, vector<1x1x16xf32>,
      %broadcast_in_dim3A_65 = arith.constant 0.000000e+00 : f32
      %broadcast_in_dim3A_66 = vector.broadcast %broadcast_in_dim3A_65 : f32 to vector<16xf32>
      %swap3A_67 = arith.constant 0 : i32
      %swap3A_68 = arith.index_cast %swap3A_67 : i32 to index
      %swap3A_69 = arith.index_cast %scan3A_38 : i32 to index
      %swap3A_70 = arith.constant 48 : index
      %swap3A_71 = tpu.vector_load %arg10[%swap3A_68, %swap3A_69, %swap3A_70] {strides = array<i32>} : memref<2x128x128xf32, #tpu.memory_space<vmem>>, vector<1x1x16xf32>,
      %swap3A_72 = vector.shape_cast %swap3A_71 : vector<1x1x16xf32> to vector<16xf32>
      %swap3A_73 = vector.shape_cast %broadcast_in_dim3A_66 : vector<16xf32> to vector<1x1x16xf32>
      tpu.vector_store %arg10[%swap3A_68, %swap3A_69, %swap3A_70], %swap3A_73 {strides = array<i32>} : memref<2x128x128xf32, #tpu.memory_space<vmem>>, vector<1x1x16xf32>,
      %broadcast_in_dim3A_74 = arith.constant 0.000000e+00 : f32
      %broadcast_in_dim3A_75 = vector.broadcast %broadcast_in_dim3A_74 : f32 to vector<16xf32>
      %swap3A_76 = arith.constant 0 : i32
      %swap3A_77 = arith.index_cast %swap3A_76 : i32 to index
      %swap3A_78 = arith.index_cast %scan3A_38 : i32 to index
      %swap3A_79 = arith.constant 64 : index
      %swap3A_80 = tpu.vector_load %arg10[%swap3A_77, %swap3A_78, %swap3A_79] {strides = array<i32>} : memref<2x128x128xf32, #tpu.memory_space<vmem>>, vector<1x1x16xf32>,
      %swap3A_81 = vector.shape_cast %swap3A_80 : vector<1x1x16xf32> to vector<16xf32>
      %swap3A_82 = vector.shape_cast %broadcast_in_dim3A_75 : vector<16xf32> to vector<1x1x16xf32>
      tpu.vector_store %arg10[%swap3A_77, %swap3A_78, %swap3A_79], %swap3A_82 {strides = array<i32>} : memref<2x128x128xf32, #tpu.memory_space<vmem>>, vector<1x1x16xf32>,
      %broadcast_in_dim3A_83 = arith.constant 0.000000e+00 : f32
      %broadcast_in_dim3A_84 = vector.broadcast %broadcast_in_dim3A_83 : f32 to vector<16xf32>
      %swap3A_85 = arith.constant 0 : i32
      %swap3A_86 = arith.index_cast %swap3A_85 : i32 to index
      %swap3A_87 = arith.index_cast %scan3A_38 : i32 to index
      %swap3A_88 = arith.constant 80 : index
      %swap3A_89 = tpu.vector_load %arg10[%swap3A_86, %swap3A_87, %swap3A_88] {strides = array<i32>} : memref<2x128x128xf32, #tpu.memory_space<vmem>>, vector<1x1x16xf32>,
      %swap3A_90 = vector.shape_cast %swap3A_89 : vector<1x1x16xf32> to vector<16xf32>
      %swap3A_91 = vector.shape_cast %broadcast_in_dim3A_84 : vector<16xf32> to vector<1x1x16xf32>
      tpu.vector_store %arg10[%swap3A_86, %swap3A_87, %swap3A_88], %swap3A_91 {strides = array<i32>} : memref<2x128x128xf32, #tpu.memory_space<vmem>>, vector<1x1x16xf32>,
      %broadcast_in_dim3A_92 = arith.constant 0.000000e+00 : f32
      %broadcast_in_dim3A_93 = vector.broadcast %broadcast_in_dim3A_92 : f32 to vector<16xf32>
      %swap3A_94 = arith.constant 0 : i32
      %swap3A_95 = arith.index_cast %swap3A_94 : i32 to index
      %swap3A_96 = arith.index_cast %scan3A_38 : i32 to index
      %swap3A_97 = arith.constant 96 : index
      %swap3A_98 = tpu.vector_load %arg10[%swap3A_95, %swap3A_96, %swap3A_97] {strides = array<i32>} : memref<2x128x128xf32, #tpu.memory_space<vmem>>, vector<1x1x16xf32>,
      %swap3A_99 = vector.shape_cast %swap3A_98 : vector<1x1x16xf32> to vector<16xf32>
      %swap3A_100 = vector.shape_cast %broadcast_in_dim3A_93 : vector<16xf32> to vector<1x1x16xf32>
      tpu.vector_store %arg10[%swap3A_95, %swap3A_96, %swap3A_97], %swap3A_100 {strides = array<i32>} : memref<2x128x128xf32, #tpu.memory_space<vmem>>, vector<1x1x16xf32>,
      %broadcast_in_dim3A_101 = arith.constant 0.000000e+00 : f32
      %broadcast_in_dim3A_102 = vector.broadcast %broadcast_in_dim3A_101 : f32 to vector<16xf32>
      %swap3A_103 = arith.constant 0 : i32
      %swap3A_104 = arith.index_cast %swap3A_103 : i32 to index
      %swap3A_105 = arith.index_cast %scan3A_38 : i32 to index
      %swap3A_106 = arith.constant 112 : index
      %swap3A_107 = tpu.vector_load %arg10[%swap3A_104, %swap3A_105, %swap3A_106] {strides = array<i32>} : memref<2x128x128xf32, #tpu.memory_space<vmem>>, vector<1x1x16xf32>,
      %swap3A_108 = vector.shape_cast %swap3A_107 : vector<1x1x16xf32> to vector<16xf32>
      %swap3A_109 = vector.shape_cast %broadcast_in_dim3A_102 : vector<16xf32> to vector<1x1x16xf32>
      tpu.vector_store %arg10[%swap3A_104, %swap3A_105, %swap3A_106], %swap3A_109 {strides = array<i32>} : memref<2x128x128xf32, #tpu.memory_space<vmem>>, vector<1x1x16xf32>,
      %scan3A_110 = arith.constant 0 : i32
      scf.yield %scan3A_110 : i32
    }
    %scan3A_7 = arith.constant 128 : i32
    %mul3A = arith.constant 320 : i32
    %mul3A_8 = arith.muli %arg1, %mul3A : i32
    %add3A = arith.constant 0 : i32
    %add3A_9 = arith.addi %mul3A_8, %add3A : i32
    %run_scoped3A = arith.constant 0 : i32
    "tpu.region"() ({
      %run_scoped3A_38 = tpu.sem_alloc : memref<!tpu.dma_semaphore, #tpu.memory_space<semaphore_mem>>
      %dma_start3A = arith.constant 0 : i32
      %dma_start3A_39 = arith.constant 0 : i32
      %dma_start3A_40 = tpu.memref_slice %arg10[%run_scoped3A, %dma_start3A, %dma_start3A_39] : memref<2x128x128xf32, #tpu.memory_space<vmem>> -> memref<1x128x128xf32, #tpu.memory_space<vmem>>
      %dma_start3A_41 = tpu.memref_squeeze %dma_start3A_40 : memref<1x128x128xf32, #tpu.memory_space<vmem>> -> memref<128x128xf32, #tpu.memory_space<vmem>>
      %dma_start3A_42 = arith.constant 0 : i32
      %dma_start3A_43 = tpu.memref_slice %arg11[%add3A_9, %dma_start3A_42] : memref<5128x128xf32, #tpu.memory_space<vmem_shared>> -> memref<128x128xf32, #tpu.memory_space<vmem_shared>>
      %dma_start3A_44 = arith.constant 0 : i32
      %dma_start3A_45 = tpu.memref_slice %arg11[%add3A_9, %dma_start3A_44] : memref<5128x128xf32, #tpu.memory_space<vmem_shared>> -> memref<128x128xf32, #tpu.memory_space<vmem_shared>>
      %dma_start3A_46 = arith.constant 0 : i32
      %dma_start3A_47 = arith.constant 0 : i32
      %dma_start3A_48 = tpu.memref_slice %arg10[%run_scoped3A, %dma_start3A_46, %dma_start3A_47] : memref<2x128x128xf32, #tpu.memory_space<vmem>> -> memref<1x128x128xf32, #tpu.memory_space<vmem>>
      %dma_start3A_49 = tpu.memref_squeeze %dma_start3A_48 : memref<1x128x128xf32, #tpu.memory_space<vmem>> -> memref<128x128xf32, #tpu.memory_space<vmem>>
      tpu.enqueue_dma source(%dma_start3A_49 : memref<128x128xf32, #tpu.memory_space<vmem>>) target(%dma_start3A_45 : memref<128x128xf32, #tpu.memory_space<vmem_shared>>) target_semaphore(%run_scoped3A_38 : memref<!tpu.dma_semaphore, #tpu.memory_space<semaphore_mem>>)
      %dma_wait3A = arith.constant 0 : i32
      %dma_wait3A_50 = arith.constant 0 : i32
      %dma_wait3A_51 = tpu.memref_slice %arg10[%run_scoped3A, %dma_wait3A, %dma_wait3A_50] : memref<2x128x128xf32, #tpu.memory_space<vmem>> -> memref<1x128x128xf32, #tpu.memory_space<vmem>>
      %dma_wait3A_52 = tpu.memref_squeeze %dma_wait3A_51 : memref<1x128x128xf32, #tpu.memory_space<vmem>> -> memref<128x128xf32, #tpu.memory_space<vmem>>
      %dma_wait3A_53 = arith.constant 0 : i32
      %dma_wait3A_54 = tpu.memref_slice %arg11[%add3A_9, %dma_wait3A_53] : memref<5128x128xf32, #tpu.memory_space<vmem_shared>> -> memref<128x128xf32, #tpu.memory_space<vmem_shared>>
      %dma_wait3A_55 = arith.constant 0 : i32
      %dma_wait3A_56 = tpu.memref_slice %arg11[%add3A_9, %dma_wait3A_55] : memref<5128x128xf32, #tpu.memory_space<vmem_shared>> -> memref<128x128xf32, #tpu.memory_space<vmem_shared>>
      %dma_wait3A_57 = arith.constant 0 : i32
      %dma_wait3A_58 = arith.constant 0 : i32
      %dma_wait3A_59 = tpu.memref_slice %arg10[%run_scoped3A, %dma_wait3A_57, %dma_wait3A_58] : memref<2x128x128xf32, #tpu.memory_space<vmem>> -> memref<1x128x128xf32, #tpu.memory_space<vmem>>
      %dma_wait3A_60 = tpu.memref_squeeze %dma_wait3A_59 : memref<1x128x128xf32, #tpu.memory_space<vmem>> -> memref<128x128xf32, #tpu.memory_space<vmem>>
      tpu.wait_dma2 semaphore(%run_scoped3A_38 : memref<!tpu.dma_semaphore, #tpu.memory_space<semaphore_mem>>) src(%dma_wait3A_60 : memref<128x128xf32, #tpu.memory_space<vmem>>) dst(%dma_wait3A_56 : memref<128x128xf32, #tpu.memory_space<vmem_shared>>)
      tpu.yield
    }) : () -> ()
    %mul3A_10 = arith.constant 320 : i32
    %mul3A_11 = arith.muli %arg1, %mul3A_10 : i32
    %add3A_12 = arith.constant 128 : i32
    %add3A_13 = arith.addi %mul3A_11, %add3A_12 : i32
    %run_scoped3A_14 = arith.constant 0 : i32
    "tpu.region"() ({
      %run_scoped3A_38 = tpu.sem_alloc : memref<!tpu.dma_semaphore, #tpu.memory_space<semaphore_mem>>
      %dma_start3A = arith.constant 0 : i32
      %dma_start3A_39 = arith.constant 0 : i32
      %dma_start3A_40 = tpu.memref_slice %arg10[%run_scoped3A_14, %dma_start3A, %dma_start3A_39] : memref<2x128x128xf32, #tpu.memory_space<vmem>> -> memref<1x128x128xf32, #tpu.memory_space<vmem>>
      %dma_start3A_41 = tpu.memref_squeeze %dma_start3A_40 : memref<1x128x128xf32, #tpu.memory_space<vmem>> -> memref<128x128xf32, #tpu.memory_space<vmem>>
      %dma_start3A_42 = arith.constant 0 : i32
      %dma_start3A_43 = tpu.memref_slice %arg11[%add3A_13, %dma_start3A_42] : memref<5128x128xf32, #tpu.memory_space<vmem_shared>> -> memref<128x128xf32, #tpu.memory_space<vmem_shared>>
      %dma_start3A_44 = arith.constant 0 : i32
      %dma_start3A_45 = tpu.memref_slice %arg11[%add3A_13, %dma_start3A_44] : memref<5128x128xf32, #tpu.memory_space<vmem_shared>> -> memref<128x128xf32, #tpu.memory_space<vmem_shared>>
      %dma_start3A_46 = arith.constant 0 : i32
      %dma_start3A_47 = arith.constant 0 : i32
      %dma_start3A_48 = tpu.memref_slice %arg10[%run_scoped3A_14, %dma_start3A_46, %dma_start3A_47] : memref<2x128x128xf32, #tpu.memory_space<vmem>> -> memref<1x128x128xf32, #tpu.memory_space<vmem>>
      %dma_start3A_49 = tpu.memref_squeeze %dma_start3A_48 : memref<1x128x128xf32, #tpu.memory_space<vmem>> -> memref<128x128xf32, #tpu.memory_space<vmem>>
      tpu.enqueue_dma source(%dma_start3A_49 : memref<128x128xf32, #tpu.memory_space<vmem>>) target(%dma_start3A_45 : memref<128x128xf32, #tpu.memory_space<vmem_shared>>) target_semaphore(%run_scoped3A_38 : memref<!tpu.dma_semaphore, #tpu.memory_space<semaphore_mem>>)
      %dma_wait3A = arith.constant 0 : i32
      %dma_wait3A_50 = arith.constant 0 : i32
      %dma_wait3A_51 = tpu.memref_slice %arg10[%run_scoped3A_14, %dma_wait3A, %dma_wait3A_50] : memref<2x128x128xf32, #tpu.memory_space<vmem>> -> memref<1x128x128xf32, #tpu.memory_space<vmem>>
      %dma_wait3A_52 = tpu.memref_squeeze %dma_wait3A_51 : memref<1x128x128xf32, #tpu.memory_space<vmem>> -> memref<128x128xf32, #tpu.memory_space<vmem>>
      %dma_wait3A_53 = arith.constant 0 : i32
      %dma_wait3A_54 = tpu.memref_slice %arg11[%add3A_13, %dma_wait3A_53] : memref<5128x128xf32, #tpu.memory_space<vmem_shared>> -> memref<128x128xf32, #tpu.memory_space<vmem_shared>>
      %dma_wait3A_55 = arith.constant 0 : i32
      %dma_wait3A_56 = tpu.memref_slice %arg11[%add3A_13, %dma_wait3A_55] : memref<5128x128xf32, #tpu.memory_space<vmem_shared>> -> memref<128x128xf32, #tpu.memory_space<vmem_shared>>
      %dma_wait3A_57 = arith.constant 0 : i32
      %dma_wait3A_58 = arith.constant 0 : i32
      %dma_wait3A_59 = tpu.memref_slice %arg10[%run_scoped3A_14, %dma_wait3A_57, %dma_wait3A_58] : memref<2x128x128xf32, #tpu.memory_space<vmem>> -> memref<1x128x128xf32, #tpu.memory_space<vmem>>
      %dma_wait3A_60 = tpu.memref_squeeze %dma_wait3A_59 : memref<1x128x128xf32, #tpu.memory_space<vmem>> -> memref<128x128xf32, #tpu.memory_space<vmem>>
      tpu.wait_dma2 semaphore(%run_scoped3A_38 : memref<!tpu.dma_semaphore, #tpu.memory_space<semaphore_mem>>) src(%dma_wait3A_60 : memref<128x128xf32, #tpu.memory_space<vmem>>) dst(%dma_wait3A_56 : memref<128x128xf32, #tpu.memory_space<vmem_shared>>)
      tpu.yield
    }) : () -> ()
    %mul3A_15 = arith.constant 320 : i32
    %mul3A_16 = arith.muli %arg1, %mul3A_15 : i32
    %add3A_17 = arith.constant 256 : i32
    %add3A_18 = arith.addi %mul3A_16, %add3A_17 : i32
    %run_scoped3A_19 = arith.constant 0 : i32
    "tpu.region"() ({
      %run_scoped3A_38 = tpu.sem_alloc : memref<!tpu.dma_semaphore, #tpu.memory_space<semaphore_mem>>
      %dma_start3A = arith.constant 0 : i32
      %dma_start3A_39 = arith.constant 0 : i32
      %dma_start3A_40 = tpu.memref_slice %arg10[%run_scoped3A_19, %dma_start3A, %dma_start3A_39] : memref<2x128x128xf32, #tpu.memory_space<vmem>> -> memref<1x128x128xf32, #tpu.memory_space<vmem>>
      %dma_start3A_41 = tpu.memref_squeeze %dma_start3A_40 : memref<1x128x128xf32, #tpu.memory_space<vmem>> -> memref<128x128xf32, #tpu.memory_space<vmem>>
      %dma_start3A_42 = arith.constant 0 : i32
      %dma_start3A_43 = arith.constant 0 : i32
      %dma_start3A_44 = tpu.memref_slice %dma_start3A_41[%dma_start3A_42, %dma_start3A_43] : memref<128x128xf32, #tpu.memory_space<vmem>> -> memref<64x128xf32, #tpu.memory_space<vmem>>
      %dma_start3A_45 = arith.constant 0 : i32
      %dma_start3A_46 = tpu.memref_slice %arg11[%add3A_18, %dma_start3A_45] : memref<5128x128xf32, #tpu.memory_space<vmem_shared>> -> memref<64x128xf32, #tpu.memory_space<vmem_shared>>
      %dma_start3A_47 = arith.constant 0 : i32
      %dma_start3A_48 = tpu.memref_slice %arg11[%add3A_18, %dma_start3A_47] : memref<5128x128xf32, #tpu.memory_space<vmem_shared>> -> memref<64x128xf32, #tpu.memory_space<vmem_shared>>
      %dma_start3A_49 = arith.constant 0 : i32
      %dma_start3A_50 = arith.constant 0 : i32
      %dma_start3A_51 = tpu.memref_slice %arg10[%run_scoped3A_19, %dma_start3A_49, %dma_start3A_50] : memref<2x128x128xf32, #tpu.memory_space<vmem>> -> memref<1x128x128xf32, #tpu.memory_space<vmem>>
      %dma_start3A_52 = tpu.memref_squeeze %dma_start3A_51 : memref<1x128x128xf32, #tpu.memory_space<vmem>> -> memref<128x128xf32, #tpu.memory_space<vmem>>
      %dma_start3A_53 = arith.constant 0 : i32
      %dma_start3A_54 = arith.constant 0 : i32
      %dma_start3A_55 = tpu.memref_slice %dma_start3A_52[%dma_start3A_53, %dma_start3A_54] : memref<128x128xf32, #tpu.memory_space<vmem>> -> memref<64x128xf32, #tpu.memory_space<vmem>>
      tpu.enqueue_dma source(%dma_start3A_55 : memref<64x128xf32, #tpu.memory_space<vmem>>) target(%dma_start3A_48 : memref<64x128xf32, #tpu.memory_space<vmem_shared>>) target_semaphore(%run_scoped3A_38 : memref<!tpu.dma_semaphore, #tpu.memory_space<semaphore_mem>>)
      %dma_wait3A = arith.constant 0 : i32
      %dma_wait3A_56 = arith.constant 0 : i32
      %dma_wait3A_57 = tpu.memref_slice %arg10[%run_scoped3A_19, %dma_wait3A, %dma_wait3A_56] : memref<2x128x128xf32, #tpu.memory_space<vmem>> -> memref<1x128x128xf32, #tpu.memory_space<vmem>>
      %dma_wait3A_58 = tpu.memref_squeeze %dma_wait3A_57 : memref<1x128x128xf32, #tpu.memory_space<vmem>> -> memref<128x128xf32, #tpu.memory_space<vmem>>
      %dma_wait3A_59 = arith.constant 0 : i32
      %dma_wait3A_60 = arith.constant 0 : i32
      %dma_wait3A_61 = tpu.memref_slice %dma_wait3A_58[%dma_wait3A_59, %dma_wait3A_60] : memref<128x128xf32, #tpu.memory_space<vmem>> -> memref<64x128xf32, #tpu.memory_space<vmem>>
      %dma_wait3A_62 = arith.constant 0 : i32
      %dma_wait3A_63 = tpu.memref_slice %arg11[%add3A_18, %dma_wait3A_62] : memref<5128x128xf32, #tpu.memory_space<vmem_shared>> -> memref<64x128xf32, #tpu.memory_space<vmem_shared>>
      %dma_wait3A_64 = arith.constant 0 : i32
      %dma_wait3A_65 = tpu.memref_slice %arg11[%add3A_18, %dma_wait3A_64] : memref<5128x128xf32, #tpu.memory_space<vmem_shared>> -> memref<64x128xf32, #tpu.memory_space<vmem_shared>>
      %dma_wait3A_66 = arith.constant 0 : i32
      %dma_wait3A_67 = arith.constant 0 : i32
      %dma_wait3A_68 = tpu.memref_slice %arg10[%run_scoped3A_19, %dma_wait3A_66, %dma_wait3A_67] : memref<2x128x128xf32, #tpu.memory_space<vmem>> -> memref<1x128x128xf32, #tpu.memory_space<vmem>>
      %dma_wait3A_69 = tpu.memref_squeeze %dma_wait3A_68 : memref<1x128x128xf32, #tpu.memory_space<vmem>> -> memref<128x128xf32, #tpu.memory_space<vmem>>
      %dma_wait3A_70 = arith.constant 0 : i32
      %dma_wait3A_71 = arith.constant 0 : i32
      %dma_wait3A_72 = tpu.memref_slice %dma_wait3A_69[%dma_wait3A_70, %dma_wait3A_71] : memref<128x128xf32, #tpu.memory_space<vmem>> -> memref<64x128xf32, #tpu.memory_space<vmem>>
      tpu.wait_dma2 semaphore(%run_scoped3A_38 : memref<!tpu.dma_semaphore, #tpu.memory_space<semaphore_mem>>) src(%dma_wait3A_72 : memref<64x128xf32, #tpu.memory_space<vmem>>) dst(%dma_wait3A_65 : memref<64x128xf32, #tpu.memory_space<vmem_shared>>)
      tpu.yield
    }) : () -> ()
    %barrier3A = arith.constant 0 : index
    tpu.barrier barrier_id(%barrier3A)
    %gt3A = arith.constant 0 : i32
    %gt3A_20 = arith.cmpi sgt, %squeeze3A, %gt3A : i32
    %convert_element_type3A = arith.extui %gt3A_20 : i1 to i32
    %cond3A = arith.constant 0 : i32
    %cond3A_21 = arith.cmpi ne, %convert_element_type3A, %cond3A : i32
    scf.if %cond3A_21 {
      %dma_start3A = arith.constant 0 : i32
      %dma_start3A_38 = arith.constant 0 : i32
      %dma_start3A_39 = arith.constant 0 : i32
      %dma_start3A_40 = tpu.memref_slice %arg10[%dma_start3A, %dma_start3A_38, %dma_start3A_39] : memref<2x128x128xf32, #tpu.memory_space<vmem>> -> memref<1x64x128xf32, #tpu.memory_space<vmem>>
      %dma_start3A_41 = tpu.memref_squeeze %dma_start3A_40 : memref<1x64x128xf32, #tpu.memory_space<vmem>> -> memref<64x128xf32, #tpu.memory_space<vmem>>
      %dma_start3A_42 = arith.constant 0 : i32
      %dma_start3A_43 = tpu.memref_slice %arg7[%dma_start3A_42] : memref<20736xi32, #tpu.memory_space<vmem>> -> memref<64xi32, #tpu.memory_space<vmem>>
      %dma_start3A_44 = arith.constant 0 : i32
      %dma_start3A_45 = arith.constant 0 : i32
      %dma_start3A_46 = tpu.memref_slice %arg2[%dma_start3A_44, %dma_start3A_45] : memref<10240x128xf32, #tpu.memory_space<hbm>> -> memref<10240x128xf32, #tpu.memory_space<hbm>>
      tpu.enqueue_indirect_dma source(%dma_start3A_46 : memref<10240x128xf32, #tpu.memory_space<hbm>>) target(%dma_start3A_41 : memref<64x128xf32, #tpu.memory_space<vmem>>) offsets(%dma_start3A_43 : memref<64xi32, #tpu.memory_space<vmem>>) semaphore(%arg12 : memref<!tpu.dma_semaphore, #tpu.memory_space<semaphore_mem>>)
      %dma_start3A_47 = arith.constant 0 : i32
      %dma_start3A_48 = arith.constant 64 : i32
      %dma_start3A_49 = arith.constant 0 : i32
      %dma_start3A_50 = tpu.memref_slice %arg10[%dma_start3A_47, %dma_start3A_48, %dma_start3A_49] : memref<2x128x128xf32, #tpu.memory_space<vmem>> -> memref<1x64x128xf32, #tpu.memory_space<vmem>>
      %dma_start3A_51 = tpu.memref_squeeze %dma_start3A_50 : memref<1x64x128xf32, #tpu.memory_space<vmem>> -> memref<64x128xf32, #tpu.memory_space<vmem>>
      %dma_start3A_52 = arith.constant 64 : i32
      %dma_start3A_53 = tpu.memref_slice %arg7[%dma_start3A_52] : memref<20736xi32, #tpu.memory_space<vmem>> -> memref<64xi32, #tpu.memory_space<vmem>>
      %dma_start3A_54 = arith.constant 0 : i32
      %dma_start3A_55 = arith.constant 0 : i32
      %dma_start3A_56 = tpu.memref_slice %arg2[%dma_start3A_54, %dma_start3A_55] : memref<10240x128xf32, #tpu.memory_space<hbm>> -> memref<10240x128xf32, #tpu.memory_space<hbm>>
      tpu.enqueue_indirect_dma source(%dma_start3A_56 : memref<10240x128xf32, #tpu.memory_space<hbm>>) target(%dma_start3A_51 : memref<64x128xf32, #tpu.memory_space<vmem>>) offsets(%dma_start3A_53 : memref<64xi32, #tpu.memory_space<vmem>>) semaphore(%arg12 : memref<!tpu.dma_semaphore, #tpu.memory_space<semaphore_mem>>)
    } else {
    }
    %while3A = arith.constant 0 : i32
    %while3A_22 = arith.constant 0 : i32
    %while3A_23 = arith.subi %squeeze3A, %while3A : i32
    %while3A_24 = arith.addi %while3A, %while3A_23 : i32
    %while3A_25 = arith.constant 1 : i32
    %while3A_26 = arith.divsi %while3A_23, %while3A_25 : i32
    %while3A_27 = arith.muli %while3A_26, %while3A_25 : i32
    %while3A_28 = arith.addi %while3A, %while3A_27 : i32
    %while3A_29 = arith.constant 1 : i32
    %while3A_30 = scf.for %while3A_38 = %while3A to %while3A_28 step %while3A_29 iter_args(%while3A_39 = %while3A_22) -> (i32)  : i32 {
      %rem3A = arith.constant 2 : i32
      %rem3A_40 = arith.remsi %while3A_38, %rem3A : i32
      %mul3A_41 = arith.constant 128 : i32
      %mul3A_42 = arith.muli %while3A_38, %mul3A_41 : i32
      %add3A_43 = arith.constant 0 : i32
      %add3A_44 = arith.addi %mul3A_42, %add3A_43 : i32
      %dma_wait3A = arith.constant 0 : i32
      %dma_wait3A_45 = arith.constant 0 : i32
      %dma_wait3A_46 = tpu.memref_slice %arg10[%rem3A_40, %dma_wait3A, %dma_wait3A_45] : memref<2x128x128xf32, #tpu.memory_space<vmem>> -> memref<1x64x128xf32, #tpu.memory_space<vmem>>
      %dma_wait3A_47 = tpu.memref_squeeze %dma_wait3A_46 : memref<1x64x128xf32, #tpu.memory_space<vmem>> -> memref<64x128xf32, #tpu.memory_space<vmem>>
      %dma_wait3A_48 = tpu.memref_slice %arg7[%add3A_44] : memref<20736xi32, #tpu.memory_space<vmem>> -> memref<64xi32, #tpu.memory_space<vmem>>
      %dma_wait3A_49 = arith.constant 0 : i32
      %dma_wait3A_50 = arith.constant 0 : i32
      %dma_wait3A_51 = tpu.memref_slice %arg2[%dma_wait3A_49, %dma_wait3A_50] : memref<10240x128xf32, #tpu.memory_space<hbm>> -> memref<10240x128xf32, #tpu.memory_space<hbm>>
      tpu.wait_indirect_dma semaphore(%arg12 : memref<!tpu.dma_semaphore, #tpu.memory_space<semaphore_mem>>) src(%dma_wait3A_51 : memref<10240x128xf32, #tpu.memory_space<hbm>>) dst(%dma_wait3A_47 : memref<64x128xf32, #tpu.memory_space<vmem>>)
      %mul3A_52 = arith.constant 128 : i32
      %mul3A_53 = arith.muli %while3A_38, %mul3A_52 : i32
      %add3A_54 = arith.constant 64 : i32
      %add3A_55 = arith.addi %mul3A_53, %add3A_54 : i32
      %dma_wait3A_56 = arith.constant 64 : i32
      %dma_wait3A_57 = arith.constant 0 : i32
      %dma_wait3A_58 = tpu.memref_slice %arg10[%rem3A_40, %dma_wait3A_56, %dma_wait3A_57] : memref<2x128x128xf32, #tpu.memory_space<vmem>> -> memref<1x64x128xf32, #tpu.memory_space<vmem>>
      %dma_wait3A_59 = tpu.memref_squeeze %dma_wait3A_58 : memref<1x64x128xf32, #tpu.memory_space<vmem>> -> memref<64x128xf32, #tpu.memory_space<vmem>>
      %dma_wait3A_60 = tpu.memref_slice %arg7[%add3A_55] : memref<20736xi32, #tpu.memory_space<vmem>> -> memref<64xi32, #tpu.memory_space<vmem>>
      %dma_wait3A_61 = arith.constant 0 : i32
      %dma_wait3A_62 = arith.constant 0 : i32
      %dma_wait3A_63 = tpu.memref_slice %arg2[%dma_wait3A_61, %dma_wait3A_62] : memref<10240x128xf32, #tpu.memory_space<hbm>> -> memref<10240x128xf32, #tpu.memory_space<hbm>>
      tpu.wait_indirect_dma semaphore(%arg12 : memref<!tpu.dma_semaphore, #tpu.memory_space<semaphore_mem>>) src(%dma_wait3A_63 : memref<10240x128xf32, #tpu.memory_space<hbm>>) dst(%dma_wait3A_59 : memref<64x128xf32, #tpu.memory_space<vmem>>)
      %add3A_64 = arith.constant 1 : i32
      %add3A_65 = arith.addi %while3A_38, %add3A_64 : i32
      %lt3A = arith.cmpi slt, %add3A_65, %squeeze3A : i32
      %convert_element_type3A_66 = arith.extui %lt3A : i1 to i32
      %cond3A_67 = arith.constant 0 : i32
      %cond3A_68 = arith.cmpi ne, %convert_element_type3A_66, %cond3A_67 : i32
      scf.if %cond3A_68 {
        %add3A_70 = arith.constant 1 : i32
        %add3A_71 = arith.addi %while3A_38, %add3A_70 : i32
        %sub3A = arith.constant 1 : i32
        %sub3A_72 = arith.subi %sub3A, %rem3A_40 : i32
        %mul3A_73 = arith.constant 128 : i32
        %mul3A_74 = arith.muli %add3A_71, %mul3A_73 : i32
        %add3A_75 = arith.constant 0 : i32
        %add3A_76 = arith.addi %mul3A_74, %add3A_75 : i32
        %dma_start3A = arith.constant 0 : i32
        %dma_start3A_77 = arith.constant 0 : i32
        %dma_start3A_78 = tpu.memref_slice %arg10[%sub3A_72, %dma_start3A, %dma_start3A_77] : memref<2x128x128xf32, #tpu.memory_space<vmem>> -> memref<1x64x128xf32, #tpu.memory_space<vmem>>
        %dma_start3A_79 = tpu.memref_squeeze %dma_start3A_78 : memref<1x64x128xf32, #tpu.memory_space<vmem>> -> memref<64x128xf32, #tpu.memory_space<vmem>>
        %dma_start3A_80 = tpu.memref_slice %arg7[%add3A_76] : memref<20736xi32, #tpu.memory_space<vmem>> -> memref<64xi32, #tpu.memory_space<vmem>>
        %dma_start3A_81 = arith.constant 0 : i32
        %dma_start3A_82 = arith.constant 0 : i32
        %dma_start3A_83 = tpu.memref_slice %arg2[%dma_start3A_81, %dma_start3A_82] : memref<10240x128xf32, #tpu.memory_space<hbm>> -> memref<10240x128xf32, #tpu.memory_space<hbm>>
        tpu.enqueue_indirect_dma source(%dma_start3A_83 : memref<10240x128xf32, #tpu.memory_space<hbm>>) target(%dma_start3A_79 : memref<64x128xf32, #tpu.memory_space<vmem>>) offsets(%dma_start3A_80 : memref<64xi32, #tpu.memory_space<vmem>>) semaphore(%arg12 : memref<!tpu.dma_semaphore, #tpu.memory_space<semaphore_mem>>)
        %mul3A_84 = arith.constant 128 : i32
        %mul3A_85 = arith.muli %add3A_71, %mul3A_84 : i32
        %add3A_86 = arith.constant 64 : i32
        %add3A_87 = arith.addi %mul3A_85, %add3A_86 : i32
        %dma_start3A_88 = arith.constant 64 : i32
        %dma_start3A_89 = arith.constant 0 : i32
        %dma_start3A_90 = tpu.memref_slice %arg10[%sub3A_72, %dma_start3A_88, %dma_start3A_89] : memref<2x128x128xf32, #tpu.memory_space<vmem>> -> memref<1x64x128xf32, #tpu.memory_space<vmem>>
        %dma_start3A_91 = tpu.memref_squeeze %dma_start3A_90 : memref<1x64x128xf32, #tpu.memory_space<vmem>> -> memref<64x128xf32, #tpu.memory_space<vmem>>
        %dma_start3A_92 = tpu.memref_slice %arg7[%add3A_87] : memref<20736xi32, #tpu.memory_space<vmem>> -> memref<64xi32, #tpu.memory_space<vmem>>
        %dma_start3A_93 = arith.constant 0 : i32
        %dma_start3A_94 = arith.constant 0 : i32
        %dma_start3A_95 = tpu.memref_slice %arg2[%dma_start3A_93, %dma_start3A_94] : memref<10240x128xf32, #tpu.memory_space<hbm>> -> memref<10240x128xf32, #tpu.memory_space<hbm>>
        tpu.enqueue_indirect_dma source(%dma_start3A_95 : memref<10240x128xf32, #tpu.memory_space<hbm>>) target(%dma_start3A_91 : memref<64x128xf32, #tpu.memory_space<vmem>>) offsets(%dma_start3A_92 : memref<64xi32, #tpu.memory_space<vmem>>) semaphore(%arg12 : memref<!tpu.dma_semaphore, #tpu.memory_space<semaphore_mem>>)
      } else {
      }
      "tpu.region"() ({
        %run_scoped3A_70 = tpu.sem_alloc : memref<!tpu.dma_semaphore, #tpu.memory_space<semaphore_mem>>
        %dma_start3A = arith.constant 0 : i32
        %dma_start3A_71 = arith.constant 0 : i32
        %dma_start3A_72 = tpu.memref_slice %arg10[%rem3A_40, %dma_start3A, %dma_start3A_71] : memref<2x128x128xf32, #tpu.memory_space<vmem>> -> memref<1x128x128xf32, #tpu.memory_space<vmem>>
        %dma_start3A_73 = tpu.memref_squeeze %dma_start3A_72 : memref<1x128x128xf32, #tpu.memory_space<vmem>> -> memref<128x128xf32, #tpu.memory_space<vmem>>
        %dma_start3A_74 = arith.constant 0 : i32
        %dma_start3A_75 = tpu.memref_slice %arg8[%while3A_38, %dma_start3A_74] : memref<162x128xi32, #tpu.memory_space<vmem>> -> memref<1x128xi32, #tpu.memory_space<vmem>>
        %dma_start3A_76 = tpu.memref_squeeze %dma_start3A_75 : memref<1x128xi32, #tpu.memory_space<vmem>> -> memref<128xi32, #tpu.memory_space<vmem>>
        %dma_start3A_77 = arith.constant 0 : i32
        %dma_start3A_78 = arith.constant 0 : i32
        %dma_start3A_79 = tpu.memref_slice %arg11[%dma_start3A_77, %dma_start3A_78] : memref<5128x128xf32, #tpu.memory_space<vmem_shared>> -> memref<5128x128xf32, #tpu.memory_space<vmem_shared>>
        tpu.enqueue_indirect_dma source(%dma_start3A_73 : memref<128x128xf32, #tpu.memory_space<vmem>>) target(%dma_start3A_79 : memref<5128x128xf32, #tpu.memory_space<vmem_shared>>) offsets(%dma_start3A_76 : memref<128xi32, #tpu.memory_space<vmem>>) semaphore(%run_scoped3A_70 : memref<!tpu.dma_semaphore, #tpu.memory_space<semaphore_mem>>) {add = true}
        %dma_wait3A_80 = arith.constant 0 : i32
        %dma_wait3A_81 = arith.constant 0 : i32
        %dma_wait3A_82 = tpu.memref_slice %arg10[%rem3A_40, %dma_wait3A_80, %dma_wait3A_81] : memref<2x128x128xf32, #tpu.memory_space<vmem>> -> memref<1x128x128xf32, #tpu.memory_space<vmem>>
        %dma_wait3A_83 = tpu.memref_squeeze %dma_wait3A_82 : memref<1x128x128xf32, #tpu.memory_space<vmem>> -> memref<128x128xf32, #tpu.memory_space<vmem>>
        %dma_wait3A_84 = arith.constant 0 : i32
        %dma_wait3A_85 = tpu.memref_slice %arg8[%while3A_38, %dma_wait3A_84] : memref<162x128xi32, #tpu.memory_space<vmem>> -> memref<1x128xi32, #tpu.memory_space<vmem>>
        %dma_wait3A_86 = tpu.memref_squeeze %dma_wait3A_85 : memref<1x128xi32, #tpu.memory_space<vmem>> -> memref<128xi32, #tpu.memory_space<vmem>>
        %dma_wait3A_87 = arith.constant 0 : i32
        %dma_wait3A_88 = arith.constant 0 : i32
        %dma_wait3A_89 = tpu.memref_slice %arg11[%dma_wait3A_87, %dma_wait3A_88] : memref<5128x128xf32, #tpu.memory_space<vmem_shared>> -> memref<5128x128xf32, #tpu.memory_space<vmem_shared>>
        tpu.wait_indirect_dma semaphore(%run_scoped3A_70 : memref<!tpu.dma_semaphore, #tpu.memory_space<semaphore_mem>>) src(%dma_wait3A_83 : memref<128x128xf32, #tpu.memory_space<vmem>>) dst(%dma_wait3A_89 : memref<5128x128xf32, #tpu.memory_space<vmem_shared>>)
        tpu.yield
      }) : () -> ()
      %while3A_69 = arith.constant 0 : i32
      scf.yield %while3A_69 : i32
    }
    %while3A_31 = arith.constant 1 : i32
    %while3A_32 = scf.for %while3A_38 = %while3A_28 to %while3A_24 step %while3A_31 iter_args(%while3A_39 = %while3A_30) -> (i32)  : i32 {
      %rem3A = arith.constant 2 : i32
      %rem3A_40 = arith.remsi %while3A_38, %rem3A : i32
      %mul3A_41 = arith.constant 128 : i32
      %mul3A_42 = arith.muli %while3A_38, %mul3A_41 : i32
      %add3A_43 = arith.constant 0 : i32
      %add3A_44 = arith.addi %mul3A_42, %add3A_43 : i32
      %dma_wait3A = arith.constant 0 : i32
      %dma_wait3A_45 = arith.constant 0 : i32
      %dma_wait3A_46 = tpu.memref_slice %arg10[%rem3A_40, %dma_wait3A, %dma_wait3A_45] : memref<2x128x128xf32, #tpu.memory_space<vmem>> -> memref<1x64x128xf32, #tpu.memory_space<vmem>>
      %dma_wait3A_47 = tpu.memref_squeeze %dma_wait3A_46 : memref<1x64x128xf32, #tpu.memory_space<vmem>> -> memref<64x128xf32, #tpu.memory_space<vmem>>
      %dma_wait3A_48 = tpu.memref_slice %arg7[%add3A_44] : memref<20736xi32, #tpu.memory_space<vmem>> -> memref<64xi32, #tpu.memory_space<vmem>>
      %dma_wait3A_49 = arith.constant 0 : i32
      %dma_wait3A_50 = arith.constant 0 : i32
      %dma_wait3A_51 = tpu.memref_slice %arg2[%dma_wait3A_49, %dma_wait3A_50] : memref<10240x128xf32, #tpu.memory_space<hbm>> -> memref<10240x128xf32, #tpu.memory_space<hbm>>
      tpu.wait_indirect_dma semaphore(%arg12 : memref<!tpu.dma_semaphore, #tpu.memory_space<semaphore_mem>>) src(%dma_wait3A_51 : memref<10240x128xf32, #tpu.memory_space<hbm>>) dst(%dma_wait3A_47 : memref<64x128xf32, #tpu.memory_space<vmem>>)
      %mul3A_52 = arith.constant 128 : i32
      %mul3A_53 = arith.muli %while3A_38, %mul3A_52 : i32
      %add3A_54 = arith.constant 64 : i32
      %add3A_55 = arith.addi %mul3A_53, %add3A_54 : i32
      %dma_wait3A_56 = arith.constant 64 : i32
      %dma_wait3A_57 = arith.constant 0 : i32
      %dma_wait3A_58 = tpu.memref_slice %arg10[%rem3A_40, %dma_wait3A_56, %dma_wait3A_57] : memref<2x128x128xf32, #tpu.memory_space<vmem>> -> memref<1x64x128xf32, #tpu.memory_space<vmem>>
      %dma_wait3A_59 = tpu.memref_squeeze %dma_wait3A_58 : memref<1x64x128xf32, #tpu.memory_space<vmem>> -> memref<64x128xf32, #tpu.memory_space<vmem>>
      %dma_wait3A_60 = tpu.memref_slice %arg7[%add3A_55] : memref<20736xi32, #tpu.memory_space<vmem>> -> memref<64xi32, #tpu.memory_space<vmem>>
      %dma_wait3A_61 = arith.constant 0 : i32
      %dma_wait3A_62 = arith.constant 0 : i32
      %dma_wait3A_63 = tpu.memref_slice %arg2[%dma_wait3A_61, %dma_wait3A_62] : memref<10240x128xf32, #tpu.memory_space<hbm>> -> memref<10240x128xf32, #tpu.memory_space<hbm>>
      tpu.wait_indirect_dma semaphore(%arg12 : memref<!tpu.dma_semaphore, #tpu.memory_space<semaphore_mem>>) src(%dma_wait3A_63 : memref<10240x128xf32, #tpu.memory_space<hbm>>) dst(%dma_wait3A_59 : memref<64x128xf32, #tpu.memory_space<vmem>>)
      %add3A_64 = arith.constant 1 : i32
      %add3A_65 = arith.addi %while3A_38, %add3A_64 : i32
      %lt3A = arith.cmpi slt, %add3A_65, %squeeze3A : i32
      %convert_element_type3A_66 = arith.extui %lt3A : i1 to i32
      %cond3A_67 = arith.constant 0 : i32
      %cond3A_68 = arith.cmpi ne, %convert_element_type3A_66, %cond3A_67 : i32
      scf.if %cond3A_68 {
        %add3A_70 = arith.constant 1 : i32
        %add3A_71 = arith.addi %while3A_38, %add3A_70 : i32
        %sub3A = arith.constant 1 : i32
        %sub3A_72 = arith.subi %sub3A, %rem3A_40 : i32
        %mul3A_73 = arith.constant 128 : i32
        %mul3A_74 = arith.muli %add3A_71, %mul3A_73 : i32
        %add3A_75 = arith.constant 0 : i32
        %add3A_76 = arith.addi %mul3A_74, %add3A_75 : i32
        %dma_start3A = arith.constant 0 : i32
        %dma_start3A_77 = arith.constant 0 : i32
        %dma_start3A_78 = tpu.memref_slice %arg10[%sub3A_72, %dma_start3A, %dma_start3A_77] : memref<2x128x128xf32, #tpu.memory_space<vmem>> -> memref<1x64x128xf32, #tpu.memory_space<vmem>>
        %dma_start3A_79 = tpu.memref_squeeze %dma_start3A_78 : memref<1x64x128xf32, #tpu.memory_space<vmem>> -> memref<64x128xf32, #tpu.memory_space<vmem>>
        %dma_start3A_80 = tpu.memref_slice %arg7[%add3A_76] : memref<20736xi32, #tpu.memory_space<vmem>> -> memref<64xi32, #tpu.memory_space<vmem>>
        %dma_start3A_81 = arith.constant 0 : i32
        %dma_start3A_82 = arith.constant 0 : i32
        %dma_start3A_83 = tpu.memref_slice %arg2[%dma_start3A_81, %dma_start3A_82] : memref<10240x128xf32, #tpu.memory_space<hbm>> -> memref<10240x128xf32, #tpu.memory_space<hbm>>
        tpu.enqueue_indirect_dma source(%dma_start3A_83 : memref<10240x128xf32, #tpu.memory_space<hbm>>) target(%dma_start3A_79 : memref<64x128xf32, #tpu.memory_space<vmem>>) offsets(%dma_start3A_80 : memref<64xi32, #tpu.memory_space<vmem>>) semaphore(%arg12 : memref<!tpu.dma_semaphore, #tpu.memory_space<semaphore_mem>>)
        %mul3A_84 = arith.constant 128 : i32
        %mul3A_85 = arith.muli %add3A_71, %mul3A_84 : i32
        %add3A_86 = arith.constant 64 : i32
        %add3A_87 = arith.addi %mul3A_85, %add3A_86 : i32
        %dma_start3A_88 = arith.constant 64 : i32
        %dma_start3A_89 = arith.constant 0 : i32
        %dma_start3A_90 = tpu.memref_slice %arg10[%sub3A_72, %dma_start3A_88, %dma_start3A_89] : memref<2x128x128xf32, #tpu.memory_space<vmem>> -> memref<1x64x128xf32, #tpu.memory_space<vmem>>
        %dma_start3A_91 = tpu.memref_squeeze %dma_start3A_90 : memref<1x64x128xf32, #tpu.memory_space<vmem>> -> memref<64x128xf32, #tpu.memory_space<vmem>>
        %dma_start3A_92 = tpu.memref_slice %arg7[%add3A_87] : memref<20736xi32, #tpu.memory_space<vmem>> -> memref<64xi32, #tpu.memory_space<vmem>>
        %dma_start3A_93 = arith.constant 0 : i32
        %dma_start3A_94 = arith.constant 0 : i32
        %dma_start3A_95 = tpu.memref_slice %arg2[%dma_start3A_93, %dma_start3A_94] : memref<10240x128xf32, #tpu.memory_space<hbm>> -> memref<10240x128xf32, #tpu.memory_space<hbm>>
        tpu.enqueue_indirect_dma source(%dma_start3A_95 : memref<10240x128xf32, #tpu.memory_space<hbm>>) target(%dma_start3A_91 : memref<64x128xf32, #tpu.memory_space<vmem>>) offsets(%dma_start3A_92 : memref<64xi32, #tpu.memory_space<vmem>>) semaphore(%arg12 : memref<!tpu.dma_semaphore, #tpu.memory_space<semaphore_mem>>)
      } else {
      }
      "tpu.region"() ({
        %run_scoped3A_70 = tpu.sem_alloc : memref<!tpu.dma_semaphore, #tpu.memory_space<semaphore_mem>>
        %dma_start3A = arith.constant 0 : i32
        %dma_start3A_71 = arith.constant 0 : i32
        %dma_start3A_72 = tpu.memref_slice %arg10[%rem3A_40, %dma_start3A, %dma_start3A_71] : memref<2x128x128xf32, #tpu.memory_space<vmem>> -> memref<1x128x128xf32, #tpu.memory_space<vmem>>
        %dma_start3A_73 = tpu.memref_squeeze %dma_start3A_72 : memref<1x128x128xf32, #tpu.memory_space<vmem>> -> memref<128x128xf32, #tpu.memory_space<vmem>>
        %dma_start3A_74 = arith.constant 0 : i32
        %dma_start3A_75 = tpu.memref_slice %arg8[%while3A_38, %dma_start3A_74] : memref<162x128xi32, #tpu.memory_space<vmem>> -> memref<1x128xi32, #tpu.memory_space<vmem>>
        %dma_start3A_76 = tpu.memref_squeeze %dma_start3A_75 : memref<1x128xi32, #tpu.memory_space<vmem>> -> memref<128xi32, #tpu.memory_space<vmem>>
        %dma_start3A_77 = arith.constant 0 : i32
        %dma_start3A_78 = arith.constant 0 : i32
        %dma_start3A_79 = tpu.memref_slice %arg11[%dma_start3A_77, %dma_start3A_78] : memref<5128x128xf32, #tpu.memory_space<vmem_shared>> -> memref<5128x128xf32, #tpu.memory_space<vmem_shared>>
        tpu.enqueue_indirect_dma source(%dma_start3A_73 : memref<128x128xf32, #tpu.memory_space<vmem>>) target(%dma_start3A_79 : memref<5128x128xf32, #tpu.memory_space<vmem_shared>>) offsets(%dma_start3A_76 : memref<128xi32, #tpu.memory_space<vmem>>) semaphore(%run_scoped3A_70 : memref<!tpu.dma_semaphore, #tpu.memory_space<semaphore_mem>>) {add = true}
        %dma_wait3A_80 = arith.constant 0 : i32
        %dma_wait3A_81 = arith.constant 0 : i32
        %dma_wait3A_82 = tpu.memref_slice %arg10[%rem3A_40, %dma_wait3A_80, %dma_wait3A_81] : memref<2x128x128xf32, #tpu.memory_space<vmem>> -> memref<1x128x128xf32, #tpu.memory_space<vmem>>
        %dma_wait3A_83 = tpu.memref_squeeze %dma_wait3A_82 : memref<1x128x128xf32, #tpu.memory_space<vmem>> -> memref<128x128xf32, #tpu.memory_space<vmem>>
        %dma_wait3A_84 = arith.constant 0 : i32
        %dma_wait3A_85 = tpu.memref_slice %arg8[%while3A_38, %dma_wait3A_84] : memref<162x128xi32, #tpu.memory_space<vmem>> -> memref<1x128xi32, #tpu.memory_space<vmem>>
        %dma_wait3A_86 = tpu.memref_squeeze %dma_wait3A_85 : memref<1x128xi32, #tpu.memory_space<vmem>> -> memref<128xi32, #tpu.memory_space<vmem>>
        %dma_wait3A_87 = arith.constant 0 : i32
        %dma_wait3A_88 = arith.constant 0 : i32
        %dma_wait3A_89 = tpu.memref_slice %arg11[%dma_wait3A_87, %dma_wait3A_88] : memref<5128x128xf32, #tpu.memory_space<vmem_shared>> -> memref<5128x128xf32, #tpu.memory_space<vmem_shared>>
        tpu.wait_indirect_dma semaphore(%run_scoped3A_70 : memref<!tpu.dma_semaphore, #tpu.memory_space<semaphore_mem>>) src(%dma_wait3A_83 : memref<128x128xf32, #tpu.memory_space<vmem>>) dst(%dma_wait3A_89 : memref<5128x128xf32, #tpu.memory_space<vmem_shared>>)
        tpu.yield
      }) : () -> ()
      %while3A_69 = arith.constant 0 : i32
      scf.yield %while3A_69 : i32
    }
    %barrier3A_33 = arith.constant 0 : index
    tpu.barrier barrier_id(%barrier3A_33)
    %mul3A_34 = arith.constant 320 : i32
    %mul3A_35 = arith.muli %arg1, %mul3A_34 : i32
    %mul3A_36 = arith.constant 320 : i32
    %mul3A_37 = arith.muli %arg1, %mul3A_36 : i32
    "tpu.region"() ({
      %run_scoped3A_38 = tpu.sem_alloc : memref<!tpu.dma_semaphore, #tpu.memory_space<semaphore_mem>>
      %dma_start3A = arith.constant 0 : i32
      %dma_start3A_39 = tpu.memref_slice %arg6[%arg0, %mul3A_37, %dma_start3A] : memref<2x5120x128xf32, #tpu.memory_space<hbm>> -> memref<1x320x128xf32, #tpu.memory_space<hbm>>
      %dma_start3A_40 = tpu.memref_squeeze %dma_start3A_39 : memref<1x320x128xf32, #tpu.memory_space<hbm>> -> memref<320x128xf32, #tpu.memory_space<hbm>>
      %dma_start3A_41 = arith.constant 0 : i32
      %dma_start3A_42 = tpu.memref_slice %arg11[%mul3A_35, %dma_start3A_41] : memref<5128x128xf32, #tpu.memory_space<vmem_shared>> -> memref<320x128xf32, #tpu.memory_space<vmem_shared>>
      tpu.enqueue_dma source(%dma_start3A_42 : memref<320x128xf32, #tpu.memory_space<vmem_shared>>) target(%dma_start3A_40 : memref<320x128xf32, #tpu.memory_space<hbm>>) target_semaphore(%run_scoped3A_38 : memref<!tpu.dma_semaphore, #tpu.memory_space<semaphore_mem>>)
      %dma_wait3A = arith.constant 0 : i32
      %dma_wait3A_43 = tpu.memref_slice %arg6[%arg0, %mul3A_37, %dma_wait3A] : memref<2x5120x128xf32, #tpu.memory_space<hbm>> -> memref<1x320x128xf32, #tpu.memory_space<hbm>>
      %dma_wait3A_44 = tpu.memref_squeeze %dma_wait3A_43 : memref<1x320x128xf32, #tpu.memory_space<hbm>> -> memref<320x128xf32, #tpu.memory_space<hbm>>
      %dma_wait3A_45 = arith.constant 0 : i32
      %dma_wait3A_46 = tpu.memref_slice %arg11[%mul3A_35, %dma_wait3A_45] : memref<5128x128xf32, #tpu.memory_space<vmem_shared>> -> memref<320x128xf32, #tpu.memory_space<vmem_shared>>
      tpu.wait_dma2 semaphore(%run_scoped3A_38 : memref<!tpu.dma_semaphore, #tpu.memory_space<semaphore_mem>>) src(%dma_wait3A_46 : memref<320x128xf32, #tpu.memory_space<vmem_shared>>) dst(%dma_wait3A_44 : memref<320x128xf32, #tpu.memory_space<hbm>>)
      tpu.yield
    }) : () -> ()
    return
  }
}

module attributes {stable_mosaic.version = 14 : i64} {
  func.func @_mm2_body(%arg0: i32, %arg1: memref<2048x128xf32, #tpu.memory_space<vmem>>, %arg2: memref<128x128xf32, #tpu.memory_space<vmem>>, %arg3: memref<128x128xf32, #tpu.memory_space<vmem>>, %arg4: memref<2048x128xf32, #tpu.memory_space<vmem>>, %arg5: memref<2048x128xf32, #tpu.memory_space<vmem>>) attributes {dimension_semantics = [#tpu.dimension_semantics<arbitrary>], iteration_bounds = array<i64: 5>, scalar_prefetch = 0 : i64, scratch_operands = 0 : i64, tpu.core_type = #tpu.core_type<tc>, window_params = [{transform_indices = @transform_0, window_bounds = array<i64: 2048, 128>}, {pipeline_mode = #tpu.pipeline_mode<synchronous>, transform_indices = @transform_1, window_bounds = array<i64: 128, 128>}, {pipeline_mode = #tpu.pipeline_mode<synchronous>, transform_indices = @transform_2, window_bounds = array<i64: 128, 128>}, {transform_indices = @transform_3, window_bounds = array<i64: 2048, 128>}, {transform_indices = @transform_4, window_bounds = array<i64: 2048, 128>}]} {
    %get3A = arith.constant 0 : index
    %get3A_0 = arith.constant 0 : index
    %get3A_1 = vector.load %arg1[%get3A, %get3A_0] : memref<2048x128xf32, #tpu.memory_space<vmem>>, vector<2048x128xf32>
    %get3A_2 = arith.constant 0 : index
    %get3A_3 = arith.constant 0 : index
    %get3A_4 = vector.load %arg2[%get3A_2, %get3A_3] : memref<128x128xf32, #tpu.memory_space<vmem>>, vector<128x128xf32>
    %dot_general3A = arith.constant dense<0.000000e+00> : vector<2048x128xf32>
    %dot_general3A_5 = tpu.matmul %get3A_1, %get3A_4, %dot_general3A {dimension_numbers = #tpu.dot_dimension_numbers<[1], [1], [0], [0], [0, 0, 1, 0], [], []>, transpose_lhs_hint = false} : vector<2048x128xf32>, vector<128x128xf32>, vector<2048x128xf32> -> vector<2048x128xf32>
    %swap3A = arith.constant 0 : index
    %swap3A_6 = arith.constant 0 : index
    %swap3A_7 = vector.load %arg4[%swap3A, %swap3A_6] : memref<2048x128xf32, #tpu.memory_space<vmem>>, vector<2048x128xf32>
    tpu.vector_store %arg4[%swap3A, %swap3A_6], %dot_general3A_5 {strides = array<i32>} : memref<2048x128xf32, #tpu.memory_space<vmem>>, vector<2048x128xf32>,
    %get3A_8 = arith.constant 0 : index
    %get3A_9 = arith.constant 0 : index
    %get3A_10 = vector.load %arg3[%get3A_8, %get3A_9] : memref<128x128xf32, #tpu.memory_space<vmem>>, vector<128x128xf32>
    %dot_general3A_11 = arith.constant dense<0.000000e+00> : vector<2048x128xf32>
    %dot_general3A_12 = tpu.matmul %get3A_1, %get3A_10, %dot_general3A_11 {dimension_numbers = #tpu.dot_dimension_numbers<[1], [1], [0], [0], [0, 0, 1, 0], [], []>, transpose_lhs_hint = false} : vector<2048x128xf32>, vector<128x128xf32>, vector<2048x128xf32> -> vector<2048x128xf32>
    %swap3A_13 = arith.constant 0 : index
    %swap3A_14 = arith.constant 0 : index
    %swap3A_15 = vector.load %arg5[%swap3A_13, %swap3A_14] : memref<2048x128xf32, #tpu.memory_space<vmem>>, vector<2048x128xf32>
    tpu.vector_store %arg5[%swap3A_13, %swap3A_14], %dot_general3A_12 {strides = array<i32>} : memref<2048x128xf32, #tpu.memory_space<vmem>>, vector<2048x128xf32>,
    return
  }
  func.func @transform_0(%arg0: i32) -> (i32, i32) {
    %c0_i32 = arith.constant 0 : i32
    %c0_i32_0 = arith.constant 0 : i32
    return %arg0, %c0_i32 : i32, i32
  }
  func.func @transform_1(%arg0: i32) -> (i32, i32) {
    %c0_i32 = arith.constant 0 : i32
    %c0_i32_0 = arith.constant 0 : i32
    %c0_i32_1 = arith.constant 0 : i32
    return %c0_i32, %c0_i32_0 : i32, i32
  }
  func.func @transform_2(%arg0: i32) -> (i32, i32) {
    %c0_i32 = arith.constant 0 : i32
    %c0_i32_0 = arith.constant 0 : i32
    %c0_i32_1 = arith.constant 0 : i32
    return %c0_i32, %c0_i32_0 : i32, i32
  }
  func.func @transform_3(%arg0: i32) -> (i32, i32) {
    %c0_i32 = arith.constant 0 : i32
    %c0_i32_0 = arith.constant 0 : i32
    return %arg0, %c0_i32 : i32, i32
  }
  func.func @transform_4(%arg0: i32) -> (i32, i32) {
    %c0_i32 = arith.constant 0 : i32
    %c0_i32_0 = arith.constant 0 : i32
    return %arg0, %c0_i32 : i32, i32
  }
}

module attributes {stable_mosaic.version = 14 : i64} {
  func.func @_mid_body(%arg0: i32, %arg1: memref<2048x128xf32, #tpu.memory_space<vmem>>, %arg2: memref<2048x128xf32, #tpu.memory_space<vmem>>, %arg3: memref<2048x2xf32, #tpu.memory_space<vmem>>, %arg4: memref<1x128xf32, #tpu.memory_space<vmem>>, %arg5: memref<128x128xf32, #tpu.memory_space<vmem>>, %arg6: memref<128x128xf32, #tpu.memory_space<vmem>>, %arg7: memref<2048x128xf32, #tpu.memory_space<vmem>>, %arg8: memref<2048x128xf32, #tpu.memory_space<vmem>>) attributes {dimension_semantics = [#tpu.dimension_semantics<arbitrary>], iteration_bounds = array<i64: 5>, scalar_prefetch = 0 : i64, scratch_operands = 0 : i64, tpu.core_type = #tpu.core_type<tc>, window_params = [{transform_indices = @transform_0, window_bounds = array<i64: 2048, 128>}, {transform_indices = @transform_1, window_bounds = array<i64: 2048, 128>}, {transform_indices = @transform_2, window_bounds = array<i64: 2048, 2>}, {pipeline_mode = #tpu.pipeline_mode<synchronous>, transform_indices = @transform_3, window_bounds = array<i64: 1, 128>}, {pipeline_mode = #tpu.pipeline_mode<synchronous>, transform_indices = @transform_4, window_bounds = array<i64: 128, 128>}, {pipeline_mode = #tpu.pipeline_mode<synchronous>, transform_indices = @transform_5, window_bounds = array<i64: 128, 128>}, {transform_indices = @transform_6, window_bounds = array<i64: 2048, 128>}, {transform_indices = @transform_7, window_bounds = array<i64: 2048, 128>}]} {
    %get3A = arith.constant 0 : index
    %get3A_0 = arith.constant 0 : index
    %get3A_1 = vector.load %arg1[%get3A, %get3A_0] : memref<2048x128xf32, #tpu.memory_space<vmem>>, vector<2048x128xf32>
    %get3A_2 = arith.constant 0 : index
    %get3A_3 = arith.constant 0 : index
    %get3A_4 = vector.load %arg2[%get3A_2, %get3A_3] : memref<2048x128xf32, #tpu.memory_space<vmem>>, vector<2048x128xf32>
    %add3A = arith.addf %get3A_1, %get3A_4 : vector<2048x128xf32>
    %get3A_5 = arith.constant 0 : index
    %get3A_6 = arith.constant 0 : index
    %get3A_7 = vector.load %arg4[%get3A_5, %get3A_6] : memref<1x128xf32, #tpu.memory_space<vmem>>, vector<1x128xf32>
    %add3A_8 = vector.broadcast %get3A_7 : vector<1x128xf32> to vector<2048x128xf32>
    %add3A_9 = arith.addf %add3A, %add3A_8 : vector<2048x128xf32>
    %get3A_10 = arith.constant 0 : index
    %get3A_11 = arith.constant 0 : index
    %get3A_12 = vector.load %arg3[%get3A_10, %get3A_11] : memref<2048x2xf32, #tpu.memory_space<vmem>>, vector<2048x1xf32>
    %get3A_13 = arith.constant 0 : index
    %get3A_14 = arith.constant 1 : index
    %get3A_15 = vector.load %arg3[%get3A_13, %get3A_14] : memref<2048x2xf32, #tpu.memory_space<vmem>>, vector<2048x1xf32>
    %add3A_16 = arith.addf %get3A_12, %get3A_15 : vector<2048x1xf32>
    %iota3A = tpu.iota {dimensions = array<i32: 0>} : vector<2048x1xi32>
    %mul3A = arith.constant 2048 : i32
    %mul3A_17 = arith.muli %arg0, %mul3A : i32
    %add3A_18 = vector.broadcast %mul3A_17 : i32 to vector<2048x1xi32>
    %add3A_19 = arith.addi %iota3A, %add3A_18 : vector<2048x1xi32>
    %lt3A = arith.constant 10000 : i32
    %lt3A_20 = vector.broadcast %lt3A : i32 to vector<2048x1xi32>
    %lt3A_21 = arith.cmpi slt, %add3A_19, %lt3A_20 : vector<2048x1xi32>
    %jit3A = arith.constant 0.000000e+00 : f32
    %broadcast_in_dim3A = vector.broadcast %jit3A : f32 to vector<2048x1xf32>
    %select_n3A = arith.select %lt3A_21, %add3A_16, %broadcast_in_dim3A : vector<2048x1xi1>, vector<2048x1xf32>
    %mul3A_22 = vector.broadcast %select_n3A : vector<2048x1xf32> to vector<2048x128xf32>
    %mul3A_23 = arith.mulf %add3A_9, %mul3A_22 : vector<2048x128xf32>
    %max3A = arith.constant 0.000000e+00 : f32
    %max3A_24 = vector.broadcast %max3A : f32 to vector<2048x128xf32>
    %max3A_25 = arith.maximumf %mul3A_23, %max3A_24 : vector<2048x128xf32>
    %get3A_26 = arith.constant 0 : index
    %get3A_27 = arith.constant 0 : index
    %get3A_28 = vector.load %arg5[%get3A_26, %get3A_27] : memref<128x128xf32, #tpu.memory_space<vmem>>, vector<128x128xf32>
    %dot_general3A = arith.constant dense<0.000000e+00> : vector<2048x128xf32>
    %dot_general3A_29 = tpu.matmul %max3A_25, %get3A_28, %dot_general3A {dimension_numbers = #tpu.dot_dimension_numbers<[1], [1], [0], [0], [0, 0, 1, 0], [], []>, transpose_lhs_hint = false} : vector<2048x128xf32>, vector<128x128xf32>, vector<2048x128xf32> -> vector<2048x128xf32>
    %swap3A = arith.constant 0 : index
    %swap3A_30 = arith.constant 0 : index
    %swap3A_31 = vector.load %arg7[%swap3A, %swap3A_30] : memref<2048x128xf32, #tpu.memory_space<vmem>>, vector<2048x128xf32>
    tpu.vector_store %arg7[%swap3A, %swap3A_30], %dot_general3A_29 {strides = array<i32>} : memref<2048x128xf32, #tpu.memory_space<vmem>>, vector<2048x128xf32>,
    %get3A_32 = arith.constant 0 : index
    %get3A_33 = arith.constant 0 : index
    %get3A_34 = vector.load %arg6[%get3A_32, %get3A_33] : memref<128x128xf32, #tpu.memory_space<vmem>>, vector<128x128xf32>
    %dot_general3A_35 = arith.constant dense<0.000000e+00> : vector<2048x128xf32>
    %dot_general3A_36 = tpu.matmul %max3A_25, %get3A_34, %dot_general3A_35 {dimension_numbers = #tpu.dot_dimension_numbers<[1], [1], [0], [0], [0, 0, 1, 0], [], []>, transpose_lhs_hint = false} : vector<2048x128xf32>, vector<128x128xf32>, vector<2048x128xf32> -> vector<2048x128xf32>
    %swap3A_37 = arith.constant 0 : index
    %swap3A_38 = arith.constant 0 : index
    %swap3A_39 = vector.load %arg8[%swap3A_37, %swap3A_38] : memref<2048x128xf32, #tpu.memory_space<vmem>>, vector<2048x128xf32>
    tpu.vector_store %arg8[%swap3A_37, %swap3A_38], %dot_general3A_36 {strides = array<i32>} : memref<2048x128xf32, #tpu.memory_space<vmem>>, vector<2048x128xf32>,
    return
  }
  func.func @transform_0(%arg0: i32) -> (i32, i32) {
    %c0_i32 = arith.constant 0 : i32
    %c0_i32_0 = arith.constant 0 : i32
    return %arg0, %c0_i32 : i32, i32
  }
  func.func @transform_1(%arg0: i32) -> (i32, i32) {
    %c0_i32 = arith.constant 0 : i32
    %c0_i32_0 = arith.constant 0 : i32
    return %arg0, %c0_i32 : i32, i32
  }
  func.func @transform_2(%arg0: i32) -> (i32, i32) {
    %c0_i32 = arith.constant 0 : i32
    %c0_i32_0 = arith.constant 0 : i32
    return %arg0, %c0_i32 : i32, i32
  }
  func.func @transform_3(%arg0: i32) -> (i32, i32) {
    %c0_i32 = arith.constant 0 : i32
    %c0_i32_0 = arith.constant 0 : i32
    %c0_i32_1 = arith.constant 0 : i32
    return %c0_i32, %c0_i32_0 : i32, i32
  }
  func.func @transform_4(%arg0: i32) -> (i32, i32) {
    %c0_i32 = arith.constant 0 : i32
    %c0_i32_0 = arith.constant 0 : i32
    %c0_i32_1 = arith.constant 0 : i32
    return %c0_i32, %c0_i32_0 : i32, i32
  }
  func.func @transform_5(%arg0: i32) -> (i32, i32) {
    %c0_i32 = arith.constant 0 : i32
    %c0_i32_0 = arith.constant 0 : i32
    %c0_i32_1 = arith.constant 0 : i32
    return %c0_i32, %c0_i32_0 : i32, i32
  }
  func.func @transform_6(%arg0: i32) -> (i32, i32) {
    %c0_i32 = arith.constant 0 : i32
    %c0_i32_0 = arith.constant 0 : i32
    return %arg0, %c0_i32 : i32, i32
  }
  func.func @transform_7(%arg0: i32) -> (i32, i32) {
    %c0_i32 = arith.constant 0 : i32
    %c0_i32_0 = arith.constant 0 : i32
    return %arg0, %c0_i32 : i32, i32
  }
}

module attributes {stable_mosaic.version = 14 : i64} {
  func.func @_fin_body(%arg0: i32, %arg1: memref<2048x128xf32, #tpu.memory_space<vmem>>, %arg2: memref<2048x128xf32, #tpu.memory_space<vmem>>, %arg3: memref<2048x2xf32, #tpu.memory_space<vmem>>, %arg4: memref<1x128xf32, #tpu.memory_space<vmem>>, %arg5: memref<128x128xf32, #tpu.memory_space<vmem>>, %arg6: memref<1x128xf32, #tpu.memory_space<vmem>>, %arg7: memref<2048x128xf32, #tpu.memory_space<vmem>>) attributes {dimension_semantics = [#tpu.dimension_semantics<arbitrary>], iteration_bounds = array<i64: 5>, scalar_prefetch = 0 : i64, scratch_operands = 0 : i64, tpu.core_type = #tpu.core_type<tc>, window_params = [{transform_indices = @transform_0, window_bounds = array<i64: 2048, 128>}, {transform_indices = @transform_1, window_bounds = array<i64: 2048, 128>}, {transform_indices = @transform_2, window_bounds = array<i64: 2048, 2>}, {pipeline_mode = #tpu.pipeline_mode<synchronous>, transform_indices = @transform_3, window_bounds = array<i64: 1, 128>}, {pipeline_mode = #tpu.pipeline_mode<synchronous>, transform_indices = @transform_4, window_bounds = array<i64: 128, 128>}, {pipeline_mode = #tpu.pipeline_mode<synchronous>, transform_indices = @transform_5, window_bounds = array<i64: 1, 128>}, {transform_indices = @transform_6, window_bounds = array<i64: 2048, 128>}]} {
    %get3A = arith.constant 0 : index
    %get3A_0 = arith.constant 0 : index
    %get3A_1 = vector.load %arg1[%get3A, %get3A_0] : memref<2048x128xf32, #tpu.memory_space<vmem>>, vector<2048x128xf32>
    %get3A_2 = arith.constant 0 : index
    %get3A_3 = arith.constant 0 : index
    %get3A_4 = vector.load %arg2[%get3A_2, %get3A_3] : memref<2048x128xf32, #tpu.memory_space<vmem>>, vector<2048x128xf32>
    %add3A = arith.addf %get3A_1, %get3A_4 : vector<2048x128xf32>
    %get3A_5 = arith.constant 0 : index
    %get3A_6 = arith.constant 0 : index
    %get3A_7 = vector.load %arg4[%get3A_5, %get3A_6] : memref<1x128xf32, #tpu.memory_space<vmem>>, vector<1x128xf32>
    %add3A_8 = vector.broadcast %get3A_7 : vector<1x128xf32> to vector<2048x128xf32>
    %add3A_9 = arith.addf %add3A, %add3A_8 : vector<2048x128xf32>
    %get3A_10 = arith.constant 0 : index
    %get3A_11 = arith.constant 0 : index
    %get3A_12 = vector.load %arg3[%get3A_10, %get3A_11] : memref<2048x2xf32, #tpu.memory_space<vmem>>, vector<2048x1xf32>
    %get3A_13 = arith.constant 0 : index
    %get3A_14 = arith.constant 1 : index
    %get3A_15 = vector.load %arg3[%get3A_13, %get3A_14] : memref<2048x2xf32, #tpu.memory_space<vmem>>, vector<2048x1xf32>
    %add3A_16 = arith.addf %get3A_12, %get3A_15 : vector<2048x1xf32>
    %iota3A = tpu.iota {dimensions = array<i32: 0>} : vector<2048x1xi32>
    %mul3A = arith.constant 2048 : i32
    %mul3A_17 = arith.muli %arg0, %mul3A : i32
    %add3A_18 = vector.broadcast %mul3A_17 : i32 to vector<2048x1xi32>
    %add3A_19 = arith.addi %iota3A, %add3A_18 : vector<2048x1xi32>
    %lt3A = arith.constant 10000 : i32
    %lt3A_20 = vector.broadcast %lt3A : i32 to vector<2048x1xi32>
    %lt3A_21 = arith.cmpi slt, %add3A_19, %lt3A_20 : vector<2048x1xi32>
    %jit3A = arith.constant 0.000000e+00 : f32
    %broadcast_in_dim3A = vector.broadcast %jit3A : f32 to vector<2048x1xf32>
    %select_n3A = arith.select %lt3A_21, %add3A_16, %broadcast_in_dim3A : vector<2048x1xi1>, vector<2048x1xf32>
    %mul3A_22 = vector.broadcast %select_n3A : vector<2048x1xf32> to vector<2048x128xf32>
    %mul3A_23 = arith.mulf %add3A_9, %mul3A_22 : vector<2048x128xf32>
    %max3A = arith.constant 0.000000e+00 : f32
    %max3A_24 = vector.broadcast %max3A : f32 to vector<2048x128xf32>
    %max3A_25 = arith.maximumf %mul3A_23, %max3A_24 : vector<2048x128xf32>
    %get3A_26 = arith.constant 0 : index
    %get3A_27 = arith.constant 0 : index
    %get3A_28 = vector.load %arg5[%get3A_26, %get3A_27] : memref<128x128xf32, #tpu.memory_space<vmem>>, vector<128x128xf32>
    %dot_general3A = arith.constant dense<0.000000e+00> : vector<2048x128xf32>
    %dot_general3A_29 = tpu.matmul %max3A_25, %get3A_28, %dot_general3A {dimension_numbers = #tpu.dot_dimension_numbers<[1], [1], [0], [0], [0, 0, 1, 0], [], []>, transpose_lhs_hint = false} : vector<2048x128xf32>, vector<128x128xf32>, vector<2048x128xf32> -> vector<2048x128xf32>
    %get3A_30 = arith.constant 0 : index
    %get3A_31 = arith.constant 0 : index
    %get3A_32 = vector.load %arg6[%get3A_30, %get3A_31] : memref<1x128xf32, #tpu.memory_space<vmem>>, vector<1x128xf32>
    %add3A_33 = vector.broadcast %get3A_32 : vector<1x128xf32> to vector<2048x128xf32>
    %add3A_34 = arith.addf %dot_general3A_29, %add3A_33 : vector<2048x128xf32>
    %swap3A = arith.constant 0 : index
    %swap3A_35 = arith.constant 0 : index
    %swap3A_36 = vector.load %arg7[%swap3A, %swap3A_35] : memref<2048x128xf32, #tpu.memory_space<vmem>>, vector<2048x128xf32>
    tpu.vector_store %arg7[%swap3A, %swap3A_35], %add3A_34 {strides = array<i32>} : memref<2048x128xf32, #tpu.memory_space<vmem>>, vector<2048x128xf32>,
    return
  }
  func.func @transform_0(%arg0: i32) -> (i32, i32) {
    %c0_i32 = arith.constant 0 : i32
    %c0_i32_0 = arith.constant 0 : i32
    return %arg0, %c0_i32 : i32, i32
  }
  func.func @transform_1(%arg0: i32) -> (i32, i32) {
    %c0_i32 = arith.constant 0 : i32
    %c0_i32_0 = arith.constant 0 : i32
    return %arg0, %c0_i32 : i32, i32
  }
  func.func @transform_2(%arg0: i32) -> (i32, i32) {
    %c0_i32 = arith.constant 0 : i32
    %c0_i32_0 = arith.constant 0 : i32
    return %arg0, %c0_i32 : i32, i32
  }
  func.func @transform_3(%arg0: i32) -> (i32, i32) {
    %c0_i32 = arith.constant 0 : i32
    %c0_i32_0 = arith.constant 0 : i32
    %c0_i32_1 = arith.constant 0 : i32
    return %c0_i32, %c0_i32_0 : i32, i32
  }
  func.func @transform_4(%arg0: i32) -> (i32, i32) {
    %c0_i32 = arith.constant 0 : i32
    %c0_i32_0 = arith.constant 0 : i32
    %c0_i32_1 = arith.constant 0 : i32
    return %c0_i32, %c0_i32_0 : i32, i32
  }
  func.func @transform_5(%arg0: i32) -> (i32, i32) {
    %c0_i32 = arith.constant 0 : i32
    %c0_i32_0 = arith.constant 0 : i32
    %c0_i32_1 = arith.constant 0 : i32
    return %c0_i32, %c0_i32_0 : i32, i32
  }
  func.func @transform_6(%arg0: i32) -> (i32, i32) {
    %c0_i32 = arith.constant 0 : i32
    %c0_i32_0 = arith.constant 0 : i32
    return %arg0, %c0_i32 : i32, i32
  }
}

</mosaic_0001>

<sc_bundles>
// kernel: sc_agg.11.cloned.1.call-start
scs
__scs_entry_jumppad:
0x0: {  	(pc) =	sbr.rel $0x88, $3  }
0x1: {  	(tag) =	ssettag $0x0;
	lr =	simm.s32 $0x1  }
0x2: {  	[smem:$0x3F94] =	sst lr;
	_ =	strace $0xD0000000  }
0x3: {  	_ = 	snop  }
0x4: {  	_ = 	snop  }
0x5: {  	_ = 	snop  }
0x6: {  	_ = 	snop  }
0x7: {  	_ = 	snop  }
__scs_overlays_trampoline_lowered:
0x8: {  	[smem:$0x3FA3] =	sst s0  }
0x9: {  	[smem:$0x3FA4] =	sst s1  }
0xa: {  	[smem:$0x3FA5] =	sst s2  }
0xb: {  	[smem:$0x3FA6] =	sst s3  }
0xc: {  	[smem:$0x3FA7] =	sst s4  }
0xd: {  	[smem:$0x3FA8] =	sst s5  }
0xe: {  	[smem:$0x3FA9] =	sst s6  }
0xf: {  	[smem:$0x3FAA] =	sst s7  }
0x10: {  	[smem:$0x3FAB] =	sst s8  }
0x11: {  	[smem:$0x3FAC] =	sst s9;
	s0 =	simm.s32 @!p0 $0x0  }
0x12: {  	s1 =	sld [smem:$0x3F92];
	s0 =	simm.s32 @p0 $0x1  }
0x13: {  	[smem:$0x3FAD] =	sst s0;
	s0 =	simm.s32 @!p1 $0x0  }
0x14: {  	s2 =	sld [smem:$0x3F91];
	s0 =	simm.s32 @p1 $0x1  }
0x15: {  	[smem:$0x3FAE] =	sst s0;
	s0 =	simm.s32 @!p2 $0x0  }
0x16: {  	s3 =	sld [smem:$0x3FDB];
	s0 =	simm.s32 @p2 $0x1  }
0x17: {  	s4 =	simm.s32 $0x1BF5;
	[smem:$0x3FB0] =	sst s0  }
0x18: {  	s0 =	sld [smem:$0x3F93];
	_ =	swait.ge [sflag:s4], $0x0  }
0x19: {  	s7 =	sld [smem:$0x3F94]  }
0x1a: {  	s8 =	sadd.s32 $0xFFFFE003, lr  }
0x1b: {  	s9 =	sadd.s32 $0xFFFFFEF7, lr;
	s5 =	simm.s32 $0xFFFFFFFF;
	p2 =	slt.u32 s8, $0xFFFFF086  }
0x1c: {  	p1 =	slt.u32 s9, $0xF7A;
	s5 =	simm.s32 @!p2 $0x0  }
0x1d: {  	s5 =	simm.s32 @p1 $0x1;
	p0 =	seq.s32 s7, s2  }
0x1e: {  	s7 =	smul.u32 @!p0 $0xF7A, s2;
	p2 =	seq.s32 @!p0 s5, $0x0  }
0x1f: {  	s9 =	smul.u32 $0xF7A, s1;
	s8 =	simm.s32 @!p0 $0x1BF5;
	p2 =	por !p2, p0  }
0x20: {  	[sflag:s8] =	ssyncset.s32 @!p0 $0xFFFFF086;
	s6 =	sadd.s32 @!p0 s3, s7;
	s7 =	simm.s32 @!p0 $0x108  }
0x21: {  	s3 =	sadd.s32 s3, s9;
	s6 =	sadd.s32 @!p0 $0x88, s6;
	s7 =	simm.s32 @p2 $0x1082  }
0x22: {  	[simem:s7], [sflag:s8] =	dma.local @!p0 [hbm:s6], $0xF7A  }
0x23: {  	s9 =	sor.u32 $0xD0000000, s2;
	s6 =	simm.s32 $0x108;
	_ =	swait.ge @!p0 [sflag:s8], $0x0  }
0x24: {  	s3 =	sadd.s32 $0x88, s3;
	s6 =	simm.s32 @!p1 $0x1082;
	[sflag:s4] =	ssyncset.s32 $0xFFFFF086  }
0x25: {  	[simem:s6], [sflag:s4] =	dma.local [hbm:s3], $0xF7A  }
0x26: {  	[smem:$0x3F94] =	sst s1;
	(tag) =	ssettag s2;
	_ =	strace s9  }
0x27: {  	s1 =	sld [smem:$0x3FA4]  }
0x28: {  	s2 =	sld [smem:$0x3FA5]  }
0x29: {  	s4 =	sld [smem:$0x3FA7]  }
0x2a: {  	p0 =	seq.s32 s5, $0x0;
	s5 =	sld [smem:$0x3FA8]  }
0x2b: {  	s6 =	sld [smem:$0x3FA9]  }
0x2c: {  	s7 =	sld [smem:$0x3FAA]  }
0x2d: {  	s3 =	simm.s32 $0x108;
	s8 =	sld [smem:$0x3FAB]  }
0x2e: {  	s3 =	simm.s32 @!p0 $0x1082;
	s9 =	sld [smem:$0x3FAC]  }
0x2f: {  	lr =	sadd.s32 s0, s3;
	s0 =	sld [smem:$0x3FA3]  }
0x30: {  	s3 =	sld [smem:$0x3FA6]  }
0x31: {  	[smem:$0x3FAF] =	sst s10  }
0x32: {  	s10 =	sld [smem:$0x3FAD];
	_ =	sdelay $0x3  }
0x33: {  	p0 =	seq.s32 s10, $0x1;
	s10 =	sld [smem:$0x3FAF];
	_ =	sdelay $0x3  }
0x34: {  	[smem:$0x3FAF] =	sst s10  }
0x35: {  	s10 =	sld [smem:$0x3FAE];
	_ =	sdelay $0x3  }
0x36: {  	p1 =	seq.s32 s10, $0x1;
	s10 =	sld [smem:$0x3FAF];
	_ =	sdelay $0x3  }
0x37: {  	[smem:$0x3FAF] =	sst s10  }
0x38: {  	s10 =	sld [smem:$0x3FB0]  }
0x39: {  	_ = 	snop;
	(pc) =	sbr.ind lr, $3  }
0x3a: {  	_ = 	snop  }
0x3b: {  	_ = 	snop  }
0x3c: {  	p2 =	seq.s32 s10, $0x1;
	s10 =	sld [smem:$0x3FAF]  }
0x3d: {  	_ =	shalt  }
0x3e: {  	_ =	shalt  }
0x3f: {  	_ =	shalt  }
0x40: {  	_ =	shalt  }
0x41: {  	_ =	shalt  }
0x42: {  	_ =	shalt  }
0x43: {  	_ =	shalt  }
0x44: {  	_ =	shalt  }
0x45: {  	_ =	shalt  }
0x46: {  	_ =	shalt  }
0x47: {  	_ =	shalt  }
0x48: {  	_ =	shalt  }
0x49: {  	_ =	shalt  }
0x4a: {  	_ =	shalt  }
0x4b: {  	_ =	shalt  }
0x4c: {  	_ =	shalt  }
0x4d: {  	_ =	shalt  }
0x4e: {  	_ =	shalt  }
0x4f: {  	_ =	shalt  }
0x50: {  	_ =	shalt  }
0x51: {  	_ =	shalt  }
0x52: {  	_ =	shalt  }
0x53: {  	_ =	shalt  }
0x54: {  	_ =	shalt  }
0x55: {  	_ =	shalt  }
0x56: {  	_ =	shalt  }
0x57: {  	_ =	shalt  }
0x58: {  	_ =	shalt  }
0x59: {  	_ =	shalt  }
0x5a: {  	_ =	shalt  }
0x5b: {  	_ =	shalt  }
0x5c: {  	_ =	shalt  }
0x5d: {  	_ =	shalt  }
0x5e: {  	_ =	shalt  }
0x5f: {  	_ =	shalt  }
0x60: {  	_ =	shalt  }
0x61: {  	_ =	shalt  }
0x62: {  	_ =	shalt  }
0x63: {  	_ =	shalt  }
0x64: {  	_ =	shalt  }
0x65: {  	_ =	shalt  }
0x66: {  	_ =	shalt  }
0x67: {  	_ =	shalt  }
0x68: {  	_ =	shalt  }
0x69: {  	_ =	shalt  }
0x6a: {  	_ =	shalt  }
0x6b: {  	_ =	shalt  }
0x6c: {  	_ =	shalt  }
0x6d: {  	_ =	shalt  }
0x6e: {  	_ =	shalt  }
0x6f: {  	_ =	shalt  }
0x70: {  	_ =	shalt  }
0x71: {  	_ =	shalt  }
0x72: {  	_ =	shalt  }
0x73: {  	_ =	shalt  }
0x74: {  	_ =	shalt  }
0x75: {  	_ =	shalt  }
0x76: {  	_ =	shalt  }
0x77: {  	_ =	shalt  }
0x78: {  	_ =	shalt  }
0x79: {  	_ =	shalt  }
0x7a: {  	_ =	shalt  }
0x7b: {  	_ =	shalt  }
0x7c: {  	_ =	shalt  }
0x7d: {  	_ =	shalt  }
0x7e: {  	_ =	shalt  }
0x7f: {  	_ =	shalt  }
0x80: {  	_ =	shalt  }
0x81: {  	_ =	shalt  }
0x82: {  	_ =	shalt  }
0x83: {  	_ =	shalt  }
0x84: {  	_ =	shalt  }
0x85: {  	_ =	shalt  }
0x86: {  	_ =	shalt  }
0x87: {  	_ =	shalt  }
.Lfunc_end0:
.L_simem_size_0:
called_computation.3_lowered:
.L_overlay_start_0:
0x88: {  	s2 =	sld [smem:$0x3FD9]  }
0x89: {  	s3 =	sld [smem:$0x3FFE];
	_ =	sdelay $0x1  }
0x8a: {  	s1 =	srdreg.scid  }
0x8b: {  	s0 =	sand.u32 $0x1, s1  }
0x8c: {  	s17 =	sshll.u32 s0, $0xA;
	s2 =	sadd.s32 s3, s2  }
0x8d: {  	s2 =	sadd.s32 s2, s17  }
0x8e: {  	[smem:$0x3FBB] =	sst s2  }
0x8f: {  	_ = 	snop  }
0x90: {  	s2 =	sld [smem:$0x3FD0];
	(tm) =	ssettm $0x1  }
0x91: {  	s18 =	sld [smem:$0x3FFB];
	_ =	sdelay $0x3  }
0x92: {  	_ =	strace s18  }
0x93: {  	s3 =	sld [smem:$0x3FFC];
	_ =	sdelay $0x3  }
0x94: {  	_ =	strace s3  }
0x95: {  	s3 =	sld [smem:$0x3FFD];
	_ =	sdelay $0x3  }
0x96: {  	_ =	strace s3  }
0x97: {  	_ =	strace $0x8FFFFFFF  }
0x98: {  	s19 =	sld [smem:$0x3FDB];
	_ =	sdelay $0x1  }
0x99: {  	s4 =	simm.s32 $_scs_section_size  }
0x9a: {  	s5 =	simm.s32 $_size__tile_overlayer_lowered;
	s6 =	simm.s32 $_tile_overlayer_lowered  }
0x9b: {  	s22 =	simm.s32 $0x1BFF;
	s21 =	sshll.u32 s6, $0x1;
	s3 =	sadd.s32 s4, s19  }
0x9c: {  	s7 =	simm.s32 $0x0;
	s20 =	sshll.u32 s5, $0x1;
	s5 =	sadd.s32 s21, s3  }
0x9d: {  	[timem:s7], [sflag:s22] =	dma.local [hbm:s5], s20  }
0x9e: {  	_ =	swait.ge [sflag:s22], s20  }
0x9f: {  	s4 =	ssub.s32 $0x0, s20;
	[sflag:s22] =	ssyncset.done $0x0  }
0xa0: {  	[sflag:s22] =	ssyncadd.s32 s4;
	_ =	sdelay $0x1  }
0xa1: {  	s23 =	simm.s32 $0x1B8B  }
0xa2: {  	_ =	swait.ge [sflag:s23], $0x1  }
0xa3: {  	[sflag:s23] =	ssyncset.done $0x0  }
0xa4: {  	s25 =	simm.s32 $0x1B8E;
	s24 =	sld [smem:$0x3FFE];
	[sflag:s23] =	ssyncadd.s32 $0xFFFFFFFF  }
0xa5: {  	s26 =	simm.s32 $execute0_lowered;
	[smem:$0x3FD2] =	sst s25  }
0xa6: {  	s5 =	sshll.u32 s26, $0x1;
	_ =	strace $0x8000004F;
	[dreg:$0x1] =	wrdreg $0xFFFFFFFF  }
0xa7: {  	s28 =	simm.s32 $_size_execute0_lowered;
	s3 =	sadd.s32 s3, s5;
	[dreg:$0x0] =	wrdreg $0x0  }
0xa8: {  	s5 =	sshll.u32 s28, $0x1;
	[dreg:$0x2] =	wrdreg s3  }
0xa9: {  	[dreg:$0x3] =	wrdreg s5  }
0xaa: {  	[dreg:$0x4] =	wrdreg $0xC0  }
0xab: {  	_ =	task [dreg:s7], $0x5FFFF  }
0xac: {  	[dreg:$0x1] =	wrdreg $0xFFFFFFFF  }
0xad: {  	[dreg:$0x0] =	wrdreg $0x60  }
0xae: {  	[dreg:$0x2] =	wrdreg s24  }
0xaf: {  	[dreg:$0x3] =	wrdreg s2  }
0xb0: {  	[dreg:$0x4] =	wrdreg $0x125800  }
0xb1: {  	[dreg:$0x5] =	wrdreg $0x9  }
0xb2: {  	_ =	task.clear_ibuf [dreg:s7], $0x6FFFF;
	_ =	strace $0x9000004F  }
0xb3: {  	s29 =	simm.s32 $0x9;
	_ =	strace $0x80000051  }
0xb4: {  	_ =	swait.ge [sflag:s29], $0x1  }
0xb5: {  	[sflag:s29] =	ssyncadd.s32 $0xFFFFFFFF  }
0xb6: {  	_ =	strace $0x90000051  }
0xb7: {  	_ =	sfence  }
0xb8: {  	s30 =	sld [smem:$0x0];
	_ =	sdelay $0x2  }
0xb9: {  	s31 =	sshll.u32 s1, $0xD;
	s1 =	sshrl.u32 s1, $0x2  }
0xba: {  	s3 =	sand.u32 $0x4000, s31;
	s1 =	sadd.s32 s1, s30  }
0xbb: {  	s0 =	sor.u32 s3, s0;
	s1 =	sshll.u32 s1, $0x11  }
0xbc: {  	s0 =	sor.u32 s1, s0  }
0xbd: {  	s0 =	sadd.s32 $0x8F2B, s0  }
0xbe: {  	[sflag:s0] =	ssyncadd.remote.s32 $0x1  }
0xbf: {  	_ =	sfence.sel $0xFFFF  }
0xc0: {  	[dreg:$0x0] =	wrdreg $0xFFFFFFFF;
	(pc) =	sbr.abs _section_cstart, $3  }
0xc1: {  	[dreg:$0x1] =	wrdreg $0xFFFFFFFF  }
0xc2: {  	_ =	task.clear_ibuf [dreg:s7], $0x2FFFF;
	_ =	strace $0x9FFFFFFF  }
0xc3: {  	(tm) =	ssettm $0x7FFFFFFF  }
tec
execute0_lowered:
.L_overlay_start_1:
0x0: {  	(tag) =	ssettag $0x1  }
0x1: {  	s5 =	rddreg [dreg:$0x0]  }
0x2: {  	s6 =	rddreg [dreg:$0x1]  }
0x3: {  	s2 =	rddreg [dreg:$0x2]  }
0x4: {  	s3 =	srdreg.scid;
	s0 =	rddreg [dreg:$0x3]  }
0x5: {  	s1 =	stileid.u32;
	s15 =	simm.s32 $0x2;
	s16 =	simm.s32 $0x5100  }
0x6: {  	s17 =	simm.s32 $0xA500;
	s18 =	simm.s32 $0xA580;
	s24 =	smul.u32 $0xA000, s1  }
0x7: {  	s19 =	simm.s32 $0x40;
	s20 =	simm.s32 $0xC580;
	s25 =	smul.u32 $0x5400, s1  }
0x8: {  	s21 =	simm.s32 $0x1;
	s7 =	sand.u32 $0x1, s3;
	s13 =	smul.u32 $0x28000, s1  }
0x9: {  	s3 =	simm.s32 $0x0;
	s8 =	sshrl.u32 s1, $0x3;
	s9 =	smul.u32 $0x51000, s7  }
0xa: {  	s10 =	sshll.u32 s1, $0x7;
	s4 =	sadd.s32 $0x37A00, s5;
	s11 =	smul.u32 $0x28800, s8  }
0xb: {  	[smem:$0x7FF] =	sst s3;
	s10 =	sand.u32 $0x380, s10;
	s23 =	smul.u32 $0xA0000, s7  }
0xc: {  	s22 =	sshll.u32 s7, $0xB;
	s8 =	sshll.u32 s8, $0xA;
	s12 =	smul.u32 $0x54000, s7  }
0xd: {  	s7 =	ssub.s32 $0x2, s7;
	_ =	strace $0x80000050;
	s8 =	sor.u32 s22, s8  }
0xe: {  	s26 =	sshrl.u32 s7, $0x1;
	s31 =	sshrl.u32 s13, $0x2;
	s13 =	simm.s32 $0x80  }
0xf: {  	s22 =	simm.s32 $0x0;
	s9 =	sadd.s32 s9, s11;
	s8 =	sor.u32 s10, s8  }
0x10: {  	s28 =	sadd.s32 s25, s12;
	s29 =	ssub.s32 s7, s26;
	s7 =	sadd.s32 s31, s2  }
0x11: {  	s9 =	sor.u32 s10, s9;
	s8 =	sshrl.u32 s8, $0x3;
	s10 =	sadd.s32 s24, s23  }
.Ltmp0:
0x12: {  	s30 =	sshrl.u32 s28, $0x3;
	s12 =	smax.u32 s29, $0x1;
	(pc) =	sbr.rel .LBB2_1-.Ltmp0, $4  }
0x13: {  	s9 =	sshrl.u32 s9, $0x3;
	s8 =	sadd.s32 s8, s5;
	s10 =	sshrl.u32 s10, $0x3  }
0x14: {  	s6 =	sadd.s32 s6, s30;
	s9 =	sadd.s32 s9, s5;
	s14 =	sadd.s32 s10, s5  }
0x15: {  	s8 =	sadd.s32 $0x37800, s8;
	s10 =	sadd.s32 $0x8000, s7;
	s5 =	sadd.s32 $0x23400, s9  }
0x16: {  	v0 =	vimm.f32 $0.0e+00;
	s9 =	sadd.s32 $0x4000, s7;
	s11 =	sadd.s32 $0x5FA00, s14;
	s14 =	simm.s32 $0x400  }
.LBB2_6:
0x17: {  	[sflag:s15] =	ssyncadd.s32 $0xFFFFC000  }
.LBB2_7:
0x18: {  	s22 =	sadd.s32 $0x1, s22  }
0x19: {  	s23 =	sshll.u32 s1, $0x6;
	[bflag:$0x0] =	sbarrier.arrive $0xFFFF;
	p0 =	sne.s32 s22, s12  }
.Ltmp1:
0x1a: {  	s24 =	sshrl.u32 s7, $0x3;
	s23 =	sor.u32 $0x1C02, s23;
	(pc) =	sbr.rel @!p0 .LBB2_8-.Ltmp1, $4  }
0x1b: {  	[hbm:s11], [sflag:s23] =	dma.local [spmem:s24], $0x1400  }
0x1c: {  	_ =	swait.ge [sflag:s15], $0x1400  }
0x1d: {  	[sflag:s15] =	ssyncset.done $0x0  }
0x1e: {  	[sflag:s15] =	ssyncadd.s32 $0xFFFFEC00  }
.LBB2_1:
0x1f: {  	[tilespmem:s3], [sflag:$0x2] =	stream.strided.gather [hbm4b:s5+s13], $0x5100, s14, s13, $0x38;
	[tilespmem:$0x1C5C0] =	vst v63  }
0x20: {  	_ =	swait.ge [sflag:s15], $0x5100  }
0x21: {  	[sflag:s15] =	ssyncset.done $0x0  }
0x22: {  	[sflag:s15] =	ssyncadd.s32 $0xFFFFAF00  }
0x23: {  	[tilespmem:s16], [sflag:$0x2] =	stream.linear.gather [hbm4b:s6+s3], $0x5100, $0x38;
	[tilespmem:$0x1C5C0] =	vst v63  }
0x24: {  	_ =	swait.ge [sflag:s15], $0x5100  }
0x25: {  	[sflag:s15] =	ssyncset.done $0x0  }
0x26: {  	[sflag:s15] =	ssyncadd.s32 $0xFFFFAF00  }
0x27: {  	[tilespmem:s17], [sflag:$0x2] =	stream.linear.gather [hbm4b:s8+s3], $0x80, $0x38;
	[tilespmem:$0x1C5C0] =	vst v63  }
0x28: {  	_ =	swait.ge [sflag:s15], $0x80  }
0x29: {  	[sflag:s15] =	ssyncset.done $0x0  }
0x2a: {  	[sflag:s15] =	ssyncadd.s32 $0xFFFFFF80  }
0x2b: {  	s23 =	simm.s32 $0x0;
	s24 =	simm.s32 $0x200;
	v1 =	vld [tilespmem:$0xA500]  }
.LBB2_2:
0x2c: {  	p0 =	sne.s32 s24, $0xFE00;
	[tilespmem:s23+$0xA5F0] =	vst v0  }
0x2d: {  	[tilespmem:s23+$0xA580] =	vst v0  }
0x2e: {  	[tilespmem:s23+$0xA590] =	vst v0  }
.Ltmp2:
0x2f: {  	[tilespmem:s23+$0xA5A0] =	vst v0;
	(pc) =	sbr.rel @p0 .LBB2_2-.Ltmp2, $4  }
0x30: {  	[tilespmem:s23+$0xA5B0] =	vst v0  }
0x31: {  	[tilespmem:s23+$0xA5C0] =	vst v0  }
0x32: {  	[tilespmem:s23+$0xA5D0] =	vst v0  }
0x33: {  	[tilespmem:s23+$0xA5E0] =	vst v0;
	s23 =	sshra.s32 s24, $0x2;
	s24 =	sadd.s32 $0x200, s24  }
0x34: {  	(v2sf) =	vpush v1, $0x0;
	_ =	sdelay $0x5  }
0x35: {  	[tilespmem:s23+$0xA5F0] =	vst v0  }
0x36: {  	[tilespmem:s23+$0xA580] =	vst v0  }
0x37: {  	[tilespmem:s23+$0xA590] =	vst v0  }
0x38: {  	[tilespmem:s23+$0xA5A0] =	vst v0  }
0x39: {  	[tilespmem:s23+$0xA5B0] =	vst v0  }
0x3a: {  	[tilespmem:s23+$0xA5C0] =	vst v0  }
0x3b: {  	[tilespmem:s23+$0xA5D0] =	vst v0  }
0x3c: {  	[tilespmem:s23+$0xA5E0] =	vst v0  }
0x3d: {  	[spmem:s7] =	stream.linear.scatter [tilespmem:s18], [sflag:$0x2], $0x4000, $0x38;
	[tilespmem:$0x1C5C0] =	vst v63  }
0x3e: {  	s23 =	spop (v2sf)  }
0x3f: {  	_ =	swait.ge [sflag:s15], $0x4000  }
0x40: {  	[sflag:s15] =	ssyncset.done $0x0  }
0x41: {  	[sflag:s15] =	ssyncadd.s32 $0xFFFFC000  }
0x42: {  	[spmem:s9] =	stream.linear.scatter [tilespmem:s18], [sflag:$0x2], $0x4000, $0x38;
	[tilespmem:$0x1C5C0] =	vst v63  }
0x43: {  	_ =	swait.ge [sflag:s15], $0x4000  }
0x44: {  	[sflag:s15] =	ssyncset.done $0x0  }
0x45: {  	p0 =	slt.s32 s23, $0x1;
	[sflag:s15] =	ssyncadd.s32 $0xFFFFC000  }
0x46: {  	[spmem:s10] =	stream.linear.scatter [tilespmem:s18], [sflag:$0x2], $0x2000, $0x38;
	[tilespmem:$0x1C5C0] =	vst v63  }
.Ltmp3:
0x47: {  	_ =	swait.ge [sflag:s15], $0x2000;
	(pc) =	sbr.rel @p0 .LBB2_7-.Ltmp3, $3  }
0x48: {  	[sflag:s15] =	ssyncset.done $0x0  }
0x49: {  	[sflag:s15] =	ssyncadd.s32 $0xFFFFE000  }
0x4a: {  	[bflag:$0x0] =	sbarrier.arrive $0xFFFF;
	_ =	sdelay $0x1  }
0x4b: {  	s24 =	simm.s32 $0x0  }
0x4c: {  	[tilespmem:s18], [sflag:$0x1] =	stream.indirect.gather [hbm4b:s4+s19], $0x80, s24, s19, $0xb8;
	[tilespmem:$0x1C5C0] =	vst v63  }
0x4d: {  	_ = 	snop  }
0x4e: {  	[tilespmem:s20], [sflag:$0x1] =	stream.indirect.gather [hbm4b:s4+s19], $0x80, s19, s19, $0xb8;
	[tilespmem:$0x1C5C0] =	vst v63  }
0x4f: {  	_ =	swait.ge [sflag:s21], $0x2000  }
0x50: {  	[sflag:s21] =	ssyncset.done $0x0  }
0x51: {  	[sflag:s21] =	ssyncadd.s32 $0xFFFFE000  }
0x52: {  	p0 =	sle.s32 s23, $0x1;
	s24 =	sand.u32 $0x1, s24;
	_ =	swait.ge [sflag:s21], $0x2000  }
0x53: {  	s25 =	simm.s32 $0x80;
	s26 =	sshll.u32 @!p0 s24, $0xE;
	[sflag:s21] =	ssyncset.done $0x0  }
0x54: {  	s29 =	simm.s32 @!p0 $0x40;
	s28 =	sxor.u32 @!p0 $0xE580, s26;
	[sflag:s21] =	ssyncadd.s32 $0xFFFFE000  }
0x55: {  	[tilespmem:s28], [sflag:$0x1] =	stream.indirect.gather @!p0 [hbm4b:s4+s29], $0x80, s25, s29, $0xb8;
	[tilespmem:$0x1C5C0] =	vst v63  }
0x56: {  	s31 =	sshll.u32 s24, $0xE;
	s24 =	ssub.s32 @!p0 $0x10580, s26;
	s26 =	simm.s32 @!p0 $0xC0  }
0x57: {  	[tilespmem:s24], [sflag:$0x1] =	stream.indirect.gather @!p0 [hbm4b:s4+s29], $0x80, s26, s29, $0xb8;
	[tilespmem:$0x1C5C0] =	vst v63  }
0x58: {  	p0 =	sne.s32 s23, $0x1  }
.Ltmp4:
0x59: {  	_ = 	snop;
	(pc) =	sbr.rel @!p0 .LBB2_6-.Ltmp4, $4  }
0x5a: {  	s25 =	sor.u32 $0xA580, s31;
	s24 =	simm.s32 $0x5100  }
0x5b: {  	[spmem:s2] =	stream.indirect.scatter.add.f32 [tilespmem:s25], [sflag:$0x2], $0x80, s24, s13, $0xb8;
	[tilespmem:$0x1C5C0] =	vst v63  }
0x5c: {  	_ =	swait.ge [sflag:s15], $0x4000  }
0x5d: {  	s26 =	simm.s32 $0x100;
	s25 =	simm.s32 $0x1;
	[sflag:s15] =	ssyncset.done $0x0  }
.LBB2_5:
0x5e: {  	[sflag:s15] =	ssyncadd.s32 $0xFFFFC000  }
0x5f: {  	s24 =	sadd.s32 $0x80, s24;
	s28 =	smov.u32 s25;
	s25 =	sadd.s32 $0x1, s25  }
0x60: {  	p0 =	sne.s32 s23, s25  }
0x61: {  	_ =	swait.ge [sflag:s21], $0x2000  }
0x62: {  	[sflag:s21] =	ssyncset.done $0x0  }
0x63: {  	[sflag:s21] =	ssyncadd.s32 $0xFFFFE000  }
0x64: {  	s28 =	sand.u32 $0x1, s28;
	p1 =	sge.s32 s25, s23;
	_ =	swait.ge [sflag:s21], $0x2000  }
0x65: {  	s29 =	sshll.u32 @!p1 s28, $0xE;
	s28 =	sshll.u32 s28, $0xE;
	[sflag:s21] =	ssyncset.done $0x0  }
0x66: {  	s31 =	simm.s32 @!p1 $0x40;
	s30 =	sxor.u32 @!p1 $0xE580, s29;
	[sflag:s21] =	ssyncadd.s32 $0xFFFFE000  }
0x67: {  	[tilespmem:s30], [sflag:$0x1] =	stream.indirect.gather @!p1 [hbm4b:s4+s31], $0x80, s26, s31, $0xb8;
	[tilespmem:$0x1C5C0] =	vst v63  }
0x68: {  	s29 =	ssub.s32 @!p1 $0x10580, s29;
	s30 =	sadd.s32 @!p1 $0x40, s26  }
0x69: {  	[tilespmem:s29], [sflag:$0x1] =	stream.indirect.gather @!p1 [hbm4b:s4+s31], $0x80, s30, s31, $0xb8;
	[tilespmem:$0x1C5C0] =	vst v63  }
.Ltmp5:
0x6a: {  	_ = 	snop;
	(pc) =	sbr.rel @p0 .LBB2_5-.Ltmp5, $4  }
0x6b: {  	s28 =	sor.u32 $0xA580, s28  }
0x6c: {  	[spmem:s2] =	stream.indirect.scatter.add.f32 [tilespmem:s28], [sflag:$0x2], $0x80, s24, s13, $0xb8;
	[tilespmem:$0x1C5C0] =	vst v63  }
0x6d: {  	_ =	swait.ge [sflag:s15], $0x4000  }
0x6e: {  	s26 =	sadd.s32 $0x80, s26;
	[sflag:s15] =	ssyncset.done $0x0  }
.Ltmp6:
0x6f: {  	_ = 	snop;
	(pc) =	sbr.rel .LBB2_6-.Ltmp6, $1  }
0x70: {  	_ =	sdelay $0x3  }
.LBB2_8:
0x71: {  	_ =	sfence.sel $0x180000  }
0x72: {  	[bflag:$0x0] =	sbarrier.arrive $0xFFFF  }
0x73: {  	p0 =	sne.s32 s1, $0x0;
	_ =	strace $0x90000050  }
0x74: {  	s0 =	sadd.s32 @!p0 $0x100000, s0;
	[bflag:$0x2] =	sbarrier.arrive $0xFFFF  }
0x75: {  	[sflag:s0] =	ssyncadd.tile.s32 @!p0 $0x1;
	_ =	shalt  }
.Lfunc_end2:
_tile_overlayer_lowered:
.L_overlay_start_2:
0x76: {  	(tag) =	ssettag $0x2  }
0x77: {  	s0 =	rddreg [dreg:$0x0];
	s2 =	stileid.u32  }
0x78: {  	s1 =	rddreg [dreg:$0x1];
	p0 =	sne.s32 s2, $0x0  }
0x79: {  	s3 =	rddreg [dreg:$0x2];
	[bflag:$0x3] =	sbarrier.arrive $0xFFFF;
	s2 =	simm.s32 @!p0 $0x1C02  }
0x7a: {  	[timem:s3], [sflag:s2] =	dma.local @!p0 [hbm:s0], s1  }
0x7b: {  	s0 =	simm.s32 @!p0 $0x2  }
0x7c: {  	_ =	swait.ge @!p0 [sflag:s0], s1  }
0x7d: {  	s1 =	ssub.s32 @!p0 $0x0, s1;
	[sflag:s0] =	ssyncset.done @!p0 $0x0  }
0x7e: {  	[sflag:s0] =	ssyncadd.s32 @!p0 s1  }
0x7f: {  	[bflag:$0x3] =	sbarrier.arrive $0xFFFF  }
0x80: {  	_ =	shalt  }

// kernel: sc_agg.5.cloned.1.call-start
scs
__scs_entry_jumppad:
0x0: {  	(pc) =	sbr.rel $0x88, $3  }
0x1: {  	(tag) =	ssettag $0x0;
	lr =	simm.s32 $0x1  }
0x2: {  	[smem:$0x3F94] =	sst lr;
	_ =	strace $0xD0000000  }
0x3: {  	_ = 	snop  }
0x4: {  	_ = 	snop  }
0x5: {  	_ = 	snop  }
0x6: {  	_ = 	snop  }
0x7: {  	_ = 	snop  }
__scs_overlays_trampoline_lowered:
0x8: {  	[smem:$0x3FA3] =	sst s0  }
0x9: {  	[smem:$0x3FA4] =	sst s1  }
0xa: {  	[smem:$0x3FA5] =	sst s2  }
0xb: {  	[smem:$0x3FA6] =	sst s3  }
0xc: {  	[smem:$0x3FA7] =	sst s4  }
0xd: {  	[smem:$0x3FA8] =	sst s5  }
0xe: {  	[smem:$0x3FA9] =	sst s6  }
0xf: {  	[smem:$0x3FAA] =	sst s7  }
0x10: {  	[smem:$0x3FAB] =	sst s8  }
0x11: {  	[smem:$0x3FAC] =	sst s9;
	s0 =	simm.s32 @!p0 $0x0  }
0x12: {  	s1 =	sld [smem:$0x3F92];
	s0 =	simm.s32 @p0 $0x1  }
0x13: {  	[smem:$0x3FAD] =	sst s0;
	s0 =	simm.s32 @!p1 $0x0  }
0x14: {  	s2 =	sld [smem:$0x3F91];
	s0 =	simm.s32 @p1 $0x1  }
0x15: {  	[smem:$0x3FAE] =	sst s0;
	s0 =	simm.s32 @!p2 $0x0  }
0x16: {  	s3 =	sld [smem:$0x3FDB];
	s0 =	simm.s32 @p2 $0x1  }
0x17: {  	s4 =	simm.s32 $0x1BF5;
	[smem:$0x3FB0] =	sst s0  }
0x18: {  	s0 =	sld [smem:$0x3F93];
	_ =	swait.ge [sflag:s4], $0x0  }
0x19: {  	s7 =	sld [smem:$0x3F94]  }
0x1a: {  	s8 =	sadd.s32 $0xFFFFE003, lr  }
0x1b: {  	s9 =	sadd.s32 $0xFFFFFEF7, lr;
	s5 =	simm.s32 $0xFFFFFFFF;
	p2 =	slt.u32 s8, $0xFFFFF086  }
0x1c: {  	p1 =	slt.u32 s9, $0xF7A;
	s5 =	simm.s32 @!p2 $0x0  }
0x1d: {  	s5 =	simm.s32 @p1 $0x1;
	p0 =	seq.s32 s7, s2  }
0x1e: {  	s7 =	smul.u32 @!p0 $0xF7A, s2;
	p2 =	seq.s32 @!p0 s5, $0x0  }
0x1f: {  	s9 =	smul.u32 $0xF7A, s1;
	s8 =	simm.s32 @!p0 $0x1BF5;
	p2 =	por !p2, p0  }
0x20: {  	[sflag:s8] =	ssyncset.s32 @!p0 $0xFFFFF086;
	s6 =	sadd.s32 @!p0 s3, s7;
	s7 =	simm.s32 @!p0 $0x108  }
0x21: {  	s3 =	sadd.s32 s3, s9;
	s6 =	sadd.s32 @!p0 $0x88, s6;
	s7 =	simm.s32 @p2 $0x1082  }
0x22: {  	[simem:s7], [sflag:s8] =	dma.local @!p0 [hbm:s6], $0xF7A  }
0x23: {  	s9 =	sor.u32 $0xD0000000, s2;
	s6 =	simm.s32 $0x108;
	_ =	swait.ge @!p0 [sflag:s8], $0x0  }
0x24: {  	s3 =	sadd.s32 $0x88, s3;
	s6 =	simm.s32 @!p1 $0x1082;
	[sflag:s4] =	ssyncset.s32 $0xFFFFF086  }
0x25: {  	[simem:s6], [sflag:s4] =	dma.local [hbm:s3], $0xF7A  }
0x26: {  	[smem:$0x3F94] =	sst s1;
	(tag) =	ssettag s2;
	_ =	strace s9  }
0x27: {  	s1 =	sld [smem:$0x3FA4]  }
0x28: {  	s2 =	sld [smem:$0x3FA5]  }
0x29: {  	s4 =	sld [smem:$0x3FA7]  }
0x2a: {  	p0 =	seq.s32 s5, $0x0;
	s5 =	sld [smem:$0x3FA8]  }
0x2b: {  	s6 =	sld [smem:$0x3FA9]  }
0x2c: {  	s7 =	sld [smem:$0x3FAA]  }
0x2d: {  	s3 =	simm.s32 $0x108;
	s8 =	sld [smem:$0x3FAB]  }
0x2e: {  	s3 =	simm.s32 @!p0 $0x1082;
	s9 =	sld [smem:$0x3FAC]  }
0x2f: {  	lr =	sadd.s32 s0, s3;
	s0 =	sld [smem:$0x3FA3]  }
0x30: {  	s3 =	sld [smem:$0x3FA6]  }
0x31: {  	[smem:$0x3FAF] =	sst s10  }
0x32: {  	s10 =	sld [smem:$0x3FAD];
	_ =	sdelay $0x3  }
0x33: {  	p0 =	seq.s32 s10, $0x1;
	s10 =	sld [smem:$0x3FAF];
	_ =	sdelay $0x3  }
0x34: {  	[smem:$0x3FAF] =	sst s10  }
0x35: {  	s10 =	sld [smem:$0x3FAE];
	_ =	sdelay $0x3  }
0x36: {  	p1 =	seq.s32 s10, $0x1;
	s10 =	sld [smem:$0x3FAF];
	_ =	sdelay $0x3  }
0x37: {  	[smem:$0x3FAF] =	sst s10  }
0x38: {  	s10 =	sld [smem:$0x3FB0]  }
0x39: {  	_ = 	snop;
	(pc) =	sbr.ind lr, $3  }
0x3a: {  	_ = 	snop  }
0x3b: {  	_ = 	snop  }
0x3c: {  	p2 =	seq.s32 s10, $0x1;
	s10 =	sld [smem:$0x3FAF]  }
0x3d: {  	_ =	shalt  }
0x3e: {  	_ =	shalt  }
0x3f: {  	_ =	shalt  }
0x40: {  	_ =	shalt  }
0x41: {  	_ =	shalt  }
0x42: {  	_ =	shalt  }
0x43: {  	_ =	shalt  }
0x44: {  	_ =	shalt  }
0x45: {  	_ =	shalt  }
0x46: {  	_ =	shalt  }
0x47: {  	_ =	shalt  }
0x48: {  	_ =	shalt  }
0x49: {  	_ =	shalt  }
0x4a: {  	_ =	shalt  }
0x4b: {  	_ =	shalt  }
0x4c: {  	_ =	shalt  }
0x4d: {  	_ =	shalt  }
0x4e: {  	_ =	shalt  }
0x4f: {  	_ =	shalt  }
0x50: {  	_ =	shalt  }
0x51: {  	_ =	shalt  }
0x52: {  	_ =	shalt  }
0x53: {  	_ =	shalt  }
0x54: {  	_ =	shalt  }
0x55: {  	_ =	shalt  }
0x56: {  	_ =	shalt  }
0x57: {  	_ =	shalt  }
0x58: {  	_ =	shalt  }
0x59: {  	_ =	shalt  }
0x5a: {  	_ =	shalt  }
0x5b: {  	_ =	shalt  }
0x5c: {  	_ =	shalt  }
0x5d: {  	_ =	shalt  }
0x5e: {  	_ =	shalt  }
0x5f: {  	_ =	shalt  }
0x60: {  	_ =	shalt  }
0x61: {  	_ =	shalt  }
0x62: {  	_ =	shalt  }
0x63: {  	_ =	shalt  }
0x64: {  	_ =	shalt  }
0x65: {  	_ =	shalt  }
0x66: {  	_ =	shalt  }
0x67: {  	_ =	shalt  }
0x68: {  	_ =	shalt  }
0x69: {  	_ =	shalt  }
0x6a: {  	_ =	shalt  }
0x6b: {  	_ =	shalt  }
0x6c: {  	_ =	shalt  }
0x6d: {  	_ =	shalt  }
0x6e: {  	_ =	shalt  }
0x6f: {  	_ =	shalt  }
0x70: {  	_ =	shalt  }
0x71: {  	_ =	shalt  }
0x72: {  	_ =	shalt  }
0x73: {  	_ =	shalt  }
0x74: {  	_ =	shalt  }
0x75: {  	_ =	shalt  }
0x76: {  	_ =	shalt  }
0x77: {  	_ =	shalt  }
0x78: {  	_ =	shalt  }
0x79: {  	_ =	shalt  }
0x7a: {  	_ =	shalt  }
0x7b: {  	_ =	shalt  }
0x7c: {  	_ =	shalt  }
0x7d: {  	_ =	shalt  }
0x7e: {  	_ =	shalt  }
0x7f: {  	_ =	shalt  }
0x80: {  	_ =	shalt  }
0x81: {  	_ =	shalt  }
0x82: {  	_ =	shalt  }
0x83: {  	_ =	shalt  }
0x84: {  	_ =	shalt  }
0x85: {  	_ =	shalt  }
0x86: {  	_ =	shalt  }
0x87: {  	_ =	shalt  }
.Lfunc_end0:
.L_simem_size_0:
called_computation.1_lowered:
.L_overlay_start_0:
0x88: {  	s2 =	sld [smem:$0x3FD9]  }
0x89: {  	s3 =	sld [smem:$0x3FFE];
	_ =	sdelay $0x1  }
0x8a: {  	s1 =	srdreg.scid  }
0x8b: {  	s0 =	sand.u32 $0x1, s1  }
0x8c: {  	s17 =	sshll.u32 s0, $0xA;
	s2 =	sadd.s32 s3, s2  }
0x8d: {  	s2 =	sadd.s32 s2, s17  }
0x8e: {  	[smem:$0x3FBB] =	sst s2  }
0x8f: {  	_ = 	snop  }
0x90: {  	s2 =	sld [smem:$0x3FD0];
	(tm) =	ssettm $0x1  }
0x91: {  	s18 =	sld [smem:$0x3FFB];
	_ =	sdelay $0x3  }
0x92: {  	_ =	strace s18  }
0x93: {  	s3 =	sld [smem:$0x3FFC];
	_ =	sdelay $0x3  }
0x94: {  	_ =	strace s3  }
0x95: {  	s3 =	sld [smem:$0x3FFD];
	_ =	sdelay $0x3  }
0x96: {  	_ =	strace s3  }
0x97: {  	_ =	strace $0x8FFFFFFF  }
0x98: {  	s19 =	sld [smem:$0x3FDB];
	_ =	sdelay $0x1  }
0x99: {  	s4 =	simm.s32 $_scs_section_size  }
0x9a: {  	s5 =	simm.s32 $_size__tile_overlayer_lowered;
	s6 =	simm.s32 $_tile_overlayer_lowered  }
0x9b: {  	s22 =	simm.s32 $0x1BFF;
	s21 =	sshll.u32 s6, $0x1;
	s3 =	sadd.s32 s4, s19  }
0x9c: {  	s7 =	simm.s32 $0x0;
	s20 =	sshll.u32 s5, $0x1;
	s5 =	sadd.s32 s21, s3  }
0x9d: {  	[timem:s7], [sflag:s22] =	dma.local [hbm:s5], s20  }
0x9e: {  	_ =	swait.ge [sflag:s22], s20  }
0x9f: {  	s4 =	ssub.s32 $0x0, s20;
	[sflag:s22] =	ssyncset.done $0x0  }
0xa0: {  	[sflag:s22] =	ssyncadd.s32 s4;
	_ =	sdelay $0x1  }
0xa1: {  	s23 =	simm.s32 $0x1B8B  }
0xa2: {  	_ =	swait.ge [sflag:s23], $0x1  }
0xa3: {  	[sflag:s23] =	ssyncset.done $0x0  }
0xa4: {  	s25 =	simm.s32 $0x1B8E;
	s24 =	sld [smem:$0x3FFE];
	[sflag:s23] =	ssyncadd.s32 $0xFFFFFFFF  }
0xa5: {  	s26 =	simm.s32 $execute0_lowered;
	[smem:$0x3FD2] =	sst s25  }
0xa6: {  	s5 =	sshll.u32 s26, $0x1;
	_ =	strace $0x80000049;
	[dreg:$0x1] =	wrdreg $0xFFFFFFFF  }
0xa7: {  	s28 =	simm.s32 $_size_execute0_lowered;
	s3 =	sadd.s32 s3, s5;
	[dreg:$0x0] =	wrdreg $0x0  }
0xa8: {  	s5 =	sshll.u32 s28, $0x1;
	[dreg:$0x2] =	wrdreg s3  }
0xa9: {  	[dreg:$0x3] =	wrdreg s5  }
0xaa: {  	[dreg:$0x4] =	wrdreg $0xC0  }
0xab: {  	_ =	task [dreg:s7], $0x5FFFF  }
0xac: {  	[dreg:$0x1] =	wrdreg $0xFFFFFFFF  }
0xad: {  	[dreg:$0x0] =	wrdreg $0x60  }
0xae: {  	[dreg:$0x2] =	wrdreg s24  }
0xaf: {  	[dreg:$0x3] =	wrdreg s2  }
0xb0: {  	[dreg:$0x4] =	wrdreg $0x125800  }
0xb1: {  	[dreg:$0x5] =	wrdreg $0x9  }
0xb2: {  	_ =	task.clear_ibuf [dreg:s7], $0x6FFFF;
	_ =	strace $0x90000049  }
0xb3: {  	s29 =	simm.s32 $0x9;
	_ =	strace $0x8000004B  }
0xb4: {  	_ =	swait.ge [sflag:s29], $0x1  }
0xb5: {  	[sflag:s29] =	ssyncadd.s32 $0xFFFFFFFF  }
0xb6: {  	_ =	strace $0x9000004B  }
0xb7: {  	_ =	sfence  }
0xb8: {  	s30 =	sld [smem:$0x0];
	_ =	sdelay $0x2  }
0xb9: {  	s31 =	sshll.u32 s1, $0xD;
	s1 =	sshrl.u32 s1, $0x2  }
0xba: {  	s3 =	sand.u32 $0x4000, s31;
	s1 =	sadd.s32 s1, s30  }
0xbb: {  	s0 =	sor.u32 s3, s0;
	s1 =	sshll.u32 s1, $0x11  }
0xbc: {  	s0 =	sor.u32 s1, s0  }
0xbd: {  	s0 =	sadd.s32 $0x8F2B, s0  }
0xbe: {  	[sflag:s0] =	ssyncadd.remote.s32 $0x1  }
0xbf: {  	_ =	sfence.sel $0xFFFF  }
0xc0: {  	[dreg:$0x0] =	wrdreg $0xFFFFFFFF;
	(pc) =	sbr.abs _section_cstart, $3  }
0xc1: {  	[dreg:$0x1] =	wrdreg $0xFFFFFFFF  }
0xc2: {  	_ =	task.clear_ibuf [dreg:s7], $0x2FFFF;
	_ =	strace $0x9FFFFFFF  }
0xc3: {  	(tm) =	ssettm $0x7FFFFFFF  }
tec
execute0_lowered:
.L_overlay_start_1:
0x0: {  	(tag) =	ssettag $0x1  }
0x1: {  	s5 =	rddreg [dreg:$0x0]  }
0x2: {  	s6 =	rddreg [dreg:$0x1]  }
0x3: {  	s2 =	rddreg [dreg:$0x2]  }
0x4: {  	s3 =	srdreg.scid;
	s0 =	rddreg [dreg:$0x3]  }
0x5: {  	s1 =	stileid.u32;
	s15 =	simm.s32 $0x2;
	s16 =	simm.s32 $0x5100  }
0x6: {  	s17 =	simm.s32 $0xA500;
	s18 =	simm.s32 $0xA580;
	s24 =	smul.u32 $0xA000, s1  }
0x7: {  	s19 =	simm.s32 $0x40;
	s20 =	simm.s32 $0xC580;
	s25 =	smul.u32 $0x5400, s1  }
0x8: {  	s21 =	simm.s32 $0x1;
	s7 =	sand.u32 $0x1, s3;
	s13 =	smul.u32 $0x28000, s1  }
0x9: {  	s3 =	simm.s32 $0x0;
	s8 =	sshrl.u32 s1, $0x3;
	s9 =	smul.u32 $0x51000, s7  }
0xa: {  	s10 =	sshll.u32 s1, $0x7;
	s4 =	sadd.s32 $0x37A00, s5;
	s11 =	smul.u32 $0x28800, s8  }
0xb: {  	[smem:$0x7FF] =	sst s3;
	s10 =	sand.u32 $0x380, s10;
	s23 =	smul.u32 $0xA0000, s7  }
0xc: {  	s22 =	sshll.u32 s7, $0xB;
	s8 =	sshll.u32 s8, $0xA;
	s12 =	smul.u32 $0x54000, s7  }
0xd: {  	s7 =	ssub.s32 $0x2, s7;
	_ =	strace $0x8000004A;
	s8 =	sor.u32 s22, s8  }
0xe: {  	s26 =	sshrl.u32 s7, $0x1;
	s31 =	sshrl.u32 s13, $0x2;
	s13 =	simm.s32 $0x80  }
0xf: {  	s22 =	simm.s32 $0x0;
	s9 =	sadd.s32 s9, s11;
	s8 =	sor.u32 s10, s8  }
0x10: {  	s28 =	sadd.s32 s25, s12;
	s29 =	ssub.s32 s7, s26;
	s7 =	sadd.s32 s31, s2  }
0x11: {  	s9 =	sor.u32 s10, s9;
	s8 =	sshrl.u32 s8, $0x3;
	s10 =	sadd.s32 s24, s23  }
.Ltmp0:
0x12: {  	s30 =	sshrl.u32 s28, $0x3;
	s12 =	smax.u32 s29, $0x1;
	(pc) =	sbr.rel .LBB2_1-.Ltmp0, $4  }
0x13: {  	s9 =	sshrl.u32 s9, $0x3;
	s8 =	sadd.s32 s8, s5;
	s10 =	sshrl.u32 s10, $0x3  }
0x14: {  	s6 =	sadd.s32 s6, s30;
	s9 =	sadd.s32 s9, s5;
	s14 =	sadd.s32 s10, s5  }
0x15: {  	s8 =	sadd.s32 $0x37800, s8;
	s10 =	sadd.s32 $0x8000, s7;
	s5 =	sadd.s32 $0x23400, s9  }
0x16: {  	v0 =	vimm.f32 $0.0e+00;
	s9 =	sadd.s32 $0x4000, s7;
	s11 =	sadd.s32 $0x5FA00, s14;
	s14 =	simm.s32 $0x400  }
.LBB2_6:
0x17: {  	[sflag:s15] =	ssyncadd.s32 $0xFFFFC000  }
.LBB2_7:
0x18: {  	s22 =	sadd.s32 $0x1, s22  }
0x19: {  	s23 =	sshll.u32 s1, $0x6;
	[bflag:$0x0] =	sbarrier.arrive $0xFFFF;
	p0 =	sne.s32 s22, s12  }
.Ltmp1:
0x1a: {  	s24 =	sshrl.u32 s7, $0x3;
	s23 =	sor.u32 $0x1C02, s23;
	(pc) =	sbr.rel @!p0 .LBB2_8-.Ltmp1, $4  }
0x1b: {  	[hbm:s11], [sflag:s23] =	dma.local [spmem:s24], $0x1400  }
0x1c: {  	_ =	swait.ge [sflag:s15], $0x1400  }
0x1d: {  	[sflag:s15] =	ssyncset.done $0x0  }
0x1e: {  	[sflag:s15] =	ssyncadd.s32 $0xFFFFEC00  }
.LBB2_1:
0x1f: {  	[tilespmem:s3], [sflag:$0x2] =	stream.strided.gather [hbm4b:s5+s13], $0x5100, s14, s13, $0x38;
	[tilespmem:$0x1C5C0] =	vst v63  }
0x20: {  	_ =	swait.ge [sflag:s15], $0x5100  }
0x21: {  	[sflag:s15] =	ssyncset.done $0x0  }
0x22: {  	[sflag:s15] =	ssyncadd.s32 $0xFFFFAF00  }
0x23: {  	[tilespmem:s16], [sflag:$0x2] =	stream.linear.gather [hbm4b:s6+s3], $0x5100, $0x38;
	[tilespmem:$0x1C5C0] =	vst v63  }
0x24: {  	_ =	swait.ge [sflag:s15], $0x5100  }
0x25: {  	[sflag:s15] =	ssyncset.done $0x0  }
0x26: {  	[sflag:s15] =	ssyncadd.s32 $0xFFFFAF00  }
0x27: {  	[tilespmem:s17], [sflag:$0x2] =	stream.linear.gather [hbm4b:s8+s3], $0x80, $0x38;
	[tilespmem:$0x1C5C0] =	vst v63  }
0x28: {  	_ =	swait.ge [sflag:s15], $0x80  }
0x29: {  	[sflag:s15] =	ssyncset.done $0x0  }
0x2a: {  	[sflag:s15] =	ssyncadd.s32 $0xFFFFFF80  }
0x2b: {  	s23 =	simm.s32 $0x0;
	s24 =	simm.s32 $0x200;
	v1 =	vld [tilespmem:$0xA500]  }
.LBB2_2:
0x2c: {  	p0 =	sne.s32 s24, $0xFE00;
	[tilespmem:s23+$0xA5F0] =	vst v0  }
0x2d: {  	[tilespmem:s23+$0xA580] =	vst v0  }
0x2e: {  	[tilespmem:s23+$0xA590] =	vst v0  }
.Ltmp2:
0x2f: {  	[tilespmem:s23+$0xA5A0] =	vst v0;
	(pc) =	sbr.rel @p0 .LBB2_2-.Ltmp2, $4  }
0x30: {  	[tilespmem:s23+$0xA5B0] =	vst v0  }
0x31: {  	[tilespmem:s23+$0xA5C0] =	vst v0  }
0x32: {  	[tilespmem:s23+$0xA5D0] =	vst v0  }
0x33: {  	[tilespmem:s23+$0xA5E0] =	vst v0;
	s23 =	sshra.s32 s24, $0x2;
	s24 =	sadd.s32 $0x200, s24  }
0x34: {  	(v2sf) =	vpush v1, $0x0;
	_ =	sdelay $0x5  }
0x35: {  	[tilespmem:s23+$0xA5F0] =	vst v0  }
0x36: {  	[tilespmem:s23+$0xA580] =	vst v0  }
0x37: {  	[tilespmem:s23+$0xA590] =	vst v0  }
0x38: {  	[tilespmem:s23+$0xA5A0] =	vst v0  }
0x39: {  	[tilespmem:s23+$0xA5B0] =	vst v0  }
0x3a: {  	[tilespmem:s23+$0xA5C0] =	vst v0  }
0x3b: {  	[tilespmem:s23+$0xA5D0] =	vst v0  }
0x3c: {  	[tilespmem:s23+$0xA5E0] =	vst v0  }
0x3d: {  	[spmem:s7] =	stream.linear.scatter [tilespmem:s18], [sflag:$0x2], $0x4000, $0x38;
	[tilespmem:$0x1C5C0] =	vst v63  }
0x3e: {  	s23 =	spop (v2sf)  }
0x3f: {  	_ =	swait.ge [sflag:s15], $0x4000  }
0x40: {  	[sflag:s15] =	ssyncset.done $0x0  }
0x41: {  	[sflag:s15] =	ssyncadd.s32 $0xFFFFC000  }
0x42: {  	[spmem:s9] =	stream.linear.scatter [tilespmem:s18], [sflag:$0x2], $0x4000, $0x38;
	[tilespmem:$0x1C5C0] =	vst v63  }
0x43: {  	_ =	swait.ge [sflag:s15], $0x4000  }
0x44: {  	[sflag:s15] =	ssyncset.done $0x0  }
0x45: {  	p0 =	slt.s32 s23, $0x1;
	[sflag:s15] =	ssyncadd.s32 $0xFFFFC000  }
0x46: {  	[spmem:s10] =	stream.linear.scatter [tilespmem:s18], [sflag:$0x2], $0x2000, $0x38;
	[tilespmem:$0x1C5C0] =	vst v63  }
.Ltmp3:
0x47: {  	_ =	swait.ge [sflag:s15], $0x2000;
	(pc) =	sbr.rel @p0 .LBB2_7-.Ltmp3, $3  }
0x48: {  	[sflag:s15] =	ssyncset.done $0x0  }
0x49: {  	[sflag:s15] =	ssyncadd.s32 $0xFFFFE000  }
0x4a: {  	[bflag:$0x0] =	sbarrier.arrive $0xFFFF;
	_ =	sdelay $0x1  }
0x4b: {  	s24 =	simm.s32 $0x0  }
0x4c: {  	[tilespmem:s18], [sflag:$0x1] =	stream.indirect.gather [hbm4b:s4+s19], $0x80, s24, s19, $0xb8;
	[tilespmem:$0x1C5C0] =	vst v63  }
0x4d: {  	_ = 	snop  }
0x4e: {  	[tilespmem:s20], [sflag:$0x1] =	stream.indirect.gather [hbm4b:s4+s19], $0x80, s19, s19, $0xb8;
	[tilespmem:$0x1C5C0] =	vst v63  }
0x4f: {  	_ =	swait.ge [sflag:s21], $0x2000  }
0x50: {  	[sflag:s21] =	ssyncset.done $0x0  }
0x51: {  	[sflag:s21] =	ssyncadd.s32 $0xFFFFE000  }
0x52: {  	p0 =	sle.s32 s23, $0x1;
	s24 =	sand.u32 $0x1, s24;
	_ =	swait.ge [sflag:s21], $0x2000  }
0x53: {  	s25 =	simm.s32 $0x80;
	s26 =	sshll.u32 @!p0 s24, $0xE;
	[sflag:s21] =	ssyncset.done $0x0  }
0x54: {  	s29 =	simm.s32 @!p0 $0x40;
	s28 =	sxor.u32 @!p0 $0xE580, s26;
	[sflag:s21] =	ssyncadd.s32 $0xFFFFE000  }
0x55: {  	[tilespmem:s28], [sflag:$0x1] =	stream.indirect.gather @!p0 [hbm4b:s4+s29], $0x80, s25, s29, $0xb8;
	[tilespmem:$0x1C5C0] =	vst v63  }
0x56: {  	s31 =	sshll.u32 s24, $0xE;
	s24 =	ssub.s32 @!p0 $0x10580, s26;
	s26 =	simm.s32 @!p0 $0xC0  }
0x57: {  	[tilespmem:s24], [sflag:$0x1] =	stream.indirect.gather @!p0 [hbm4b:s4+s29], $0x80, s26, s29, $0xb8;
	[tilespmem:$0x1C5C0] =	vst v63  }
0x58: {  	p0 =	sne.s32 s23, $0x1  }
.Ltmp4:
0x59: {  	_ = 	snop;
	(pc) =	sbr.rel @!p0 .LBB2_6-.Ltmp4, $4  }
0x5a: {  	s25 =	sor.u32 $0xA580, s31;
	s24 =	simm.s32 $0x5100  }
0x5b: {  	[spmem:s2] =	stream.indirect.scatter.add.f32 [tilespmem:s25], [sflag:$0x2], $0x80, s24, s13, $0xb8;
	[tilespmem:$0x1C5C0] =	vst v63  }
0x5c: {  	_ =	swait.ge [sflag:s15], $0x4000  }
0x5d: {  	s26 =	simm.s32 $0x100;
	s25 =	simm.s32 $0x1;
	[sflag:s15] =	ssyncset.done $0x0  }
.LBB2_5:
0x5e: {  	[sflag:s15] =	ssyncadd.s32 $0xFFFFC000  }
0x5f: {  	s24 =	sadd.s32 $0x80, s24;
	s28 =	smov.u32 s25;
	s25 =	sadd.s32 $0x1, s25  }
0x60: {  	p0 =	sne.s32 s23, s25  }
0x61: {  	_ =	swait.ge [sflag:s21], $0x2000  }
0x62: {  	[sflag:s21] =	ssyncset.done $0x0  }
0x63: {  	[sflag:s21] =	ssyncadd.s32 $0xFFFFE000  }
0x64: {  	s28 =	sand.u32 $0x1, s28;
	p1 =	sge.s32 s25, s23;
	_ =	swait.ge [sflag:s21], $0x2000  }
0x65: {  	s29 =	sshll.u32 @!p1 s28, $0xE;
	s28 =	sshll.u32 s28, $0xE;
	[sflag:s21] =	ssyncset.done $0x0  }
0x66: {  	s31 =	simm.s32 @!p1 $0x40;
	s30 =	sxor.u32 @!p1 $0xE580, s29;
	[sflag:s21] =	ssyncadd.s32 $0xFFFFE000  }
0x67: {  	[tilespmem:s30], [sflag:$0x1] =	stream.indirect.gather @!p1 [hbm4b:s4+s31], $0x80, s26, s31, $0xb8;
	[tilespmem:$0x1C5C0] =	vst v63  }
0x68: {  	s29 =	ssub.s32 @!p1 $0x10580, s29;
	s30 =	sadd.s32 @!p1 $0x40, s26  }
0x69: {  	[tilespmem:s29], [sflag:$0x1] =	stream.indirect.gather @!p1 [hbm4b:s4+s31], $0x80, s30, s31, $0xb8;
	[tilespmem:$0x1C5C0] =	vst v63  }
.Ltmp5:
0x6a: {  	_ = 	snop;
	(pc) =	sbr.rel @p0 .LBB2_5-.Ltmp5, $4  }
0x6b: {  	s28 =	sor.u32 $0xA580, s28  }
0x6c: {  	[spmem:s2] =	stream.indirect.scatter.add.f32 [tilespmem:s28], [sflag:$0x2], $0x80, s24, s13, $0xb8;
	[tilespmem:$0x1C5C0] =	vst v63  }
0x6d: {  	_ =	swait.ge [sflag:s15], $0x4000  }
0x6e: {  	s26 =	sadd.s32 $0x80, s26;
	[sflag:s15] =	ssyncset.done $0x0  }
.Ltmp6:
0x6f: {  	_ = 	snop;
	(pc) =	sbr.rel .LBB2_6-.Ltmp6, $1  }
0x70: {  	_ =	sdelay $0x3  }
.LBB2_8:
0x71: {  	_ =	sfence.sel $0x180000  }
0x72: {  	[bflag:$0x0] =	sbarrier.arrive $0xFFFF  }
0x73: {  	p0 =	sne.s32 s1, $0x0;
	_ =	strace $0x9000004A  }
0x74: {  	s0 =	sadd.s32 @!p0 $0x100000, s0;
	[bflag:$0x2] =	sbarrier.arrive $0xFFFF  }
0x75: {  	[sflag:s0] =	ssyncadd.tile.s32 @!p0 $0x1;
	_ =	shalt  }
.Lfunc_end2:
_tile_overlayer_lowered:
.L_overlay_start_2:
0x76: {  	(tag) =	ssettag $0x2  }
0x77: {  	s0 =	rddreg [dreg:$0x0];
	s2 =	stileid.u32  }
0x78: {  	s1 =	rddreg [dreg:$0x1];
	p0 =	sne.s32 s2, $0x0  }
0x79: {  	s3 =	rddreg [dreg:$0x2];
	[bflag:$0x3] =	sbarrier.arrive $0xFFFF;
	s2 =	simm.s32 @!p0 $0x1C02  }
0x7a: {  	[timem:s3], [sflag:s2] =	dma.local @!p0 [hbm:s0], s1  }
0x7b: {  	s0 =	simm.s32 @!p0 $0x2  }
0x7c: {  	_ =	swait.ge @!p0 [sflag:s0], s1  }
0x7d: {  	s1 =	ssub.s32 @!p0 $0x0, s1;
	[sflag:s0] =	ssyncset.done @!p0 $0x0  }
0x7e: {  	[sflag:s0] =	ssyncadd.s32 @!p0 s1  }
0x7f: {  	[bflag:$0x3] =	sbarrier.arrive $0xFFFF  }
0x80: {  	_ =	shalt  }

// kernel: sc_agg.8.cloned.1.call-start
scs
__scs_entry_jumppad:
0x0: {  	(pc) =	sbr.rel $0x88, $3  }
0x1: {  	(tag) =	ssettag $0x0;
	lr =	simm.s32 $0x1  }
0x2: {  	[smem:$0x3F94] =	sst lr;
	_ =	strace $0xD0000000  }
0x3: {  	_ = 	snop  }
0x4: {  	_ = 	snop  }
0x5: {  	_ = 	snop  }
0x6: {  	_ = 	snop  }
0x7: {  	_ = 	snop  }
__scs_overlays_trampoline_lowered:
0x8: {  	[smem:$0x3FA3] =	sst s0  }
0x9: {  	[smem:$0x3FA4] =	sst s1  }
0xa: {  	[smem:$0x3FA5] =	sst s2  }
0xb: {  	[smem:$0x3FA6] =	sst s3  }
0xc: {  	[smem:$0x3FA7] =	sst s4  }
0xd: {  	[smem:$0x3FA8] =	sst s5  }
0xe: {  	[smem:$0x3FA9] =	sst s6  }
0xf: {  	[smem:$0x3FAA] =	sst s7  }
0x10: {  	[smem:$0x3FAB] =	sst s8  }
0x11: {  	[smem:$0x3FAC] =	sst s9;
	s0 =	simm.s32 @!p0 $0x0  }
0x12: {  	s1 =	sld [smem:$0x3F92];
	s0 =	simm.s32 @p0 $0x1  }
0x13: {  	[smem:$0x3FAD] =	sst s0;
	s0 =	simm.s32 @!p1 $0x0  }
0x14: {  	s2 =	sld [smem:$0x3F91];
	s0 =	simm.s32 @p1 $0x1  }
0x15: {  	[smem:$0x3FAE] =	sst s0;
	s0 =	simm.s32 @!p2 $0x0  }
0x16: {  	s3 =	sld [smem:$0x3FDB];
	s0 =	simm.s32 @p2 $0x1  }
0x17: {  	s4 =	simm.s32 $0x1BF5;
	[smem:$0x3FB0] =	sst s0  }
0x18: {  	s0 =	sld [smem:$0x3F93];
	_ =	swait.ge [sflag:s4], $0x0  }
0x19: {  	s7 =	sld [smem:$0x3F94]  }
0x1a: {  	s8 =	sadd.s32 $0xFFFFE003, lr  }
0x1b: {  	s9 =	sadd.s32 $0xFFFFFEF7, lr;
	s5 =	simm.s32 $0xFFFFFFFF;
	p2 =	slt.u32 s8, $0xFFFFF086  }
0x1c: {  	p1 =	slt.u32 s9, $0xF7A;
	s5 =	simm.s32 @!p2 $0x0  }
0x1d: {  	s5 =	simm.s32 @p1 $0x1;
	p0 =	seq.s32 s7, s2  }
0x1e: {  	s7 =	smul.u32 @!p0 $0xF7A, s2;
	p2 =	seq.s32 @!p0 s5, $0x0  }
0x1f: {  	s9 =	smul.u32 $0xF7A, s1;
	s8 =	simm.s32 @!p0 $0x1BF5;
	p2 =	por !p2, p0  }
0x20: {  	[sflag:s8] =	ssyncset.s32 @!p0 $0xFFFFF086;
	s6 =	sadd.s32 @!p0 s3, s7;
	s7 =	simm.s32 @!p0 $0x108  }
0x21: {  	s3 =	sadd.s32 s3, s9;
	s6 =	sadd.s32 @!p0 $0x88, s6;
	s7 =	simm.s32 @p2 $0x1082  }
0x22: {  	[simem:s7], [sflag:s8] =	dma.local @!p0 [hbm:s6], $0xF7A  }
0x23: {  	s9 =	sor.u32 $0xD0000000, s2;
	s6 =	simm.s32 $0x108;
	_ =	swait.ge @!p0 [sflag:s8], $0x0  }
0x24: {  	s3 =	sadd.s32 $0x88, s3;
	s6 =	simm.s32 @!p1 $0x1082;
	[sflag:s4] =	ssyncset.s32 $0xFFFFF086  }
0x25: {  	[simem:s6], [sflag:s4] =	dma.local [hbm:s3], $0xF7A  }
0x26: {  	[smem:$0x3F94] =	sst s1;
	(tag) =	ssettag s2;
	_ =	strace s9  }
0x27: {  	s1 =	sld [smem:$0x3FA4]  }
0x28: {  	s2 =	sld [smem:$0x3FA5]  }
0x29: {  	s4 =	sld [smem:$0x3FA7]  }
0x2a: {  	p0 =	seq.s32 s5, $0x0;
	s5 =	sld [smem:$0x3FA8]  }
0x2b: {  	s6 =	sld [smem:$0x3FA9]  }
0x2c: {  	s7 =	sld [smem:$0x3FAA]  }
0x2d: {  	s3 =	simm.s32 $0x108;
	s8 =	sld [smem:$0x3FAB]  }
0x2e: {  	s3 =	simm.s32 @!p0 $0x1082;
	s9 =	sld [smem:$0x3FAC]  }
0x2f: {  	lr =	sadd.s32 s0, s3;
	s0 =	sld [smem:$0x3FA3]  }
0x30: {  	s3 =	sld [smem:$0x3FA6]  }
0x31: {  	[smem:$0x3FAF] =	sst s10  }
0x32: {  	s10 =	sld [smem:$0x3FAD];
	_ =	sdelay $0x3  }
0x33: {  	p0 =	seq.s32 s10, $0x1;
	s10 =	sld [smem:$0x3FAF];
	_ =	sdelay $0x3  }
0x34: {  	[smem:$0x3FAF] =	sst s10  }
0x35: {  	s10 =	sld [smem:$0x3FAE];
	_ =	sdelay $0x3  }
0x36: {  	p1 =	seq.s32 s10, $0x1;
	s10 =	sld [smem:$0x3FAF];
	_ =	sdelay $0x3  }
0x37: {  	[smem:$0x3FAF] =	sst s10  }
0x38: {  	s10 =	sld [smem:$0x3FB0]  }
0x39: {  	_ = 	snop;
	(pc) =	sbr.ind lr, $3  }
0x3a: {  	_ = 	snop  }
0x3b: {  	_ = 	snop  }
0x3c: {  	p2 =	seq.s32 s10, $0x1;
	s10 =	sld [smem:$0x3FAF]  }
0x3d: {  	_ =	shalt  }
0x3e: {  	_ =	shalt  }
0x3f: {  	_ =	shalt  }
0x40: {  	_ =	shalt  }
0x41: {  	_ =	shalt  }
0x42: {  	_ =	shalt  }
0x43: {  	_ =	shalt  }
0x44: {  	_ =	shalt  }
0x45: {  	_ =	shalt  }
0x46: {  	_ =	shalt  }
0x47: {  	_ =	shalt  }
0x48: {  	_ =	shalt  }
0x49: {  	_ =	shalt  }
0x4a: {  	_ =	shalt  }
0x4b: {  	_ =	shalt  }
0x4c: {  	_ =	shalt  }
0x4d: {  	_ =	shalt  }
0x4e: {  	_ =	shalt  }
0x4f: {  	_ =	shalt  }
0x50: {  	_ =	shalt  }
0x51: {  	_ =	shalt  }
0x52: {  	_ =	shalt  }
0x53: {  	_ =	shalt  }
0x54: {  	_ =	shalt  }
0x55: {  	_ =	shalt  }
0x56: {  	_ =	shalt  }
0x57: {  	_ =	shalt  }
0x58: {  	_ =	shalt  }
0x59: {  	_ =	shalt  }
0x5a: {  	_ =	shalt  }
0x5b: {  	_ =	shalt  }
0x5c: {  	_ =	shalt  }
0x5d: {  	_ =	shalt  }
0x5e: {  	_ =	shalt  }
0x5f: {  	_ =	shalt  }
0x60: {  	_ =	shalt  }
0x61: {  	_ =	shalt  }
0x62: {  	_ =	shalt  }
0x63: {  	_ =	shalt  }
0x64: {  	_ =	shalt  }
0x65: {  	_ =	shalt  }
0x66: {  	_ =	shalt  }
0x67: {  	_ =	shalt  }
0x68: {  	_ =	shalt  }
0x69: {  	_ =	shalt  }
0x6a: {  	_ =	shalt  }
0x6b: {  	_ =	shalt  }
0x6c: {  	_ =	shalt  }
0x6d: {  	_ =	shalt  }
0x6e: {  	_ =	shalt  }
0x6f: {  	_ =	shalt  }
0x70: {  	_ =	shalt  }
0x71: {  	_ =	shalt  }
0x72: {  	_ =	shalt  }
0x73: {  	_ =	shalt  }
0x74: {  	_ =	shalt  }
0x75: {  	_ =	shalt  }
0x76: {  	_ =	shalt  }
0x77: {  	_ =	shalt  }
0x78: {  	_ =	shalt  }
0x79: {  	_ =	shalt  }
0x7a: {  	_ =	shalt  }
0x7b: {  	_ =	shalt  }
0x7c: {  	_ =	shalt  }
0x7d: {  	_ =	shalt  }
0x7e: {  	_ =	shalt  }
0x7f: {  	_ =	shalt  }
0x80: {  	_ =	shalt  }
0x81: {  	_ =	shalt  }
0x82: {  	_ =	shalt  }
0x83: {  	_ =	shalt  }
0x84: {  	_ =	shalt  }
0x85: {  	_ =	shalt  }
0x86: {  	_ =	shalt  }
0x87: {  	_ =	shalt  }
.Lfunc_end0:
.L_simem_size_0:
called_computation.2_lowered:
.L_overlay_start_0:
0x88: {  	s2 =	sld [smem:$0x3FD9]  }
0x89: {  	s3 =	sld [smem:$0x3FFE];
	_ =	sdelay $0x1  }
0x8a: {  	s1 =	srdreg.scid  }
0x8b: {  	s0 =	sand.u32 $0x1, s1  }
0x8c: {  	s17 =	sshll.u32 s0, $0xA;
	s2 =	sadd.s32 s3, s2  }
0x8d: {  	s2 =	sadd.s32 s2, s17  }
0x8e: {  	[smem:$0x3FBB] =	sst s2  }
0x8f: {  	_ = 	snop  }
0x90: {  	s2 =	sld [smem:$0x3FD0];
	(tm) =	ssettm $0x1  }
0x91: {  	s18 =	sld [smem:$0x3FFB];
	_ =	sdelay $0x3  }
0x92: {  	_ =	strace s18  }
0x93: {  	s3 =	sld [smem:$0x3FFC];
	_ =	sdelay $0x3  }
0x94: {  	_ =	strace s3  }
0x95: {  	s3 =	sld [smem:$0x3FFD];
	_ =	sdelay $0x3  }
0x96: {  	_ =	strace s3  }
0x97: {  	_ =	strace $0x8FFFFFFF  }
0x98: {  	s19 =	sld [smem:$0x3FDB];
	_ =	sdelay $0x1  }
0x99: {  	s4 =	simm.s32 $_scs_section_size  }
0x9a: {  	s5 =	simm.s32 $_size__tile_overlayer_lowered;
	s6 =	simm.s32 $_tile_overlayer_lowered  }
0x9b: {  	s22 =	simm.s32 $0x1BFF;
	s21 =	sshll.u32 s6, $0x1;
	s3 =	sadd.s32 s4, s19  }
0x9c: {  	s7 =	simm.s32 $0x0;
	s20 =	sshll.u32 s5, $0x1;
	s5 =	sadd.s32 s21, s3  }
0x9d: {  	[timem:s7], [sflag:s22] =	dma.local [hbm:s5], s20  }
0x9e: {  	_ =	swait.ge [sflag:s22], s20  }
0x9f: {  	s4 =	ssub.s32 $0x0, s20;
	[sflag:s22] =	ssyncset.done $0x0  }
0xa0: {  	[sflag:s22] =	ssyncadd.s32 s4;
	_ =	sdelay $0x1  }
0xa1: {  	s23 =	simm.s32 $0x1B8B  }
0xa2: {  	_ =	swait.ge [sflag:s23], $0x1  }
0xa3: {  	[sflag:s23] =	ssyncset.done $0x0  }
0xa4: {  	s25 =	simm.s32 $0x1B8E;
	s24 =	sld [smem:$0x3FFE];
	[sflag:s23] =	ssyncadd.s32 $0xFFFFFFFF  }
0xa5: {  	s26 =	simm.s32 $execute0_lowered;
	[smem:$0x3FD2] =	sst s25  }
0xa6: {  	s5 =	sshll.u32 s26, $0x1;
	_ =	strace $0x8000004C;
	[dreg:$0x1] =	wrdreg $0xFFFFFFFF  }
0xa7: {  	s28 =	simm.s32 $_size_execute0_lowered;
	s3 =	sadd.s32 s3, s5;
	[dreg:$0x0] =	wrdreg $0x0  }
0xa8: {  	s5 =	sshll.u32 s28, $0x1;
	[dreg:$0x2] =	wrdreg s3  }
0xa9: {  	[dreg:$0x3] =	wrdreg s5  }
0xaa: {  	[dreg:$0x4] =	wrdreg $0xC0  }
0xab: {  	_ =	task [dreg:s7], $0x5FFFF  }
0xac: {  	[dreg:$0x1] =	wrdreg $0xFFFFFFFF  }
0xad: {  	[dreg:$0x0] =	wrdreg $0x60  }
0xae: {  	[dreg:$0x2] =	wrdreg s24  }
0xaf: {  	[dreg:$0x3] =	wrdreg s2  }
0xb0: {  	[dreg:$0x4] =	wrdreg $0x125800  }
0xb1: {  	[dreg:$0x5] =	wrdreg $0x9  }
0xb2: {  	_ =	task.clear_ibuf [dreg:s7], $0x6FFFF;
	_ =	strace $0x9000004C  }
0xb3: {  	s29 =	simm.s32 $0x9;
	_ =	strace $0x8000004E  }
0xb4: {  	_ =	swait.ge [sflag:s29], $0x1  }
0xb5: {  	[sflag:s29] =	ssyncadd.s32 $0xFFFFFFFF  }
0xb6: {  	_ =	strace $0x9000004E  }
0xb7: {  	_ =	sfence  }
0xb8: {  	s30 =	sld [smem:$0x0];
	_ =	sdelay $0x2  }
0xb9: {  	s31 =	sshll.u32 s1, $0xD;
	s1 =	sshrl.u32 s1, $0x2  }
0xba: {  	s3 =	sand.u32 $0x4000, s31;
	s1 =	sadd.s32 s1, s30  }
0xbb: {  	s0 =	sor.u32 s3, s0;
	s1 =	sshll.u32 s1, $0x11  }
0xbc: {  	s0 =	sor.u32 s1, s0  }
0xbd: {  	s0 =	sadd.s32 $0x8F2B, s0  }
0xbe: {  	[sflag:s0] =	ssyncadd.remote.s32 $0x1  }
0xbf: {  	_ =	sfence.sel $0xFFFF  }
0xc0: {  	[dreg:$0x0] =	wrdreg $0xFFFFFFFF;
	(pc) =	sbr.abs _section_cstart, $3  }
0xc1: {  	[dreg:$0x1] =	wrdreg $0xFFFFFFFF  }
0xc2: {  	_ =	task.clear_ibuf [dreg:s7], $0x2FFFF;
	_ =	strace $0x9FFFFFFF  }
0xc3: {  	(tm) =	ssettm $0x7FFFFFFF  }
tec
execute0_lowered:
.L_overlay_start_1:
0x0: {  	(tag) =	ssettag $0x1  }
0x1: {  	s5 =	rddreg [dreg:$0x0]  }
0x2: {  	s6 =	rddreg [dreg:$0x1]  }
0x3: {  	s2 =	rddreg [dreg:$0x2]  }
0x4: {  	s3 =	srdreg.scid;
	s0 =	rddreg [dreg:$0x3]  }
0x5: {  	s1 =	stileid.u32;
	s15 =	simm.s32 $0x2;
	s16 =	simm.s32 $0x5100  }
0x6: {  	s17 =	simm.s32 $0xA500;
	s18 =	simm.s32 $0xA580;
	s24 =	smul.u32 $0xA000, s1  }
0x7: {  	s19 =	simm.s32 $0x40;
	s20 =	simm.s32 $0xC580;
	s25 =	smul.u32 $0x5400, s1  }
0x8: {  	s21 =	simm.s32 $0x1;
	s7 =	sand.u32 $0x1, s3;
	s13 =	smul.u32 $0x28000, s1  }
0x9: {  	s3 =	simm.s32 $0x0;
	s8 =	sshrl.u32 s1, $0x3;
	s9 =	smul.u32 $0x51000, s7  }
0xa: {  	s10 =	sshll.u32 s1, $0x7;
	s4 =	sadd.s32 $0x37A00, s5;
	s11 =	smul.u32 $0x28800, s8  }
0xb: {  	[smem:$0x7FF] =	sst s3;
	s10 =	sand.u32 $0x380, s10;
	s23 =	smul.u32 $0xA0000, s7  }
0xc: {  	s22 =	sshll.u32 s7, $0xB;
	s8 =	sshll.u32 s8, $0xA;
	s12 =	smul.u32 $0x54000, s7  }
0xd: {  	s7 =	ssub.s32 $0x2, s7;
	_ =	strace $0x8000004D;
	s8 =	sor.u32 s22, s8  }
0xe: {  	s26 =	sshrl.u32 s7, $0x1;
	s31 =	sshrl.u32 s13, $0x2;
	s13 =	simm.s32 $0x80  }
0xf: {  	s22 =	simm.s32 $0x0;
	s9 =	sadd.s32 s9, s11;
	s8 =	sor.u32 s10, s8  }
0x10: {  	s28 =	sadd.s32 s25, s12;
	s29 =	ssub.s32 s7, s26;
	s7 =	sadd.s32 s31, s2  }
0x11: {  	s9 =	sor.u32 s10, s9;
	s8 =	sshrl.u32 s8, $0x3;
	s10 =	sadd.s32 s24, s23  }
.Ltmp0:
0x12: {  	s30 =	sshrl.u32 s28, $0x3;
	s12 =	smax.u32 s29, $0x1;
	(pc) =	sbr.rel .LBB2_1-.Ltmp0, $4  }
0x13: {  	s9 =	sshrl.u32 s9, $0x3;
	s8 =	sadd.s32 s8, s5;
	s10 =	sshrl.u32 s10, $0x3  }
0x14: {  	s6 =	sadd.s32 s6, s30;
	s9 =	sadd.s32 s9, s5;
	s14 =	sadd.s32 s10, s5  }
0x15: {  	s8 =	sadd.s32 $0x37800, s8;
	s10 =	sadd.s32 $0x8000, s7;
	s5 =	sadd.s32 $0x23400, s9  }
0x16: {  	v0 =	vimm.f32 $0.0e+00;
	s9 =	sadd.s32 $0x4000, s7;
	s11 =	sadd.s32 $0x5FA00, s14;
	s14 =	simm.s32 $0x400  }
.LBB2_6:
0x17: {  	[sflag:s15] =	ssyncadd.s32 $0xFFFFC000  }
.LBB2_7:
0x18: {  	s22 =	sadd.s32 $0x1, s22  }
0x19: {  	s23 =	sshll.u32 s1, $0x6;
	[bflag:$0x0] =	sbarrier.arrive $0xFFFF;
	p0 =	sne.s32 s22, s12  }
.Ltmp1:
0x1a: {  	s24 =	sshrl.u32 s7, $0x3;
	s23 =	sor.u32 $0x1C02, s23;
	(pc) =	sbr.rel @!p0 .LBB2_8-.Ltmp1, $4  }
0x1b: {  	[hbm:s11], [sflag:s23] =	dma.local [spmem:s24], $0x1400  }
0x1c: {  	_ =	swait.ge [sflag:s15], $0x1400  }
0x1d: {  	[sflag:s15] =	ssyncset.done $0x0  }
0x1e: {  	[sflag:s15] =	ssyncadd.s32 $0xFFFFEC00  }
.LBB2_1:
0x1f: {  	[tilespmem:s3], [sflag:$0x2] =	stream.strided.gather [hbm4b:s5+s13], $0x5100, s14, s13, $0x38;
	[tilespmem:$0x1C5C0] =	vst v63  }
0x20: {  	_ =	swait.ge [sflag:s15], $0x5100  }
0x21: {  	[sflag:s15] =	ssyncset.done $0x0  }
0x22: {  	[sflag:s15] =	ssyncadd.s32 $0xFFFFAF00  }
0x23: {  	[tilespmem:s16], [sflag:$0x2] =	stream.linear.gather [hbm4b:s6+s3], $0x5100, $0x38;
	[tilespmem:$0x1C5C0] =	vst v63  }
0x24: {  	_ =	swait.ge [sflag:s15], $0x5100  }
0x25: {  	[sflag:s15] =	ssyncset.done $0x0  }
0x26: {  	[sflag:s15] =	ssyncadd.s32 $0xFFFFAF00  }
0x27: {  	[tilespmem:s17], [sflag:$0x2] =	stream.linear.gather [hbm4b:s8+s3], $0x80, $0x38;
	[tilespmem:$0x1C5C0] =	vst v63  }
0x28: {  	_ =	swait.ge [sflag:s15], $0x80  }
0x29: {  	[sflag:s15] =	ssyncset.done $0x0  }
0x2a: {  	[sflag:s15] =	ssyncadd.s32 $0xFFFFFF80  }
0x2b: {  	s23 =	simm.s32 $0x0;
	s24 =	simm.s32 $0x200;
	v1 =	vld [tilespmem:$0xA500]  }
.LBB2_2:
0x2c: {  	p0 =	sne.s32 s24, $0xFE00;
	[tilespmem:s23+$0xA5F0] =	vst v0  }
0x2d: {  	[tilespmem:s23+$0xA580] =	vst v0  }
0x2e: {  	[tilespmem:s23+$0xA590] =	vst v0  }
.Ltmp2:
0x2f: {  	[tilespmem:s23+$0xA5A0] =	vst v0;
	(pc) =	sbr.rel @p0 .LBB2_2-.Ltmp2, $4  }
0x30: {  	[tilespmem:s23+$0xA5B0] =	vst v0  }
0x31: {  	[tilespmem:s23+$0xA5C0] =	vst v0  }
0x32: {  	[tilespmem:s23+$0xA5D0] =	vst v0  }
0x33: {  	[tilespmem:s23+$0xA5E0] =	vst v0;
	s23 =	sshra.s32 s24, $0x2;
	s24 =	sadd.s32 $0x200, s24  }
0x34: {  	(v2sf) =	vpush v1, $0x0;
	_ =	sdelay $0x5  }
0x35: {  	[tilespmem:s23+$0xA5F0] =	vst v0  }
0x36: {  	[tilespmem:s23+$0xA580] =	vst v0  }
0x37: {  	[tilespmem:s23+$0xA590] =	vst v0  }
0x38: {  	[tilespmem:s23+$0xA5A0] =	vst v0  }
0x39: {  	[tilespmem:s23+$0xA5B0] =	vst v0  }
0x3a: {  	[tilespmem:s23+$0xA5C0] =	vst v0  }
0x3b: {  	[tilespmem:s23+$0xA5D0] =	vst v0  }
0x3c: {  	[tilespmem:s23+$0xA5E0] =	vst v0  }
0x3d: {  	[spmem:s7] =	stream.linear.scatter [tilespmem:s18], [sflag:$0x2], $0x4000, $0x38;
	[tilespmem:$0x1C5C0] =	vst v63  }
0x3e: {  	s23 =	spop (v2sf)  }
0x3f: {  	_ =	swait.ge [sflag:s15], $0x4000  }
0x40: {  	[sflag:s15] =	ssyncset.done $0x0  }
0x41: {  	[sflag:s15] =	ssyncadd.s32 $0xFFFFC000  }
0x42: {  	[spmem:s9] =	stream.linear.scatter [tilespmem:s18], [sflag:$0x2], $0x4000, $0x38;
	[tilespmem:$0x1C5C0] =	vst v63  }
0x43: {  	_ =	swait.ge [sflag:s15], $0x4000  }
0x44: {  	[sflag:s15] =	ssyncset.done $0x0  }
0x45: {  	p0 =	slt.s32 s23, $0x1;
	[sflag:s15] =	ssyncadd.s32 $0xFFFFC000  }
0x46: {  	[spmem:s10] =	stream.linear.scatter [tilespmem:s18], [sflag:$0x2], $0x2000, $0x38;
	[tilespmem:$0x1C5C0] =	vst v63  }
.Ltmp3:
0x47: {  	_ =	swait.ge [sflag:s15], $0x2000;
	(pc) =	sbr.rel @p0 .LBB2_7-.Ltmp3, $3  }
0x48: {  	[sflag:s15] =	ssyncset.done $0x0  }
0x49: {  	[sflag:s15] =	ssyncadd.s32 $0xFFFFE000  }
0x4a: {  	[bflag:$0x0] =	sbarrier.arrive $0xFFFF;
	_ =	sdelay $0x1  }
0x4b: {  	s24 =	simm.s32 $0x0  }
0x4c: {  	[tilespmem:s18], [sflag:$0x1] =	stream.indirect.gather [hbm4b:s4+s19], $0x80, s24, s19, $0xb8;
	[tilespmem:$0x1C5C0] =	vst v63  }
0x4d: {  	_ = 	snop  }
0x4e: {  	[tilespmem:s20], [sflag:$0x1] =	stream.indirect.gather [hbm4b:s4+s19], $0x80, s19, s19, $0xb8;
	[tilespmem:$0x1C5C0] =	vst v63  }
0x4f: {  	_ =	swait.ge [sflag:s21], $0x2000  }
0x50: {  	[sflag:s21] =	ssyncset.done $0x0  }
0x51: {  	[sflag:s21] =	ssyncadd.s32 $0xFFFFE000  }
0x52: {  	p0 =	sle.s32 s23, $0x1;
	s24 =	sand.u32 $0x1, s24;
	_ =	swait.ge [sflag:s21], $0x2000  }
0x53: {  	s25 =	simm.s32 $0x80;
	s26 =	sshll.u32 @!p0 s24, $0xE;
	[sflag:s21] =	ssyncset.done $0x0  }
0x54: {  	s29 =	simm.s32 @!p0 $0x40;
	s28 =	sxor.u32 @!p0 $0xE580, s26;
	[sflag:s21] =	ssyncadd.s32 $0xFFFFE000  }
0x55: {  	[tilespmem:s28], [sflag:$0x1] =	stream.indirect.gather @!p0 [hbm4b:s4+s29], $0x80, s25, s29, $0xb8;
	[tilespmem:$0x1C5C0] =	vst v63  }
0x56: {  	s31 =	sshll.u32 s24, $0xE;
	s24 =	ssub.s32 @!p0 $0x10580, s26;
	s26 =	simm.s32 @!p0 $0xC0  }
0x57: {  	[tilespmem:s24], [sflag:$0x1] =	stream.indirect.gather @!p0 [hbm4b:s4+s29], $0x80, s26, s29, $0xb8;
	[tilespmem:$0x1C5C0] =	vst v63  }
0x58: {  	p0 =	sne.s32 s23, $0x1  }
.Ltmp4:
0x59: {  	_ = 	snop;
	(pc) =	sbr.rel @!p0 .LBB2_6-.Ltmp4, $4  }
0x5a: {  	s25 =	sor.u32 $0xA580, s31;
	s24 =	simm.s32 $0x5100  }
0x5b: {  	[spmem:s2] =	stream.indirect.scatter.add.f32 [tilespmem:s25], [sflag:$0x2], $0x80, s24, s13, $0xb8;
	[tilespmem:$0x1C5C0] =	vst v63  }
0x5c: {  	_ =	swait.ge [sflag:s15], $0x4000  }
0x5d: {  	s26 =	simm.s32 $0x100;
	s25 =	simm.s32 $0x1;
	[sflag:s15] =	ssyncset.done $0x0  }
.LBB2_5:
0x5e: {  	[sflag:s15] =	ssyncadd.s32 $0xFFFFC000  }
0x5f: {  	s24 =	sadd.s32 $0x80, s24;
	s28 =	smov.u32 s25;
	s25 =	sadd.s32 $0x1, s25  }
0x60: {  	p0 =	sne.s32 s23, s25  }
0x61: {  	_ =	swait.ge [sflag:s21], $0x2000  }
0x62: {  	[sflag:s21] =	ssyncset.done $0x0  }
0x63: {  	[sflag:s21] =	ssyncadd.s32 $0xFFFFE000  }
0x64: {  	s28 =	sand.u32 $0x1, s28;
	p1 =	sge.s32 s25, s23;
	_ =	swait.ge [sflag:s21], $0x2000  }
0x65: {  	s29 =	sshll.u32 @!p1 s28, $0xE;
	s28 =	sshll.u32 s28, $0xE;
	[sflag:s21] =	ssyncset.done $0x0  }
0x66: {  	s31 =	simm.s32 @!p1 $0x40;
	s30 =	sxor.u32 @!p1 $0xE580, s29;
	[sflag:s21] =	ssyncadd.s32 $0xFFFFE000  }
0x67: {  	[tilespmem:s30], [sflag:$0x1] =	stream.indirect.gather @!p1 [hbm4b:s4+s31], $0x80, s26, s31, $0xb8;
	[tilespmem:$0x1C5C0] =	vst v63  }
0x68: {  	s29 =	ssub.s32 @!p1 $0x10580, s29;
	s30 =	sadd.s32 @!p1 $0x40, s26  }
0x69: {  	[tilespmem:s29], [sflag:$0x1] =	stream.indirect.gather @!p1 [hbm4b:s4+s31], $0x80, s30, s31, $0xb8;
	[tilespmem:$0x1C5C0] =	vst v63  }
.Ltmp5:
0x6a: {  	_ = 	snop;
	(pc) =	sbr.rel @p0 .LBB2_5-.Ltmp5, $4  }
0x6b: {  	s28 =	sor.u32 $0xA580, s28  }
0x6c: {  	[spmem:s2] =	stream.indirect.scatter.add.f32 [tilespmem:s28], [sflag:$0x2], $0x80, s24, s13, $0xb8;
	[tilespmem:$0x1C5C0] =	vst v63  }
0x6d: {  	_ =	swait.ge [sflag:s15], $0x4000  }
0x6e: {  	s26 =	sadd.s32 $0x80, s26;
	[sflag:s15] =	ssyncset.done $0x0  }
.Ltmp6:
0x6f: {  	_ = 	snop;
	(pc) =	sbr.rel .LBB2_6-.Ltmp6, $1  }
0x70: {  	_ =	sdelay $0x3  }
.LBB2_8:
0x71: {  	_ =	sfence.sel $0x180000  }
0x72: {  	[bflag:$0x0] =	sbarrier.arrive $0xFFFF  }
0x73: {  	p0 =	sne.s32 s1, $0x0;
	_ =	strace $0x9000004D  }
0x74: {  	s0 =	sadd.s32 @!p0 $0x100000, s0;
	[bflag:$0x2] =	sbarrier.arrive $0xFFFF  }
0x75: {  	[sflag:s0] =	ssyncadd.tile.s32 @!p0 $0x1;
	_ =	shalt  }
.Lfunc_end2:
_tile_overlayer_lowered:
.L_overlay_start_2:
0x76: {  	(tag) =	ssettag $0x2  }
0x77: {  	s0 =	rddreg [dreg:$0x0];
	s2 =	stileid.u32  }
0x78: {  	s1 =	rddreg [dreg:$0x1];
	p0 =	sne.s32 s2, $0x0  }
0x79: {  	s3 =	rddreg [dreg:$0x2];
	[bflag:$0x3] =	sbarrier.arrive $0xFFFF;
	s2 =	simm.s32 @!p0 $0x1C02  }
0x7a: {  	[timem:s3], [sflag:s2] =	dma.local @!p0 [hbm:s0], s1  }
0x7b: {  	s0 =	simm.s32 @!p0 $0x2  }
0x7c: {  	_ =	swait.ge @!p0 [sflag:s0], s1  }
0x7d: {  	s1 =	ssub.s32 @!p0 $0x0, s1;
	[sflag:s0] =	ssyncset.done @!p0 $0x0  }
0x7e: {  	[sflag:s0] =	ssyncadd.s32 @!p0 s1  }
0x7f: {  	[bflag:$0x3] =	sbarrier.arrive $0xFFFF  }
0x80: {  	_ =	shalt  }

// kernel: sc_partition.3.cloned.1.call-start
scs
__scs_entry_jumppad:
0x0: {  	(pc) =	sbr.rel $0x88, $3  }
0x1: {  	(tag) =	ssettag $0x0;
	lr =	simm.s32 $0x1  }
0x2: {  	[smem:$0x3F94] =	sst lr;
	_ =	strace $0xD0000000  }
0x3: {  	_ = 	snop  }
0x4: {  	_ = 	snop  }
0x5: {  	_ = 	snop  }
0x6: {  	_ = 	snop  }
0x7: {  	_ = 	snop  }
__scs_overlays_trampoline_lowered:
0x8: {  	[smem:$0x3FA3] =	sst s0  }
0x9: {  	[smem:$0x3FA4] =	sst s1  }
0xa: {  	[smem:$0x3FA5] =	sst s2  }
0xb: {  	[smem:$0x3FA6] =	sst s3  }
0xc: {  	[smem:$0x3FA7] =	sst s4  }
0xd: {  	[smem:$0x3FA8] =	sst s5  }
0xe: {  	[smem:$0x3FA9] =	sst s6  }
0xf: {  	[smem:$0x3FAA] =	sst s7  }
0x10: {  	[smem:$0x3FAB] =	sst s8  }
0x11: {  	[smem:$0x3FAC] =	sst s9;
	s0 =	simm.s32 @!p0 $0x0  }
0x12: {  	s1 =	sld [smem:$0x3F92];
	s0 =	simm.s32 @p0 $0x1  }
0x13: {  	[smem:$0x3FAD] =	sst s0;
	s0 =	simm.s32 @!p1 $0x0  }
0x14: {  	s2 =	sld [smem:$0x3F91];
	s0 =	simm.s32 @p1 $0x1  }
0x15: {  	[smem:$0x3FAE] =	sst s0;
	s0 =	simm.s32 @!p2 $0x0  }
0x16: {  	s3 =	sld [smem:$0x3FDB];
	s0 =	simm.s32 @p2 $0x1  }
0x17: {  	s4 =	simm.s32 $0x1BF5;
	[smem:$0x3FB0] =	sst s0  }
0x18: {  	s0 =	sld [smem:$0x3F93];
	_ =	swait.ge [sflag:s4], $0x0  }
0x19: {  	s7 =	sld [smem:$0x3F94]  }
0x1a: {  	s8 =	sadd.s32 $0xFFFFE003, lr  }
0x1b: {  	s9 =	sadd.s32 $0xFFFFFEF7, lr;
	s5 =	simm.s32 $0xFFFFFFFF;
	p2 =	slt.u32 s8, $0xFFFFF086  }
0x1c: {  	p1 =	slt.u32 s9, $0xF7A;
	s5 =	simm.s32 @!p2 $0x0  }
0x1d: {  	s5 =	simm.s32 @p1 $0x1;
	p0 =	seq.s32 s7, s2  }
0x1e: {  	s7 =	smul.u32 @!p0 $0xF7A, s2;
	p2 =	seq.s32 @!p0 s5, $0x0  }
0x1f: {  	s9 =	smul.u32 $0xF7A, s1;
	s8 =	simm.s32 @!p0 $0x1BF5;
	p2 =	por !p2, p0  }
0x20: {  	[sflag:s8] =	ssyncset.s32 @!p0 $0xFFFFF086;
	s6 =	sadd.s32 @!p0 s3, s7;
	s7 =	simm.s32 @!p0 $0x108  }
0x21: {  	s3 =	sadd.s32 s3, s9;
	s6 =	sadd.s32 @!p0 $0x88, s6;
	s7 =	simm.s32 @p2 $0x1082  }
0x22: {  	[simem:s7], [sflag:s8] =	dma.local @!p0 [hbm:s6], $0xF7A  }
0x23: {  	s9 =	sor.u32 $0xD0000000, s2;
	s6 =	simm.s32 $0x108;
	_ =	swait.ge @!p0 [sflag:s8], $0x0  }
0x24: {  	s3 =	sadd.s32 $0x88, s3;
	s6 =	simm.s32 @!p1 $0x1082;
	[sflag:s4] =	ssyncset.s32 $0xFFFFF086  }
0x25: {  	[simem:s6], [sflag:s4] =	dma.local [hbm:s3], $0xF7A  }
0x26: {  	[smem:$0x3F94] =	sst s1;
	(tag) =	ssettag s2;
	_ =	strace s9  }
0x27: {  	s1 =	sld [smem:$0x3FA4]  }
0x28: {  	s2 =	sld [smem:$0x3FA5]  }
0x29: {  	s4 =	sld [smem:$0x3FA7]  }
0x2a: {  	p0 =	seq.s32 s5, $0x0;
	s5 =	sld [smem:$0x3FA8]  }
0x2b: {  	s6 =	sld [smem:$0x3FA9]  }
0x2c: {  	s7 =	sld [smem:$0x3FAA]  }
0x2d: {  	s3 =	simm.s32 $0x108;
	s8 =	sld [smem:$0x3FAB]  }
0x2e: {  	s3 =	simm.s32 @!p0 $0x1082;
	s9 =	sld [smem:$0x3FAC]  }
0x2f: {  	lr =	sadd.s32 s0, s3;
	s0 =	sld [smem:$0x3FA3]  }
0x30: {  	s3 =	sld [smem:$0x3FA6]  }
0x31: {  	[smem:$0x3FAF] =	sst s10  }
0x32: {  	s10 =	sld [smem:$0x3FAD];
	_ =	sdelay $0x3  }
0x33: {  	p0 =	seq.s32 s10, $0x1;
	s10 =	sld [smem:$0x3FAF];
	_ =	sdelay $0x3  }
0x34: {  	[smem:$0x3FAF] =	sst s10  }
0x35: {  	s10 =	sld [smem:$0x3FAE];
	_ =	sdelay $0x3  }
0x36: {  	p1 =	seq.s32 s10, $0x1;
	s10 =	sld [smem:$0x3FAF];
	_ =	sdelay $0x3  }
0x37: {  	[smem:$0x3FAF] =	sst s10  }
0x38: {  	s10 =	sld [smem:$0x3FB0]  }
0x39: {  	_ = 	snop;
	(pc) =	sbr.ind lr, $3  }
0x3a: {  	_ = 	snop  }
0x3b: {  	_ = 	snop  }
0x3c: {  	p2 =	seq.s32 s10, $0x1;
	s10 =	sld [smem:$0x3FAF]  }
0x3d: {  	_ =	shalt  }
0x3e: {  	_ =	shalt  }
0x3f: {  	_ =	shalt  }
0x40: {  	_ =	shalt  }
0x41: {  	_ =	shalt  }
0x42: {  	_ =	shalt  }
0x43: {  	_ =	shalt  }
0x44: {  	_ =	shalt  }
0x45: {  	_ =	shalt  }
0x46: {  	_ =	shalt  }
0x47: {  	_ =	shalt  }
0x48: {  	_ =	shalt  }
0x49: {  	_ =	shalt  }
0x4a: {  	_ =	shalt  }
0x4b: {  	_ =	shalt  }
0x4c: {  	_ =	shalt  }
0x4d: {  	_ =	shalt  }
0x4e: {  	_ =	shalt  }
0x4f: {  	_ =	shalt  }
0x50: {  	_ =	shalt  }
0x51: {  	_ =	shalt  }
0x52: {  	_ =	shalt  }
0x53: {  	_ =	shalt  }
0x54: {  	_ =	shalt  }
0x55: {  	_ =	shalt  }
0x56: {  	_ =	shalt  }
0x57: {  	_ =	shalt  }
0x58: {  	_ =	shalt  }
0x59: {  	_ =	shalt  }
0x5a: {  	_ =	shalt  }
0x5b: {  	_ =	shalt  }
0x5c: {  	_ =	shalt  }
0x5d: {  	_ =	shalt  }
0x5e: {  	_ =	shalt  }
0x5f: {  	_ =	shalt  }
0x60: {  	_ =	shalt  }
0x61: {  	_ =	shalt  }
0x62: {  	_ =	shalt  }
0x63: {  	_ =	shalt  }
0x64: {  	_ =	shalt  }
0x65: {  	_ =	shalt  }
0x66: {  	_ =	shalt  }
0x67: {  	_ =	shalt  }
0x68: {  	_ =	shalt  }
0x69: {  	_ =	shalt  }
0x6a: {  	_ =	shalt  }
0x6b: {  	_ =	shalt  }
0x6c: {  	_ =	shalt  }
0x6d: {  	_ =	shalt  }
0x6e: {  	_ =	shalt  }
0x6f: {  	_ =	shalt  }
0x70: {  	_ =	shalt  }
0x71: {  	_ =	shalt  }
0x72: {  	_ =	shalt  }
0x73: {  	_ =	shalt  }
0x74: {  	_ =	shalt  }
0x75: {  	_ =	shalt  }
0x76: {  	_ =	shalt  }
0x77: {  	_ =	shalt  }
0x78: {  	_ =	shalt  }
0x79: {  	_ =	shalt  }
0x7a: {  	_ =	shalt  }
0x7b: {  	_ =	shalt  }
0x7c: {  	_ =	shalt  }
0x7d: {  	_ =	shalt  }
0x7e: {  	_ =	shalt  }
0x7f: {  	_ =	shalt  }
0x80: {  	_ =	shalt  }
0x81: {  	_ =	shalt  }
0x82: {  	_ =	shalt  }
0x83: {  	_ =	shalt  }
0x84: {  	_ =	shalt  }
0x85: {  	_ =	shalt  }
0x86: {  	_ =	shalt  }
0x87: {  	_ =	shalt  }
.Lfunc_end0:
.L_simem_size_0:
called_computation_lowered:
.L_overlay_start_0:
0x88: {  	s2 =	sld [smem:$0x3FD9]  }
0x89: {  	s3 =	sld [smem:$0x3FFE];
	_ =	sdelay $0x1  }
0x8a: {  	s1 =	srdreg.scid  }
0x8b: {  	s0 =	sand.u32 $0x1, s1  }
0x8c: {  	s17 =	sshll.u32 s0, $0xA;
	s2 =	sadd.s32 s3, s2  }
0x8d: {  	s2 =	sadd.s32 s2, s17  }
0x8e: {  	[smem:$0x3FBB] =	sst s2  }
0x8f: {  	_ = 	snop  }
0x90: {  	s2 =	sld [smem:$0x3FD0];
	(tm) =	ssettm $0x1  }
0x91: {  	s18 =	sld [smem:$0x3FFB];
	_ =	sdelay $0x3  }
0x92: {  	_ =	strace s18  }
0x93: {  	s3 =	sld [smem:$0x3FFC];
	_ =	sdelay $0x3  }
0x94: {  	_ =	strace s3  }
0x95: {  	s3 =	sld [smem:$0x3FFD];
	_ =	sdelay $0x3  }
0x96: {  	_ =	strace s3  }
0x97: {  	_ =	strace $0x8FFFFFFF  }
0x98: {  	s19 =	sld [smem:$0x3FDB];
	_ =	sdelay $0x1  }
0x99: {  	s4 =	simm.s32 $_scs_section_size  }
0x9a: {  	s5 =	simm.s32 $_size__tile_overlayer_lowered;
	s6 =	simm.s32 $_tile_overlayer_lowered  }
0x9b: {  	s22 =	simm.s32 $0x1BFF;
	s21 =	sshll.u32 s6, $0x1;
	s3 =	sadd.s32 s4, s19  }
0x9c: {  	s7 =	simm.s32 $0x0;
	s20 =	sshll.u32 s5, $0x1;
	s5 =	sadd.s32 s21, s3  }
0x9d: {  	[timem:s7], [sflag:s22] =	dma.local [hbm:s5], s20  }
0x9e: {  	_ =	swait.ge [sflag:s22], s20  }
0x9f: {  	s4 =	ssub.s32 $0x0, s20;
	[sflag:s22] =	ssyncset.done $0x0  }
0xa0: {  	[sflag:s22] =	ssyncadd.s32 s4;
	_ =	sdelay $0x1  }
0xa1: {  	s23 =	simm.s32 $0x1B8B  }
0xa2: {  	_ =	swait.ge [sflag:s23], $0x1  }
0xa3: {  	[sflag:s23] =	ssyncset.done $0x0  }
0xa4: {  	s25 =	simm.s32 $0x1B8E;
	s24 =	sld [smem:$0x3FFE];
	[sflag:s23] =	ssyncadd.s32 $0xFFFFFFFF  }
0xa5: {  	s26 =	simm.s32 $execute0_lowered;
	[smem:$0x3FD2] =	sst s25  }
0xa6: {  	s5 =	sshll.u32 s26, $0x1;
	_ =	strace $0x80000046;
	[dreg:$0x1] =	wrdreg $0xFFFFFFFF  }
0xa7: {  	s28 =	simm.s32 $_size_execute0_lowered;
	s3 =	sadd.s32 s3, s5;
	[dreg:$0x0] =	wrdreg $0x0  }
0xa8: {  	s5 =	sshll.u32 s28, $0x1;
	[dreg:$0x2] =	wrdreg s3  }
0xa9: {  	[dreg:$0x3] =	wrdreg s5  }
0xaa: {  	[dreg:$0x4] =	wrdreg $0xC0  }
0xab: {  	_ =	task [dreg:s7], $0x5FFFF  }
0xac: {  	[dreg:$0x1] =	wrdreg $0xFFFFFFFF  }
0xad: {  	[dreg:$0x0] =	wrdreg $0x60  }
0xae: {  	[dreg:$0x2] =	wrdreg s2  }
0xaf: {  	[dreg:$0x3] =	wrdreg s24  }
0xb0: {  	[dreg:$0x4] =	wrdreg $0x147800  }
0xb1: {  	[dreg:$0x5] =	wrdreg $0xA5800  }
0xb2: {  	[dreg:$0x6] =	wrdreg $0xF6800  }
0xb3: {  	[dreg:$0x7] =	wrdreg $0x9  }
0xb4: {  	_ =	task.clear_ibuf [dreg:s7], $0x8FFFF;
	_ =	strace $0x90000046  }
0xb5: {  	s29 =	simm.s32 $0x9;
	_ =	strace $0x80000048  }
0xb6: {  	_ =	swait.ge [sflag:s29], $0x1  }
0xb7: {  	[sflag:s29] =	ssyncadd.s32 $0xFFFFFFFF  }
0xb8: {  	_ =	strace $0x90000048  }
0xb9: {  	_ =	sfence  }
0xba: {  	s30 =	sld [smem:$0x0];
	_ =	sdelay $0x2  }
0xbb: {  	s31 =	sshll.u32 s1, $0xD;
	s1 =	sshrl.u32 s1, $0x2  }
0xbc: {  	s3 =	sand.u32 $0x4000, s31;
	s1 =	sadd.s32 s1, s30  }
0xbd: {  	s0 =	sor.u32 s3, s0;
	s1 =	sshll.u32 s1, $0x11  }
0xbe: {  	s0 =	sor.u32 s1, s0  }
0xbf: {  	s0 =	sadd.s32 $0x8F2B, s0  }
0xc0: {  	[sflag:s0] =	ssyncadd.remote.s32 $0x1  }
0xc1: {  	_ =	sfence.sel $0xFFFF  }
0xc2: {  	[dreg:$0x0] =	wrdreg $0xFFFFFFFF;
	(pc) =	sbr.abs _section_cstart, $3  }
0xc3: {  	[dreg:$0x1] =	wrdreg $0xFFFFFFFF  }
0xc4: {  	_ =	task.clear_ibuf [dreg:s7], $0x2FFFF;
	_ =	strace $0x9FFFFFFF  }
0xc5: {  	(tm) =	ssettm $0x7FFFFFFF  }
tec
execute0_lowered:
.L_overlay_start_1:
0x0: {  	(tag) =	ssettag $0x1  }
0x1: {  	s0 =	rddreg [dreg:$0x0]  }
0x2: {  	s1 =	rddreg [dreg:$0x1]  }
0x3: {  	s2 =	rddreg [dreg:$0x2]  }
0x4: {  	s3 =	rddreg [dreg:$0x3]  }
0x5: {  	s4 =	rddreg [dreg:$0x4];
	s16 =	stileid.u32  }
0x6: {  	s5 =	srdreg.scid;
	s28 =	simm.s32 $0x1;
	s7 =	smul.u32 $0xA00, s16  }
0x7: {  	s29 =	simm.s32 $0xA000;
	s8 =	sand.u32 $0x1, s5;
	s6 =	smul.u32 $0x5100, s16  }
0x8: {  	s5 =	simm.s32 $0x0;
	s9 =	sshrl.u32 s16, $0x3;
	s10 =	smul.u32 $0x51000, s8  }
0x9: {  	v2 =	vimm.s32 $0xEDCBA987;
	s13 =	sshll.u32 s16, $0x7;
	[smem:$0x7FF] =	sst s5;
	s11 =	smul.u32 $0x28800, s9  }
0xa: {  	v5 =	vimm.s32 $0x65432100;
	s14 =	smul.u32 $0x1400, s8;
	s13 =	sand.u32 $0x380, s13;
	s15 =	sshll.u32 s8, $0xB  }
0xb: {  	v7 =	vimm.s32 $0xDCBA9876;
	v9 =	vimm.s32 $0xBA987654;
	s9 =	sshll.u32 s9, $0xA;
	s17 =	ssub.s32 $0x2, s8;
	s26 =	smul.u32 $0xA000, s8  }
0xc: {  	v3 =	vimm.f32 $1.000000000e+00;
	v8 =	vimm.s32 $0x54321000;
	v10 =	vimm.s32 $0xE40000;
	_ =	strace $0x80000047;
	s12 =	sadd.s32 s7, s1;
	s31 =	sadd.s32 $0x50FF, s6  }
0xd: {  	v11 =	vimm.s32 $0x32100000;
	vm0 =	vmmov $0x3;
	vm1 =	vmmov $0xf;
	s9 =	sor.u32 s15, s9;
	s15 =	smul.u32 $0x500, s16;
	s16 =	sshll.u32 s8, $0x7  }
0xe: {  	vm2 =	vcmask $0x3F30;
	v4 =	vunpack.c.l.s4.s8 v2;
	v2 =	vimm.f32 $0.0e+00;
	s20 =	sshrl.u32 s17, $0x1;
	s22 =	sshrl.u32 s7, $0x2;
	s0 =	sadd.s32 s0, s7  }
0xf: {  	v5 =	vunpack.c.l.s4.s8 v5;
	v7 =	vunpack.c.l.s4.s8 v7;
	v8 =	vunpack.c.l.s4.s8 v8;
	s30 =	sadd.s32 s6, s3;
	s10 =	sadd.s32 s10, s11;
	s9 =	sor.u32 s13, s9  }
0x10: {  	v9 =	vunpack.c.l.s4.s8 v9;
	v10 =	vunpack.c.l.s2.s4 v10;
	v11 =	vunpack.c.l.s4.s8 v11;
	s21 =	ssub.s32 s17, s20;
	[dreg:$0x6] =	wrdreg s0;
	s23 =	sadd.s32 $0x4600, s12  }
0x11: {  	v6 =	vunpack.c.0.s8.s32 v4;
	v4 =	vimm.s32 $0x0;
	v1 =	vmov s31;
	s31 =	sadd.s32 s6, s4;
	s0 =	simm.s32 $0x10;
	s10 =	sor.u32 s13, s10  }
0x12: {  	v5 =	vunpack.c.0.s8.s32 v5;
	v7 =	vunpack.c.0.s8.s32 v7;
	v9 =	vunpack.c.0.s8.s32 v9;
	s9 =	sshrl.u32 s9, $0x3;
	s11 =	sor.u32 s16, s15;
	[dreg:$0x7] =	wrdreg s23  }
0x13: {  	v8 =	vunpack.c.0.s8.s32 v8;
	v10 =	vunpack.c.l.s4.s8 v10;
	v0 =	vmov s14;
	s14 =	smax.u32 s21, $0x1;
	s15 =	sshrl.u32 s26, $0x2;
	s23 =	simm.s32 $0xA280  }
0x14: {  	v6 =	vand.u32 $0xF, v6;
	v7 =	vand.u32 $0xF, v7;
	v9 =	vand.u32 $0xF, v9;
	s26 =	simm.s32 $0x2;
	s21 =	simm.s32 $0x0;
	s10 =	sshrl.u32 s10, $0x3  }
0x15: {  	v10 =	vunpack.c.0.s8.s32 v10;
	s18 =	sadd.s32 s9, s1;
	s19 =	sshrl.u32 s11, $0x3;
	s9 =	sadd.s32 s22, s2;
	v5 =	vcombine.low v5, v6;
	v6 =	vlaneseq.u32  }
0x16: {  	v7 =	vcombine.low v8, v7;
	v8 =	vunpack.c.0.s8.s32 v11;
	s16 =	sor.u32 $0x80, s15;
	s17 =	sor.u32 $0x100, s15;
	v11 =	vimm.s32 $0x7060504;
	s22 =	simm.s32 $0x80  }
0x17: {  	s10 =	sadd.s32 s10, s1;
	s1 =	sadd.s32 s19, s1;
	s24 =	sadd.s32 $0x37800, s18;
	v10 =	vand.u32 $0x3, v10;
	v12 =	vor.u32 $0x10, v6;
	v13 =	vor.u32 $0x20, v6  }
0x18: {  	s18 =	sor.u32 $0x180, s15;
	s19 =	simm.s32 $0x3;
	v14 =	vor.u32 $0x30, v6;
	[dreg:$0x8] =	wrdreg s24;
	v8 =	vcombine.low v8, v9;
	v9 =	vunpack.c.0.s8.s32 v11  }
0x19: {  	v15 =	vor.u32 $0x40, v6;
	v16 =	vor.u32 $0x50, v6;
	s25 =	sadd.s32 $0x23400, s10;
	s12 =	sadd.s32 $0xE600, s10;
	s13 =	sadd.s32 $0x22A00, s1;
	v11 =	vimm.s32 $0x2710  }
0x1a: {  	s24 =	sshrl.u32 s30, $0x3;
	[dreg:$0x9] =	wrdreg s25;
	s25 =	sshrl.u32 s31, $0x3;
	v9 =	vsel vm2, v9, v10;
	vm2 =	vmmov $0xff;
	v10 =	vimm.s32 $0x1400  }
.LBB2_1:
0x1b: {  	s1 =	rddreg [dreg:$0x6]  }
0x1c: {  	[tilespmem:s5], [sflag:$0x3] =	stream.linear.gather [hbm4b:s1+s5], $0x5000, $0x38;
	[tilespmem:$0x14A00] =	vst v63  }
0x1d: {  	_ =	swait.ge [sflag:s19], $0x5000  }
0x1e: {  	[sflag:s19] =	ssyncset.done $0x0  }
0x1f: {  	s7 =	simm.s32 $0x5000;
	s20 =	rddreg [dreg:$0x7];
	[sflag:s19] =	ssyncadd.s32 $0xFFFFB000  }
0x20: {  	[tilespmem:s7], [sflag:$0x3] =	stream.linear.gather [hbm4b:s20+s5], $0x5000, $0x38;
	[tilespmem:$0x14A00] =	vst v63  }
0x21: {  	_ =	swait.ge [sflag:s19], $0x5000  }
0x22: {  	[sflag:s19] =	ssyncset.done $0x0  }
0x23: {  	[sflag:s19] =	ssyncadd.s32 $0xFFFFB000  }
0x24: {  	[tilespmem:$0xA300] =	vst v2  }
0x25: {  	[tilespmem:$0xA310] =	vst v2  }
0x26: {  	[tilespmem:$0xA320] =	vst v2  }
0x27: {  	[tilespmem:$0xA330] =	vst v2  }
0x28: {  	[tilespmem:$0xA340] =	vst v2  }
0x29: {  	[tilespmem:$0xA350] =	vst v2  }
0x2a: {  	[tilespmem:$0xA360] =	vst v2  }
0x2b: {  	[tilespmem:$0xA370] =	vst v2  }
0x2c: {  	[tilespmem:$0xA380] =	vst v2  }
0x2d: {  	[tilespmem:$0xA390] =	vst v2  }
0x2e: {  	[tilespmem:$0xA3A0] =	vst v2  }
0x2f: {  	[tilespmem:$0xA3B0] =	vst v2  }
0x30: {  	[tilespmem:$0xA3C0] =	vst v2  }
0x31: {  	[tilespmem:$0xA3D0] =	vst v2  }
0x32: {  	[tilespmem:$0xA3E0] =	vst v2  }
0x33: {  	[tilespmem:$0xA3F0] =	vst v2  }
0x34: {  	[tilespmem:$0xA400] =	vst v2  }
0x35: {  	[tilespmem:$0xA410] =	vst v2  }
0x36: {  	[tilespmem:$0xA420] =	vst v2  }
0x37: {  	[tilespmem:$0xA430] =	vst v2  }
0x38: {  	[tilespmem:$0xA440] =	vst v2  }
0x39: {  	[tilespmem:$0xA450] =	vst v2  }
0x3a: {  	[tilespmem:$0xA460] =	vst v2  }
0x3b: {  	[tilespmem:$0xA470] =	vst v2  }
0x3c: {  	[tilespmem:$0xA480] =	vst v2  }
0x3d: {  	[tilespmem:$0xA490] =	vst v2  }
0x3e: {  	[tilespmem:$0xA4A0] =	vst v2  }
0x3f: {  	[tilespmem:$0xA4B0] =	vst v2  }
0x40: {  	[tilespmem:$0xA4C0] =	vst v2  }
0x41: {  	[tilespmem:$0xA4D0] =	vst v2  }
0x42: {  	[tilespmem:$0xA4E0] =	vst v2  }
0x43: {  	[tilespmem:$0xA4F0] =	vst v2  }
0x44: {  	[tilespmem:$0xA500] =	vst v2  }
0x45: {  	[tilespmem:$0xA510] =	vst v2  }
0x46: {  	[tilespmem:$0xA520] =	vst v2  }
0x47: {  	[tilespmem:$0xA530] =	vst v2  }
0x48: {  	[tilespmem:$0xA540] =	vst v2  }
0x49: {  	[tilespmem:$0xA550] =	vst v2  }
0x4a: {  	[tilespmem:$0xA560] =	vst v2  }
0x4b: {  	s30 =	simm.s32 $0xA300;
	[tilespmem:$0xA570] =	vst v2  }
0x4c: {  	[spmem:s9] =	stream.linear.scatter [tilespmem:s30], [sflag:$0x3], $0x280, $0x38;
	[tilespmem:$0x14A00] =	vst v63  }
0x4d: {  	_ =	swait.ge [sflag:s19], $0x280  }
0x4e: {  	[sflag:s19] =	ssyncset.done $0x0  }
0x4f: {  	[sflag:s19] =	ssyncadd.s32 $0xFFFFFD80  }
0x50: {  	[tilespmem:$0xA280] =	vst v3  }
0x51: {  	[tilespmem:$0xA290] =	vst v3  }
0x52: {  	[tilespmem:$0xA2A0] =	vst v3  }
0x53: {  	[tilespmem:$0xA2B0] =	vst v3  }
0x54: {  	[tilespmem:$0xA2C0] =	vst v3  }
0x55: {  	[tilespmem:$0xA2D0] =	vst v3  }
0x56: {  	[tilespmem:$0xA2E0] =	vst v3  }
0x57: {  	[tilespmem:$0xA2F0] =	vst v3  }
0x58: {  	[bflag:$0x0] =	sbarrier.arrive $0xFFFF  }
0x59: {  	[spmem:s2] =	stream.indirect.scatter.add.f32 [tilespmem:s23], [sflag:$0x2], $0x1, s15, s22, $0xb8;
	[tilespmem:$0x14A00] =	vst v63  }
0x5a: {  	_ = 	snop  }
0x5b: {  	[spmem:s2] =	stream.indirect.scatter.add.f32 [tilespmem:s23], [sflag:$0x2], $0x1, s16, s22, $0xb8;
	[tilespmem:$0x14A00] =	vst v63  }
0x5c: {  	_ = 	snop  }
0x5d: {  	[spmem:s2] =	stream.indirect.scatter.add.f32 [tilespmem:s23], [sflag:$0x2], $0x1, s17, s22, $0xb8;
	[tilespmem:$0x14A00] =	vst v63  }
0x5e: {  	_ = 	snop  }
0x5f: {  	[spmem:s2] =	stream.indirect.scatter.add.f32 [tilespmem:s23], [sflag:$0x2], $0x1, s18, s22, $0xb8;
	[tilespmem:$0x14A00] =	vst v63  }
0x60: {  	s31 =	sadd.s32 $0x200, s15  }
0x61: {  	[spmem:s2] =	stream.indirect.scatter.add.f32 [tilespmem:s23], [sflag:$0x2], $0x1, s31, s22, $0xb8;
	[tilespmem:$0x14A00] =	vst v63  }
0x62: {  	s1 =	simm.s32 $0xA00;
	_ =	swait.ge [sflag:s26], $0x80  }
.LBB2_2:
0x63: {  	s7 =	sshra.s32 s1, $0x2;
	[sflag:s26] =	ssyncset.done $0x0;
	p0 =	sne.s32 s1, $0x9E00  }
.Ltmp0:
0x64: {  	s7 =	sadd.s32 s7, s15;
	[sflag:s26] =	ssyncadd.s32 $0xFFFFFF80;
	(pc) =	sbr.rel @p0 .LBB2_2-.Ltmp0, $3  }
0x65: {  	[spmem:s2] =	stream.indirect.scatter.add.f32 [tilespmem:s23], [sflag:$0x2], $0x1, s7, s22, $0xb8;
	[tilespmem:$0x14A00] =	vst v63  }
0x66: {  	s1 =	sadd.s32 $0x200, s1;
	_ =	sdelay $0x1  }
0x67: {  	_ =	swait.ge [sflag:s26], $0x80  }
0x68: {  	[sflag:s26] =	ssyncset.done $0x0;
	p0 =	por $0x1, $0x1  }
0x69: {  	[sflag:s26] =	ssyncadd.s32 $0xFFFFFF80;
	s1 =	simm.s32 @!p0 $0x1  }
0x6a: {  	_ =	swait.ge @!p0 [sflag:s1], $0x80  }
0x6b: {  	[sflag:s1] =	ssyncset.done @!p0 $0x0  }
0x6c: {  	[sflag:s1] =	ssyncadd.s32 @!p0 $0xFFFFFF80  }
0x6d: {  	_ =	swait.ge @!p0 [sflag:s1], $0x80  }
0x6e: {  	[sflag:s1] =	ssyncset.done @!p0 $0x0  }
0x6f: {  	s7 =	simm.s32 $0x5040;
	[sflag:s1] =	ssyncadd.s32 @!p0 $0xFFFFFF80  }
0x70: {  	v17 =	vld [tilespmem:s7+$0xFFFFFFC0];
	_ =	sdelay $0x4  }
0x71: {  	v17 =	vsub.s32 v17, v0  }
0x72: {  	vm4 =	vlt.u32 v17, $0x1400  }
0x73: {  	v18 =	vsel vm4, $0x1, v4  }
0x74: {  	v19 =	vperm.xlane v18, v5  }
0x75: {  	vm3 =	veq.s32 v6, $0x0  }
0x76: {  	v19 =	vsel vm3, $0x0, v19  }
0x77: {  	v18 =	vadd.s32 v18, v19  }
0x78: {  	v19 =	vperm.xlane v18, v7;
	_ =	sdelay $0x1  }
0x79: {  	v19 =	vsel vm0, $0x0, v19  }
0x7a: {  	v18 =	vadd.s32 v19, v18  }
0x7b: {  	v19 =	vperm.xlane v18, v8;
	_ =	sdelay $0x1  }
0x7c: {  	v19 =	vsel vm1, $0x0, v19  }
0x7d: {  	s11 =	sadd.s32 $0x0, s6;
	v18 =	vadd.s32 v19, v18  }
0x7e: {  	v19 =	vmov s11;
	v20 =	vperm.xlane v18, v9  }
0x7f: {  	v19 =	vadd.s32 $0xFFFFFFFF, v19  }
0x80: {  	v19 =	vbroadcast v19, $0x0;
	v20 =	vsel vm2, $0x0, v20  }
0x81: {  	s30 =	simm.s32 $0x0;
	v18 =	vadd.s32 v20, v18  }
0x82: {  	s1 =	sand.u32 $0x80, s30;
	v19 =	vadd.s32 v18, v19  }
0x83: {  	[tilespmem:s1+$0xA100] =	vst v17;
	v19 =	vsel vm4, v19, v1  }
0x84: {  	[tilespmem:s1+$0xA000] =	vst v19  }
0x85: {  	v17 =	vld [tilespmem:s7+$0xFFFFFFD0];
	_ =	sdelay $0x1  }
0x86: {  	(v2sf) =	vpush v18, $0xF;
	_ =	sdelay $0x2  }
0x87: {  	v17 =	vsub.s32 v17, v0  }
0x88: {  	vm4 =	vlt.u32 v17, $0x1400  }
0x89: {  	v18 =	vsel vm4, $0x1, v4  }
0x8a: {  	v19 =	vperm.xlane v18, v5;
	_ =	sdelay $0x1  }
0x8b: {  	v19 =	vsel vm3, $0x0, v19  }
0x8c: {  	v18 =	vadd.s32 v18, v19  }
0x8d: {  	v19 =	vperm.xlane v18, v7;
	_ =	sdelay $0x1  }
0x8e: {  	v19 =	vsel vm0, $0x0, v19  }
0x8f: {  	v18 =	vadd.s32 v19, v18  }
0x90: {  	v19 =	vperm.xlane v18, v8  }
0x91: {  	s8 =	spop (v2sf)  }
0x92: {  	s8 =	sadd.s32 $0x0, s8;
	v19 =	vsel vm1, $0x0, v19  }
0x93: {  	s10 =	sadd.s32 s6, s8;
	v18 =	vadd.s32 v19, v18  }
0x94: {  	v19 =	vmov s10;
	v57 =	vperm.xlane v18, v9  }
0x95: {  	v19 =	vadd.s32 $0xFFFFFFFF, v19  }
0x96: {  	v19 =	vbroadcast v19, $0x0;
	v20 =	vsel vm2, $0x0, v57  }
0x97: {  	v18 =	vadd.s32 v20, v18  }
0x98: {  	v19 =	vadd.s32 v18, v19  }
0x99: {  	[tilespmem:s1+$0xA110] =	vst v17;
	v19 =	vsel vm4, v19, v1  }
0x9a: {  	[tilespmem:s1+$0xA010] =	vst v19  }
0x9b: {  	v17 =	vld [tilespmem:s7+$0xFFFFFFE0];
	_ =	sdelay $0x1  }
0x9c: {  	(v2sf) =	vpush v18, $0xF;
	_ =	sdelay $0x2  }
0x9d: {  	v17 =	vsub.s32 v17, v0  }
0x9e: {  	vm4 =	vlt.u32 v17, $0x1400  }
0x9f: {  	v18 =	vsel vm4, $0x1, v4  }
0xa0: {  	v19 =	vperm.xlane v18, v5;
	_ =	sdelay $0x1  }
0xa1: {  	v19 =	vsel vm3, $0x0, v19  }
0xa2: {  	v18 =	vadd.s32 v18, v19  }
0xa3: {  	v19 =	vperm.xlane v18, v7;
	_ =	sdelay $0x1  }
0xa4: {  	v19 =	vsel vm0, $0x0, v19  }
0xa5: {  	v18 =	vadd.s32 v19, v18  }
0xa6: {  	v19 =	vperm.xlane v18, v8  }
0xa7: {  	s20 =	spop (v2sf)  }
0xa8: {  	s8 =	sadd.s32 s8, s20;
	v19 =	vsel vm1, $0x0, v19  }
0xa9: {  	s10 =	sadd.s32 s6, s8;
	v18 =	vadd.s32 v19, v18  }
0xaa: {  	v19 =	vmov s10;
	v58 =	vperm.xlane v18, v9  }
0xab: {  	v19 =	vadd.s32 $0xFFFFFFFF, v19  }
0xac: {  	v19 =	vbroadcast v19, $0x0;
	v20 =	vsel vm2, $0x0, v58  }
0xad: {  	v18 =	vadd.s32 v20, v18  }
0xae: {  	v19 =	vadd.s32 v18, v19  }
0xaf: {  	[tilespmem:s1+$0xA120] =	vst v17;
	v17 =	vsel vm4, v19, v1  }
0xb0: {  	[tilespmem:s1+$0xA020] =	vst v17  }
0xb1: {  	v17 =	vld [tilespmem:s7+$0xFFFFFFF0];
	_ =	sdelay $0x1  }
0xb2: {  	(v2sf) =	vpush v18, $0xF;
	_ =	sdelay $0x2  }
0xb3: {  	v17 =	vsub.s32 v17, v0  }
0xb4: {  	vm4 =	vlt.u32 v17, $0x1400  }
0xb5: {  	v18 =	vsel vm4, $0x1, v4  }
0xb6: {  	v19 =	vperm.xlane v18, v5;
	_ =	sdelay $0x1  }
0xb7: {  	v19 =	vsel vm3, $0x0, v19  }
0xb8: {  	v18 =	vadd.s32 v18, v19  }
0xb9: {  	v19 =	vperm.xlane v18, v7;
	_ =	sdelay $0x1  }
0xba: {  	v19 =	vsel vm0, $0x0, v19  }
0xbb: {  	v18 =	vadd.s32 v19, v18  }
0xbc: {  	v19 =	vperm.xlane v18, v8  }
0xbd: {  	s11 =	spop (v2sf)  }
0xbe: {  	s8 =	sadd.s32 s8, s11;
	v19 =	vsel vm1, $0x0, v19  }
0xbf: {  	s10 =	sadd.s32 s6, s8;
	v18 =	vadd.s32 v19, v18  }
0xc0: {  	v19 =	vmov s10;
	v59 =	vperm.xlane v18, v9  }
0xc1: {  	v19 =	vadd.s32 $0xFFFFFFFF, v19  }
0xc2: {  	v19 =	vbroadcast v19, $0x0;
	v20 =	vsel vm2, $0x0, v59  }
0xc3: {  	v18 =	vadd.s32 v20, v18  }
0xc4: {  	v19 =	vadd.s32 v18, v19  }
0xc5: {  	[tilespmem:s1+$0xA130] =	vst v17;
	v17 =	vsel vm4, v19, v1  }
0xc6: {  	[tilespmem:s1+$0xA030] =	vst v17  }
0xc7: {  	v17 =	vld [tilespmem:s7+$0x0];
	_ =	sdelay $0x1  }
0xc8: {  	(v2sf) =	vpush v18, $0xF;
	_ =	sdelay $0x2  }
0xc9: {  	v17 =	vsub.s32 v17, v0  }
0xca: {  	vm4 =	vlt.u32 v17, $0x1400  }
0xcb: {  	v18 =	vsel vm4, $0x1, v4  }
0xcc: {  	v19 =	vperm.xlane v18, v5;
	_ =	sdelay $0x1  }
0xcd: {  	v19 =	vsel vm3, $0x0, v19  }
0xce: {  	v18 =	vadd.s32 v18, v19  }
0xcf: {  	v19 =	vperm.xlane v18, v7;
	_ =	sdelay $0x1  }
0xd0: {  	v19 =	vsel vm0, $0x0, v19  }
0xd1: {  	v18 =	vadd.s32 v19, v18  }
0xd2: {  	v19 =	vperm.xlane v18, v8  }
0xd3: {  	s20 =	spop (v2sf)  }
0xd4: {  	s8 =	sadd.s32 s8, s20;
	v19 =	vsel vm1, $0x0, v19  }
0xd5: {  	s10 =	sadd.s32 s6, s8;
	v18 =	vadd.s32 v19, v18  }
0xd6: {  	v19 =	vmov s10;
	v60 =	vperm.xlane v18, v9  }
0xd7: {  	v19 =	vadd.s32 $0xFFFFFFFF, v19  }
0xd8: {  	v19 =	vbroadcast v19, $0x0;
	v20 =	vsel vm2, $0x0, v60  }
0xd9: {  	v18 =	vadd.s32 v20, v18  }
0xda: {  	v19 =	vadd.s32 v18, v19  }
0xdb: {  	[tilespmem:s1+$0xA140] =	vst v17;
	v17 =	vsel vm4, v19, v1  }
0xdc: {  	[tilespmem:s1+$0xA040] =	vst v17  }
0xdd: {  	v17 =	vld [tilespmem:s7+$0x10];
	_ =	sdelay $0x1  }
0xde: {  	(v2sf) =	vpush v18, $0xF;
	_ =	sdelay $0x2  }
0xdf: {  	v17 =	vsub.s32 v17, v0  }
0xe0: {  	vm4 =	vlt.u32 v17, $0x1400  }
0xe1: {  	v18 =	vsel vm4, $0x1, v4  }
0xe2: {  	v19 =	vperm.xlane v18, v5;
	_ =	sdelay $0x1  }
0xe3: {  	v19 =	vsel vm3, $0x0, v19  }
0xe4: {  	v18 =	vadd.s32 v18, v19  }
0xe5: {  	v19 =	vperm.xlane v18, v7;
	_ =	sdelay $0x1  }
0xe6: {  	v19 =	vsel vm0, $0x0, v19  }
0xe7: {  	v18 =	vadd.s32 v19, v18  }
0xe8: {  	v19 =	vperm.xlane v18, v8  }
0xe9: {  	s11 =	spop (v2sf)  }
0xea: {  	s8 =	sadd.s32 s8, s11;
	v19 =	vsel vm1, $0x0, v19  }
0xeb: {  	s10 =	sadd.s32 s6, s8;
	v18 =	vadd.s32 v19, v18  }
0xec: {  	v19 =	vmov s10;
	v61 =	vperm.xlane v18, v9  }
0xed: {  	v19 =	vadd.s32 $0xFFFFFFFF, v19  }
0xee: {  	v19 =	vbroadcast v19, $0x0;
	v20 =	vsel vm2, $0x0, v61  }
0xef: {  	v18 =	vadd.s32 v20, v18  }
0xf0: {  	v19 =	vadd.s32 v18, v19  }
0xf1: {  	[tilespmem:s1+$0xA150] =	vst v17;
	v17 =	vsel vm4, v19, v1  }
0xf2: {  	[tilespmem:s1+$0xA050] =	vst v17  }
0xf3: {  	v17 =	vld [tilespmem:s7+$0x20];
	_ =	sdelay $0x1  }
0xf4: {  	(v2sf) =	vpush v18, $0xF;
	_ =	sdelay $0x2  }
0xf5: {  	v17 =	vsub.s32 v17, v0  }
0xf6: {  	vm4 =	vlt.u32 v17, $0x1400  }
0xf7: {  	v18 =	vsel vm4, $0x1, v4  }
0xf8: {  	v19 =	vperm.xlane v18, v5;
	_ =	sdelay $0x1  }
0xf9: {  	v19 =	vsel vm3, $0x0, v19  }
0xfa: {  	v18 =	vadd.s32 v18, v19  }
0xfb: {  	v19 =	vperm.xlane v18, v7;
	_ =	sdelay $0x1  }
0xfc: {  	v19 =	vsel vm0, $0x0, v19  }
0xfd: {  	v18 =	vadd.s32 v19, v18  }
0xfe: {  	v19 =	vperm.xlane v18, v8  }
0xff: {  	s20 =	spop (v2sf)  }
0x100: {  	s8 =	sadd.s32 s8, s20;
	v19 =	vsel vm1, $0x0, v19  }
0x101: {  	s10 =	sadd.s32 s6, s8;
	v18 =	vadd.s32 v19, v18  }
0x102: {  	v19 =	vmov s10;
	v62 =	vperm.xlane v18, v9  }
0x103: {  	v19 =	vadd.s32 $0xFFFFFFFF, v19  }
0x104: {  	v19 =	vbroadcast v19, $0x0;
	v20 =	vsel vm2, $0x0, v62  }
0x105: {  	v18 =	vadd.s32 v20, v18  }
0x106: {  	v19 =	vadd.s32 v18, v19  }
0x107: {  	[tilespmem:s1+$0xA160] =	vst v17;
	v17 =	vsel vm4, v19, v1  }
0x108: {  	[tilespmem:s1+$0xA060] =	vst v17  }
0x109: {  	v17 =	vld [tilespmem:s7+$0x30];
	_ =	sdelay $0x1  }
0x10a: {  	(v2sf) =	vpush v18, $0xF;
	_ =	sdelay $0x2  }
0x10b: {  	v17 =	vsub.s32 v17, v0  }
0x10c: {  	vm4 =	vlt.u32 v17, $0x1400  }
0x10d: {  	v18 =	vsel vm4, $0x1, v4  }
0x10e: {  	v19 =	vperm.xlane v18, v5;
	_ =	sdelay $0x1  }
0x10f: {  	v19 =	vsel vm3, $0x0, v19  }
0x110: {  	v18 =	vadd.s32 v18, v19  }
0x111: {  	v19 =	vperm.xlane v18, v7;
	_ =	sdelay $0x1  }
0x112: {  	v19 =	vsel vm0, $0x0, v19  }
0x113: {  	v18 =	vadd.s32 v19, v18  }
0x114: {  	v19 =	vperm.xlane v18, v8  }
0x115: {  	s11 =	spop (v2sf)  }
0x116: {  	s10 =	sadd.s32 s8, s11;
	v19 =	vsel vm1, $0x0, v19  }
0x117: {  	s7 =	sadd.s32 s6, s10;
	v18 =	vadd.s32 v19, v18  }
0x118: {  	v19 =	vmov s7;
	v63 =	vperm.xlane v18, v9  }
0x119: {  	v19 =	vadd.s32 $0xFFFFFFFF, v19  }
0x11a: {  	v19 =	vbroadcast v19, $0x0;
	v20 =	vsel vm2, $0x0, v63  }
0x11b: {  	v18 =	vadd.s32 v20, v18  }
0x11c: {  	v19 =	vadd.s32 v18, v19;
	(v2sf) =	vpush v18, $0xF  }
0x11d: {  	[tilespmem:s1+$0xA170] =	vst v17;
	v17 =	vsel vm4, v19, v1  }
0x11e: {  	p0 =	por $0x1, $0x1;
	s20 =	sor.u32 $0xA000, s1;
	[tilespmem:s1+$0xA070] =	vst v17  }
0x11f: {  	[spmem:s3] =	stream.indirect.scatter [tilespmem:s30], [sflag:$0x1], $0x1, s20, s22, $0xb8;
	[tilespmem:$0x14A00] =	vst v63  }
0x120: {  	s8 =	simm.s32 @!p0 $0x1;
	s1 =	sor.u32 $0xA100, s1  }
0x121: {  	[spmem:s4] =	stream.indirect.scatter [tilespmem:s1], [sflag:$0x1], $0x1, s20, s22, $0xb8;
	[tilespmem:$0x14A00] =	vst v63  }
0x122: {  	_ =	swait.ge @!p0 [sflag:s8], $0x80  }
0x123: {  	[sflag:s8] =	ssyncset.done @!p0 $0x0  }
0x124: {  	[sflag:s8] =	ssyncadd.s32 @!p0 $0xFFFFFF80  }
0x125: {  	_ =	swait.ge @!p0 [sflag:s8], $0x80  }
0x126: {  	[sflag:s8] =	ssyncset.done @!p0 $0x0  }
0x127: {  	s20 =	simm.s32 $0x50C0;
	[sflag:s8] =	ssyncadd.s32 @!p0 $0xFFFFFF80  }
0x128: {  	v17 =	vld [tilespmem:s20+$0xFFFFFFC0]  }
0x129: {  	s31 =	simm.s32 $0x80;
	s1 =	simm.s32 $0x2  }
.LBB2_4:
0x12a: {  	s30 =	sadd.s32 $0x80, s30  }
0x12b: {  	s8 =	spop (v2sf);
	s7 =	smov.u32 s1;
	s1 =	sadd.s32 $0x1, s1  }
0x12c: {  	p0 =	sne.s32 s1, $0xA0;
	s10 =	sadd.s32 s10, s8  }
0x12d: {  	v17 =	vsub.s32 v17, v0;
	s8 =	sadd.s32 s6, s10  }
0x12e: {  	vm4 =	vlt.u32 v17, $0x1400;
	v18 =	vmov s8  }
0x12f: {  	v19 =	vsel vm4, $0x1, v4;
	v18 =	vadd.s32 $0xFFFFFFFF, v18  }
0x130: {  	v20 =	vperm.xlane v19, v5;
	_ =	sdelay $0x1  }
0x131: {  	v20 =	vsel vm3, $0x0, v20  }
0x132: {  	v19 =	vadd.s32 v19, v20  }
0x133: {  	v20 =	vperm.xlane v19, v7;
	_ =	sdelay $0x1  }
0x134: {  	v20 =	vsel vm0, $0x0, v20  }
0x135: {  	v19 =	vadd.s32 v20, v19  }
0x136: {  	v20 =	vperm.xlane v19, v8;
	_ =	sdelay $0x1  }
0x137: {  	v20 =	vsel vm1, $0x0, v20  }
0x138: {  	v19 =	vadd.s32 v20, v19  }
0x139: {  	v20 =	vperm.xlane v19, v9;
	_ =	sdelay $0x1  }
0x13a: {  	v18 =	vbroadcast v18, $0x0;
	v20 =	vsel vm2, $0x0, v20  }
0x13b: {  	v19 =	vadd.s32 v20, v19  }
0x13c: {  	s8 =	sand.u32 $0x80, s30;
	v18 =	vadd.s32 v19, v18;
	(v2sf) =	vpush v19, $0xF  }
0x13d: {  	v18 =	vsel vm4, v18, v1;
	[tilespmem:s8+$0xA100] =	vst v17  }
0x13e: {  	[tilespmem:s8+$0xA000] =	vst v18  }
0x13f: {  	v17 =	vld [tilespmem:s20+$0xFFFFFFD0];
	_ =	sdelay $0x4  }
0x140: {  	v17 =	vsub.s32 v17, v0  }
0x141: {  	vm4 =	vlt.u32 v17, $0x1400  }
0x142: {  	v18 =	vsel vm4, $0x1, v4  }
0x143: {  	v19 =	vperm.xlane v18, v5;
	_ =	sdelay $0x1  }
0x144: {  	v19 =	vsel vm3, $0x0, v19  }
0x145: {  	v18 =	vadd.s32 v18, v19  }
0x146: {  	v19 =	vperm.xlane v18, v7;
	s11 =	spop (v2sf)  }
0x147: {  	s10 =	sadd.s32 s10, s11  }
0x148: {  	v19 =	vsel vm0, $0x0, v19;
	s11 =	sadd.s32 s6, s10  }
0x149: {  	v18 =	vadd.s32 v19, v18;
	v19 =	vmov s11  }
0x14a: {  	v20 =	vperm.xlane v18, v8;
	v19 =	vadd.s32 $0xFFFFFFFF, v19;
	_ =	sdelay $0x1  }
0x14b: {  	v20 =	vsel vm1, $0x0, v20  }
0x14c: {  	v18 =	vadd.s32 v20, v18  }
0x14d: {  	v20 =	vperm.xlane v18, v9;
	_ =	sdelay $0x1  }
0x14e: {  	v19 =	vbroadcast v19, $0x0;
	v20 =	vsel vm2, $0x0, v20  }
0x14f: {  	v18 =	vadd.s32 v20, v18  }
0x150: {  	v19 =	vadd.s32 v18, v19;
	(v2sf) =	vpush v18, $0xF  }
0x151: {  	v18 =	vsel vm4, v19, v1;
	[tilespmem:s8+$0xA110] =	vst v17  }
0x152: {  	[tilespmem:s8+$0xA010] =	vst v18  }
0x153: {  	v17 =	vld [tilespmem:s20+$0xFFFFFFE0];
	_ =	sdelay $0x4  }
0x154: {  	v17 =	vsub.s32 v17, v0  }
0x155: {  	vm4 =	vlt.u32 v17, $0x1400;
	[tilespmem:s8+$0xA120] =	vst v17  }
0x156: {  	v17 =	vsel vm4, $0x1, v4  }
0x157: {  	v18 =	vperm.xlane v17, v5;
	_ =	sdelay $0x1  }
0x158: {  	v18 =	vsel vm3, $0x0, v18  }
0x159: {  	v17 =	vadd.s32 v17, v18  }
0x15a: {  	v18 =	vperm.xlane v17, v7;
	s11 =	spop (v2sf)  }
0x15b: {  	s10 =	sadd.s32 s10, s11  }
0x15c: {  	v18 =	vsel vm0, $0x0, v18;
	s11 =	sadd.s32 s6, s10  }
0x15d: {  	v17 =	vadd.s32 v18, v17;
	v18 =	vmov s11  }
0x15e: {  	v19 =	vperm.xlane v17, v8;
	v18 =	vadd.s32 $0xFFFFFFFF, v18;
	_ =	sdelay $0x1  }
0x15f: {  	v19 =	vsel vm1, $0x0, v19  }
0x160: {  	v17 =	vadd.s32 v19, v17  }
0x161: {  	v19 =	vperm.xlane v17, v9;
	_ =	sdelay $0x1  }
0x162: {  	v18 =	vbroadcast v18, $0x0;
	v19 =	vsel vm2, $0x0, v19  }
0x163: {  	v17 =	vadd.s32 v19, v17  }
0x164: {  	v18 =	vadd.s32 v17, v18;
	(v2sf) =	vpush v17, $0xF  }
0x165: {  	v17 =	vsel vm4, v18, v1  }
0x166: {  	[tilespmem:s8+$0xA020] =	vst v17  }
0x167: {  	v17 =	vld [tilespmem:s20+$0xFFFFFFF0];
	_ =	sdelay $0x4  }
0x168: {  	v17 =	vsub.s32 v17, v0  }
0x169: {  	vm4 =	vlt.u32 v17, $0x1400;
	[tilespmem:s8+$0xA130] =	vst v17  }
0x16a: {  	v17 =	vsel vm4, $0x1, v4  }
0x16b: {  	v18 =	vperm.xlane v17, v5;
	_ =	sdelay $0x1  }
0x16c: {  	v18 =	vsel vm3, $0x0, v18  }
0x16d: {  	v17 =	vadd.s32 v17, v18  }
0x16e: {  	v18 =	vperm.xlane v17, v7;
	s11 =	spop (v2sf)  }
0x16f: {  	s10 =	sadd.s32 s10, s11  }
0x170: {  	v18 =	vsel vm0, $0x0, v18;
	s11 =	sadd.s32 s6, s10  }
0x171: {  	v17 =	vadd.s32 v18, v17;
	v18 =	vmov s11  }
0x172: {  	v19 =	vperm.xlane v17, v8;
	v18 =	vadd.s32 $0xFFFFFFFF, v18;
	_ =	sdelay $0x1  }
0x173: {  	v19 =	vsel vm1, $0x0, v19  }
0x174: {  	v17 =	vadd.s32 v19, v17  }
0x175: {  	v19 =	vperm.xlane v17, v9;
	_ =	sdelay $0x1  }
0x176: {  	v18 =	vbroadcast v18, $0x0;
	v19 =	vsel vm2, $0x0, v19  }
0x177: {  	v17 =	vadd.s32 v19, v17  }
0x178: {  	v18 =	vadd.s32 v17, v18;
	(v2sf) =	vpush v17, $0xF  }
0x179: {  	v17 =	vsel vm4, v18, v1  }
0x17a: {  	[tilespmem:s8+$0xA030] =	vst v17  }
0x17b: {  	v17 =	vld [tilespmem:s20+$0x0];
	_ =	sdelay $0x4  }
0x17c: {  	v17 =	vsub.s32 v17, v0  }
0x17d: {  	vm4 =	vlt.u32 v17, $0x1400;
	[tilespmem:s8+$0xA140] =	vst v17  }
0x17e: {  	v17 =	vsel vm4, $0x1, v4  }
0x17f: {  	v18 =	vperm.xlane v17, v5;
	_ =	sdelay $0x1  }
0x180: {  	v18 =	vsel vm3, $0x0, v18  }
0x181: {  	v17 =	vadd.s32 v17, v18  }
0x182: {  	v18 =	vperm.xlane v17, v7;
	s11 =	spop (v2sf)  }
0x183: {  	s10 =	sadd.s32 s10, s11  }
0x184: {  	v18 =	vsel vm0, $0x0, v18;
	s11 =	sadd.s32 s6, s10  }
0x185: {  	v17 =	vadd.s32 v18, v17;
	v18 =	vmov s11  }
0x186: {  	v19 =	vperm.xlane v17, v8;
	v18 =	vadd.s32 $0xFFFFFFFF, v18;
	_ =	sdelay $0x1  }
0x187: {  	v19 =	vsel vm1, $0x0, v19  }
0x188: {  	v17 =	vadd.s32 v19, v17  }
0x189: {  	v19 =	vperm.xlane v17, v9;
	_ =	sdelay $0x1  }
0x18a: {  	v18 =	vbroadcast v18, $0x0;
	v19 =	vsel vm2, $0x0, v19  }
0x18b: {  	v17 =	vadd.s32 v19, v17  }
0x18c: {  	v18 =	vadd.s32 v17, v18;
	(v2sf) =	vpush v17, $0xF  }
0x18d: {  	v17 =	vsel vm4, v18, v1  }
0x18e: {  	[tilespmem:s8+$0xA040] =	vst v17  }
0x18f: {  	v17 =	vld [tilespmem:s20+$0x10];
	_ =	sdelay $0x4  }
0x190: {  	v17 =	vsub.s32 v17, v0  }
0x191: {  	vm4 =	vlt.u32 v17, $0x1400;
	[tilespmem:s8+$0xA150] =	vst v17  }
0x192: {  	v17 =	vsel vm4, $0x1, v4  }
0x193: {  	v18 =	vperm.xlane v17, v5;
	_ =	sdelay $0x1  }
0x194: {  	v18 =	vsel vm3, $0x0, v18  }
0x195: {  	v17 =	vadd.s32 v17, v18  }
0x196: {  	v18 =	vperm.xlane v17, v7;
	s11 =	spop (v2sf)  }
0x197: {  	s10 =	sadd.s32 s10, s11  }
0x198: {  	v18 =	vsel vm0, $0x0, v18;
	s11 =	sadd.s32 s6, s10  }
0x199: {  	v17 =	vadd.s32 v18, v17;
	v18 =	vmov s11  }
0x19a: {  	v19 =	vperm.xlane v17, v8;
	v18 =	vadd.s32 $0xFFFFFFFF, v18;
	_ =	sdelay $0x1  }
0x19b: {  	v19 =	vsel vm1, $0x0, v19  }
0x19c: {  	v17 =	vadd.s32 v19, v17  }
0x19d: {  	v19 =	vperm.xlane v17, v9;
	_ =	sdelay $0x1  }
0x19e: {  	v18 =	vbroadcast v18, $0x0;
	v19 =	vsel vm2, $0x0, v19  }
0x19f: {  	v17 =	vadd.s32 v19, v17  }
0x1a0: {  	v18 =	vadd.s32 v17, v18;
	(v2sf) =	vpush v17, $0xF  }
0x1a1: {  	v17 =	vsel vm4, v18, v1  }
0x1a2: {  	[tilespmem:s8+$0xA050] =	vst v17  }
0x1a3: {  	v17 =	vld [tilespmem:s20+$0x20];
	_ =	sdelay $0x4  }
0x1a4: {  	v17 =	vsub.s32 v17, v0  }
0x1a5: {  	vm4 =	vlt.u32 v17, $0x1400;
	[tilespmem:s8+$0xA160] =	vst v17  }
0x1a6: {  	v17 =	vsel vm4, $0x1, v4  }
0x1a7: {  	v18 =	vperm.xlane v17, v5;
	_ =	sdelay $0x1  }
0x1a8: {  	v18 =	vsel vm3, $0x0, v18  }
0x1a9: {  	v17 =	vadd.s32 v17, v18  }
0x1aa: {  	v18 =	vperm.xlane v17, v7;
	s11 =	spop (v2sf)  }
0x1ab: {  	s10 =	sadd.s32 s10, s11  }
0x1ac: {  	v18 =	vsel vm0, $0x0, v18;
	s11 =	sadd.s32 s6, s10  }
0x1ad: {  	v17 =	vadd.s32 v18, v17;
	v18 =	vmov s11  }
0x1ae: {  	v19 =	vperm.xlane v17, v8;
	v18 =	vadd.s32 $0xFFFFFFFF, v18;
	_ =	sdelay $0x1  }
0x1af: {  	v19 =	vsel vm1, $0x0, v19  }
0x1b0: {  	v17 =	vadd.s32 v19, v17  }
0x1b1: {  	v19 =	vperm.xlane v17, v9;
	_ =	sdelay $0x1  }
0x1b2: {  	v18 =	vbroadcast v18, $0x0;
	v19 =	vsel vm2, $0x0, v19  }
0x1b3: {  	v17 =	vadd.s32 v19, v17  }
0x1b4: {  	v18 =	vadd.s32 v17, v18;
	(v2sf) =	vpush v17, $0xF  }
0x1b5: {  	v17 =	vsel vm4, v18, v1  }
0x1b6: {  	[tilespmem:s8+$0xA060] =	vst v17  }
0x1b7: {  	v17 =	vld [tilespmem:s20+$0x30];
	_ =	sdelay $0x4  }
0x1b8: {  	v17 =	vsub.s32 v17, v0  }
0x1b9: {  	vm4 =	vlt.u32 v17, $0x1400;
	[tilespmem:s8+$0xA170] =	vst v17  }
0x1ba: {  	v17 =	vsel vm4, $0x1, v4  }
0x1bb: {  	v18 =	vperm.xlane v17, v5;
	_ =	sdelay $0x1  }
0x1bc: {  	v18 =	vsel vm3, $0x0, v18  }
0x1bd: {  	v17 =	vadd.s32 v17, v18  }
0x1be: {  	v18 =	vperm.xlane v17, v7;
	s11 =	spop (v2sf)  }
0x1bf: {  	s10 =	sadd.s32 s10, s11  }
0x1c0: {  	v18 =	vsel vm0, $0x0, v18;
	s11 =	sadd.s32 s6, s10  }
0x1c1: {  	v17 =	vadd.s32 v18, v17;
	v18 =	vmov s11  }
0x1c2: {  	v19 =	vperm.xlane v17, v8;
	v18 =	vadd.s32 $0xFFFFFFFF, v18;
	_ =	sdelay $0x1  }
0x1c3: {  	v19 =	vsel vm1, $0x0, v19  }
0x1c4: {  	v17 =	vadd.s32 v19, v17  }
0x1c5: {  	v19 =	vperm.xlane v17, v9;
	_ =	sdelay $0x1  }
0x1c6: {  	v18 =	vbroadcast v18, $0x0;
	v19 =	vsel vm2, $0x0, v19  }
0x1c7: {  	v17 =	vadd.s32 v19, v17  }
0x1c8: {  	v18 =	vadd.s32 v17, v18;
	(v2sf) =	vpush v17, $0xF  }
0x1c9: {  	v17 =	vsel vm4, v18, v1  }
0x1ca: {  	p1 =	slt.u32 s7, $0x2;
	s7 =	sor.u32 $0xA000, s8;
	s11 =	sor.u32 $0xA100, s8;
	[tilespmem:s8+$0xA070] =	vst v17  }
0x1cb: {  	[spmem:s3] =	stream.indirect.scatter [tilespmem:s31], [sflag:$0x1], $0x1, s7, s22, $0xb8;
	[tilespmem:$0x14A00] =	vst v63  }
0x1cc: {  	s8 =	simm.s32 @!p1 $0x1  }
0x1cd: {  	[spmem:s4] =	stream.indirect.scatter [tilespmem:s11], [sflag:$0x1], $0x1, s7, s22, $0xb8;
	[tilespmem:$0x14A00] =	vst v63  }
0x1ce: {  	_ =	swait.ge @!p1 [sflag:s8], $0x80  }
0x1cf: {  	[sflag:s8] =	ssyncset.done @!p1 $0x0  }
0x1d0: {  	[sflag:s8] =	ssyncadd.s32 @!p1 $0xFFFFFF80  }
0x1d1: {  	_ =	swait.ge @!p1 [sflag:s8], $0x80  }
.Ltmp1:
0x1d2: {  	s20 =	sadd.s32 $0x80, s20;
	[sflag:s8] =	ssyncset.done @!p1 $0x0;
	(pc) =	sbr.rel @p0 .LBB2_4-.Ltmp1, $3  }
0x1d3: {  	[sflag:s8] =	ssyncadd.s32 @!p1 $0xFFFFFF80  }
0x1d4: {  	v17 =	vld [tilespmem:s20+$0xFFFFFFC0];
	_ =	sdelay $0x1  }
0x1d5: {  	s31 =	sadd.s32 $0x80, s31  }
0x1d6: {  	_ =	sdelay $0x1  }
0x1d7: {  	v17 =	vsub.s32 v17, v0  }
0x1d8: {  	vm4 =	vlt.u32 v17, $0x1400  }
0x1d9: {  	v18 =	vsel vm4, $0x1, v4  }
0x1da: {  	v19 =	vperm.xlane v18, v5  }
0x1db: {  	vm3 =	veq.s32 v6, $0x0  }
0x1dc: {  	v19 =	vsel vm3, $0x0, v19  }
0x1dd: {  	v18 =	vadd.s32 v18, v19  }
0x1de: {  	v19 =	vperm.xlane v18, v7;
	_ =	sdelay $0x1  }
0x1df: {  	v19 =	vsel vm0, $0x0, v19  }
0x1e0: {  	v18 =	vadd.s32 v19, v18  }
0x1e1: {  	v19 =	vperm.xlane v18, v8  }
0x1e2: {  	s1 =	spop (v2sf)  }
0x1e3: {  	s7 =	sadd.s32 s10, s1;
	v19 =	vsel vm1, $0x0, v19  }
0x1e4: {  	s1 =	sadd.s32 s6, s7;
	v18 =	vadd.s32 v19, v18  }
0x1e5: {  	v19 =	vmov s1;
	v20 =	vperm.xlane v18, v9  }
0x1e6: {  	v19 =	vadd.s32 $0xFFFFFFFF, v19  }
0x1e7: {  	v19 =	vbroadcast v19, $0x0;
	v20 =	vsel vm2, $0x0, v20  }
0x1e8: {  	s10 =	sadd.s32 $0x80, s30;
	v18 =	vadd.s32 v20, v18  }
0x1e9: {  	s1 =	sand.u32 $0x80, s10;
	v19 =	vadd.s32 v18, v19  }
0x1ea: {  	[tilespmem:s1+$0xA100] =	vst v17;
	v19 =	vsel vm4, v19, v1  }
0x1eb: {  	[tilespmem:s1+$0xA000] =	vst v19  }
0x1ec: {  	v17 =	vld [tilespmem:s20+$0xFFFFFFD0];
	_ =	sdelay $0x1  }
0x1ed: {  	(v2sf) =	vpush v18, $0xF;
	_ =	sdelay $0x2  }
0x1ee: {  	v17 =	vsub.s32 v17, v0  }
0x1ef: {  	vm9 =	vlt.u32 v17, $0x1400  }
0x1f0: {  	v18 =	vsel vm9, $0x1, v4  }
0x1f1: {  	v19 =	vperm.xlane v18, v5;
	_ =	sdelay $0x1  }
0x1f2: {  	v19 =	vsel vm3, $0x0, v19  }
0x1f3: {  	v18 =	vadd.s32 v18, v19  }
0x1f4: {  	v19 =	vperm.xlane v18, v7;
	_ =	sdelay $0x1  }
0x1f5: {  	v19 =	vsel vm0, $0x0, v19  }
0x1f6: {  	v18 =	vadd.s32 v19, v18  }
0x1f7: {  	v19 =	vperm.xlane v18, v8  }
0x1f8: {  	s8 =	spop (v2sf)  }
0x1f9: {  	s7 =	sadd.s32 s7, s8;
	v19 =	vsel vm1, $0x0, v19  }
0x1fa: {  	s8 =	sadd.s32 s6, s7;
	v18 =	vadd.s32 v19, v18  }
0x1fb: {  	v19 =	vmov s8;
	v57 =	vperm.xlane v18, v9  }
0x1fc: {  	v19 =	vadd.s32 $0xFFFFFFFF, v19  }
0x1fd: {  	v19 =	vbroadcast v19, $0x0;
	v20 =	vsel vm2, $0x0, v57  }
0x1fe: {  	v18 =	vadd.s32 v20, v18  }
0x1ff: {  	v19 =	vadd.s32 v18, v19  }
0x200: {  	[tilespmem:s1+$0xA110] =	vst v17;
	v19 =	vsel vm9, v19, v1  }
0x201: {  	[tilespmem:s1+$0xA010] =	vst v19  }
0x202: {  	v17 =	vld [tilespmem:s20+$0xFFFFFFE0];
	_ =	sdelay $0x1  }
0x203: {  	(v2sf) =	vpush v18, $0xF;
	_ =	sdelay $0x2  }
0x204: {  	v17 =	vsub.s32 v17, v0  }
0x205: {  	vm10 =	vlt.u32 v17, $0x1400  }
0x206: {  	v18 =	vsel vm10, $0x1, v4  }
0x207: {  	v19 =	vperm.xlane v18, v5;
	_ =	sdelay $0x1  }
0x208: {  	v19 =	vsel vm3, $0x0, v19  }
0x209: {  	v18 =	vadd.s32 v18, v19  }
0x20a: {  	v19 =	vperm.xlane v18, v7;
	_ =	sdelay $0x1  }
0x20b: {  	v19 =	vsel vm0, $0x0, v19  }
0x20c: {  	v18 =	vadd.s32 v19, v18  }
0x20d: {  	v19 =	vperm.xlane v18, v8  }
0x20e: {  	s11 =	spop (v2sf)  }
0x20f: {  	s7 =	sadd.s32 s7, s11;
	v19 =	vsel vm1, $0x0, v19  }
0x210: {  	s8 =	sadd.s32 s6, s7;
	v18 =	vadd.s32 v19, v18  }
0x211: {  	v19 =	vmov s8;
	v58 =	vperm.xlane v18, v9  }
0x212: {  	v19 =	vadd.s32 $0xFFFFFFFF, v19  }
0x213: {  	v19 =	vbroadcast v19, $0x0;
	v20 =	vsel vm2, $0x0, v58  }
0x214: {  	v18 =	vadd.s32 v20, v18  }
0x215: {  	v19 =	vadd.s32 v18, v19  }
0x216: {  	[tilespmem:s1+$0xA120] =	vst v17;
	v17 =	vsel vm10, v19, v1  }
0x217: {  	[tilespmem:s1+$0xA020] =	vst v17  }
0x218: {  	v17 =	vld [tilespmem:s20+$0xFFFFFFF0];
	_ =	sdelay $0x1  }
0x219: {  	(v2sf) =	vpush v18, $0xF;
	_ =	sdelay $0x2  }
0x21a: {  	v17 =	vsub.s32 v17, v0  }
0x21b: {  	vm11 =	vlt.u32 v17, $0x1400  }
0x21c: {  	v18 =	vsel vm11, $0x1, v4  }
0x21d: {  	v19 =	vperm.xlane v18, v5;
	_ =	sdelay $0x1  }
0x21e: {  	v19 =	vsel vm3, $0x0, v19  }
0x21f: {  	v18 =	vadd.s32 v18, v19  }
0x220: {  	v19 =	vperm.xlane v18, v7;
	_ =	sdelay $0x1  }
0x221: {  	v19 =	vsel vm0, $0x0, v19  }
0x222: {  	v18 =	vadd.s32 v19, v18  }
0x223: {  	v19 =	vperm.xlane v18, v8  }
0x224: {  	s30 =	spop (v2sf)  }
0x225: {  	s7 =	sadd.s32 s7, s30;
	v19 =	vsel vm1, $0x0, v19  }
0x226: {  	s8 =	sadd.s32 s6, s7;
	v18 =	vadd.s32 v19, v18  }
0x227: {  	v19 =	vmov s8;
	v59 =	vperm.xlane v18, v9  }
0x228: {  	v19 =	vadd.s32 $0xFFFFFFFF, v19  }
0x229: {  	v19 =	vbroadcast v19, $0x0;
	v20 =	vsel vm2, $0x0, v59  }
0x22a: {  	v18 =	vadd.s32 v20, v18  }
0x22b: {  	v19 =	vadd.s32 v18, v19  }
0x22c: {  	[tilespmem:s1+$0xA130] =	vst v17;
	v17 =	vsel vm11, v19, v1  }
0x22d: {  	[tilespmem:s1+$0xA030] =	vst v17  }
0x22e: {  	v17 =	vld [tilespmem:s20+$0x0];
	_ =	sdelay $0x1  }
0x22f: {  	(v2sf) =	vpush v18, $0xF;
	_ =	sdelay $0x2  }
0x230: {  	v17 =	vsub.s32 v17, v0  }
0x231: {  	vm12 =	vlt.u32 v17, $0x1400  }
0x232: {  	v18 =	vsel vm12, $0x1, v4  }
0x233: {  	v19 =	vperm.xlane v18, v5;
	_ =	sdelay $0x1  }
0x234: {  	v19 =	vsel vm3, $0x0, v19  }
0x235: {  	v18 =	vadd.s32 v18, v19  }
0x236: {  	v19 =	vperm.xlane v18, v7;
	_ =	sdelay $0x1  }
0x237: {  	v19 =	vsel vm0, $0x0, v19  }
0x238: {  	v18 =	vadd.s32 v19, v18  }
0x239: {  	v19 =	vperm.xlane v18, v8  }
0x23a: {  	s10 =	spop (v2sf)  }
0x23b: {  	s7 =	sadd.s32 s7, s10;
	v19 =	vsel vm1, $0x0, v19  }
0x23c: {  	s8 =	sadd.s32 s6, s7;
	v18 =	vadd.s32 v19, v18  }
0x23d: {  	v19 =	vmov s8;
	v60 =	vperm.xlane v18, v9  }
0x23e: {  	v19 =	vadd.s32 $0xFFFFFFFF, v19  }
0x23f: {  	v19 =	vbroadcast v19, $0x0;
	v20 =	vsel vm2, $0x0, v60  }
0x240: {  	v18 =	vadd.s32 v20, v18  }
0x241: {  	v19 =	vadd.s32 v18, v19  }
0x242: {  	[tilespmem:s1+$0xA140] =	vst v17;
	v17 =	vsel vm12, v19, v1  }
0x243: {  	[tilespmem:s1+$0xA040] =	vst v17  }
0x244: {  	v17 =	vld [tilespmem:s20+$0x10];
	_ =	sdelay $0x1  }
0x245: {  	(v2sf) =	vpush v18, $0xF;
	_ =	sdelay $0x2  }
0x246: {  	v17 =	vsub.s32 v17, v0  }
0x247: {  	vm13 =	vlt.u32 v17, $0x1400  }
0x248: {  	v18 =	vsel vm13, $0x1, v4  }
0x249: {  	v19 =	vperm.xlane v18, v5;
	_ =	sdelay $0x1  }
0x24a: {  	v19 =	vsel vm3, $0x0, v19  }
0x24b: {  	v18 =	vadd.s32 v18, v19  }
0x24c: {  	v19 =	vperm.xlane v18, v7;
	_ =	sdelay $0x1  }
0x24d: {  	v19 =	vsel vm0, $0x0, v19  }
0x24e: {  	v18 =	vadd.s32 v19, v18  }
0x24f: {  	v19 =	vperm.xlane v18, v8  }
0x250: {  	s11 =	spop (v2sf)  }
0x251: {  	s7 =	sadd.s32 s7, s11;
	v19 =	vsel vm1, $0x0, v19  }
0x252: {  	s8 =	sadd.s32 s6, s7;
	v18 =	vadd.s32 v19, v18  }
0x253: {  	v19 =	vmov s8;
	v61 =	vperm.xlane v18, v9  }
0x254: {  	v19 =	vadd.s32 $0xFFFFFFFF, v19  }
0x255: {  	v19 =	vbroadcast v19, $0x0;
	v20 =	vsel vm2, $0x0, v61  }
0x256: {  	v18 =	vadd.s32 v20, v18  }
0x257: {  	v19 =	vadd.s32 v18, v19  }
0x258: {  	[tilespmem:s1+$0xA150] =	vst v17;
	v17 =	vsel vm13, v19, v1  }
0x259: {  	[tilespmem:s1+$0xA050] =	vst v17  }
0x25a: {  	v17 =	vld [tilespmem:s20+$0x20];
	_ =	sdelay $0x1  }
0x25b: {  	(v2sf) =	vpush v18, $0xF;
	_ =	sdelay $0x2  }
0x25c: {  	v17 =	vsub.s32 v17, v0  }
0x25d: {  	vm14 =	vlt.u32 v17, $0x1400  }
0x25e: {  	v18 =	vsel vm14, $0x1, v4  }
0x25f: {  	v19 =	vperm.xlane v18, v5;
	_ =	sdelay $0x1  }
0x260: {  	v19 =	vsel vm3, $0x0, v19  }
0x261: {  	v18 =	vadd.s32 v18, v19  }
0x262: {  	v19 =	vperm.xlane v18, v7;
	_ =	sdelay $0x1  }
0x263: {  	v19 =	vsel vm0, $0x0, v19  }
0x264: {  	v18 =	vadd.s32 v19, v18  }
0x265: {  	v19 =	vperm.xlane v18, v8  }
0x266: {  	s30 =	spop (v2sf)  }
0x267: {  	s7 =	sadd.s32 s7, s30;
	v19 =	vsel vm1, $0x0, v19  }
0x268: {  	s8 =	sadd.s32 s6, s7;
	v18 =	vadd.s32 v19, v18  }
0x269: {  	v19 =	vmov s8;
	v62 =	vperm.xlane v18, v9  }
0x26a: {  	v19 =	vadd.s32 $0xFFFFFFFF, v19  }
0x26b: {  	v19 =	vbroadcast v19, $0x0;
	v20 =	vsel vm2, $0x0, v62  }
0x26c: {  	v18 =	vadd.s32 v20, v18  }
0x26d: {  	v19 =	vadd.s32 v18, v19  }
0x26e: {  	[tilespmem:s1+$0xA160] =	vst v17;
	v17 =	vsel vm14, v19, v1  }
0x26f: {  	[tilespmem:s1+$0xA060] =	vst v17  }
0x270: {  	v17 =	vld [tilespmem:s20+$0x30];
	_ =	sdelay $0x4  }
0x271: {  	v17 =	vsub.s32 v17, v0  }
0x272: {  	vm15 =	vlt.u32 v17, $0x1400  }
0x273: {  	v19 =	vsel vm15, $0x1, v4  }
0x274: {  	v63 =	vperm.xlane v19, v5;
	_ =	sdelay $0x1  }
0x275: {  	v20 =	vsel vm3, $0x0, v63  }
0x276: {  	(v2sf) =	vpush v18, $0xF;
	v18 =	vadd.s32 v19, v20  }
0x277: {  	v19 =	vperm.xlane v18, v7;
	_ =	sdelay $0x1  }
0x278: {  	v19 =	vsel vm0, $0x0, v19  }
0x279: {  	v18 =	vadd.s32 v19, v18  }
0x27a: {  	v19 =	vperm.xlane v18, v8;
	_ =	sdelay $0x1  }
0x27b: {  	v19 =	vsel vm1, $0x0, v19  }
0x27c: {  	v18 =	vadd.s32 v19, v18  }
0x27d: {  	v19 =	vperm.xlane v18, v9;
	_ =	sdelay $0x1  }
0x27e: {  	v19 =	vsel vm2, $0x0, v19  }
0x27f: {  	v18 =	vadd.s32 v19, v18  }
0x280: {  	(v2sf) =	vpush v18, $0xF;
	_ =	sdelay $0x1  }
0x281: {  	s10 =	spop (v2sf)  }
0x282: {  	s7 =	sadd.s32 s7, s10  }
0x283: {  	s8 =	sadd.s32 s6, s7  }
0x284: {  	v19 =	vmov s8  }
0x285: {  	v19 =	vadd.s32 $0xFFFFFFFF, v19  }
0x286: {  	v19 =	vbroadcast v19, $0x0;
	_ =	sdelay $0x1  }
0x287: {  	v18 =	vadd.s32 v18, v19  }
0x288: {  	[tilespmem:s1+$0xA170] =	vst v17;
	v17 =	vsel vm15, v18, v1  }
0x289: {  	s11 =	sor.u32 $0xA000, s1;
	[tilespmem:s1+$0xA070] =	vst v17  }
0x28a: {  	[spmem:s3] =	stream.indirect.scatter [tilespmem:s31], [sflag:$0x1], $0x1, s11, s22, $0xb8;
	[tilespmem:$0x14A00] =	vst v63  }
0x28b: {  	s1 =	sor.u32 $0xA100, s1  }
0x28c: {  	[spmem:s4] =	stream.indirect.scatter [tilespmem:s1], [sflag:$0x1], $0x1, s11, s22, $0xb8;
	[tilespmem:$0x14A00] =	vst v63  }
0x28d: {  	s20 =	spop (v2sf)  }
0x28e: {  	_ =	swait.ge [sflag:s28], $0x80  }
0x28f: {  	[sflag:s28] =	ssyncset.done $0x0  }
0x290: {  	[sflag:s28] =	ssyncadd.s32 $0xFFFFFF80  }
0x291: {  	_ =	swait.ge [sflag:s28], $0x80  }
0x292: {  	[sflag:s28] =	ssyncset.done $0x0  }
0x293: {  	[sflag:s28] =	ssyncadd.s32 $0xFFFFFF80  }
0x294: {  	_ =	swait.ge [sflag:s28], $0x80  }
0x295: {  	[sflag:s28] =	ssyncset.done $0x0  }
0x296: {  	[sflag:s28] =	ssyncadd.s32 $0xFFFFFF80  }
0x297: {  	_ =	swait.ge [sflag:s28], $0x80  }
0x298: {  	[sflag:s28] =	ssyncset.done $0x0  }
0x299: {  	[sflag:s28] =	ssyncadd.s32 $0xFFFFFF80  }
0x29a: {  	_ =	swait.ge [sflag:s26], $0x80  }
0x29b: {  	[sflag:s26] =	ssyncset.done $0x0  }
0x29c: {  	[sflag:s26] =	ssyncadd.s32 $0xFFFFFF80  }
0x29d: {  	_ =	swait.ge [sflag:s26], $0x80  }
0x29e: {  	[sflag:s26] =	ssyncset.done $0x0  }
0x29f: {  	[sflag:s26] =	ssyncadd.s32 $0xFFFFFF80  }
0x2a0: {  	_ =	swait.ge [sflag:s26], $0x80  }
0x2a1: {  	[sflag:s26] =	ssyncset.done $0x0  }
0x2a2: {  	[sflag:s26] =	ssyncadd.s32 $0xFFFFFF80  }
0x2a3: {  	s1 =	sadd.s32 s7, s20;
	_ =	swait.ge [sflag:s26], $0x80  }
0x2a4: {  	s7 =	sadd.s32 s6, s1;
	[sflag:s26] =	ssyncset.done $0x0  }
0x2a5: {  	v17 =	vadd.s32 s7, v6;
	[sflag:s26] =	ssyncadd.s32 $0xFFFFFF80  }
0x2a6: {  	[tilespmem:$0xA000] =	vst v17  }
0x2a7: {  	[tilespmem:$0xA100] =	vst v10  }
0x2a8: {  	[tilespmem:$0x0] =	vst v11  }
0x2a9: {  	[tilespmem:$0xA110] =	vst v10  }
0x2aa: {  	[tilespmem:$0x10] =	vst v11  }
0x2ab: {  	[tilespmem:$0xA120] =	vst v10  }
0x2ac: {  	[tilespmem:$0x20] =	vst v11  }
0x2ad: {  	[tilespmem:$0xA130] =	vst v10  }
0x2ae: {  	[tilespmem:$0x30] =	vst v11  }
0x2af: {  	[tilespmem:$0xA140] =	vst v10  }
0x2b0: {  	[tilespmem:$0x40] =	vst v11  }
0x2b1: {  	[tilespmem:$0xA150] =	vst v10  }
0x2b2: {  	[tilespmem:$0x50] =	vst v11  }
0x2b3: {  	[tilespmem:$0xA160] =	vst v10  }
0x2b4: {  	v17 =	vadd.s32 s7, v12;
	[tilespmem:$0x60] =	vst v11  }
0x2b5: {  	[tilespmem:$0xA010] =	vst v17;
	v17 =	vadd.s32 s7, v13  }
0x2b6: {  	[tilespmem:$0xA020] =	vst v17;
	v17 =	vadd.s32 s7, v14  }
0x2b7: {  	[tilespmem:$0xA030] =	vst v17;
	v17 =	vadd.s32 s7, v15  }
0x2b8: {  	[tilespmem:$0xA040] =	vst v17;
	v17 =	vadd.s32 s7, v16  }
0x2b9: {  	[tilespmem:$0xA050] =	vst v17;
	v17 =	vor.u32 $0x60, v6  }
0x2ba: {  	[tilespmem:$0xA170] =	vst v10;
	v17 =	vadd.s32 s7, v17  }
0x2bb: {  	[tilespmem:$0xA060] =	vst v17;
	v17 =	vor.u32 $0x70, v6  }
0x2bc: {  	[tilespmem:$0x70] =	vst v11;
	v17 =	vadd.s32 s7, v17  }
0x2bd: {  	[tilespmem:$0xA070] =	vst v17  }
0x2be: {  	[spmem:s3] =	stream.indirect.scatter [tilespmem:s5], [sflag:$0x3], $0x1, s29, s22, $0xb8;
	[tilespmem:$0x14A00] =	vst v63  }
0x2bf: {  	s1 =	sadd.s32 $0x7F, s1;
	_ =	swait.ge [sflag:s19], $0x80  }
0x2c0: {  	s31 =	sshra.s32 s1, $0x1F;
	[sflag:s19] =	ssyncset.done $0x0  }
0x2c1: {  	s30 =	simm.s32 $0xA100;
	s7 =	sshrl.u32 s31, $0x19;
	[sflag:s19] =	ssyncadd.s32 $0xFFFFFF80  }
0x2c2: {  	[spmem:s4] =	stream.indirect.scatter [tilespmem:s30], [sflag:$0x3], $0x1, s29, s22, $0xb8;
	[tilespmem:$0x14A00] =	vst v63  }
0x2c3: {  	s1 =	sadd.s32 s7, s1;
	_ =	swait.ge [sflag:s19], $0x80  }
0x2c4: {  	s1 =	sshra.s32 s1, $0x7;
	[sflag:s19] =	ssyncset.done $0x0  }
0x2c5: {  	v17 =	vmov s1;
	[sflag:s19] =	ssyncadd.s32 $0xFFFFFF80  }
0x2c6: {  	s10 =	simm.s32 $0xA200;
	s8 =	rddreg [dreg:$0x8];
	[tilespmem:$0xA200] =	vst v17  }
0x2c7: {  	[hbm4b:s8+s5] =	stream.linear.scatter [tilespmem:s10], [sflag:$0x3], $0x80, $0x38;
	[tilespmem:$0x14A00] =	vst v63  }
0x2c8: {  	s11 =	stileid.u32;
	_ =	swait.ge [sflag:s19], $0x80  }
0x2c9: {  	s1 =	sshll.u32 s11, $0x6;
	[sflag:s19] =	ssyncset.done $0x0  }
0x2ca: {  	s1 =	sor.u32 $0x1C03, s1;
	s20 =	rddreg [dreg:$0x9];
	[sflag:s19] =	ssyncadd.s32 $0xFFFFFF80  }
0x2cb: {  	[hbm:s20@s22], [sflag:s1] =	dma.strided [spmem:s24@s0], $0xA20, s28, $0x10   }
0x2cc: {  	_ =	swait.ge [sflag:s19], $0xA20  }
0x2cd: {  	[sflag:s19] =	ssyncset.done $0x0  }
0x2ce: {  	[sflag:s19] =	ssyncadd.s32 $0xFFFFF5E0  }
0x2cf: {  	[hbm:s12@s22], [sflag:s1] =	dma.strided [spmem:s25@s0], $0xA20, s28, $0x10   }
0x2d0: {  	_ =	swait.ge [sflag:s19], $0xA20  }
0x2d1: {  	s21 =	sadd.s32 $0x1, s21;
	[sflag:s19] =	ssyncset.done $0x0  }
0x2d2: {  	p0 =	sne.s32 s21, s14;
	s31 =	simm.s32 $0x20;
	[sflag:s19] =	ssyncadd.s32 $0xFFFFF5E0  }
.Ltmp2:
0x2d3: {  	s30 =	sshrl.u32 s9, $0x3;
	[bflag:$0x0] =	sbarrier.arrive $0xFFFF;
	(pc) =	sbr.rel @p0 .LBB2_1-.Ltmp2, $4  }
0x2d4: {  	[hbm:s13@s31], [sflag:s1] =	dma.strided [spmem:s30@s0], $0x50, s28, $0x10   }
0x2d5: {  	_ =	swait.ge [sflag:s19], $0x50  }
0x2d6: {  	[sflag:s19] =	ssyncset.done $0x0  }
0x2d7: {  	[sflag:s19] =	ssyncadd.s32 $0xFFFFFFB0  }
0x2d8: {  	_ =	sfence.sel $0x180000  }
0x2d9: {  	[bflag:$0x0] =	sbarrier.arrive $0xFFFF  }
0x2da: {  	_ =	strace $0x90000047  }
0x2db: {  	s0 =	stileid.u32;
	[bflag:$0x2] =	sbarrier.arrive $0xFFFF  }
0x2dc: {  	p0 =	sne.s32 s0, $0x0;
	s0 =	rddreg [dreg:$0x5]  }
0x2dd: {  	s0 =	sadd.s32 @!p0 $0x100000, s0  }
0x2de: {  	[sflag:s0] =	ssyncadd.tile.s32 @!p0 $0x1;
	_ =	shalt  }
.Lfunc_end2:
_tile_overlayer_lowered:
.L_overlay_start_2:
0x2df: {  	(tag) =	ssettag $0x2  }
0x2e0: {  	s0 =	rddreg [dreg:$0x0];
	s2 =	stileid.u32  }
0x2e1: {  	s1 =	rddreg [dreg:$0x1];
	p0 =	sne.s32 s2, $0x0  }
0x2e2: {  	s3 =	rddreg [dreg:$0x2];
	[bflag:$0x3] =	sbarrier.arrive $0xFFFF;
	s2 =	simm.s32 @!p0 $0x1C03  }
0x2e3: {  	[timem:s3], [sflag:s2] =	dma.local @!p0 [hbm:s0], s1  }
0x2e4: {  	s0 =	simm.s32 @!p0 $0x3  }
0x2e5: {  	_ =	swait.ge @!p0 [sflag:s0], s1  }
0x2e6: {  	s1 =	ssub.s32 @!p0 $0x0, s1;
	[sflag:s0] =	ssyncset.done @!p0 $0x0  }
0x2e7: {  	[sflag:s0] =	ssyncadd.s32 @!p0 s1  }
0x2e8: {  	[bflag:$0x3] =	sbarrier.arrive $0xFFFF  }
0x2e9: {  	_ =	shalt  }

</sc_bundles>
